<compile_context>
chip_gen: v7x
topology: tpu7x:2x2x1
jax: 0.10.2.dev20260603
libtpu: 0.0.44.dev20260713+nightly
codegen_flags: <defaults>
</compile_context>

<pallas_src>
import functools

import jax
import jax.numpy as jnp
from jax import lax
from jax.experimental import pallas as pl
from jax.experimental.pallas import tpu as pltpu
from jax.experimental.pallas import tpu_sc as plsc

N = 10000
E = 320000
D = 128
NP = 10240
NCORES = 2
NSUB = 16
NW = NCORES * NSUB
EPT = E // NW
C = 80
NCHUNK = EPT // C
ROWS_PER_TILE = NP // NSUB


def _lorentz_sq(x):
    full = jnp.sum(x * x, axis=-1, keepdims=True)
    return full - 2.0 * x[:, :1] * x[:, :1]


def _norm_factor(x):
    return jnp.sqrt(jnp.clip(jnp.abs(_lorentz_sq(x)), 1e-8, None))



def _pre_body(xs_ref, xh_ref, wq_ref, wk_ref, wv_ref, ws_ref,
              a_ref, b_ref, v_ref, bm_ref):
    xs = xs_ref[...]
    xh = xh_ref[...]
    wq = wq_ref[...]
    wk = wk_ref[...]
    wv = wv_ref[...]
    ws = ws_ref[...]

    qp = jnp.dot(xs, wq.T, preferred_element_type=jnp.float32)
    kp = jnp.dot(xh, wk.T, preferred_element_type=jnp.float32)
    vp = jnp.dot(xh, wv.T, preferred_element_type=jnp.float32)

    q = qp / _norm_factor(qp)
    k = kp / _norm_factor(kp)
    v = vp / _norm_factor(vp)

    w1 = ws[0:1, 0:D]
    w2 = ws[0:1, D:2 * D]
    a_ref[...] = jnp.sum(q * w1, axis=-1, keepdims=True)
    bcol = jnp.sum(k * w2, axis=-1, keepdims=True)
    b_ref[...] = bcol
    v_ref[...] = v

    bb = jnp.max(bcol).reshape(1, 1)

    @pl.when(pl.program_id(0) == 0)
    def _():
        bm_ref[...] = bb

    @pl.when(pl.program_id(0) > 0)
    def _():
        bm_ref[...] = jnp.maximum(bm_ref[...], bb)


def _pre(x_S, x_H, W_q, W_k, W_v, W_s):
    blk = 1000
    grid = N // blk
    return pl.pallas_call(
        _pre_body,
        grid=(grid,),
        in_specs=[
            pl.BlockSpec((blk, D), lambda i: (i, 0)),
            pl.BlockSpec((blk, D), lambda i: (i, 0)),
            pl.BlockSpec((D, D), lambda i: (0, 0)),
            pl.BlockSpec((D, D), lambda i: (0, 0)),
            pl.BlockSpec((D, D), lambda i: (0, 0)),
            pl.BlockSpec((1, 2 * D), lambda i: (0, 0)),
        ],
        out_specs=[
            pl.BlockSpec((blk, 1), lambda i: (i, 0)),
            pl.BlockSpec((blk, 1), lambda i: (i, 0)),
            pl.BlockSpec((blk, D), lambda i: (i, 0)),
            pl.BlockSpec((1, 1), lambda i: (0, 0)),
        ],
        out_shape=[
            jax.ShapeDtypeStruct((N, 1), jnp.float32),
            jax.ShapeDtypeStruct((N, 1), jnp.float32),
            jax.ShapeDtypeStruct((N, D), jnp.float32),
            jax.ShapeDtypeStruct((1, 1), jnp.float32),
        ],
    )(x_S, x_H, W_q, W_k, W_v, W_s)



def _sc_body(a_hbm, b_hbm, bm_hbm, v_hbm, ed_hbm,
             numer_hbm, denom_hbm,
             at, bt, bmv, idxp0, idxp1, idxp2, idxp3,
             exb0, rows0, exb1, rows1,
             acc, nsh, dsh, semi0, semi1, semi2, semi3, semg0, semg1):
    cid = lax.axis_index("c")
    sid = lax.axis_index("s")
    wid = cid * NSUB + sid

    zero16 = jnp.zeros((16,), jnp.float32)

    pltpu.sync_copy(a_hbm, at)
    pltpu.sync_copy(b_hbm, bt)
    pltpu.sync_copy(bm_hbm, bmv)

    def _zrow(r, _):
        for j in range(8):
            rows0[r, pl.ds(j * 16, 16)] = zero16
        return 0
    lax.fori_loop(0, C, _zrow, 0)

    def _zacc(i, _):
        acc[pl.ds(i * 16, 16)] = zero16
        return 0
    lax.fori_loop(0, ROWS_PER_TILE // 16, _zacc, 0)

    nbase = sid * ROWS_PER_TILE
    for t in range(ROWS_PER_TILE // C):
        pltpu.sync_copy(rows0, nsh.at[pl.ds(nbase + t * C, C)])
    pltpu.sync_copy(acc, dsh.at[pl.ds(nbase, ROWS_PER_TILE)])
    plsc.subcore_barrier()

    bmax = bmv[pl.ds(0, 16)]

    cbase = wid * NCHUNK
    ibufs = [(idxp0, semi0), (idxp1, semi1), (idxp2, semi2), (idxp3, semi3)]
    rbufs = [(exb0, rows0, semg0), (exb1, rows1, semg1)]

    def _idx_start(i, bi):
        idx_b, semi_b = ibufs[bi]
        pltpu.async_copy(ed_hbm.at[cbase + i], idx_b, semi_b)

    def _idx_wait(bi):
        idx_b, semi_b = ibufs[bi]
        pltpu.make_async_copy(ed_hbm.at[cbase], idx_b, semi_b).wait()

    def _gather(bi, br):
        idx_b, _ = ibufs[bi]
        _, rows_b, semg_b = rbufs[br]
        pltpu.async_copy(v_hbm.at[idx_b.at[1]], rows_b, semg_b)

    def _step(i, bi, br):
        idx_b, _ = ibufs[bi]
        exb_b, rows_b, semg_b = rbufs[br]
        pltpu.make_async_copy(v_hbm.at[idx_b.at[1]], rows_b, semg_b).wait()
        for g in range(C // 16):
            s16 = idx_b[0, pl.ds(g * 16, 16)]
            d16 = idx_b[1, pl.ds(g * 16, 16)]
            av = plsc.load_gather(at, [s16])
            bv = plsc.load_gather(bt, [d16])
            x = av + bv
            sc = jnp.maximum(x, 0.01 * x)
            xm = av + bmax
            cm = jnp.maximum(xm, 0.01 * xm)
            ex = jnp.exp(sc - cm)
            exb_b[pl.ds(g * 16, 16)] = ex

        def _scale(r4, _):
            for u in range(4):
                r = r4 * 4 + u
                w = plsc.load_gather(exb_b, [jnp.broadcast_to(r, (16,))])
                for j in range(8):
                    rows_b[r, pl.ds(j * 16, 16)] = (
                        rows_b[r, pl.ds(j * 16, 16)] * w)
            return 0
        lax.fori_loop(0, C // 4, _scale, 0)

        pltpu.sync_copy(rows_b, nsh.at[idx_b.at[0]], add=True)
        pltpu.sync_copy(exb_b, dsh.at[idx_b.at[0]], add=True)

        @pl.when(i + 2 < NCHUNK)
        def _():
            _idx_wait((bi + 2) % 4)
            _gather((bi + 2) % 4, br)

        @pl.when(i + 4 < NCHUNK)
        def _():
            _idx_start(i + 4, bi)

    for k in range(4):
        _idx_start(k, k)
    _idx_wait(0)
    _gather(0, 0)
    _idx_wait(1)
    _gather(1, 1)

    def _outer(io, _):
        for b in range(4):
            _step(io * 4 + b, b, b % 2)
        return 0

    lax.fori_loop(0, (NCHUNK - 1) // 4, _outer, 0)
    _step(NCHUNK - 1, (NCHUNK - 1) % 4, (NCHUNK - 1) % 2)
    plsc.subcore_barrier()

    pltpu.sync_copy(dsh.at[pl.ds(nbase, ROWS_PER_TILE)],
                    denom_hbm.at[cid, pl.ds(nbase, ROWS_PER_TILE)])
    pltpu.sync_copy(nsh.at[pl.ds(nbase, ROWS_PER_TILE)],
                    numer_hbm.at[cid, pl.ds(nbase, ROWS_PER_TILE)])


@functools.partial(
    pl.kernel,
    out_type=[
        jax.ShapeDtypeStruct((NCORES, NP, D), jnp.float32),
        jax.ShapeDtypeStruct((NCORES, NP), jnp.float32),
    ],
    mesh=plsc.VectorSubcoreMesh(core_axis_name="c", subcore_axis_name="s"),
    compiler_params=pltpu.CompilerParams(needs_layout_passes=False),
    scratch_types=[
        pltpu.VMEM((N,), jnp.float32),
        pltpu.VMEM((N,), jnp.float32),
        pltpu.VMEM((16,), jnp.float32),
        pltpu.VMEM((2, C), jnp.int32),
        pltpu.VMEM((2, C), jnp.int32),
        pltpu.VMEM((2, C), jnp.int32),
        pltpu.VMEM((2, C), jnp.int32),
        pltpu.VMEM((C,), jnp.float32),
        pltpu.VMEM((C, D), jnp.float32),
        pltpu.VMEM((C,), jnp.float32),
        pltpu.VMEM((C, D), jnp.float32),
        pltpu.VMEM((ROWS_PER_TILE,), jnp.float32),
        pltpu.VMEM_SHARED((NP, D), jnp.float32),
        pltpu.VMEM_SHARED((NP,), jnp.float32),
        pltpu.SemaphoreType.DMA,
        pltpu.SemaphoreType.DMA,
        pltpu.SemaphoreType.DMA,
        pltpu.SemaphoreType.DMA,
        pltpu.SemaphoreType.DMA,
        pltpu.SemaphoreType.DMA,
    ],
)
def _edge_sc(a_hbm, b_hbm, bm_hbm, v_hbm, ed_hbm,
             numer_hbm, denom_hbm,
             at, bt, bmv, idxp0, idxp1, idxp2, idxp3,
             exb0, rows0, exb1, rows1,
             acc, nsh, dsh, semi0, semi1, semi2, semi3, semg0, semg1):
    _sc_body(a_hbm, b_hbm, bm_hbm, v_hbm, ed_hbm,
             numer_hbm, denom_hbm,
             at, bt, bmv, idxp0, idxp1, idxp2, idxp3,
             exb0, rows0, exb1, rows1,
             acc, nsh, dsh, semi0, semi1, semi2, semi3, semg0, semg1)



def _post_body(n0_ref, n1_ref, d0_ref, d1_ref, xh_ref, wp_ref, z_ref):
    agg = n0_ref[...] + n1_ref[...]
    d = d0_ref[...] + d1_ref[...]
    inv = jnp.where(d > 0.0, 1.0 / d, 0.0)
    out = agg * inv
    col = lax.broadcasted_iota(jnp.int32, out.shape, 1)
    out = out + jnp.where(col == 0, 1.0, 0.0)
    out = out / _norm_factor(out)
    op = jnp.dot(out, wp_ref[...].T, preferred_element_type=jnp.float32)
    op = op / _norm_factor(op)
    s = op + xh_ref[...]
    z_ref[...] = s / _norm_factor(s)


def _post(n0, n1, d0, d1, x_H, W_p):
    blk = 1000
    grid = N // blk
    return pl.pallas_call(
        _post_body,
        grid=(grid,),
        in_specs=[
            pl.BlockSpec((blk, D), lambda i: (i, 0)),
            pl.BlockSpec((blk, D), lambda i: (i, 0)),
            pl.BlockSpec((blk, 1), lambda i: (i, 0)),
            pl.BlockSpec((blk, 1), lambda i: (i, 0)),
            pl.BlockSpec((blk, D), lambda i: (i, 0)),
            pl.BlockSpec((D, D), lambda i: (0, 0)),
        ],
        out_specs=pl.BlockSpec((blk, D), lambda i: (i, 0)),
        out_shape=jax.ShapeDtypeStruct((N, D), jnp.float32),
    )(n0, n1, d0, d1, x_H, W_p)


@jax.jit
def kernel(x_H, x_S, edge_index, W_q, W_k, W_v, W_s, W_p):
    src = edge_index[0].astype(jnp.int32)
    dst = edge_index[1].astype(jnp.int32)
    ed = jnp.stack([src.reshape(E // C, C), dst.reshape(E // C, C)], axis=1)
    a2, b2, v, bm = _pre(x_S, x_H, W_q, W_k, W_v, W_s)
    bvec = jnp.broadcast_to(bm[0], (16,))
    numer, denom = _edge_sc(a2[:, 0], b2[:, 0], bvec, v, ed)
    z = _post(numer[0, :N], numer[1, :N],
              denom[0, :N, None], denom[1, :N, None], x_H, W_p)
    return z

# --- scband reference (transcript-rebuilt; emitter-appended) ---
"""Pipeline reference for scband-hyperbolic-structure-learner-22479858827789 (READ-ONLY COPY).

The authoritative reference and input builder live on the scoring server;
editing this copy changes nothing except your own understanding.
"""

import jax, jax.numpy as jnp
import numpy as np

N = 10000
E = 320000
D_IN = 128
D_HID = 128
D_OUT = 128
K_H = 1.0  # curvature of manifold_H
K_S = 1.0  # curvature of manifold_S


def _l_inner(x, y):
    # Lorentz (Minkowski) inner product, keepdim
    return -x[..., 0:1] * y[..., 0:1] + jnp.sum(x[..., 1:] * y[..., 1:], axis=-1, keepdims=True)


def _manifold_project(x, k):
    denorm = jnp.sqrt(jnp.clip(jnp.abs(_l_inner(x, x)), 1e-8, None))
    return x / (jnp.sqrt(k) * denorm)


def _cc_linear(x, W, k):
    # ConstCurveLinear (bias=False, eval-mode dropout = identity):
    # Euclidean linear map followed by projection back to the constant-curvature manifold
    return _manifold_project(x @ W.T, k)


def setup_inputs(seed: int = 0) -> dict:
    key = jax.random.key(seed)
    ks = jax.random.split(key, 8)
    x_H = jax.random.normal(ks[0], (N, D_IN), dtype=jnp.float32)
    x_S = jax.random.normal(ks[1], (N, D_IN), dtype=jnp.float32)
    edge_index = jax.random.randint(ks[2], (2, E), 0, N, dtype=jnp.int64)
    W_q = jax.random.normal(ks[3], (D_HID, D_IN), dtype=jnp.float32) * 0.05
    W_k = jax.random.normal(ks[4], (D_HID, D_IN), dtype=jnp.float32) * 0.05
    W_v = jax.random.normal(ks[5], (D_HID, D_IN), dtype=jnp.float32) * 0.05
    W_s = jax.random.normal(ks[6], (1, 2 * D_HID), dtype=jnp.float32) * 0.05
    W_p = jax.random.normal(ks[7], (D_OUT, D_HID), dtype=jnp.float32) * 0.05
    return {"x_H": x_H, "x_S": x_S, "edge_index": edge_index,
            "W_q": W_q, "W_k": W_k, "W_v": W_v, "W_s": W_s, "W_p": W_p}


def reference(x_H, x_S, edge_index, W_q, W_k, W_v, W_s, W_p):
    # CrossManifoldAttention (tree_agg): x_q = x_S, x_k = x_v = x_H
    q = _cc_linear(x_S, W_q, K_S)
    k = _cc_linear(x_H, W_k, K_H)
    v = _cc_linear(x_H, W_v, K_H)

    src = edge_index[0]
    dst = edge_index[1]
    # all indices are in [0, N) by construction, valid_mask is all-true

    qk = jnp.concatenate([q[src], k[dst]], axis=-1)          # [E, 2*hid]
    score = jax.nn.leaky_relu((qk @ W_s.T)[:, 0], negative_slope=0.01)  # [E]

    # scatter_softmax over src
    seg_max = jax.ops.segment_max(score, src, num_segments=N)
    ex = jnp.exp(score - seg_max[src])
    denom = jax.ops.segment_sum(ex, src, num_segments=N)
    alpha = ex / denom[src]

    # scatter_sum into manifold origin (origin values participate in the sum)
    origin = jnp.zeros((N, D_HID), dtype=q.dtype).at[:, 0].set(1.0 / jnp.sqrt(K_H))
    out = origin + jax.ops.segment_sum(alpha[:, None] * v[dst], src, num_segments=N)

    denorm = jnp.sqrt(jnp.clip(jnp.abs(_l_inner(out, out)), 1e-8, None))
    out = (1.0 / jnp.sqrt(K_H)) * out / denorm
    out = _cc_linear(out, W_p, K_H)                           # [N, out_dim]

    # Frechet mean (Lorentz centroid) over {out, x_H} per node
    x_extend = jnp.concatenate([out, x_H], axis=0)            # [2N, D]
    label_extend = jnp.concatenate([jnp.arange(N), jnp.arange(N)], axis=0)
    s = jax.ops.segment_sum(x_extend, label_extend, num_segments=N)
    z_H = s / (jnp.sqrt(K_H) * jnp.sqrt(jnp.clip(jnp.abs(_l_inner(s, s)), 1e-8, None)))
    return z_H

if __name__ == "__main__":
    import jax
    _d = setup_inputs()
    print(jax.jit(kernel)(*tuple(_d.values())))

</pallas_src>

<mosaic_0001>
#map = affine_map<(d0, d1) -> (0)>
#map1 = affine_map<(d0, d1) -> (0, 0)>
#map2 = affine_map<(d0, d1) -> (0, 0, 0)>
module attributes {stable_mosaic.version = 14 : i64} {
  func.func @_edge_sc(%arg0: i32, %arg1: i32, %arg2: memref<10000xf32, #tpu.memory_space<hbm>>, %arg3: memref<10000xf32, #tpu.memory_space<hbm>>, %arg4: memref<16xf32, #tpu.memory_space<hbm>>, %arg5: memref<10000x128xf32, #tpu.memory_space<hbm>>, %arg6: memref<4000x2x80xi32, #tpu.memory_space<hbm>>, %arg7: memref<2x10240x128xf32, #tpu.memory_space<hbm>>, %arg8: memref<2x10240xf32, #tpu.memory_space<hbm>>, %arg9: memref<10000xf32, #tpu.memory_space<vmem>>, %arg10: memref<10000xf32, #tpu.memory_space<vmem>>, %arg11: memref<16xf32, #tpu.memory_space<vmem>>, %arg12: memref<2x80xi32, #tpu.memory_space<vmem>>, %arg13: memref<2x80xi32, #tpu.memory_space<vmem>>, %arg14: memref<2x80xi32, #tpu.memory_space<vmem>>, %arg15: memref<2x80xi32, #tpu.memory_space<vmem>>, %arg16: memref<80xf32, #tpu.memory_space<vmem>>, %arg17: memref<80x128xf32, #tpu.memory_space<vmem>>, %arg18: memref<80xf32, #tpu.memory_space<vmem>>, %arg19: memref<80x128xf32, #tpu.memory_space<vmem>>, %arg20: memref<640xf32, #tpu.memory_space<vmem>>, %arg21: memref<10240x128xf32, #tpu.memory_space<vmem_shared>>, %arg22: memref<10240xf32, #tpu.memory_space<vmem_shared>>, %arg23: memref<!tpu.dma_semaphore, #tpu.memory_space<semaphore_mem>>, %arg24: memref<!tpu.dma_semaphore, #tpu.memory_space<semaphore_mem>>, %arg25: memref<!tpu.dma_semaphore, #tpu.memory_space<semaphore_mem>>, %arg26: memref<!tpu.dma_semaphore, #tpu.memory_space<semaphore_mem>>, %arg27: memref<!tpu.dma_semaphore, #tpu.memory_space<semaphore_mem>>, %arg28: memref<!tpu.dma_semaphore, #tpu.memory_space<semaphore_mem>>) attributes {dimension_semantics = [#tpu.dimension_semantics<core_parallel>, #tpu.dimension_semantics<subcore_parallel>], iteration_bounds = array<i64: 2, 16>, scalar_prefetch = 0 : i64, scratch_operands = 20 : i64, tpu.core_type = #tpu.core_type<sc_vector_subcore>, window_params = [{transform_indices = #map}, {transform_indices = #map}, {transform_indices = #map}, {transform_indices = #map1}, {transform_indices = #map2}, {transform_indices = #map2}, {transform_indices = #map1}]} {
    %mul3A = arith.constant 16 : i32
    %mul3A_0 = arith.muli %arg0, %mul3A : i32
    %add3A = arith.addi %mul3A_0, %arg1 : i32
    %broadcast_in_dim3A = arith.constant 0.000000e+00 : f32
    %broadcast_in_dim3A_1 = vector.broadcast %broadcast_in_dim3A : f32 to vector<16xf32>
    "tpu.region"() ({
      %run_scoped3A_242 = tpu.sem_alloc : memref<!tpu.dma_semaphore, #tpu.memory_space<semaphore_mem>>
      tpu.enqueue_dma source(%arg2 : memref<10000xf32, #tpu.memory_space<hbm>>) target(%arg9 : memref<10000xf32, #tpu.memory_space<vmem>>) target_semaphore(%run_scoped3A_242 : memref<!tpu.dma_semaphore, #tpu.memory_space<semaphore_mem>>)
      tpu.wait_dma2 semaphore(%run_scoped3A_242 : memref<!tpu.dma_semaphore, #tpu.memory_space<semaphore_mem>>) src(%arg2 : memref<10000xf32, #tpu.memory_space<hbm>>) dst(%arg9 : memref<10000xf32, #tpu.memory_space<vmem>>)
      tpu.yield
    }) : () -> ()
    "tpu.region"() ({
      %run_scoped3A_242 = tpu.sem_alloc : memref<!tpu.dma_semaphore, #tpu.memory_space<semaphore_mem>>
      tpu.enqueue_dma source(%arg3 : memref<10000xf32, #tpu.memory_space<hbm>>) target(%arg10 : memref<10000xf32, #tpu.memory_space<vmem>>) target_semaphore(%run_scoped3A_242 : memref<!tpu.dma_semaphore, #tpu.memory_space<semaphore_mem>>)
      tpu.wait_dma2 semaphore(%run_scoped3A_242 : memref<!tpu.dma_semaphore, #tpu.memory_space<semaphore_mem>>) src(%arg3 : memref<10000xf32, #tpu.memory_space<hbm>>) dst(%arg10 : memref<10000xf32, #tpu.memory_space<vmem>>)
      tpu.yield
    }) : () -> ()
    "tpu.region"() ({
      %run_scoped3A_242 = tpu.sem_alloc : memref<!tpu.dma_semaphore, #tpu.memory_space<semaphore_mem>>
      tpu.enqueue_dma source(%arg4 : memref<16xf32, #tpu.memory_space<hbm>>) target(%arg11 : memref<16xf32, #tpu.memory_space<vmem>>) target_semaphore(%run_scoped3A_242 : memref<!tpu.dma_semaphore, #tpu.memory_space<semaphore_mem>>)
      tpu.wait_dma2 semaphore(%run_scoped3A_242 : memref<!tpu.dma_semaphore, #tpu.memory_space<semaphore_mem>>) src(%arg4 : memref<16xf32, #tpu.memory_space<hbm>>) dst(%arg11 : memref<16xf32, #tpu.memory_space<vmem>>)
      tpu.yield
    }) : () -> ()
    %scan3A = arith.constant 0 : i32
    %scan3A_2 = arith.constant 0 : i32
    %scan3A_3 = arith.constant 80 : i32
    %scan3A_4 = arith.addi %scan3A_2, %scan3A_3 : i32
    %scan3A_5 = arith.constant 1 : i32
    %scan3A_6 = scf.for %scan3A_242 = %scan3A_2 to %scan3A_4 step %scan3A_5 iter_args(%scan3A_243 = %scan3A) -> (i32)  : i32 {
      %swap3A_244 = arith.index_cast %scan3A_242 : i32 to index
      %swap3A_245 = arith.constant 0 : index
      %swap3A_246 = tpu.vector_load %arg17[%swap3A_244, %swap3A_245] {strides = array<i32>} : memref<80x128xf32, #tpu.memory_space<vmem>>, vector<16xf32>,
      tpu.vector_store %arg17[%swap3A_244, %swap3A_245], %broadcast_in_dim3A_1 {strides = array<i32>} : memref<80x128xf32, #tpu.memory_space<vmem>>, vector<16xf32>,
      %swap3A_247 = arith.index_cast %scan3A_242 : i32 to index
      %swap3A_248 = arith.constant 16 : index
      %swap3A_249 = tpu.vector_load %arg17[%swap3A_247, %swap3A_248] {strides = array<i32>} : memref<80x128xf32, #tpu.memory_space<vmem>>, vector<16xf32>,
      tpu.vector_store %arg17[%swap3A_247, %swap3A_248], %broadcast_in_dim3A_1 {strides = array<i32>} : memref<80x128xf32, #tpu.memory_space<vmem>>, vector<16xf32>,
      %swap3A_250 = arith.index_cast %scan3A_242 : i32 to index
      %swap3A_251 = arith.constant 32 : index
      %swap3A_252 = tpu.vector_load %arg17[%swap3A_250, %swap3A_251] {strides = array<i32>} : memref<80x128xf32, #tpu.memory_space<vmem>>, vector<16xf32>,
      tpu.vector_store %arg17[%swap3A_250, %swap3A_251], %broadcast_in_dim3A_1 {strides = array<i32>} : memref<80x128xf32, #tpu.memory_space<vmem>>, vector<16xf32>,
      %swap3A_253 = arith.index_cast %scan3A_242 : i32 to index
      %swap3A_254 = arith.constant 48 : index
      %swap3A_255 = tpu.vector_load %arg17[%swap3A_253, %swap3A_254] {strides = array<i32>} : memref<80x128xf32, #tpu.memory_space<vmem>>, vector<16xf32>,
      tpu.vector_store %arg17[%swap3A_253, %swap3A_254], %broadcast_in_dim3A_1 {strides = array<i32>} : memref<80x128xf32, #tpu.memory_space<vmem>>, vector<16xf32>,
      %swap3A_256 = arith.index_cast %scan3A_242 : i32 to index
      %swap3A_257 = arith.constant 64 : index
      %swap3A_258 = tpu.vector_load %arg17[%swap3A_256, %swap3A_257] {strides = array<i32>} : memref<80x128xf32, #tpu.memory_space<vmem>>, vector<16xf32>,
      tpu.vector_store %arg17[%swap3A_256, %swap3A_257], %broadcast_in_dim3A_1 {strides = array<i32>} : memref<80x128xf32, #tpu.memory_space<vmem>>, vector<16xf32>,
      %swap3A_259 = arith.index_cast %scan3A_242 : i32 to index
      %swap3A_260 = arith.constant 80 : index
      %swap3A_261 = tpu.vector_load %arg17[%swap3A_259, %swap3A_260] {strides = array<i32>} : memref<80x128xf32, #tpu.memory_space<vmem>>, vector<16xf32>,
      tpu.vector_store %arg17[%swap3A_259, %swap3A_260], %broadcast_in_dim3A_1 {strides = array<i32>} : memref<80x128xf32, #tpu.memory_space<vmem>>, vector<16xf32>,
      %swap3A_262 = arith.index_cast %scan3A_242 : i32 to index
      %swap3A_263 = arith.constant 96 : index
      %swap3A_264 = tpu.vector_load %arg17[%swap3A_262, %swap3A_263] {strides = array<i32>} : memref<80x128xf32, #tpu.memory_space<vmem>>, vector<16xf32>,
      tpu.vector_store %arg17[%swap3A_262, %swap3A_263], %broadcast_in_dim3A_1 {strides = array<i32>} : memref<80x128xf32, #tpu.memory_space<vmem>>, vector<16xf32>,
      %swap3A_265 = arith.index_cast %scan3A_242 : i32 to index
      %swap3A_266 = arith.constant 112 : index
      %swap3A_267 = tpu.vector_load %arg17[%swap3A_265, %swap3A_266] {strides = array<i32>} : memref<80x128xf32, #tpu.memory_space<vmem>>, vector<16xf32>,
      tpu.vector_store %arg17[%swap3A_265, %swap3A_266], %broadcast_in_dim3A_1 {strides = array<i32>} : memref<80x128xf32, #tpu.memory_space<vmem>>, vector<16xf32>,
      %scan3A_268 = arith.constant 0 : i32
      scf.yield %scan3A_268 : i32
    }
    %scan3A_7 = arith.constant 80 : i32
    %scan3A_8 = arith.constant 0 : i32
    %scan3A_9 = arith.constant 0 : i32
    %scan3A_10 = arith.constant 40 : i32
    %scan3A_11 = arith.addi %scan3A_9, %scan3A_10 : i32
    %scan3A_12 = arith.constant 1 : i32
    %scan3A_13 = scf.for %scan3A_242 = %scan3A_9 to %scan3A_11 step %scan3A_12 iter_args(%scan3A_243 = %scan3A_8) -> (i32)  : i32 {
      %mul3A_244 = arith.constant 16 : i32
      %mul3A_245 = arith.muli %scan3A_242, %mul3A_244 : i32
      %swap3A_246 = arith.index_cast %mul3A_245 : i32 to index
      %swap3A_247 = tpu.vector_load %arg20[%swap3A_246] {strides = array<i32>} : memref<640xf32, #tpu.memory_space<vmem>>, vector<16xf32>,
      tpu.vector_store %arg20[%swap3A_246], %broadcast_in_dim3A_1 {strides = array<i32>} : memref<640xf32, #tpu.memory_space<vmem>>, vector<16xf32>,
      %scan3A_248 = arith.constant 0 : i32
      scf.yield %scan3A_248 : i32
    }
    %scan3A_14 = arith.constant 40 : i32
    %mul3A_15 = arith.constant 640 : i32
    %mul3A_16 = arith.muli %arg1, %mul3A_15 : i32
    %add3A_17 = arith.constant 0 : i32
    %add3A_18 = arith.addi %mul3A_16, %add3A_17 : i32
    "tpu.region"() ({
      %run_scoped3A_242 = tpu.sem_alloc : memref<!tpu.dma_semaphore, #tpu.memory_space<semaphore_mem>>
      %dma_start3A_243 = arith.constant 0 : i32
      %dma_start3A_244 = tpu.memref_slice %arg21[%add3A_18, %dma_start3A_243] : memref<10240x128xf32, #tpu.memory_space<vmem_shared>> -> memref<80x128xf32, #tpu.memory_space<vmem_shared>>
      %dma_start3A_245 = arith.constant 0 : i32
      %dma_start3A_246 = tpu.memref_slice %arg21[%add3A_18, %dma_start3A_245] : memref<10240x128xf32, #tpu.memory_space<vmem_shared>> -> memref<80x128xf32, #tpu.memory_space<vmem_shared>>
      tpu.enqueue_dma source(%arg17 : memref<80x128xf32, #tpu.memory_space<vmem>>) target(%dma_start3A_246 : memref<80x128xf32, #tpu.memory_space<vmem_shared>>) target_semaphore(%run_scoped3A_242 : memref<!tpu.dma_semaphore, #tpu.memory_space<semaphore_mem>>)
      %dma_wait3A_247 = arith.constant 0 : i32
      %dma_wait3A_248 = tpu.memref_slice %arg21[%add3A_18, %dma_wait3A_247] : memref<10240x128xf32, #tpu.memory_space<vmem_shared>> -> memref<80x128xf32, #tpu.memory_space<vmem_shared>>
      %dma_wait3A_249 = arith.constant 0 : i32
      %dma_wait3A_250 = tpu.memref_slice %arg21[%add3A_18, %dma_wait3A_249] : memref<10240x128xf32, #tpu.memory_space<vmem_shared>> -> memref<80x128xf32, #tpu.memory_space<vmem_shared>>
      tpu.wait_dma2 semaphore(%run_scoped3A_242 : memref<!tpu.dma_semaphore, #tpu.memory_space<semaphore_mem>>) src(%arg17 : memref<80x128xf32, #tpu.memory_space<vmem>>) dst(%dma_wait3A_250 : memref<80x128xf32, #tpu.memory_space<vmem_shared>>)
      tpu.yield
    }) : () -> ()
    %add3A_19 = arith.constant 80 : i32
    %add3A_20 = arith.addi %mul3A_16, %add3A_19 : i32
    "tpu.region"() ({
      %run_scoped3A_242 = tpu.sem_alloc : memref<!tpu.dma_semaphore, #tpu.memory_space<semaphore_mem>>
      %dma_start3A_243 = arith.constant 0 : i32
      %dma_start3A_244 = tpu.memref_slice %arg21[%add3A_20, %dma_start3A_243] : memref<10240x128xf32, #tpu.memory_space<vmem_shared>> -> memref<80x128xf32, #tpu.memory_space<vmem_shared>>
      %dma_start3A_245 = arith.constant 0 : i32
      %dma_start3A_246 = tpu.memref_slice %arg21[%add3A_20, %dma_start3A_245] : memref<10240x128xf32, #tpu.memory_space<vmem_shared>> -> memref<80x128xf32, #tpu.memory_space<vmem_shared>>
      tpu.enqueue_dma source(%arg17 : memref<80x128xf32, #tpu.memory_space<vmem>>) target(%dma_start3A_246 : memref<80x128xf32, #tpu.memory_space<vmem_shared>>) target_semaphore(%run_scoped3A_242 : memref<!tpu.dma_semaphore, #tpu.memory_space<semaphore_mem>>)
      %dma_wait3A_247 = arith.constant 0 : i32
      %dma_wait3A_248 = tpu.memref_slice %arg21[%add3A_20, %dma_wait3A_247] : memref<10240x128xf32, #tpu.memory_space<vmem_shared>> -> memref<80x128xf32, #tpu.memory_space<vmem_shared>>
      %dma_wait3A_249 = arith.constant 0 : i32
      %dma_wait3A_250 = tpu.memref_slice %arg21[%add3A_20, %dma_wait3A_249] : memref<10240x128xf32, #tpu.memory_space<vmem_shared>> -> memref<80x128xf32, #tpu.memory_space<vmem_shared>>
      tpu.wait_dma2 semaphore(%run_scoped3A_242 : memref<!tpu.dma_semaphore, #tpu.memory_space<semaphore_mem>>) src(%arg17 : memref<80x128xf32, #tpu.memory_space<vmem>>) dst(%dma_wait3A_250 : memref<80x128xf32, #tpu.memory_space<vmem_shared>>)
      tpu.yield
    }) : () -> ()
    %add3A_21 = arith.constant 160 : i32
    %add3A_22 = arith.addi %mul3A_16, %add3A_21 : i32
    "tpu.region"() ({
      %run_scoped3A_242 = tpu.sem_alloc : memref<!tpu.dma_semaphore, #tpu.memory_space<semaphore_mem>>
      %dma_start3A_243 = arith.constant 0 : i32
      %dma_start3A_244 = tpu.memref_slice %arg21[%add3A_22, %dma_start3A_243] : memref<10240x128xf32, #tpu.memory_space<vmem_shared>> -> memref<80x128xf32, #tpu.memory_space<vmem_shared>>
      %dma_start3A_245 = arith.constant 0 : i32
      %dma_start3A_246 = tpu.memref_slice %arg21[%add3A_22, %dma_start3A_245] : memref<10240x128xf32, #tpu.memory_space<vmem_shared>> -> memref<80x128xf32, #tpu.memory_space<vmem_shared>>
      tpu.enqueue_dma source(%arg17 : memref<80x128xf32, #tpu.memory_space<vmem>>) target(%dma_start3A_246 : memref<80x128xf32, #tpu.memory_space<vmem_shared>>) target_semaphore(%run_scoped3A_242 : memref<!tpu.dma_semaphore, #tpu.memory_space<semaphore_mem>>)
      %dma_wait3A_247 = arith.constant 0 : i32
      %dma_wait3A_248 = tpu.memref_slice %arg21[%add3A_22, %dma_wait3A_247] : memref<10240x128xf32, #tpu.memory_space<vmem_shared>> -> memref<80x128xf32, #tpu.memory_space<vmem_shared>>
      %dma_wait3A_249 = arith.constant 0 : i32
      %dma_wait3A_250 = tpu.memref_slice %arg21[%add3A_22, %dma_wait3A_249] : memref<10240x128xf32, #tpu.memory_space<vmem_shared>> -> memref<80x128xf32, #tpu.memory_space<vmem_shared>>
      tpu.wait_dma2 semaphore(%run_scoped3A_242 : memref<!tpu.dma_semaphore, #tpu.memory_space<semaphore_mem>>) src(%arg17 : memref<80x128xf32, #tpu.memory_space<vmem>>) dst(%dma_wait3A_250 : memref<80x128xf32, #tpu.memory_space<vmem_shared>>)
      tpu.yield
    }) : () -> ()
    %add3A_23 = arith.constant 240 : i32
    %add3A_24 = arith.addi %mul3A_16, %add3A_23 : i32
    "tpu.region"() ({
      %run_scoped3A_242 = tpu.sem_alloc : memref<!tpu.dma_semaphore, #tpu.memory_space<semaphore_mem>>
      %dma_start3A_243 = arith.constant 0 : i32
      %dma_start3A_244 = tpu.memref_slice %arg21[%add3A_24, %dma_start3A_243] : memref<10240x128xf32, #tpu.memory_space<vmem_shared>> -> memref<80x128xf32, #tpu.memory_space<vmem_shared>>
      %dma_start3A_245 = arith.constant 0 : i32
      %dma_start3A_246 = tpu.memref_slice %arg21[%add3A_24, %dma_start3A_245] : memref<10240x128xf32, #tpu.memory_space<vmem_shared>> -> memref<80x128xf32, #tpu.memory_space<vmem_shared>>
      tpu.enqueue_dma source(%arg17 : memref<80x128xf32, #tpu.memory_space<vmem>>) target(%dma_start3A_246 : memref<80x128xf32, #tpu.memory_space<vmem_shared>>) target_semaphore(%run_scoped3A_242 : memref<!tpu.dma_semaphore, #tpu.memory_space<semaphore_mem>>)
      %dma_wait3A_247 = arith.constant 0 : i32
      %dma_wait3A_248 = tpu.memref_slice %arg21[%add3A_24, %dma_wait3A_247] : memref<10240x128xf32, #tpu.memory_space<vmem_shared>> -> memref<80x128xf32, #tpu.memory_space<vmem_shared>>
      %dma_wait3A_249 = arith.constant 0 : i32
      %dma_wait3A_250 = tpu.memref_slice %arg21[%add3A_24, %dma_wait3A_249] : memref<10240x128xf32, #tpu.memory_space<vmem_shared>> -> memref<80x128xf32, #tpu.memory_space<vmem_shared>>
      tpu.wait_dma2 semaphore(%run_scoped3A_242 : memref<!tpu.dma_semaphore, #tpu.memory_space<semaphore_mem>>) src(%arg17 : memref<80x128xf32, #tpu.memory_space<vmem>>) dst(%dma_wait3A_250 : memref<80x128xf32, #tpu.memory_space<vmem_shared>>)
      tpu.yield
    }) : () -> ()
    %add3A_25 = arith.constant 320 : i32
    %add3A_26 = arith.addi %mul3A_16, %add3A_25 : i32
    "tpu.region"() ({
      %run_scoped3A_242 = tpu.sem_alloc : memref<!tpu.dma_semaphore, #tpu.memory_space<semaphore_mem>>
      %dma_start3A_243 = arith.constant 0 : i32
      %dma_start3A_244 = tpu.memref_slice %arg21[%add3A_26, %dma_start3A_243] : memref<10240x128xf32, #tpu.memory_space<vmem_shared>> -> memref<80x128xf32, #tpu.memory_space<vmem_shared>>
      %dma_start3A_245 = arith.constant 0 : i32
      %dma_start3A_246 = tpu.memref_slice %arg21[%add3A_26, %dma_start3A_245] : memref<10240x128xf32, #tpu.memory_space<vmem_shared>> -> memref<80x128xf32, #tpu.memory_space<vmem_shared>>
      tpu.enqueue_dma source(%arg17 : memref<80x128xf32, #tpu.memory_space<vmem>>) target(%dma_start3A_246 : memref<80x128xf32, #tpu.memory_space<vmem_shared>>) target_semaphore(%run_scoped3A_242 : memref<!tpu.dma_semaphore, #tpu.memory_space<semaphore_mem>>)
      %dma_wait3A_247 = arith.constant 0 : i32
      %dma_wait3A_248 = tpu.memref_slice %arg21[%add3A_26, %dma_wait3A_247] : memref<10240x128xf32, #tpu.memory_space<vmem_shared>> -> memref<80x128xf32, #tpu.memory_space<vmem_shared>>
      %dma_wait3A_249 = arith.constant 0 : i32
      %dma_wait3A_250 = tpu.memref_slice %arg21[%add3A_26, %dma_wait3A_249] : memref<10240x128xf32, #tpu.memory_space<vmem_shared>> -> memref<80x128xf32, #tpu.memory_space<vmem_shared>>
      tpu.wait_dma2 semaphore(%run_scoped3A_242 : memref<!tpu.dma_semaphore, #tpu.memory_space<semaphore_mem>>) src(%arg17 : memref<80x128xf32, #tpu.memory_space<vmem>>) dst(%dma_wait3A_250 : memref<80x128xf32, #tpu.memory_space<vmem_shared>>)
      tpu.yield
    }) : () -> ()
    %add3A_27 = arith.constant 400 : i32
    %add3A_28 = arith.addi %mul3A_16, %add3A_27 : i32
    "tpu.region"() ({
      %run_scoped3A_242 = tpu.sem_alloc : memref<!tpu.dma_semaphore, #tpu.memory_space<semaphore_mem>>
      %dma_start3A_243 = arith.constant 0 : i32
      %dma_start3A_244 = tpu.memref_slice %arg21[%add3A_28, %dma_start3A_243] : memref<10240x128xf32, #tpu.memory_space<vmem_shared>> -> memref<80x128xf32, #tpu.memory_space<vmem_shared>>
      %dma_start3A_245 = arith.constant 0 : i32
      %dma_start3A_246 = tpu.memref_slice %arg21[%add3A_28, %dma_start3A_245] : memref<10240x128xf32, #tpu.memory_space<vmem_shared>> -> memref<80x128xf32, #tpu.memory_space<vmem_shared>>
      tpu.enqueue_dma source(%arg17 : memref<80x128xf32, #tpu.memory_space<vmem>>) target(%dma_start3A_246 : memref<80x128xf32, #tpu.memory_space<vmem_shared>>) target_semaphore(%run_scoped3A_242 : memref<!tpu.dma_semaphore, #tpu.memory_space<semaphore_mem>>)
      %dma_wait3A_247 = arith.constant 0 : i32
      %dma_wait3A_248 = tpu.memref_slice %arg21[%add3A_28, %dma_wait3A_247] : memref<10240x128xf32, #tpu.memory_space<vmem_shared>> -> memref<80x128xf32, #tpu.memory_space<vmem_shared>>
      %dma_wait3A_249 = arith.constant 0 : i32
      %dma_wait3A_250 = tpu.memref_slice %arg21[%add3A_28, %dma_wait3A_249] : memref<10240x128xf32, #tpu.memory_space<vmem_shared>> -> memref<80x128xf32, #tpu.memory_space<vmem_shared>>
      tpu.wait_dma2 semaphore(%run_scoped3A_242 : memref<!tpu.dma_semaphore, #tpu.memory_space<semaphore_mem>>) src(%arg17 : memref<80x128xf32, #tpu.memory_space<vmem>>) dst(%dma_wait3A_250 : memref<80x128xf32, #tpu.memory_space<vmem_shared>>)
      tpu.yield
    }) : () -> ()
    %add3A_29 = arith.constant 480 : i32
    %add3A_30 = arith.addi %mul3A_16, %add3A_29 : i32
    "tpu.region"() ({
      %run_scoped3A_242 = tpu.sem_alloc : memref<!tpu.dma_semaphore, #tpu.memory_space<semaphore_mem>>
      %dma_start3A_243 = arith.constant 0 : i32
      %dma_start3A_244 = tpu.memref_slice %arg21[%add3A_30, %dma_start3A_243] : memref<10240x128xf32, #tpu.memory_space<vmem_shared>> -> memref<80x128xf32, #tpu.memory_space<vmem_shared>>
      %dma_start3A_245 = arith.constant 0 : i32
      %dma_start3A_246 = tpu.memref_slice %arg21[%add3A_30, %dma_start3A_245] : memref<10240x128xf32, #tpu.memory_space<vmem_shared>> -> memref<80x128xf32, #tpu.memory_space<vmem_shared>>
      tpu.enqueue_dma source(%arg17 : memref<80x128xf32, #tpu.memory_space<vmem>>) target(%dma_start3A_246 : memref<80x128xf32, #tpu.memory_space<vmem_shared>>) target_semaphore(%run_scoped3A_242 : memref<!tpu.dma_semaphore, #tpu.memory_space<semaphore_mem>>)
      %dma_wait3A_247 = arith.constant 0 : i32
      %dma_wait3A_248 = tpu.memref_slice %arg21[%add3A_30, %dma_wait3A_247] : memref<10240x128xf32, #tpu.memory_space<vmem_shared>> -> memref<80x128xf32, #tpu.memory_space<vmem_shared>>
      %dma_wait3A_249 = arith.constant 0 : i32
      %dma_wait3A_250 = tpu.memref_slice %arg21[%add3A_30, %dma_wait3A_249] : memref<10240x128xf32, #tpu.memory_space<vmem_shared>> -> memref<80x128xf32, #tpu.memory_space<vmem_shared>>
      tpu.wait_dma2 semaphore(%run_scoped3A_242 : memref<!tpu.dma_semaphore, #tpu.memory_space<semaphore_mem>>) src(%arg17 : memref<80x128xf32, #tpu.memory_space<vmem>>) dst(%dma_wait3A_250 : memref<80x128xf32, #tpu.memory_space<vmem_shared>>)
      tpu.yield
    }) : () -> ()
    %add3A_31 = arith.constant 560 : i32
    %add3A_32 = arith.addi %mul3A_16, %add3A_31 : i32
    "tpu.region"() ({
      %run_scoped3A_242 = tpu.sem_alloc : memref<!tpu.dma_semaphore, #tpu.memory_space<semaphore_mem>>
      %dma_start3A_243 = arith.constant 0 : i32
      %dma_start3A_244 = tpu.memref_slice %arg21[%add3A_32, %dma_start3A_243] : memref<10240x128xf32, #tpu.memory_space<vmem_shared>> -> memref<80x128xf32, #tpu.memory_space<vmem_shared>>
      %dma_start3A_245 = arith.constant 0 : i32
      %dma_start3A_246 = tpu.memref_slice %arg21[%add3A_32, %dma_start3A_245] : memref<10240x128xf32, #tpu.memory_space<vmem_shared>> -> memref<80x128xf32, #tpu.memory_space<vmem_shared>>
      tpu.enqueue_dma source(%arg17 : memref<80x128xf32, #tpu.memory_space<vmem>>) target(%dma_start3A_246 : memref<80x128xf32, #tpu.memory_space<vmem_shared>>) target_semaphore(%run_scoped3A_242 : memref<!tpu.dma_semaphore, #tpu.memory_space<semaphore_mem>>)
      %dma_wait3A_247 = arith.constant 0 : i32
      %dma_wait3A_248 = tpu.memref_slice %arg21[%add3A_32, %dma_wait3A_247] : memref<10240x128xf32, #tpu.memory_space<vmem_shared>> -> memref<80x128xf32, #tpu.memory_space<vmem_shared>>
      %dma_wait3A_249 = arith.constant 0 : i32
      %dma_wait3A_250 = tpu.memref_slice %arg21[%add3A_32, %dma_wait3A_249] : memref<10240x128xf32, #tpu.memory_space<vmem_shared>> -> memref<80x128xf32, #tpu.memory_space<vmem_shared>>
      tpu.wait_dma2 semaphore(%run_scoped3A_242 : memref<!tpu.dma_semaphore, #tpu.memory_space<semaphore_mem>>) src(%arg17 : memref<80x128xf32, #tpu.memory_space<vmem>>) dst(%dma_wait3A_250 : memref<80x128xf32, #tpu.memory_space<vmem_shared>>)
      tpu.yield
    }) : () -> ()
    "tpu.region"() ({
      %run_scoped3A_242 = tpu.sem_alloc : memref<!tpu.dma_semaphore, #tpu.memory_space<semaphore_mem>>
      %dma_start3A_243 = tpu.memref_slice %arg22[%mul3A_16] : memref<10240xf32, #tpu.memory_space<vmem_shared>> -> memref<640xf32, #tpu.memory_space<vmem_shared>>
      %dma_start3A_244 = tpu.memref_slice %arg22[%mul3A_16] : memref<10240xf32, #tpu.memory_space<vmem_shared>> -> memref<640xf32, #tpu.memory_space<vmem_shared>>
      tpu.enqueue_dma source(%arg20 : memref<640xf32, #tpu.memory_space<vmem>>) target(%dma_start3A_244 : memref<640xf32, #tpu.memory_space<vmem_shared>>) target_semaphore(%run_scoped3A_242 : memref<!tpu.dma_semaphore, #tpu.memory_space<semaphore_mem>>)
      %dma_wait3A_245 = tpu.memref_slice %arg22[%mul3A_16] : memref<10240xf32, #tpu.memory_space<vmem_shared>> -> memref<640xf32, #tpu.memory_space<vmem_shared>>
      %dma_wait3A_246 = tpu.memref_slice %arg22[%mul3A_16] : memref<10240xf32, #tpu.memory_space<vmem_shared>> -> memref<640xf32, #tpu.memory_space<vmem_shared>>
      tpu.wait_dma2 semaphore(%run_scoped3A_242 : memref<!tpu.dma_semaphore, #tpu.memory_space<semaphore_mem>>) src(%arg20 : memref<640xf32, #tpu.memory_space<vmem>>) dst(%dma_wait3A_246 : memref<640xf32, #tpu.memory_space<vmem_shared>>)
      tpu.yield
    }) : () -> ()
    %barrier3A = arith.constant 0 : index
    tpu.barrier barrier_id(%barrier3A)
    %get3A = arith.constant 0 : index
    %get3A_33 = tpu.vector_load %arg11[%get3A] {strides = array<i32>} : memref<16xf32, #tpu.memory_space<vmem>>, vector<16xf32>,
    %mul3A_34 = arith.constant 125 : i32
    %mul3A_35 = arith.muli %add3A, %mul3A_34 : i32
    %add3A_36 = arith.constant 0 : i32
    %add3A_37 = arith.addi %mul3A_35, %add3A_36 : i32
    %dma_start3A = arith.constant 0 : i32
    %dma_start3A_38 = arith.constant 0 : i32
    %dma_start3A_39 = tpu.memref_slice %arg6[%add3A_37, %dma_start3A, %dma_start3A_38] : memref<4000x2x80xi32, #tpu.memory_space<hbm>> -> memref<1x2x80xi32, #tpu.memory_space<hbm>>
    %dma_start3A_40 = tpu.memref_squeeze %dma_start3A_39 : memref<1x2x80xi32, #tpu.memory_space<hbm>> -> memref<2x80xi32, #tpu.memory_space<hbm>>
    %dma_start3A_41 = arith.constant 0 : i32
    %dma_start3A_42 = arith.constant 0 : i32
    %dma_start3A_43 = tpu.memref_slice %arg6[%add3A_37, %dma_start3A_41, %dma_start3A_42] : memref<4000x2x80xi32, #tpu.memory_space<hbm>> -> memref<1x2x80xi32, #tpu.memory_space<hbm>>
    %dma_start3A_44 = tpu.memref_squeeze %dma_start3A_43 : memref<1x2x80xi32, #tpu.memory_space<hbm>> -> memref<2x80xi32, #tpu.memory_space<hbm>>
    tpu.enqueue_dma source(%dma_start3A_44 : memref<2x80xi32, #tpu.memory_space<hbm>>) target(%arg12 : memref<2x80xi32, #tpu.memory_space<vmem>>) target_semaphore(%arg23 : memref<!tpu.dma_semaphore, #tpu.memory_space<semaphore_mem>>)
    %add3A_45 = arith.constant 1 : i32
    %add3A_46 = arith.addi %mul3A_35, %add3A_45 : i32
    %dma_start3A_47 = arith.constant 0 : i32
    %dma_start3A_48 = arith.constant 0 : i32
    %dma_start3A_49 = tpu.memref_slice %arg6[%add3A_46, %dma_start3A_47, %dma_start3A_48] : memref<4000x2x80xi32, #tpu.memory_space<hbm>> -> memref<1x2x80xi32, #tpu.memory_space<hbm>>
    %dma_start3A_50 = tpu.memref_squeeze %dma_start3A_49 : memref<1x2x80xi32, #tpu.memory_space<hbm>> -> memref<2x80xi32, #tpu.memory_space<hbm>>
    %dma_start3A_51 = arith.constant 0 : i32
    %dma_start3A_52 = arith.constant 0 : i32
    %dma_start3A_53 = tpu.memref_slice %arg6[%add3A_46, %dma_start3A_51, %dma_start3A_52] : memref<4000x2x80xi32, #tpu.memory_space<hbm>> -> memref<1x2x80xi32, #tpu.memory_space<hbm>>
    %dma_start3A_54 = tpu.memref_squeeze %dma_start3A_53 : memref<1x2x80xi32, #tpu.memory_space<hbm>> -> memref<2x80xi32, #tpu.memory_space<hbm>>
    tpu.enqueue_dma source(%dma_start3A_54 : memref<2x80xi32, #tpu.memory_space<hbm>>) target(%arg13 : memref<2x80xi32, #tpu.memory_space<vmem>>) target_semaphore(%arg24 : memref<!tpu.dma_semaphore, #tpu.memory_space<semaphore_mem>>)
    %add3A_55 = arith.constant 2 : i32
    %add3A_56 = arith.addi %mul3A_35, %add3A_55 : i32
    %dma_start3A_57 = arith.constant 0 : i32
    %dma_start3A_58 = arith.constant 0 : i32
    %dma_start3A_59 = tpu.memref_slice %arg6[%add3A_56, %dma_start3A_57, %dma_start3A_58] : memref<4000x2x80xi32, #tpu.memory_space<hbm>> -> memref<1x2x80xi32, #tpu.memory_space<hbm>>
    %dma_start3A_60 = tpu.memref_squeeze %dma_start3A_59 : memref<1x2x80xi32, #tpu.memory_space<hbm>> -> memref<2x80xi32, #tpu.memory_space<hbm>>
    %dma_start3A_61 = arith.constant 0 : i32
    %dma_start3A_62 = arith.constant 0 : i32
    %dma_start3A_63 = tpu.memref_slice %arg6[%add3A_56, %dma_start3A_61, %dma_start3A_62] : memref<4000x2x80xi32, #tpu.memory_space<hbm>> -> memref<1x2x80xi32, #tpu.memory_space<hbm>>
    %dma_start3A_64 = tpu.memref_squeeze %dma_start3A_63 : memref<1x2x80xi32, #tpu.memory_space<hbm>> -> memref<2x80xi32, #tpu.memory_space<hbm>>
    tpu.enqueue_dma source(%dma_start3A_64 : memref<2x80xi32, #tpu.memory_space<hbm>>) target(%arg14 : memref<2x80xi32, #tpu.memory_space<vmem>>) target_semaphore(%arg25 : memref<!tpu.dma_semaphore, #tpu.memory_space<semaphore_mem>>)
    %add3A_65 = arith.constant 3 : i32
    %add3A_66 = arith.addi %mul3A_35, %add3A_65 : i32
    %dma_start3A_67 = arith.constant 0 : i32
    %dma_start3A_68 = arith.constant 0 : i32
    %dma_start3A_69 = tpu.memref_slice %arg6[%add3A_66, %dma_start3A_67, %dma_start3A_68] : memref<4000x2x80xi32, #tpu.memory_space<hbm>> -> memref<1x2x80xi32, #tpu.memory_space<hbm>>
    %dma_start3A_70 = tpu.memref_squeeze %dma_start3A_69 : memref<1x2x80xi32, #tpu.memory_space<hbm>> -> memref<2x80xi32, #tpu.memory_space<hbm>>
    %dma_start3A_71 = arith.constant 0 : i32
    %dma_start3A_72 = arith.constant 0 : i32
    %dma_start3A_73 = tpu.memref_slice %arg6[%add3A_66, %dma_start3A_71, %dma_start3A_72] : memref<4000x2x80xi32, #tpu.memory_space<hbm>> -> memref<1x2x80xi32, #tpu.memory_space<hbm>>
    %dma_start3A_74 = tpu.memref_squeeze %dma_start3A_73 : memref<1x2x80xi32, #tpu.memory_space<hbm>> -> memref<2x80xi32, #tpu.memory_space<hbm>>
    tpu.enqueue_dma source(%dma_start3A_74 : memref<2x80xi32, #tpu.memory_space<hbm>>) target(%arg15 : memref<2x80xi32, #tpu.memory_space<vmem>>) target_semaphore(%arg26 : memref<!tpu.dma_semaphore, #tpu.memory_space<semaphore_mem>>)
    %dma_wait3A = arith.constant 0 : i32
    %dma_wait3A_75 = arith.constant 0 : i32
    %dma_wait3A_76 = tpu.memref_slice %arg6[%mul3A_35, %dma_wait3A, %dma_wait3A_75] : memref<4000x2x80xi32, #tpu.memory_space<hbm>> -> memref<1x2x80xi32, #tpu.memory_space<hbm>>
    %dma_wait3A_77 = tpu.memref_squeeze %dma_wait3A_76 : memref<1x2x80xi32, #tpu.memory_space<hbm>> -> memref<2x80xi32, #tpu.memory_space<hbm>>
    %dma_wait3A_78 = arith.constant 0 : i32
    %dma_wait3A_79 = arith.constant 0 : i32
    %dma_wait3A_80 = tpu.memref_slice %arg6[%mul3A_35, %dma_wait3A_78, %dma_wait3A_79] : memref<4000x2x80xi32, #tpu.memory_space<hbm>> -> memref<1x2x80xi32, #tpu.memory_space<hbm>>
    %dma_wait3A_81 = tpu.memref_squeeze %dma_wait3A_80 : memref<1x2x80xi32, #tpu.memory_space<hbm>> -> memref<2x80xi32, #tpu.memory_space<hbm>>
    tpu.wait_dma2 semaphore(%arg23 : memref<!tpu.dma_semaphore, #tpu.memory_space<semaphore_mem>>) src(%dma_wait3A_81 : memref<2x80xi32, #tpu.memory_space<hbm>>) dst(%arg12 : memref<2x80xi32, #tpu.memory_space<vmem>>)
    %dma_start3A_82 = arith.constant 1 : i32
    %dma_start3A_83 = arith.constant 0 : i32
    %dma_start3A_84 = tpu.memref_slice %arg12[%dma_start3A_82, %dma_start3A_83] : memref<2x80xi32, #tpu.memory_space<vmem>> -> memref<1x80xi32, #tpu.memory_space<vmem>>
    %dma_start3A_85 = tpu.memref_squeeze %dma_start3A_84 : memref<1x80xi32, #tpu.memory_space<vmem>> -> memref<80xi32, #tpu.memory_space<vmem>>
    %dma_start3A_86 = arith.constant 0 : i32
    %dma_start3A_87 = arith.constant 0 : i32
    %dma_start3A_88 = tpu.memref_slice %arg5[%dma_start3A_86, %dma_start3A_87] : memref<10000x128xf32, #tpu.memory_space<hbm>> -> memref<10000x128xf32, #tpu.memory_space<hbm>>
    tpu.enqueue_indirect_dma source(%dma_start3A_88 : memref<10000x128xf32, #tpu.memory_space<hbm>>) target(%arg17 : memref<80x128xf32, #tpu.memory_space<vmem>>) offsets(%dma_start3A_85 : memref<80xi32, #tpu.memory_space<vmem>>) semaphore(%arg27 : memref<!tpu.dma_semaphore, #tpu.memory_space<semaphore_mem>>)
    %dma_wait3A_89 = arith.constant 0 : i32
    %dma_wait3A_90 = arith.constant 0 : i32
    %dma_wait3A_91 = tpu.memref_slice %arg6[%mul3A_35, %dma_wait3A_89, %dma_wait3A_90] : memref<4000x2x80xi32, #tpu.memory_space<hbm>> -> memref<1x2x80xi32, #tpu.memory_space<hbm>>
    %dma_wait3A_92 = tpu.memref_squeeze %dma_wait3A_91 : memref<1x2x80xi32, #tpu.memory_space<hbm>> -> memref<2x80xi32, #tpu.memory_space<hbm>>
    %dma_wait3A_93 = arith.constant 0 : i32
    %dma_wait3A_94 = arith.constant 0 : i32
    %dma_wait3A_95 = tpu.memref_slice %arg6[%mul3A_35, %dma_wait3A_93, %dma_wait3A_94] : memref<4000x2x80xi32, #tpu.memory_space<hbm>> -> memref<1x2x80xi32, #tpu.memory_space<hbm>>
    %dma_wait3A_96 = tpu.memref_squeeze %dma_wait3A_95 : memref<1x2x80xi32, #tpu.memory_space<hbm>> -> memref<2x80xi32, #tpu.memory_space<hbm>>
    tpu.wait_dma2 semaphore(%arg24 : memref<!tpu.dma_semaphore, #tpu.memory_space<semaphore_mem>>) src(%dma_wait3A_96 : memref<2x80xi32, #tpu.memory_space<hbm>>) dst(%arg13 : memref<2x80xi32, #tpu.memory_space<vmem>>)
    %dma_start3A_97 = arith.constant 1 : i32
    %dma_start3A_98 = arith.constant 0 : i32
    %dma_start3A_99 = tpu.memref_slice %arg13[%dma_start3A_97, %dma_start3A_98] : memref<2x80xi32, #tpu.memory_space<vmem>> -> memref<1x80xi32, #tpu.memory_space<vmem>>
    %dma_start3A_100 = tpu.memref_squeeze %dma_start3A_99 : memref<1x80xi32, #tpu.memory_space<vmem>> -> memref<80xi32, #tpu.memory_space<vmem>>
    %dma_start3A_101 = arith.constant 0 : i32
    %dma_start3A_102 = arith.constant 0 : i32
    %dma_start3A_103 = tpu.memref_slice %arg5[%dma_start3A_101, %dma_start3A_102] : memref<10000x128xf32, #tpu.memory_space<hbm>> -> memref<10000x128xf32, #tpu.memory_space<hbm>>
    tpu.enqueue_indirect_dma source(%dma_start3A_103 : memref<10000x128xf32, #tpu.memory_space<hbm>>) target(%arg19 : memref<80x128xf32, #tpu.memory_space<vmem>>) offsets(%dma_start3A_100 : memref<80xi32, #tpu.memory_space<vmem>>) semaphore(%arg28 : memref<!tpu.dma_semaphore, #tpu.memory_space<semaphore_mem>>)
    %scan3A_104 = arith.constant 0 : i32
    %scan3A_105 = arith.constant 0 : i32
    %scan3A_106 = arith.constant 31 : i32
    %scan3A_107 = arith.addi %scan3A_105, %scan3A_106 : i32
    %scan3A_108 = arith.constant 1 : i32
    %scan3A_109 = scf.for %scan3A_242 = %scan3A_105 to %scan3A_107 step %scan3A_108 iter_args(%scan3A_243 = %scan3A_104) -> (i32)  : i32 {
      %mul3A_244 = arith.constant 4 : i32
      %mul3A_245 = arith.muli %scan3A_242, %mul3A_244 : i32
      %add3A_246 = arith.constant 0 : i32
      %add3A_247 = arith.addi %mul3A_245, %add3A_246 : i32
      %dma_wait3A_248 = arith.constant 1 : i32
      %dma_wait3A_249 = arith.constant 0 : i32
      %dma_wait3A_250 = tpu.memref_slice %arg12[%dma_wait3A_248, %dma_wait3A_249] : memref<2x80xi32, #tpu.memory_space<vmem>> -> memref<1x80xi32, #tpu.memory_space<vmem>>
      %dma_wait3A_251 = tpu.memref_squeeze %dma_wait3A_250 : memref<1x80xi32, #tpu.memory_space<vmem>> -> memref<80xi32, #tpu.memory_space<vmem>>
      %dma_wait3A_252 = arith.constant 0 : i32
      %dma_wait3A_253 = arith.constant 0 : i32
      %dma_wait3A_254 = tpu.memref_slice %arg5[%dma_wait3A_252, %dma_wait3A_253] : memref<10000x128xf32, #tpu.memory_space<hbm>> -> memref<10000x128xf32, #tpu.memory_space<hbm>>
      tpu.wait_indirect_dma semaphore(%arg27 : memref<!tpu.dma_semaphore, #tpu.memory_space<semaphore_mem>>) src(%dma_wait3A_254 : memref<10000x128xf32, #tpu.memory_space<hbm>>) dst(%arg17 : memref<80x128xf32, #tpu.memory_space<vmem>>)
      %get3A_255 = arith.constant 0 : i32
      %get3A_256 = arith.index_cast %get3A_255 : i32 to index
      %get3A_257 = arith.constant 0 : index
      %get3A_258 = tpu.vector_load %arg12[%get3A_256, %get3A_257] {strides = array<i32>} : memref<2x80xi32, #tpu.memory_space<vmem>>, vector<16xi32>,
      %get3A_259 = arith.constant 1 : i32
      %get3A_260 = arith.index_cast %get3A_259 : i32 to index
      %get3A_261 = arith.constant 0 : index
      %get3A_262 = tpu.vector_load %arg12[%get3A_260, %get3A_261] {strides = array<i32>} : memref<2x80xi32, #tpu.memory_space<vmem>>, vector<16xi32>,
      %gather3A_263 = tpu.vector_load_idx %arg9[%get3A_258] : memref<10000xf32, #tpu.memory_space<vmem>>[vector<16xi32>], vector<16xf32>,
      %gather3A_264 = tpu.vector_load_idx %arg10[%get3A_262] : memref<10000xf32, #tpu.memory_space<vmem>>[vector<16xi32>], vector<16xf32>,
      %add3A_265 = arith.addf %gather3A_263, %gather3A_264 : vector<16xf32>
      %mul3A_266 = arith.constant 0.00999999977 : f32
      %mul3A_267 = vector.broadcast %mul3A_266 : f32 to vector<16xf32>
      %mul3A_268 = arith.mulf %mul3A_267, %add3A_265 : vector<16xf32>
      %max3A_269 = arith.maximumf %add3A_265, %mul3A_268 : vector<16xf32>
      %add3A_270 = arith.addf %gather3A_263, %get3A_33 : vector<16xf32>
      %mul3A_271 = arith.constant 0.00999999977 : f32
      %mul3A_272 = vector.broadcast %mul3A_271 : f32 to vector<16xf32>
      %mul3A_273 = arith.mulf %mul3A_272, %add3A_270 : vector<16xf32>
      %max3A_274 = arith.maximumf %add3A_270, %mul3A_273 : vector<16xf32>
      %sub3A_275 = arith.subf %max3A_269, %max3A_274 : vector<16xf32>
      %exp3A_276 = math.exp %sub3A_275 : vector<16xf32>
      %swap3A_277 = arith.constant 0 : index
      %swap3A_278 = tpu.vector_load %arg16[%swap3A_277] {strides = array<i32>} : memref<80xf32, #tpu.memory_space<vmem>>, vector<16xf32>,
      tpu.vector_store %arg16[%swap3A_277], %exp3A_276 {strides = array<i32>} : memref<80xf32, #tpu.memory_space<vmem>>, vector<16xf32>,
      %get3A_279 = arith.constant 0 : i32
      %get3A_280 = arith.index_cast %get3A_279 : i32 to index
      %get3A_281 = arith.constant 16 : index
      %get3A_282 = tpu.vector_load %arg12[%get3A_280, %get3A_281] {strides = array<i32>} : memref<2x80xi32, #tpu.memory_space<vmem>>, vector<16xi32>,
      %get3A_283 = arith.constant 1 : i32
      %get3A_284 = arith.index_cast %get3A_283 : i32 to index
      %get3A_285 = arith.constant 16 : index
      %get3A_286 = tpu.vector_load %arg12[%get3A_284, %get3A_285] {strides = array<i32>} : memref<2x80xi32, #tpu.memory_space<vmem>>, vector<16xi32>,
      %gather3A_287 = tpu.vector_load_idx %arg9[%get3A_282] : memref<10000xf32, #tpu.memory_space<vmem>>[vector<16xi32>], vector<16xf32>,
      %gather3A_288 = tpu.vector_load_idx %arg10[%get3A_286] : memref<10000xf32, #tpu.memory_space<vmem>>[vector<16xi32>], vector<16xf32>,
      %add3A_289 = arith.addf %gather3A_287, %gather3A_288 : vector<16xf32>
      %mul3A_290 = arith.constant 0.00999999977 : f32
      %mul3A_291 = vector.broadcast %mul3A_290 : f32 to vector<16xf32>
      %mul3A_292 = arith.mulf %mul3A_291, %add3A_289 : vector<16xf32>
      %max3A_293 = arith.maximumf %add3A_289, %mul3A_292 : vector<16xf32>
      %add3A_294 = arith.addf %gather3A_287, %get3A_33 : vector<16xf32>
      %mul3A_295 = arith.constant 0.00999999977 : f32
      %mul3A_296 = vector.broadcast %mul3A_295 : f32 to vector<16xf32>
      %mul3A_297 = arith.mulf %mul3A_296, %add3A_294 : vector<16xf32>
      %max3A_298 = arith.maximumf %add3A_294, %mul3A_297 : vector<16xf32>
      %sub3A_299 = arith.subf %max3A_293, %max3A_298 : vector<16xf32>
      %exp3A_300 = math.exp %sub3A_299 : vector<16xf32>
      %swap3A_301 = arith.constant 16 : index
      %swap3A_302 = tpu.vector_load %arg16[%swap3A_301] {strides = array<i32>} : memref<80xf32, #tpu.memory_space<vmem>>, vector<16xf32>,
      tpu.vector_store %arg16[%swap3A_301], %exp3A_300 {strides = array<i32>} : memref<80xf32, #tpu.memory_space<vmem>>, vector<16xf32>,
      %get3A_303 = arith.constant 0 : i32
      %get3A_304 = arith.index_cast %get3A_303 : i32 to index
      %get3A_305 = arith.constant 32 : index
      %get3A_306 = tpu.vector_load %arg12[%get3A_304, %get3A_305] {strides = array<i32>} : memref<2x80xi32, #tpu.memory_space<vmem>>, vector<16xi32>,
      %get3A_307 = arith.constant 1 : i32
      %get3A_308 = arith.index_cast %get3A_307 : i32 to index
      %get3A_309 = arith.constant 32 : index
      %get3A_310 = tpu.vector_load %arg12[%get3A_308, %get3A_309] {strides = array<i32>} : memref<2x80xi32, #tpu.memory_space<vmem>>, vector<16xi32>,
      %gather3A_311 = tpu.vector_load_idx %arg9[%get3A_306] : memref<10000xf32, #tpu.memory_space<vmem>>[vector<16xi32>], vector<16xf32>,
      %gather3A_312 = tpu.vector_load_idx %arg10[%get3A_310] : memref<10000xf32, #tpu.memory_space<vmem>>[vector<16xi32>], vector<16xf32>,
      %add3A_313 = arith.addf %gather3A_311, %gather3A_312 : vector<16xf32>
      %mul3A_314 = arith.constant 0.00999999977 : f32
      %mul3A_315 = vector.broadcast %mul3A_314 : f32 to vector<16xf32>
      %mul3A_316 = arith.mulf %mul3A_315, %add3A_313 : vector<16xf32>
      %max3A_317 = arith.maximumf %add3A_313, %mul3A_316 : vector<16xf32>
      %add3A_318 = arith.addf %gather3A_311, %get3A_33 : vector<16xf32>
      %mul3A_319 = arith.constant 0.00999999977 : f32
      %mul3A_320 = vector.broadcast %mul3A_319 : f32 to vector<16xf32>
      %mul3A_321 = arith.mulf %mul3A_320, %add3A_318 : vector<16xf32>
      %max3A_322 = arith.maximumf %add3A_318, %mul3A_321 : vector<16xf32>
      %sub3A_323 = arith.subf %max3A_317, %max3A_322 : vector<16xf32>
      %exp3A_324 = math.exp %sub3A_323 : vector<16xf32>
      %swap3A_325 = arith.constant 32 : index
      %swap3A_326 = tpu.vector_load %arg16[%swap3A_325] {strides = array<i32>} : memref<80xf32, #tpu.memory_space<vmem>>, vector<16xf32>,
      tpu.vector_store %arg16[%swap3A_325], %exp3A_324 {strides = array<i32>} : memref<80xf32, #tpu.memory_space<vmem>>, vector<16xf32>,
      %get3A_327 = arith.constant 0 : i32
      %get3A_328 = arith.index_cast %get3A_327 : i32 to index
      %get3A_329 = arith.constant 48 : index
      %get3A_330 = tpu.vector_load %arg12[%get3A_328, %get3A_329] {strides = array<i32>} : memref<2x80xi32, #tpu.memory_space<vmem>>, vector<16xi32>,
      %get3A_331 = arith.constant 1 : i32
      %get3A_332 = arith.index_cast %get3A_331 : i32 to index
      %get3A_333 = arith.constant 48 : index
      %get3A_334 = tpu.vector_load %arg12[%get3A_332, %get3A_333] {strides = array<i32>} : memref<2x80xi32, #tpu.memory_space<vmem>>, vector<16xi32>,
      %gather3A_335 = tpu.vector_load_idx %arg9[%get3A_330] : memref<10000xf32, #tpu.memory_space<vmem>>[vector<16xi32>], vector<16xf32>,
      %gather3A_336 = tpu.vector_load_idx %arg10[%get3A_334] : memref<10000xf32, #tpu.memory_space<vmem>>[vector<16xi32>], vector<16xf32>,
      %add3A_337 = arith.addf %gather3A_335, %gather3A_336 : vector<16xf32>
      %mul3A_338 = arith.constant 0.00999999977 : f32
      %mul3A_339 = vector.broadcast %mul3A_338 : f32 to vector<16xf32>
      %mul3A_340 = arith.mulf %mul3A_339, %add3A_337 : vector<16xf32>
      %max3A_341 = arith.maximumf %add3A_337, %mul3A_340 : vector<16xf32>
      %add3A_342 = arith.addf %gather3A_335, %get3A_33 : vector<16xf32>
      %mul3A_343 = arith.constant 0.00999999977 : f32
      %mul3A_344 = vector.broadcast %mul3A_343 : f32 to vector<16xf32>
      %mul3A_345 = arith.mulf %mul3A_344, %add3A_342 : vector<16xf32>
      %max3A_346 = arith.maximumf %add3A_342, %mul3A_345 : vector<16xf32>
      %sub3A_347 = arith.subf %max3A_341, %max3A_346 : vector<16xf32>
      %exp3A_348 = math.exp %sub3A_347 : vector<16xf32>
      %swap3A_349 = arith.constant 48 : index
      %swap3A_350 = tpu.vector_load %arg16[%swap3A_349] {strides = array<i32>} : memref<80xf32, #tpu.memory_space<vmem>>, vector<16xf32>,
      tpu.vector_store %arg16[%swap3A_349], %exp3A_348 {strides = array<i32>} : memref<80xf32, #tpu.memory_space<vmem>>, vector<16xf32>,
      %get3A_351 = arith.constant 0 : i32
      %get3A_352 = arith.index_cast %get3A_351 : i32 to index
      %get3A_353 = arith.constant 64 : index
      %get3A_354 = tpu.vector_load %arg12[%get3A_352, %get3A_353] {strides = array<i32>} : memref<2x80xi32, #tpu.memory_space<vmem>>, vector<16xi32>,
      %get3A_355 = arith.constant 1 : i32
      %get3A_356 = arith.index_cast %get3A_355 : i32 to index
      %get3A_357 = arith.constant 64 : index
      %get3A_358 = tpu.vector_load %arg12[%get3A_356, %get3A_357] {strides = array<i32>} : memref<2x80xi32, #tpu.memory_space<vmem>>, vector<16xi32>,
      %gather3A_359 = tpu.vector_load_idx %arg9[%get3A_354] : memref<10000xf32, #tpu.memory_space<vmem>>[vector<16xi32>], vector<16xf32>,
      %gather3A_360 = tpu.vector_load_idx %arg10[%get3A_358] : memref<10000xf32, #tpu.memory_space<vmem>>[vector<16xi32>], vector<16xf32>,
      %add3A_361 = arith.addf %gather3A_359, %gather3A_360 : vector<16xf32>
      %mul3A_362 = arith.constant 0.00999999977 : f32
      %mul3A_363 = vector.broadcast %mul3A_362 : f32 to vector<16xf32>
      %mul3A_364 = arith.mulf %mul3A_363, %add3A_361 : vector<16xf32>
      %max3A_365 = arith.maximumf %add3A_361, %mul3A_364 : vector<16xf32>
      %add3A_366 = arith.addf %gather3A_359, %get3A_33 : vector<16xf32>
      %mul3A_367 = arith.constant 0.00999999977 : f32
      %mul3A_368 = vector.broadcast %mul3A_367 : f32 to vector<16xf32>
      %mul3A_369 = arith.mulf %mul3A_368, %add3A_366 : vector<16xf32>
      %max3A_370 = arith.maximumf %add3A_366, %mul3A_369 : vector<16xf32>
      %sub3A_371 = arith.subf %max3A_365, %max3A_370 : vector<16xf32>
      %exp3A_372 = math.exp %sub3A_371 : vector<16xf32>
      %swap3A_373 = arith.constant 64 : index
      %swap3A_374 = tpu.vector_load %arg16[%swap3A_373] {strides = array<i32>} : memref<80xf32, #tpu.memory_space<vmem>>, vector<16xf32>,
      tpu.vector_store %arg16[%swap3A_373], %exp3A_372 {strides = array<i32>} : memref<80xf32, #tpu.memory_space<vmem>>, vector<16xf32>,
      %scan3A_375 = arith.constant 0 : i32
      %scan3A_376 = arith.constant 0 : i32
      %scan3A_377 = arith.constant 20 : i32
      %scan3A_378 = arith.addi %scan3A_376, %scan3A_377 : i32
      %scan3A_379 = arith.constant 1 : i32
      %scan3A_380 = scf.for %scan3A_858 = %scan3A_376 to %scan3A_378 step %scan3A_379 iter_args(%scan3A_859 = %scan3A_375) -> (i32)  : i32 {
        %mul3A_860 = arith.constant 4 : i32
        %mul3A_861 = arith.muli %scan3A_858, %mul3A_860 : i32
        %add3A_862 = arith.constant 0 : i32
        %add3A_863 = arith.addi %mul3A_861, %add3A_862 : i32
        %broadcast_in_dim3A_864 = vector.broadcast %add3A_863 : i32 to vector<16xi32>
        %gather3A_865 = tpu.vector_load_idx %arg16[%broadcast_in_dim3A_864] : memref<80xf32, #tpu.memory_space<vmem>>[vector<16xi32>], vector<16xf32>,
        %get3A_866 = arith.index_cast %add3A_863 : i32 to index
        %get3A_867 = arith.constant 0 : index
        %get3A_868 = tpu.vector_load %arg17[%get3A_866, %get3A_867] {strides = array<i32>} : memref<80x128xf32, #tpu.memory_space<vmem>>, vector<16xf32>,
        %mul3A_869 = arith.mulf %get3A_868, %gather3A_865 : vector<16xf32>
        %swap3A_870 = arith.index_cast %add3A_863 : i32 to index
        %swap3A_871 = arith.constant 0 : index
        %swap3A_872 = tpu.vector_load %arg17[%swap3A_870, %swap3A_871] {strides = array<i32>} : memref<80x128xf32, #tpu.memory_space<vmem>>, vector<16xf32>,
        tpu.vector_store %arg17[%swap3A_870, %swap3A_871], %mul3A_869 {strides = array<i32>} : memref<80x128xf32, #tpu.memory_space<vmem>>, vector<16xf32>,
        %get3A_873 = arith.index_cast %add3A_863 : i32 to index
        %get3A_874 = arith.constant 16 : index
        %get3A_875 = tpu.vector_load %arg17[%get3A_873, %get3A_874] {strides = array<i32>} : memref<80x128xf32, #tpu.memory_space<vmem>>, vector<16xf32>,
        %mul3A_876 = arith.mulf %get3A_875, %gather3A_865 : vector<16xf32>
        %swap3A_877 = arith.index_cast %add3A_863 : i32 to index
        %swap3A_878 = arith.constant 16 : index
        %swap3A_879 = tpu.vector_load %arg17[%swap3A_877, %swap3A_878] {strides = array<i32>} : memref<80x128xf32, #tpu.memory_space<vmem>>, vector<16xf32>,
        tpu.vector_store %arg17[%swap3A_877, %swap3A_878], %mul3A_876 {strides = array<i32>} : memref<80x128xf32, #tpu.memory_space<vmem>>, vector<16xf32>,
        %get3A_880 = arith.index_cast %add3A_863 : i32 to index
        %get3A_881 = arith.constant 32 : index
        %get3A_882 = tpu.vector_load %arg17[%get3A_880, %get3A_881] {strides = array<i32>} : memref<80x128xf32, #tpu.memory_space<vmem>>, vector<16xf32>,
        %mul3A_883 = arith.mulf %get3A_882, %gather3A_865 : vector<16xf32>
        %swap3A_884 = arith.index_cast %add3A_863 : i32 to index
        %swap3A_885 = arith.constant 32 : index
        %swap3A_886 = tpu.vector_load %arg17[%swap3A_884, %swap3A_885] {strides = array<i32>} : memref<80x128xf32, #tpu.memory_space<vmem>>, vector<16xf32>,
        tpu.vector_store %arg17[%swap3A_884, %swap3A_885], %mul3A_883 {strides = array<i32>} : memref<80x128xf32, #tpu.memory_space<vmem>>, vector<16xf32>,
        %get3A_887 = arith.index_cast %add3A_863 : i32 to index
        %get3A_888 = arith.constant 48 : index
        %get3A_889 = tpu.vector_load %arg17[%get3A_887, %get3A_888] {strides = array<i32>} : memref<80x128xf32, #tpu.memory_space<vmem>>, vector<16xf32>,
        %mul3A_890 = arith.mulf %get3A_889, %gather3A_865 : vector<16xf32>
        %swap3A_891 = arith.index_cast %add3A_863 : i32 to index
        %swap3A_892 = arith.constant 48 : index
        %swap3A_893 = tpu.vector_load %arg17[%swap3A_891, %swap3A_892] {strides = array<i32>} : memref<80x128xf32, #tpu.memory_space<vmem>>, vector<16xf32>,
        tpu.vector_store %arg17[%swap3A_891, %swap3A_892], %mul3A_890 {strides = array<i32>} : memref<80x128xf32, #tpu.memory_space<vmem>>, vector<16xf32>,
        %get3A_894 = arith.index_cast %add3A_863 : i32 to index
        %get3A_895 = arith.constant 64 : index
        %get3A_896 = tpu.vector_load %arg17[%get3A_894, %get3A_895] {strides = array<i32>} : memref<80x128xf32, #tpu.memory_space<vmem>>, vector<16xf32>,
        %mul3A_897 = arith.mulf %get3A_896, %gather3A_865 : vector<16xf32>
        %swap3A_898 = arith.index_cast %add3A_863 : i32 to index
        %swap3A_899 = arith.constant 64 : index
        %swap3A_900 = tpu.vector_load %arg17[%swap3A_898, %swap3A_899] {strides = array<i32>} : memref<80x128xf32, #tpu.memory_space<vmem>>, vector<16xf32>,
        tpu.vector_store %arg17[%swap3A_898, %swap3A_899], %mul3A_897 {strides = array<i32>} : memref<80x128xf32, #tpu.memory_space<vmem>>, vector<16xf32>,
        %get3A_901 = arith.index_cast %add3A_863 : i32 to index
        %get3A_902 = arith.constant 80 : index
        %get3A_903 = tpu.vector_load %arg17[%get3A_901, %get3A_902] {strides = array<i32>} : memref<80x128xf32, #tpu.memory_space<vmem>>, vector<16xf32>,
        %mul3A_904 = arith.mulf %get3A_903, %gather3A_865 : vector<16xf32>
        %swap3A_905 = arith.index_cast %add3A_863 : i32 to index
        %swap3A_906 = arith.constant 80 : index
        %swap3A_907 = tpu.vector_load %arg17[%swap3A_905, %swap3A_906] {strides = array<i32>} : memref<80x128xf32, #tpu.memory_space<vmem>>, vector<16xf32>,
        tpu.vector_store %arg17[%swap3A_905, %swap3A_906], %mul3A_904 {strides = array<i32>} : memref<80x128xf32, #tpu.memory_space<vmem>>, vector<16xf32>,
        %get3A_908 = arith.index_cast %add3A_863 : i32 to index
        %get3A_909 = arith.constant 96 : index
        %get3A_910 = tpu.vector_load %arg17[%get3A_908, %get3A_909] {strides = array<i32>} : memref<80x128xf32, #tpu.memory_space<vmem>>, vector<16xf32>,
        %mul3A_911 = arith.mulf %get3A_910, %gather3A_865 : vector<16xf32>
        %swap3A_912 = arith.index_cast %add3A_863 : i32 to index
        %swap3A_913 = arith.constant 96 : index
        %swap3A_914 = tpu.vector_load %arg17[%swap3A_912, %swap3A_913] {strides = array<i32>} : memref<80x128xf32, #tpu.memory_space<vmem>>, vector<16xf32>,
        tpu.vector_store %arg17[%swap3A_912, %swap3A_913], %mul3A_911 {strides = array<i32>} : memref<80x128xf32, #tpu.memory_space<vmem>>, vector<16xf32>,
        %get3A_915 = arith.index_cast %add3A_863 : i32 to index
        %get3A_916 = arith.constant 112 : index
        %get3A_917 = tpu.vector_load %arg17[%get3A_915, %get3A_916] {strides = array<i32>} : memref<80x128xf32, #tpu.memory_space<vmem>>, vector<16xf32>,
        %mul3A_918 = arith.mulf %get3A_917, %gather3A_865 : vector<16xf32>
        %swap3A_919 = arith.index_cast %add3A_863 : i32 to index
        %swap3A_920 = arith.constant 112 : index
        %swap3A_921 = tpu.vector_load %arg17[%swap3A_919, %swap3A_920] {strides = array<i32>} : memref<80x128xf32, #tpu.memory_space<vmem>>, vector<16xf32>,
        tpu.vector_store %arg17[%swap3A_919, %swap3A_920], %mul3A_918 {strides = array<i32>} : memref<80x128xf32, #tpu.memory_space<vmem>>, vector<16xf32>,
        %mul3A_922 = arith.constant 4 : i32
        %mul3A_923 = arith.muli %scan3A_858, %mul3A_922 : i32
        %add3A_924 = arith.constant 1 : i32
        %add3A_925 = arith.addi %mul3A_923, %add3A_924 : i32
        %broadcast_in_dim3A_926 = vector.broadcast %add3A_925 : i32 to vector<16xi32>
        %gather3A_927 = tpu.vector_load_idx %arg16[%broadcast_in_dim3A_926] : memref<80xf32, #tpu.memory_space<vmem>>[vector<16xi32>], vector<16xf32>,
        %get3A_928 = arith.index_cast %add3A_925 : i32 to index
        %get3A_929 = arith.constant 0 : index
        %get3A_930 = tpu.vector_load %arg17[%get3A_928, %get3A_929] {strides = array<i32>} : memref<80x128xf32, #tpu.memory_space<vmem>>, vector<16xf32>,
        %mul3A_931 = arith.mulf %get3A_930, %gather3A_927 : vector<16xf32>
        %swap3A_932 = arith.index_cast %add3A_925 : i32 to index
        %swap3A_933 = arith.constant 0 : index
        %swap3A_934 = tpu.vector_load %arg17[%swap3A_932, %swap3A_933] {strides = array<i32>} : memref<80x128xf32, #tpu.memory_space<vmem>>, vector<16xf32>,
        tpu.vector_store %arg17[%swap3A_932, %swap3A_933], %mul3A_931 {strides = array<i32>} : memref<80x128xf32, #tpu.memory_space<vmem>>, vector<16xf32>,
        %get3A_935 = arith.index_cast %add3A_925 : i32 to index
        %get3A_936 = arith.constant 16 : index
        %get3A_937 = tpu.vector_load %arg17[%get3A_935, %get3A_936] {strides = array<i32>} : memref<80x128xf32, #tpu.memory_space<vmem>>, vector<16xf32>,
        %mul3A_938 = arith.mulf %get3A_937, %gather3A_927 : vector<16xf32>
        %swap3A_939 = arith.index_cast %add3A_925 : i32 to index
        %swap3A_940 = arith.constant 16 : index
        %swap3A_941 = tpu.vector_load %arg17[%swap3A_939, %swap3A_940] {strides = array<i32>} : memref<80x128xf32, #tpu.memory_space<vmem>>, vector<16xf32>,
        tpu.vector_store %arg17[%swap3A_939, %swap3A_940], %mul3A_938 {strides = array<i32>} : memref<80x128xf32, #tpu.memory_space<vmem>>, vector<16xf32>,
        %get3A_942 = arith.index_cast %add3A_925 : i32 to index
        %get3A_943 = arith.constant 32 : index
        %get3A_944 = tpu.vector_load %arg17[%get3A_942, %get3A_943] {strides = array<i32>} : memref<80x128xf32, #tpu.memory_space<vmem>>, vector<16xf32>,
        %mul3A_945 = arith.mulf %get3A_944, %gather3A_927 : vector<16xf32>
        %swap3A_946 = arith.index_cast %add3A_925 : i32 to index
        %swap3A_947 = arith.constant 32 : index
        %swap3A_948 = tpu.vector_load %arg17[%swap3A_946, %swap3A_947] {strides = array<i32>} : memref<80x128xf32, #tpu.memory_space<vmem>>, vector<16xf32>,
        tpu.vector_store %arg17[%swap3A_946, %swap3A_947], %mul3A_945 {strides = array<i32>} : memref<80x128xf32, #tpu.memory_space<vmem>>, vector<16xf32>,
        %get3A_949 = arith.index_cast %add3A_925 : i32 to index
        %get3A_950 = arith.constant 48 : index
        %get3A_951 = tpu.vector_load %arg17[%get3A_949, %get3A_950] {strides = array<i32>} : memref<80x128xf32, #tpu.memory_space<vmem>>, vector<16xf32>,
        %mul3A_952 = arith.mulf %get3A_951, %gather3A_927 : vector<16xf32>
        %swap3A_953 = arith.index_cast %add3A_925 : i32 to index
        %swap3A_954 = arith.constant 48 : index
        %swap3A_955 = tpu.vector_load %arg17[%swap3A_953, %swap3A_954] {strides = array<i32>} : memref<80x128xf32, #tpu.memory_space<vmem>>, vector<16xf32>,
        tpu.vector_store %arg17[%swap3A_953, %swap3A_954], %mul3A_952 {strides = array<i32>} : memref<80x128xf32, #tpu.memory_space<vmem>>, vector<16xf32>,
        %get3A_956 = arith.index_cast %add3A_925 : i32 to index
        %get3A_957 = arith.constant 64 : index
        %get3A_958 = tpu.vector_load %arg17[%get3A_956, %get3A_957] {strides = array<i32>} : memref<80x128xf32, #tpu.memory_space<vmem>>, vector<16xf32>,
        %mul3A_959 = arith.mulf %get3A_958, %gather3A_927 : vector<16xf32>
        %swap3A_960 = arith.index_cast %add3A_925 : i32 to index
        %swap3A_961 = arith.constant 64 : index
        %swap3A_962 = tpu.vector_load %arg17[%swap3A_960, %swap3A_961] {strides = array<i32>} : memref<80x128xf32, #tpu.memory_space<vmem>>, vector<16xf32>,
        tpu.vector_store %arg17[%swap3A_960, %swap3A_961], %mul3A_959 {strides = array<i32>} : memref<80x128xf32, #tpu.memory_space<vmem>>, vector<16xf32>,
        %get3A_963 = arith.index_cast %add3A_925 : i32 to index
        %get3A_964 = arith.constant 80 : index
        %get3A_965 = tpu.vector_load %arg17[%get3A_963, %get3A_964] {strides = array<i32>} : memref<80x128xf32, #tpu.memory_space<vmem>>, vector<16xf32>,
        %mul3A_966 = arith.mulf %get3A_965, %gather3A_927 : vector<16xf32>
        %swap3A_967 = arith.index_cast %add3A_925 : i32 to index
        %swap3A_968 = arith.constant 80 : index
        %swap3A_969 = tpu.vector_load %arg17[%swap3A_967, %swap3A_968] {strides = array<i32>} : memref<80x128xf32, #tpu.memory_space<vmem>>, vector<16xf32>,
        tpu.vector_store %arg17[%swap3A_967, %swap3A_968], %mul3A_966 {strides = array<i32>} : memref<80x128xf32, #tpu.memory_space<vmem>>, vector<16xf32>,
        %get3A_970 = arith.index_cast %add3A_925 : i32 to index
        %get3A_971 = arith.constant 96 : index
        %get3A_972 = tpu.vector_load %arg17[%get3A_970, %get3A_971] {strides = array<i32>} : memref<80x128xf32, #tpu.memory_space<vmem>>, vector<16xf32>,
        %mul3A_973 = arith.mulf %get3A_972, %gather3A_927 : vector<16xf32>
        %swap3A_974 = arith.index_cast %add3A_925 : i32 to index
        %swap3A_975 = arith.constant 96 : index
        %swap3A_976 = tpu.vector_load %arg17[%swap3A_974, %swap3A_975] {strides = array<i32>} : memref<80x128xf32, #tpu.memory_space<vmem>>, vector<16xf32>,
        tpu.vector_store %arg17[%swap3A_974, %swap3A_975], %mul3A_973 {strides = array<i32>} : memref<80x128xf32, #tpu.memory_space<vmem>>, vector<16xf32>,
        %get3A_977 = arith.index_cast %add3A_925 : i32 to index
        %get3A_978 = arith.constant 112 : index
        %get3A_979 = tpu.vector_load %arg17[%get3A_977, %get3A_978] {strides = array<i32>} : memref<80x128xf32, #tpu.memory_space<vmem>>, vector<16xf32>,
        %mul3A_980 = arith.mulf %get3A_979, %gather3A_927 : vector<16xf32>
        %swap3A_981 = arith.index_cast %add3A_925 : i32 to index
        %swap3A_982 = arith.constant 112 : index
        %swap3A_983 = tpu.vector_load %arg17[%swap3A_981, %swap3A_982] {strides = array<i32>} : memref<80x128xf32, #tpu.memory_space<vmem>>, vector<16xf32>,
        tpu.vector_store %arg17[%swap3A_981, %swap3A_982], %mul3A_980 {strides = array<i32>} : memref<80x128xf32, #tpu.memory_space<vmem>>, vector<16xf32>,
        %mul3A_984 = arith.constant 4 : i32
        %mul3A_985 = arith.muli %scan3A_858, %mul3A_984 : i32
        %add3A_986 = arith.constant 2 : i32
        %add3A_987 = arith.addi %mul3A_985, %add3A_986 : i32
        %broadcast_in_dim3A_988 = vector.broadcast %add3A_987 : i32 to vector<16xi32>
        %gather3A_989 = tpu.vector_load_idx %arg16[%broadcast_in_dim3A_988] : memref<80xf32, #tpu.memory_space<vmem>>[vector<16xi32>], vector<16xf32>,
        %get3A_990 = arith.index_cast %add3A_987 : i32 to index
        %get3A_991 = arith.constant 0 : index
        %get3A_992 = tpu.vector_load %arg17[%get3A_990, %get3A_991] {strides = array<i32>} : memref<80x128xf32, #tpu.memory_space<vmem>>, vector<16xf32>,
        %mul3A_993 = arith.mulf %get3A_992, %gather3A_989 : vector<16xf32>
        %swap3A_994 = arith.index_cast %add3A_987 : i32 to index
        %swap3A_995 = arith.constant 0 : index
        %swap3A_996 = tpu.vector_load %arg17[%swap3A_994, %swap3A_995] {strides = array<i32>} : memref<80x128xf32, #tpu.memory_space<vmem>>, vector<16xf32>,
        tpu.vector_store %arg17[%swap3A_994, %swap3A_995], %mul3A_993 {strides = array<i32>} : memref<80x128xf32, #tpu.memory_space<vmem>>, vector<16xf32>,
        %get3A_997 = arith.index_cast %add3A_987 : i32 to index
        %get3A_998 = arith.constant 16 : index
        %get3A_999 = tpu.vector_load %arg17[%get3A_997, %get3A_998] {strides = array<i32>} : memref<80x128xf32, #tpu.memory_space<vmem>>, vector<16xf32>,
        %mul3A_1000 = arith.mulf %get3A_999, %gather3A_989 : vector<16xf32>
        %swap3A_1001 = arith.index_cast %add3A_987 : i32 to index
        %swap3A_1002 = arith.constant 16 : index
        %swap3A_1003 = tpu.vector_load %arg17[%swap3A_1001, %swap3A_1002] {strides = array<i32>} : memref<80x128xf32, #tpu.memory_space<vmem>>, vector<16xf32>,
        tpu.vector_store %arg17[%swap3A_1001, %swap3A_1002], %mul3A_1000 {strides = array<i32>} : memref<80x128xf32, #tpu.memory_space<vmem>>, vector<16xf32>,
        %get3A_1004 = arith.index_cast %add3A_987 : i32 to index
        %get3A_1005 = arith.constant 32 : index
        %get3A_1006 = tpu.vector_load %arg17[%get3A_1004, %get3A_1005] {strides = array<i32>} : memref<80x128xf32, #tpu.memory_space<vmem>>, vector<16xf32>,
        %mul3A_1007 = arith.mulf %get3A_1006, %gather3A_989 : vector<16xf32>
        %swap3A_1008 = arith.index_cast %add3A_987 : i32 to index
        %swap3A_1009 = arith.constant 32 : index
        %swap3A_1010 = tpu.vector_load %arg17[%swap3A_1008, %swap3A_1009] {strides = array<i32>} : memref<80x128xf32, #tpu.memory_space<vmem>>, vector<16xf32>,
        tpu.vector_store %arg17[%swap3A_1008, %swap3A_1009], %mul3A_1007 {strides = array<i32>} : memref<80x128xf32, #tpu.memory_space<vmem>>, vector<16xf32>,
        %get3A_1011 = arith.index_cast %add3A_987 : i32 to index
        %get3A_1012 = arith.constant 48 : index
        %get3A_1013 = tpu.vector_load %arg17[%get3A_1011, %get3A_1012] {strides = array<i32>} : memref<80x128xf32, #tpu.memory_space<vmem>>, vector<16xf32>,
        %mul3A_1014 = arith.mulf %get3A_1013, %gather3A_989 : vector<16xf32>
        %swap3A_1015 = arith.index_cast %add3A_987 : i32 to index
        %swap3A_1016 = arith.constant 48 : index
        %swap3A_1017 = tpu.vector_load %arg17[%swap3A_1015, %swap3A_1016] {strides = array<i32>} : memref<80x128xf32, #tpu.memory_space<vmem>>, vector<16xf32>,
        tpu.vector_store %arg17[%swap3A_1015, %swap3A_1016], %mul3A_1014 {strides = array<i32>} : memref<80x128xf32, #tpu.memory_space<vmem>>, vector<16xf32>,
        %get3A_1018 = arith.index_cast %add3A_987 : i32 to index
        %get3A_1019 = arith.constant 64 : index
        %get3A_1020 = tpu.vector_load %arg17[%get3A_1018, %get3A_1019] {strides = array<i32>} : memref<80x128xf32, #tpu.memory_space<vmem>>, vector<16xf32>,
        %mul3A_1021 = arith.mulf %get3A_1020, %gather3A_989 : vector<16xf32>
        %swap3A_1022 = arith.index_cast %add3A_987 : i32 to index
        %swap3A_1023 = arith.constant 64 : index
        %swap3A_1024 = tpu.vector_load %arg17[%swap3A_1022, %swap3A_1023] {strides = array<i32>} : memref<80x128xf32, #tpu.memory_space<vmem>>, vector<16xf32>,
        tpu.vector_store %arg17[%swap3A_1022, %swap3A_1023], %mul3A_1021 {strides = array<i32>} : memref<80x128xf32, #tpu.memory_space<vmem>>, vector<16xf32>,
        %get3A_1025 = arith.index_cast %add3A_987 : i32 to index
        %get3A_1026 = arith.constant 80 : index
        %get3A_1027 = tpu.vector_load %arg17[%get3A_1025, %get3A_1026] {strides = array<i32>} : memref<80x128xf32, #tpu.memory_space<vmem>>, vector<16xf32>,
        %mul3A_1028 = arith.mulf %get3A_1027, %gather3A_989 : vector<16xf32>
        %swap3A_1029 = arith.index_cast %add3A_987 : i32 to index
        %swap3A_1030 = arith.constant 80 : index
        %swap3A_1031 = tpu.vector_load %arg17[%swap3A_1029, %swap3A_1030] {strides = array<i32>} : memref<80x128xf32, #tpu.memory_space<vmem>>, vector<16xf32>,
        tpu.vector_store %arg17[%swap3A_1029, %swap3A_1030], %mul3A_1028 {strides = array<i32>} : memref<80x128xf32, #tpu.memory_space<vmem>>, vector<16xf32>,
        %get3A_1032 = arith.index_cast %add3A_987 : i32 to index
        %get3A_1033 = arith.constant 96 : index
        %get3A_1034 = tpu.vector_load %arg17[%get3A_1032, %get3A_1033] {strides = array<i32>} : memref<80x128xf32, #tpu.memory_space<vmem>>, vector<16xf32>,
        %mul3A_1035 = arith.mulf %get3A_1034, %gather3A_989 : vector<16xf32>
        %swap3A_1036 = arith.index_cast %add3A_987 : i32 to index
        %swap3A_1037 = arith.constant 96 : index
        %swap3A_1038 = tpu.vector_load %arg17[%swap3A_1036, %swap3A_1037] {strides = array<i32>} : memref<80x128xf32, #tpu.memory_space<vmem>>, vector<16xf32>,
        tpu.vector_store %arg17[%swap3A_1036, %swap3A_1037], %mul3A_1035 {strides = array<i32>} : memref<80x128xf32, #tpu.memory_space<vmem>>, vector<16xf32>,
        %get3A_1039 = arith.index_cast %add3A_987 : i32 to index
        %get3A_1040 = arith.constant 112 : index
        %get3A_1041 = tpu.vector_load %arg17[%get3A_1039, %get3A_1040] {strides = array<i32>} : memref<80x128xf32, #tpu.memory_space<vmem>>, vector<16xf32>,
        %mul3A_1042 = arith.mulf %get3A_1041, %gather3A_989 : vector<16xf32>
        %swap3A_1043 = arith.index_cast %add3A_987 : i32 to index
        %swap3A_1044 = arith.constant 112 : index
        %swap3A_1045 = tpu.vector_load %arg17[%swap3A_1043, %swap3A_1044] {strides = array<i32>} : memref<80x128xf32, #tpu.memory_space<vmem>>, vector<16xf32>,
        tpu.vector_store %arg17[%swap3A_1043, %swap3A_1044], %mul3A_1042 {strides = array<i32>} : memref<80x128xf32, #tpu.memory_space<vmem>>, vector<16xf32>,
        %mul3A_1046 = arith.constant 4 : i32
        %mul3A_1047 = arith.muli %scan3A_858, %mul3A_1046 : i32
        %add3A_1048 = arith.constant 3 : i32
        %add3A_1049 = arith.addi %mul3A_1047, %add3A_1048 : i32
        %broadcast_in_dim3A_1050 = vector.broadcast %add3A_1049 : i32 to vector<16xi32>
        %gather3A_1051 = tpu.vector_load_idx %arg16[%broadcast_in_dim3A_1050] : memref<80xf32, #tpu.memory_space<vmem>>[vector<16xi32>], vector<16xf32>,
        %get3A_1052 = arith.index_cast %add3A_1049 : i32 to index
        %get3A_1053 = arith.constant 0 : index
        %get3A_1054 = tpu.vector_load %arg17[%get3A_1052, %get3A_1053] {strides = array<i32>} : memref<80x128xf32, #tpu.memory_space<vmem>>, vector<16xf32>,
        %mul3A_1055 = arith.mulf %get3A_1054, %gather3A_1051 : vector<16xf32>
        %swap3A_1056 = arith.index_cast %add3A_1049 : i32 to index
        %swap3A_1057 = arith.constant 0 : index
        %swap3A_1058 = tpu.vector_load %arg17[%swap3A_1056, %swap3A_1057] {strides = array<i32>} : memref<80x128xf32, #tpu.memory_space<vmem>>, vector<16xf32>,
        tpu.vector_store %arg17[%swap3A_1056, %swap3A_1057], %mul3A_1055 {strides = array<i32>} : memref<80x128xf32, #tpu.memory_space<vmem>>, vector<16xf32>,
        %get3A_1059 = arith.index_cast %add3A_1049 : i32 to index
        %get3A_1060 = arith.constant 16 : index
        %get3A_1061 = tpu.vector_load %arg17[%get3A_1059, %get3A_1060] {strides = array<i32>} : memref<80x128xf32, #tpu.memory_space<vmem>>, vector<16xf32>,
        %mul3A_1062 = arith.mulf %get3A_1061, %gather3A_1051 : vector<16xf32>
        %swap3A_1063 = arith.index_cast %add3A_1049 : i32 to index
        %swap3A_1064 = arith.constant 16 : index
        %swap3A_1065 = tpu.vector_load %arg17[%swap3A_1063, %swap3A_1064] {strides = array<i32>} : memref<80x128xf32, #tpu.memory_space<vmem>>, vector<16xf32>,
        tpu.vector_store %arg17[%swap3A_1063, %swap3A_1064], %mul3A_1062 {strides = array<i32>} : memref<80x128xf32, #tpu.memory_space<vmem>>, vector<16xf32>,
        %get3A_1066 = arith.index_cast %add3A_1049 : i32 to index
        %get3A_1067 = arith.constant 32 : index
        %get3A_1068 = tpu.vector_load %arg17[%get3A_1066, %get3A_1067] {strides = array<i32>} : memref<80x128xf32, #tpu.memory_space<vmem>>, vector<16xf32>,
        %mul3A_1069 = arith.mulf %get3A_1068, %gather3A_1051 : vector<16xf32>
        %swap3A_1070 = arith.index_cast %add3A_1049 : i32 to index
        %swap3A_1071 = arith.constant 32 : index
        %swap3A_1072 = tpu.vector_load %arg17[%swap3A_1070, %swap3A_1071] {strides = array<i32>} : memref<80x128xf32, #tpu.memory_space<vmem>>, vector<16xf32>,
        tpu.vector_store %arg17[%swap3A_1070, %swap3A_1071], %mul3A_1069 {strides = array<i32>} : memref<80x128xf32, #tpu.memory_space<vmem>>, vector<16xf32>,
        %get3A_1073 = arith.index_cast %add3A_1049 : i32 to index
        %get3A_1074 = arith.constant 48 : index
        %get3A_1075 = tpu.vector_load %arg17[%get3A_1073, %get3A_1074] {strides = array<i32>} : memref<80x128xf32, #tpu.memory_space<vmem>>, vector<16xf32>,
        %mul3A_1076 = arith.mulf %get3A_1075, %gather3A_1051 : vector<16xf32>
        %swap3A_1077 = arith.index_cast %add3A_1049 : i32 to index
        %swap3A_1078 = arith.constant 48 : index
        %swap3A_1079 = tpu.vector_load %arg17[%swap3A_1077, %swap3A_1078] {strides = array<i32>} : memref<80x128xf32, #tpu.memory_space<vmem>>, vector<16xf32>,
        tpu.vector_store %arg17[%swap3A_1077, %swap3A_1078], %mul3A_1076 {strides = array<i32>} : memref<80x128xf32, #tpu.memory_space<vmem>>, vector<16xf32>,
        %get3A_1080 = arith.index_cast %add3A_1049 : i32 to index
        %get3A_1081 = arith.constant 64 : index
        %get3A_1082 = tpu.vector_load %arg17[%get3A_1080, %get3A_1081] {strides = array<i32>} : memref<80x128xf32, #tpu.memory_space<vmem>>, vector<16xf32>,
        %mul3A_1083 = arith.mulf %get3A_1082, %gather3A_1051 : vector<16xf32>
        %swap3A_1084 = arith.index_cast %add3A_1049 : i32 to index
        %swap3A_1085 = arith.constant 64 : index
        %swap3A_1086 = tpu.vector_load %arg17[%swap3A_1084, %swap3A_1085] {strides = array<i32>} : memref<80x128xf32, #tpu.memory_space<vmem>>, vector<16xf32>,
        tpu.vector_store %arg17[%swap3A_1084, %swap3A_1085], %mul3A_1083 {strides = array<i32>} : memref<80x128xf32, #tpu.memory_space<vmem>>, vector<16xf32>,
        %get3A_1087 = arith.index_cast %add3A_1049 : i32 to index
        %get3A_1088 = arith.constant 80 : index
        %get3A_1089 = tpu.vector_load %arg17[%get3A_1087, %get3A_1088] {strides = array<i32>} : memref<80x128xf32, #tpu.memory_space<vmem>>, vector<16xf32>,
        %mul3A_1090 = arith.mulf %get3A_1089, %gather3A_1051 : vector<16xf32>
        %swap3A_1091 = arith.index_cast %add3A_1049 : i32 to index
        %swap3A_1092 = arith.constant 80 : index
        %swap3A_1093 = tpu.vector_load %arg17[%swap3A_1091, %swap3A_1092] {strides = array<i32>} : memref<80x128xf32, #tpu.memory_space<vmem>>, vector<16xf32>,
        tpu.vector_store %arg17[%swap3A_1091, %swap3A_1092], %mul3A_1090 {strides = array<i32>} : memref<80x128xf32, #tpu.memory_space<vmem>>, vector<16xf32>,
        %get3A_1094 = arith.index_cast %add3A_1049 : i32 to index
        %get3A_1095 = arith.constant 96 : index
        %get3A_1096 = tpu.vector_load %arg17[%get3A_1094, %get3A_1095] {strides = array<i32>} : memref<80x128xf32, #tpu.memory_space<vmem>>, vector<16xf32>,
        %mul3A_1097 = arith.mulf %get3A_1096, %gather3A_1051 : vector<16xf32>
        %swap3A_1098 = arith.index_cast %add3A_1049 : i32 to index
        %swap3A_1099 = arith.constant 96 : index
        %swap3A_1100 = tpu.vector_load %arg17[%swap3A_1098, %swap3A_1099] {strides = array<i32>} : memref<80x128xf32, #tpu.memory_space<vmem>>, vector<16xf32>,
        tpu.vector_store %arg17[%swap3A_1098, %swap3A_1099], %mul3A_1097 {strides = array<i32>} : memref<80x128xf32, #tpu.memory_space<vmem>>, vector<16xf32>,
        %get3A_1101 = arith.index_cast %add3A_1049 : i32 to index
        %get3A_1102 = arith.constant 112 : index
        %get3A_1103 = tpu.vector_load %arg17[%get3A_1101, %get3A_1102] {strides = array<i32>} : memref<80x128xf32, #tpu.memory_space<vmem>>, vector<16xf32>,
        %mul3A_1104 = arith.mulf %get3A_1103, %gather3A_1051 : vector<16xf32>
        %swap3A_1105 = arith.index_cast %add3A_1049 : i32 to index
        %swap3A_1106 = arith.constant 112 : index
        %swap3A_1107 = tpu.vector_load %arg17[%swap3A_1105, %swap3A_1106] {strides = array<i32>} : memref<80x128xf32, #tpu.memory_space<vmem>>, vector<16xf32>,
        tpu.vector_store %arg17[%swap3A_1105, %swap3A_1106], %mul3A_1104 {strides = array<i32>} : memref<80x128xf32, #tpu.memory_space<vmem>>, vector<16xf32>,
        %scan3A_1108 = arith.constant 0 : i32
        scf.yield %scan3A_1108 : i32
      }
      %scan3A_381 = arith.constant 20 : i32
      %run_scoped3A_382 = arith.constant 0 : i32
      "tpu.region"() ({
        %run_scoped3A_858 = tpu.sem_alloc : memref<!tpu.dma_semaphore, #tpu.memory_space<semaphore_mem>>
        %dma_start3A_859 = arith.constant 0 : i32
        %dma_start3A_860 = tpu.memref_slice %arg12[%run_scoped3A_382, %dma_start3A_859] : memref<2x80xi32, #tpu.memory_space<vmem>> -> memref<1x80xi32, #tpu.memory_space<vmem>>
        %dma_start3A_861 = tpu.memref_squeeze %dma_start3A_860 : memref<1x80xi32, #tpu.memory_space<vmem>> -> memref<80xi32, #tpu.memory_space<vmem>>
        %dma_start3A_862 = arith.constant 0 : i32
        %dma_start3A_863 = arith.constant 0 : i32
        %dma_start3A_864 = tpu.memref_slice %arg21[%dma_start3A_862, %dma_start3A_863] : memref<10240x128xf32, #tpu.memory_space<vmem_shared>> -> memref<10240x128xf32, #tpu.memory_space<vmem_shared>>
        tpu.enqueue_indirect_dma source(%arg17 : memref<80x128xf32, #tpu.memory_space<vmem>>) target(%dma_start3A_864 : memref<10240x128xf32, #tpu.memory_space<vmem_shared>>) offsets(%dma_start3A_861 : memref<80xi32, #tpu.memory_space<vmem>>) semaphore(%run_scoped3A_858 : memref<!tpu.dma_semaphore, #tpu.memory_space<semaphore_mem>>) {add = true}
        %dma_wait3A_865 = arith.constant 0 : i32
        %dma_wait3A_866 = tpu.memref_slice %arg12[%run_scoped3A_382, %dma_wait3A_865] : memref<2x80xi32, #tpu.memory_space<vmem>> -> memref<1x80xi32, #tpu.memory_space<vmem>>
        %dma_wait3A_867 = tpu.memref_squeeze %dma_wait3A_866 : memref<1x80xi32, #tpu.memory_space<vmem>> -> memref<80xi32, #tpu.memory_space<vmem>>
        %dma_wait3A_868 = arith.constant 0 : i32
        %dma_wait3A_869 = arith.constant 0 : i32
        %dma_wait3A_870 = tpu.memref_slice %arg21[%dma_wait3A_868, %dma_wait3A_869] : memref<10240x128xf32, #tpu.memory_space<vmem_shared>> -> memref<10240x128xf32, #tpu.memory_space<vmem_shared>>
        tpu.wait_indirect_dma semaphore(%run_scoped3A_858 : memref<!tpu.dma_semaphore, #tpu.memory_space<semaphore_mem>>) src(%arg17 : memref<80x128xf32, #tpu.memory_space<vmem>>) dst(%dma_wait3A_870 : memref<10240x128xf32, #tpu.memory_space<vmem_shared>>)
        tpu.yield
      }) : () -> ()
      %run_scoped3A_383 = arith.constant 0 : i32
      "tpu.region"() ({
        %run_scoped3A_858 = tpu.sem_alloc : memref<!tpu.dma_semaphore, #tpu.memory_space<semaphore_mem>>
        %dma_start3A_859 = arith.constant 0 : i32
        %dma_start3A_860 = tpu.memref_slice %arg12[%run_scoped3A_383, %dma_start3A_859] : memref<2x80xi32, #tpu.memory_space<vmem>> -> memref<1x80xi32, #tpu.memory_space<vmem>>
        %dma_start3A_861 = tpu.memref_squeeze %dma_start3A_860 : memref<1x80xi32, #tpu.memory_space<vmem>> -> memref<80xi32, #tpu.memory_space<vmem>>
        %dma_start3A_862 = arith.constant 0 : i32
        %dma_start3A_863 = tpu.memref_slice %arg22[%dma_start3A_862] : memref<10240xf32, #tpu.memory_space<vmem_shared>> -> memref<10240xf32, #tpu.memory_space<vmem_shared>>
        tpu.enqueue_indirect_dma source(%arg16 : memref<80xf32, #tpu.memory_space<vmem>>) target(%dma_start3A_863 : memref<10240xf32, #tpu.memory_space<vmem_shared>>) offsets(%dma_start3A_861 : memref<80xi32, #tpu.memory_space<vmem>>) semaphore(%run_scoped3A_858 : memref<!tpu.dma_semaphore, #tpu.memory_space<semaphore_mem>>) {add = true}
        %dma_wait3A_864 = arith.constant 0 : i32
        %dma_wait3A_865 = tpu.memref_slice %arg12[%run_scoped3A_383, %dma_wait3A_864] : memref<2x80xi32, #tpu.memory_space<vmem>> -> memref<1x80xi32, #tpu.memory_space<vmem>>
        %dma_wait3A_866 = tpu.memref_squeeze %dma_wait3A_865 : memref<1x80xi32, #tpu.memory_space<vmem>> -> memref<80xi32, #tpu.memory_space<vmem>>
        %dma_wait3A_867 = arith.constant 0 : i32
        %dma_wait3A_868 = tpu.memref_slice %arg22[%dma_wait3A_867] : memref<10240xf32, #tpu.memory_space<vmem_shared>> -> memref<10240xf32, #tpu.memory_space<vmem_shared>>
        tpu.wait_indirect_dma semaphore(%run_scoped3A_858 : memref<!tpu.dma_semaphore, #tpu.memory_space<semaphore_mem>>) src(%arg16 : memref<80xf32, #tpu.memory_space<vmem>>) dst(%dma_wait3A_868 : memref<10240xf32, #tpu.memory_space<vmem_shared>>)
        tpu.yield
      }) : () -> ()
      %add3A_384 = arith.constant 2 : i32
      %add3A_385 = arith.addi %add3A_247, %add3A_384 : i32
      %lt3A = arith.constant 125 : i32
      %lt3A_386 = arith.cmpi slt, %add3A_385, %lt3A : i32
      %convert_element_type3A = arith.extui %lt3A_386 : i1 to i32
      %cond3A = arith.constant 0 : i32
      %cond3A_387 = arith.cmpi ne, %convert_element_type3A, %cond3A : i32
      scf.if %cond3A_387 {
        %dma_wait3A_858 = arith.constant 0 : i32
        %dma_wait3A_859 = arith.constant 0 : i32
        %dma_wait3A_860 = tpu.memref_slice %arg6[%mul3A_35, %dma_wait3A_858, %dma_wait3A_859] : memref<4000x2x80xi32, #tpu.memory_space<hbm>> -> memref<1x2x80xi32, #tpu.memory_space<hbm>>
        %dma_wait3A_861 = tpu.memref_squeeze %dma_wait3A_860 : memref<1x2x80xi32, #tpu.memory_space<hbm>> -> memref<2x80xi32, #tpu.memory_space<hbm>>
        %dma_wait3A_862 = arith.constant 0 : i32
        %dma_wait3A_863 = arith.constant 0 : i32
        %dma_wait3A_864 = tpu.memref_slice %arg6[%mul3A_35, %dma_wait3A_862, %dma_wait3A_863] : memref<4000x2x80xi32, #tpu.memory_space<hbm>> -> memref<1x2x80xi32, #tpu.memory_space<hbm>>
        %dma_wait3A_865 = tpu.memref_squeeze %dma_wait3A_864 : memref<1x2x80xi32, #tpu.memory_space<hbm>> -> memref<2x80xi32, #tpu.memory_space<hbm>>
        tpu.wait_dma2 semaphore(%arg25 : memref<!tpu.dma_semaphore, #tpu.memory_space<semaphore_mem>>) src(%dma_wait3A_865 : memref<2x80xi32, #tpu.memory_space<hbm>>) dst(%arg14 : memref<2x80xi32, #tpu.memory_space<vmem>>)
        %dma_start3A_866 = arith.constant 1 : i32
        %dma_start3A_867 = arith.constant 0 : i32
        %dma_start3A_868 = tpu.memref_slice %arg14[%dma_start3A_866, %dma_start3A_867] : memref<2x80xi32, #tpu.memory_space<vmem>> -> memref<1x80xi32, #tpu.memory_space<vmem>>
        %dma_start3A_869 = tpu.memref_squeeze %dma_start3A_868 : memref<1x80xi32, #tpu.memory_space<vmem>> -> memref<80xi32, #tpu.memory_space<vmem>>
        %dma_start3A_870 = arith.constant 0 : i32
        %dma_start3A_871 = arith.constant 0 : i32
        %dma_start3A_872 = tpu.memref_slice %arg5[%dma_start3A_870, %dma_start3A_871] : memref<10000x128xf32, #tpu.memory_space<hbm>> -> memref<10000x128xf32, #tpu.memory_space<hbm>>
        tpu.enqueue_indirect_dma source(%dma_start3A_872 : memref<10000x128xf32, #tpu.memory_space<hbm>>) target(%arg17 : memref<80x128xf32, #tpu.memory_space<vmem>>) offsets(%dma_start3A_869 : memref<80xi32, #tpu.memory_space<vmem>>) semaphore(%arg27 : memref<!tpu.dma_semaphore, #tpu.memory_space<semaphore_mem>>)
      } else {
      }
      %add3A_388 = arith.constant 4 : i32
      %add3A_389 = arith.addi %add3A_247, %add3A_388 : i32
      %lt3A_390 = arith.constant 125 : i32
      %lt3A_391 = arith.cmpi slt, %add3A_389, %lt3A_390 : i32
      %convert_element_type3A_392 = arith.extui %lt3A_391 : i1 to i32
      %cond3A_393 = arith.constant 0 : i32
      %cond3A_394 = arith.cmpi ne, %convert_element_type3A_392, %cond3A_393 : i32
      scf.if %cond3A_394 {
        %add3A_858 = arith.constant 4 : i32
        %add3A_859 = arith.addi %add3A_247, %add3A_858 : i32
        %add3A_860 = arith.addi %mul3A_35, %add3A_859 : i32
        %dma_start3A_861 = arith.constant 0 : i32
        %dma_start3A_862 = arith.constant 0 : i32
        %dma_start3A_863 = tpu.memref_slice %arg6[%add3A_860, %dma_start3A_861, %dma_start3A_862] : memref<4000x2x80xi32, #tpu.memory_space<hbm>> -> memref<1x2x80xi32, #tpu.memory_space<hbm>>
        %dma_start3A_864 = tpu.memref_squeeze %dma_start3A_863 : memref<1x2x80xi32, #tpu.memory_space<hbm>> -> memref<2x80xi32, #tpu.memory_space<hbm>>
        %dma_start3A_865 = arith.constant 0 : i32
        %dma_start3A_866 = arith.constant 0 : i32
        %dma_start3A_867 = tpu.memref_slice %arg6[%add3A_860, %dma_start3A_865, %dma_start3A_866] : memref<4000x2x80xi32, #tpu.memory_space<hbm>> -> memref<1x2x80xi32, #tpu.memory_space<hbm>>
        %dma_start3A_868 = tpu.memref_squeeze %dma_start3A_867 : memref<1x2x80xi32, #tpu.memory_space<hbm>> -> memref<2x80xi32, #tpu.memory_space<hbm>>
        tpu.enqueue_dma source(%dma_start3A_868 : memref<2x80xi32, #tpu.memory_space<hbm>>) target(%arg12 : memref<2x80xi32, #tpu.memory_space<vmem>>) target_semaphore(%arg23 : memref<!tpu.dma_semaphore, #tpu.memory_space<semaphore_mem>>)
      } else {
      }
      %mul3A_395 = arith.constant 4 : i32
      %mul3A_396 = arith.muli %scan3A_242, %mul3A_395 : i32
      %add3A_397 = arith.constant 1 : i32
      %add3A_398 = arith.addi %mul3A_396, %add3A_397 : i32
      %dma_wait3A_399 = arith.constant 1 : i32
      %dma_wait3A_400 = arith.constant 0 : i32
      %dma_wait3A_401 = tpu.memref_slice %arg13[%dma_wait3A_399, %dma_wait3A_400] : memref<2x80xi32, #tpu.memory_space<vmem>> -> memref<1x80xi32, #tpu.memory_space<vmem>>
      %dma_wait3A_402 = tpu.memref_squeeze %dma_wait3A_401 : memref<1x80xi32, #tpu.memory_space<vmem>> -> memref<80xi32, #tpu.memory_space<vmem>>
      %dma_wait3A_403 = arith.constant 0 : i32
      %dma_wait3A_404 = arith.constant 0 : i32
      %dma_wait3A_405 = tpu.memref_slice %arg5[%dma_wait3A_403, %dma_wait3A_404] : memref<10000x128xf32, #tpu.memory_space<hbm>> -> memref<10000x128xf32, #tpu.memory_space<hbm>>
      tpu.wait_indirect_dma semaphore(%arg28 : memref<!tpu.dma_semaphore, #tpu.memory_space<semaphore_mem>>) src(%dma_wait3A_405 : memref<10000x128xf32, #tpu.memory_space<hbm>>) dst(%arg19 : memref<80x128xf32, #tpu.memory_space<vmem>>)
      %get3A_406 = arith.constant 0 : i32
      %get3A_407 = arith.index_cast %get3A_406 : i32 to index
      %get3A_408 = arith.constant 0 : index
      %get3A_409 = tpu.vector_load %arg13[%get3A_407, %get3A_408] {strides = array<i32>} : memref<2x80xi32, #tpu.memory_space<vmem>>, vector<16xi32>,
      %get3A_410 = arith.constant 1 : i32
      %get3A_411 = arith.index_cast %get3A_410 : i32 to index
      %get3A_412 = arith.constant 0 : index
      %get3A_413 = tpu.vector_load %arg13[%get3A_411, %get3A_412] {strides = array<i32>} : memref<2x80xi32, #tpu.memory_space<vmem>>, vector<16xi32>,
      %gather3A_414 = tpu.vector_load_idx %arg9[%get3A_409] : memref<10000xf32, #tpu.memory_space<vmem>>[vector<16xi32>], vector<16xf32>,
      %gather3A_415 = tpu.vector_load_idx %arg10[%get3A_413] : memref<10000xf32, #tpu.memory_space<vmem>>[vector<16xi32>], vector<16xf32>,
      %add3A_416 = arith.addf %gather3A_414, %gather3A_415 : vector<16xf32>
      %mul3A_417 = arith.constant 0.00999999977 : f32
      %mul3A_418 = vector.broadcast %mul3A_417 : f32 to vector<16xf32>
      %mul3A_419 = arith.mulf %mul3A_418, %add3A_416 : vector<16xf32>
      %max3A_420 = arith.maximumf %add3A_416, %mul3A_419 : vector<16xf32>
      %add3A_421 = arith.addf %gather3A_414, %get3A_33 : vector<16xf32>
      %mul3A_422 = arith.constant 0.00999999977 : f32
      %mul3A_423 = vector.broadcast %mul3A_422 : f32 to vector<16xf32>
      %mul3A_424 = arith.mulf %mul3A_423, %add3A_421 : vector<16xf32>
      %max3A_425 = arith.maximumf %add3A_421, %mul3A_424 : vector<16xf32>
      %sub3A_426 = arith.subf %max3A_420, %max3A_425 : vector<16xf32>
      %exp3A_427 = math.exp %sub3A_426 : vector<16xf32>
      %swap3A_428 = arith.constant 0 : index
      %swap3A_429 = tpu.vector_load %arg18[%swap3A_428] {strides = array<i32>} : memref<80xf32, #tpu.memory_space<vmem>>, vector<16xf32>,
      tpu.vector_store %arg18[%swap3A_428], %exp3A_427 {strides = array<i32>} : memref<80xf32, #tpu.memory_space<vmem>>, vector<16xf32>,
      %get3A_430 = arith.constant 0 : i32
      %get3A_431 = arith.index_cast %get3A_430 : i32 to index
      %get3A_432 = arith.constant 16 : index
      %get3A_433 = tpu.vector_load %arg13[%get3A_431, %get3A_432] {strides = array<i32>} : memref<2x80xi32, #tpu.memory_space<vmem>>, vector<16xi32>,
      %get3A_434 = arith.constant 1 : i32
      %get3A_435 = arith.index_cast %get3A_434 : i32 to index
      %get3A_436 = arith.constant 16 : index
      %get3A_437 = tpu.vector_load %arg13[%get3A_435, %get3A_436] {strides = array<i32>} : memref<2x80xi32, #tpu.memory_space<vmem>>, vector<16xi32>,
      %gather3A_438 = tpu.vector_load_idx %arg9[%get3A_433] : memref<10000xf32, #tpu.memory_space<vmem>>[vector<16xi32>], vector<16xf32>,
      %gather3A_439 = tpu.vector_load_idx %arg10[%get3A_437] : memref<10000xf32, #tpu.memory_space<vmem>>[vector<16xi32>], vector<16xf32>,
      %add3A_440 = arith.addf %gather3A_438, %gather3A_439 : vector<16xf32>
      %mul3A_441 = arith.constant 0.00999999977 : f32
      %mul3A_442 = vector.broadcast %mul3A_441 : f32 to vector<16xf32>
      %mul3A_443 = arith.mulf %mul3A_442, %add3A_440 : vector<16xf32>
      %max3A_444 = arith.maximumf %add3A_440, %mul3A_443 : vector<16xf32>
      %add3A_445 = arith.addf %gather3A_438, %get3A_33 : vector<16xf32>
      %mul3A_446 = arith.constant 0.00999999977 : f32
      %mul3A_447 = vector.broadcast %mul3A_446 : f32 to vector<16xf32>
      %mul3A_448 = arith.mulf %mul3A_447, %add3A_445 : vector<16xf32>
      %max3A_449 = arith.maximumf %add3A_445, %mul3A_448 : vector<16xf32>
      %sub3A_450 = arith.subf %max3A_444, %max3A_449 : vector<16xf32>
      %exp3A_451 = math.exp %sub3A_450 : vector<16xf32>
      %swap3A_452 = arith.constant 16 : index
      %swap3A_453 = tpu.vector_load %arg18[%swap3A_452] {strides = array<i32>} : memref<80xf32, #tpu.memory_space<vmem>>, vector<16xf32>,
      tpu.vector_store %arg18[%swap3A_452], %exp3A_451 {strides = array<i32>} : memref<80xf32, #tpu.memory_space<vmem>>, vector<16xf32>,
      %get3A_454 = arith.constant 0 : i32
      %get3A_455 = arith.index_cast %get3A_454 : i32 to index
      %get3A_456 = arith.constant 32 : index
      %get3A_457 = tpu.vector_load %arg13[%get3A_455, %get3A_456] {strides = array<i32>} : memref<2x80xi32, #tpu.memory_space<vmem>>, vector<16xi32>,
      %get3A_458 = arith.constant 1 : i32
      %get3A_459 = arith.index_cast %get3A_458 : i32 to index
      %get3A_460 = arith.constant 32 : index
      %get3A_461 = tpu.vector_load %arg13[%get3A_459, %get3A_460] {strides = array<i32>} : memref<2x80xi32, #tpu.memory_space<vmem>>, vector<16xi32>,
      %gather3A_462 = tpu.vector_load_idx %arg9[%get3A_457] : memref<10000xf32, #tpu.memory_space<vmem>>[vector<16xi32>], vector<16xf32>,
      %gather3A_463 = tpu.vector_load_idx %arg10[%get3A_461] : memref<10000xf32, #tpu.memory_space<vmem>>[vector<16xi32>], vector<16xf32>,
      %add3A_464 = arith.addf %gather3A_462, %gather3A_463 : vector<16xf32>
      %mul3A_465 = arith.constant 0.00999999977 : f32
      %mul3A_466 = vector.broadcast %mul3A_465 : f32 to vector<16xf32>
      %mul3A_467 = arith.mulf %mul3A_466, %add3A_464 : vector<16xf32>
      %max3A_468 = arith.maximumf %add3A_464, %mul3A_467 : vector<16xf32>
      %add3A_469 = arith.addf %gather3A_462, %get3A_33 : vector<16xf32>
      %mul3A_470 = arith.constant 0.00999999977 : f32
      %mul3A_471 = vector.broadcast %mul3A_470 : f32 to vector<16xf32>
      %mul3A_472 = arith.mulf %mul3A_471, %add3A_469 : vector<16xf32>
      %max3A_473 = arith.maximumf %add3A_469, %mul3A_472 : vector<16xf32>
      %sub3A_474 = arith.subf %max3A_468, %max3A_473 : vector<16xf32>
      %exp3A_475 = math.exp %sub3A_474 : vector<16xf32>
      %swap3A_476 = arith.constant 32 : index
      %swap3A_477 = tpu.vector_load %arg18[%swap3A_476] {strides = array<i32>} : memref<80xf32, #tpu.memory_space<vmem>>, vector<16xf32>,
      tpu.vector_store %arg18[%swap3A_476], %exp3A_475 {strides = array<i32>} : memref<80xf32, #tpu.memory_space<vmem>>, vector<16xf32>,
      %get3A_478 = arith.constant 0 : i32
      %get3A_479 = arith.index_cast %get3A_478 : i32 to index
      %get3A_480 = arith.constant 48 : index
      %get3A_481 = tpu.vector_load %arg13[%get3A_479, %get3A_480] {strides = array<i32>} : memref<2x80xi32, #tpu.memory_space<vmem>>, vector<16xi32>,
      %get3A_482 = arith.constant 1 : i32
      %get3A_483 = arith.index_cast %get3A_482 : i32 to index
      %get3A_484 = arith.constant 48 : index
      %get3A_485 = tpu.vector_load %arg13[%get3A_483, %get3A_484] {strides = array<i32>} : memref<2x80xi32, #tpu.memory_space<vmem>>, vector<16xi32>,
      %gather3A_486 = tpu.vector_load_idx %arg9[%get3A_481] : memref<10000xf32, #tpu.memory_space<vmem>>[vector<16xi32>], vector<16xf32>,
      %gather3A_487 = tpu.vector_load_idx %arg10[%get3A_485] : memref<10000xf32, #tpu.memory_space<vmem>>[vector<16xi32>], vector<16xf32>,
      %add3A_488 = arith.addf %gather3A_486, %gather3A_487 : vector<16xf32>
      %mul3A_489 = arith.constant 0.00999999977 : f32
      %mul3A_490 = vector.broadcast %mul3A_489 : f32 to vector<16xf32>
      %mul3A_491 = arith.mulf %mul3A_490, %add3A_488 : vector<16xf32>
      %max3A_492 = arith.maximumf %add3A_488, %mul3A_491 : vector<16xf32>
      %add3A_493 = arith.addf %gather3A_486, %get3A_33 : vector<16xf32>
      %mul3A_494 = arith.constant 0.00999999977 : f32
      %mul3A_495 = vector.broadcast %mul3A_494 : f32 to vector<16xf32>
      %mul3A_496 = arith.mulf %mul3A_495, %add3A_493 : vector<16xf32>
      %max3A_497 = arith.maximumf %add3A_493, %mul3A_496 : vector<16xf32>
      %sub3A_498 = arith.subf %max3A_492, %max3A_497 : vector<16xf32>
      %exp3A_499 = math.exp %sub3A_498 : vector<16xf32>
      %swap3A_500 = arith.constant 48 : index
      %swap3A_501 = tpu.vector_load %arg18[%swap3A_500] {strides = array<i32>} : memref<80xf32, #tpu.memory_space<vmem>>, vector<16xf32>,
      tpu.vector_store %arg18[%swap3A_500], %exp3A_499 {strides = array<i32>} : memref<80xf32, #tpu.memory_space<vmem>>, vector<16xf32>,
      %get3A_502 = arith.constant 0 : i32
      %get3A_503 = arith.index_cast %get3A_502 : i32 to index
      %get3A_504 = arith.constant 64 : index
      %get3A_505 = tpu.vector_load %arg13[%get3A_503, %get3A_504] {strides = array<i32>} : memref<2x80xi32, #tpu.memory_space<vmem>>, vector<16xi32>,
      %get3A_506 = arith.constant 1 : i32
      %get3A_507 = arith.index_cast %get3A_506 : i32 to index
      %get3A_508 = arith.constant 64 : index
      %get3A_509 = tpu.vector_load %arg13[%get3A_507, %get3A_508] {strides = array<i32>} : memref<2x80xi32, #tpu.memory_space<vmem>>, vector<16xi32>,
      %gather3A_510 = tpu.vector_load_idx %arg9[%get3A_505] : memref<10000xf32, #tpu.memory_space<vmem>>[vector<16xi32>], vector<16xf32>,
      %gather3A_511 = tpu.vector_load_idx %arg10[%get3A_509] : memref<10000xf32, #tpu.memory_space<vmem>>[vector<16xi32>], vector<16xf32>,
      %add3A_512 = arith.addf %gather3A_510, %gather3A_511 : vector<16xf32>
      %mul3A_513 = arith.constant 0.00999999977 : f32
      %mul3A_514 = vector.broadcast %mul3A_513 : f32 to vector<16xf32>
      %mul3A_515 = arith.mulf %mul3A_514, %add3A_512 : vector<16xf32>
      %max3A_516 = arith.maximumf %add3A_512, %mul3A_515 : vector<16xf32>
      %add3A_517 = arith.addf %gather3A_510, %get3A_33 : vector<16xf32>
      %mul3A_518 = arith.constant 0.00999999977 : f32
      %mul3A_519 = vector.broadcast %mul3A_518 : f32 to vector<16xf32>
      %mul3A_520 = arith.mulf %mul3A_519, %add3A_517 : vector<16xf32>
      %max3A_521 = arith.maximumf %add3A_517, %mul3A_520 : vector<16xf32>
      %sub3A_522 = arith.subf %max3A_516, %max3A_521 : vector<16xf32>
      %exp3A_523 = math.exp %sub3A_522 : vector<16xf32>
      %swap3A_524 = arith.constant 64 : index
      %swap3A_525 = tpu.vector_load %arg18[%swap3A_524] {strides = array<i32>} : memref<80xf32, #tpu.memory_space<vmem>>, vector<16xf32>,
      tpu.vector_store %arg18[%swap3A_524], %exp3A_523 {strides = array<i32>} : memref<80xf32, #tpu.memory_space<vmem>>, vector<16xf32>,
      %scan3A_526 = arith.constant 0 : i32
      %scan3A_527 = arith.constant 0 : i32
      %scan3A_528 = arith.constant 20 : i32
      %scan3A_529 = arith.addi %scan3A_527, %scan3A_528 : i32
      %scan3A_530 = arith.constant 1 : i32
      %scan3A_531 = scf.for %scan3A_858 = %scan3A_527 to %scan3A_529 step %scan3A_530 iter_args(%scan3A_859 = %scan3A_526) -> (i32)  : i32 {
        %mul3A_860 = arith.constant 4 : i32
        %mul3A_861 = arith.muli %scan3A_858, %mul3A_860 : i32
        %add3A_862 = arith.constant 0 : i32
        %add3A_863 = arith.addi %mul3A_861, %add3A_862 : i32
        %broadcast_in_dim3A_864 = vector.broadcast %add3A_863 : i32 to vector<16xi32>
        %gather3A_865 = tpu.vector_load_idx %arg18[%broadcast_in_dim3A_864] : memref<80xf32, #tpu.memory_space<vmem>>[vector<16xi32>], vector<16xf32>,
        %get3A_866 = arith.index_cast %add3A_863 : i32 to index
        %get3A_867 = arith.constant 0 : index
        %get3A_868 = tpu.vector_load %arg19[%get3A_866, %get3A_867] {strides = array<i32>} : memref<80x128xf32, #tpu.memory_space<vmem>>, vector<16xf32>,
        %mul3A_869 = arith.mulf %get3A_868, %gather3A_865 : vector<16xf32>
        %swap3A_870 = arith.index_cast %add3A_863 : i32 to index
        %swap3A_871 = arith.constant 0 : index
        %swap3A_872 = tpu.vector_load %arg19[%swap3A_870, %swap3A_871] {strides = array<i32>} : memref<80x128xf32, #tpu.memory_space<vmem>>, vector<16xf32>,
        tpu.vector_store %arg19[%swap3A_870, %swap3A_871], %mul3A_869 {strides = array<i32>} : memref<80x128xf32, #tpu.memory_space<vmem>>, vector<16xf32>,
        %get3A_873 = arith.index_cast %add3A_863 : i32 to index
        %get3A_874 = arith.constant 16 : index
        %get3A_875 = tpu.vector_load %arg19[%get3A_873, %get3A_874] {strides = array<i32>} : memref<80x128xf32, #tpu.memory_space<vmem>>, vector<16xf32>,
        %mul3A_876 = arith.mulf %get3A_875, %gather3A_865 : vector<16xf32>
        %swap3A_877 = arith.index_cast %add3A_863 : i32 to index
        %swap3A_878 = arith.constant 16 : index
        %swap3A_879 = tpu.vector_load %arg19[%swap3A_877, %swap3A_878] {strides = array<i32>} : memref<80x128xf32, #tpu.memory_space<vmem>>, vector<16xf32>,
        tpu.vector_store %arg19[%swap3A_877, %swap3A_878], %mul3A_876 {strides = array<i32>} : memref<80x128xf32, #tpu.memory_space<vmem>>, vector<16xf32>,
        %get3A_880 = arith.index_cast %add3A_863 : i32 to index
        %get3A_881 = arith.constant 32 : index
        %get3A_882 = tpu.vector_load %arg19[%get3A_880, %get3A_881] {strides = array<i32>} : memref<80x128xf32, #tpu.memory_space<vmem>>, vector<16xf32>,
        %mul3A_883 = arith.mulf %get3A_882, %gather3A_865 : vector<16xf32>
        %swap3A_884 = arith.index_cast %add3A_863 : i32 to index
        %swap3A_885 = arith.constant 32 : index
        %swap3A_886 = tpu.vector_load %arg19[%swap3A_884, %swap3A_885] {strides = array<i32>} : memref<80x128xf32, #tpu.memory_space<vmem>>, vector<16xf32>,
        tpu.vector_store %arg19[%swap3A_884, %swap3A_885], %mul3A_883 {strides = array<i32>} : memref<80x128xf32, #tpu.memory_space<vmem>>, vector<16xf32>,
        %get3A_887 = arith.index_cast %add3A_863 : i32 to index
        %get3A_888 = arith.constant 48 : index
        %get3A_889 = tpu.vector_load %arg19[%get3A_887, %get3A_888] {strides = array<i32>} : memref<80x128xf32, #tpu.memory_space<vmem>>, vector<16xf32>,
        %mul3A_890 = arith.mulf %get3A_889, %gather3A_865 : vector<16xf32>
        %swap3A_891 = arith.index_cast %add3A_863 : i32 to index
        %swap3A_892 = arith.constant 48 : index
        %swap3A_893 = tpu.vector_load %arg19[%swap3A_891, %swap3A_892] {strides = array<i32>} : memref<80x128xf32, #tpu.memory_space<vmem>>, vector<16xf32>,
        tpu.vector_store %arg19[%swap3A_891, %swap3A_892], %mul3A_890 {strides = array<i32>} : memref<80x128xf32, #tpu.memory_space<vmem>>, vector<16xf32>,
        %get3A_894 = arith.index_cast %add3A_863 : i32 to index
        %get3A_895 = arith.constant 64 : index
        %get3A_896 = tpu.vector_load %arg19[%get3A_894, %get3A_895] {strides = array<i32>} : memref<80x128xf32, #tpu.memory_space<vmem>>, vector<16xf32>,
        %mul3A_897 = arith.mulf %get3A_896, %gather3A_865 : vector<16xf32>
        %swap3A_898 = arith.index_cast %add3A_863 : i32 to index
        %swap3A_899 = arith.constant 64 : index
        %swap3A_900 = tpu.vector_load %arg19[%swap3A_898, %swap3A_899] {strides = array<i32>} : memref<80x128xf32, #tpu.memory_space<vmem>>, vector<16xf32>,
        tpu.vector_store %arg19[%swap3A_898, %swap3A_899], %mul3A_897 {strides = array<i32>} : memref<80x128xf32, #tpu.memory_space<vmem>>, vector<16xf32>,
        %get3A_901 = arith.index_cast %add3A_863 : i32 to index
        %get3A_902 = arith.constant 80 : index
        %get3A_903 = tpu.vector_load %arg19[%get3A_901, %get3A_902] {strides = array<i32>} : memref<80x128xf32, #tpu.memory_space<vmem>>, vector<16xf32>,
        %mul3A_904 = arith.mulf %get3A_903, %gather3A_865 : vector<16xf32>
        %swap3A_905 = arith.index_cast %add3A_863 : i32 to index
        %swap3A_906 = arith.constant 80 : index
        %swap3A_907 = tpu.vector_load %arg19[%swap3A_905, %swap3A_906] {strides = array<i32>} : memref<80x128xf32, #tpu.memory_space<vmem>>, vector<16xf32>,
        tpu.vector_store %arg19[%swap3A_905, %swap3A_906], %mul3A_904 {strides = array<i32>} : memref<80x128xf32, #tpu.memory_space<vmem>>, vector<16xf32>,
        %get3A_908 = arith.index_cast %add3A_863 : i32 to index
        %get3A_909 = arith.constant 96 : index
        %get3A_910 = tpu.vector_load %arg19[%get3A_908, %get3A_909] {strides = array<i32>} : memref<80x128xf32, #tpu.memory_space<vmem>>, vector<16xf32>,
        %mul3A_911 = arith.mulf %get3A_910, %gather3A_865 : vector<16xf32>
        %swap3A_912 = arith.index_cast %add3A_863 : i32 to index
        %swap3A_913 = arith.constant 96 : index
        %swap3A_914 = tpu.vector_load %arg19[%swap3A_912, %swap3A_913] {strides = array<i32>} : memref<80x128xf32, #tpu.memory_space<vmem>>, vector<16xf32>,
        tpu.vector_store %arg19[%swap3A_912, %swap3A_913], %mul3A_911 {strides = array<i32>} : memref<80x128xf32, #tpu.memory_space<vmem>>, vector<16xf32>,
        %get3A_915 = arith.index_cast %add3A_863 : i32 to index
        %get3A_916 = arith.constant 112 : index
        %get3A_917 = tpu.vector_load %arg19[%get3A_915, %get3A_916] {strides = array<i32>} : memref<80x128xf32, #tpu.memory_space<vmem>>, vector<16xf32>,
        %mul3A_918 = arith.mulf %get3A_917, %gather3A_865 : vector<16xf32>
        %swap3A_919 = arith.index_cast %add3A_863 : i32 to index
        %swap3A_920 = arith.constant 112 : index
        %swap3A_921 = tpu.vector_load %arg19[%swap3A_919, %swap3A_920] {strides = array<i32>} : memref<80x128xf32, #tpu.memory_space<vmem>>, vector<16xf32>,
        tpu.vector_store %arg19[%swap3A_919, %swap3A_920], %mul3A_918 {strides = array<i32>} : memref<80x128xf32, #tpu.memory_space<vmem>>, vector<16xf32>,
        %mul3A_922 = arith.constant 4 : i32
        %mul3A_923 = arith.muli %scan3A_858, %mul3A_922 : i32
        %add3A_924 = arith.constant 1 : i32
        %add3A_925 = arith.addi %mul3A_923, %add3A_924 : i32
        %broadcast_in_dim3A_926 = vector.broadcast %add3A_925 : i32 to vector<16xi32>
        %gather3A_927 = tpu.vector_load_idx %arg18[%broadcast_in_dim3A_926] : memref<80xf32, #tpu.memory_space<vmem>>[vector<16xi32>], vector<16xf32>,
        %get3A_928 = arith.index_cast %add3A_925 : i32 to index
        %get3A_929 = arith.constant 0 : index
        %get3A_930 = tpu.vector_load %arg19[%get3A_928, %get3A_929] {strides = array<i32>} : memref<80x128xf32, #tpu.memory_space<vmem>>, vector<16xf32>,
        %mul3A_931 = arith.mulf %get3A_930, %gather3A_927 : vector<16xf32>
        %swap3A_932 = arith.index_cast %add3A_925 : i32 to index
        %swap3A_933 = arith.constant 0 : index
        %swap3A_934 = tpu.vector_load %arg19[%swap3A_932, %swap3A_933] {strides = array<i32>} : memref<80x128xf32, #tpu.memory_space<vmem>>, vector<16xf32>,
        tpu.vector_store %arg19[%swap3A_932, %swap3A_933], %mul3A_931 {strides = array<i32>} : memref<80x128xf32, #tpu.memory_space<vmem>>, vector<16xf32>,
        %get3A_935 = arith.index_cast %add3A_925 : i32 to index
        %get3A_936 = arith.constant 16 : index
        %get3A_937 = tpu.vector_load %arg19[%get3A_935, %get3A_936] {strides = array<i32>} : memref<80x128xf32, #tpu.memory_space<vmem>>, vector<16xf32>,
        %mul3A_938 = arith.mulf %get3A_937, %gather3A_927 : vector<16xf32>
        %swap3A_939 = arith.index_cast %add3A_925 : i32 to index
        %swap3A_940 = arith.constant 16 : index
        %swap3A_941 = tpu.vector_load %arg19[%swap3A_939, %swap3A_940] {strides = array<i32>} : memref<80x128xf32, #tpu.memory_space<vmem>>, vector<16xf32>,
        tpu.vector_store %arg19[%swap3A_939, %swap3A_940], %mul3A_938 {strides = array<i32>} : memref<80x128xf32, #tpu.memory_space<vmem>>, vector<16xf32>,
        %get3A_942 = arith.index_cast %add3A_925 : i32 to index
        %get3A_943 = arith.constant 32 : index
        %get3A_944 = tpu.vector_load %arg19[%get3A_942, %get3A_943] {strides = array<i32>} : memref<80x128xf32, #tpu.memory_space<vmem>>, vector<16xf32>,
        %mul3A_945 = arith.mulf %get3A_944, %gather3A_927 : vector<16xf32>
        %swap3A_946 = arith.index_cast %add3A_925 : i32 to index
        %swap3A_947 = arith.constant 32 : index
        %swap3A_948 = tpu.vector_load %arg19[%swap3A_946, %swap3A_947] {strides = array<i32>} : memref<80x128xf32, #tpu.memory_space<vmem>>, vector<16xf32>,
        tpu.vector_store %arg19[%swap3A_946, %swap3A_947], %mul3A_945 {strides = array<i32>} : memref<80x128xf32, #tpu.memory_space<vmem>>, vector<16xf32>,
        %get3A_949 = arith.index_cast %add3A_925 : i32 to index
        %get3A_950 = arith.constant 48 : index
        %get3A_951 = tpu.vector_load %arg19[%get3A_949, %get3A_950] {strides = array<i32>} : memref<80x128xf32, #tpu.memory_space<vmem>>, vector<16xf32>,
        %mul3A_952 = arith.mulf %get3A_951, %gather3A_927 : vector<16xf32>
        %swap3A_953 = arith.index_cast %add3A_925 : i32 to index
        %swap3A_954 = arith.constant 48 : index
        %swap3A_955 = tpu.vector_load %arg19[%swap3A_953, %swap3A_954] {strides = array<i32>} : memref<80x128xf32, #tpu.memory_space<vmem>>, vector<16xf32>,
        tpu.vector_store %arg19[%swap3A_953, %swap3A_954], %mul3A_952 {strides = array<i32>} : memref<80x128xf32, #tpu.memory_space<vmem>>, vector<16xf32>,
        %get3A_956 = arith.index_cast %add3A_925 : i32 to index
        %get3A_957 = arith.constant 64 : index
        %get3A_958 = tpu.vector_load %arg19[%get3A_956, %get3A_957] {strides = array<i32>} : memref<80x128xf32, #tpu.memory_space<vmem>>, vector<16xf32>,
        %mul3A_959 = arith.mulf %get3A_958, %gather3A_927 : vector<16xf32>
        %swap3A_960 = arith.index_cast %add3A_925 : i32 to index
        %swap3A_961 = arith.constant 64 : index
        %swap3A_962 = tpu.vector_load %arg19[%swap3A_960, %swap3A_961] {strides = array<i32>} : memref<80x128xf32, #tpu.memory_space<vmem>>, vector<16xf32>,
        tpu.vector_store %arg19[%swap3A_960, %swap3A_961], %mul3A_959 {strides = array<i32>} : memref<80x128xf32, #tpu.memory_space<vmem>>, vector<16xf32>,
        %get3A_963 = arith.index_cast %add3A_925 : i32 to index
        %get3A_964 = arith.constant 80 : index
        %get3A_965 = tpu.vector_load %arg19[%get3A_963, %get3A_964] {strides = array<i32>} : memref<80x128xf32, #tpu.memory_space<vmem>>, vector<16xf32>,
        %mul3A_966 = arith.mulf %get3A_965, %gather3A_927 : vector<16xf32>
        %swap3A_967 = arith.index_cast %add3A_925 : i32 to index
        %swap3A_968 = arith.constant 80 : index
        %swap3A_969 = tpu.vector_load %arg19[%swap3A_967, %swap3A_968] {strides = array<i32>} : memref<80x128xf32, #tpu.memory_space<vmem>>, vector<16xf32>,
        tpu.vector_store %arg19[%swap3A_967, %swap3A_968], %mul3A_966 {strides = array<i32>} : memref<80x128xf32, #tpu.memory_space<vmem>>, vector<16xf32>,
        %get3A_970 = arith.index_cast %add3A_925 : i32 to index
        %get3A_971 = arith.constant 96 : index
        %get3A_972 = tpu.vector_load %arg19[%get3A_970, %get3A_971] {strides = array<i32>} : memref<80x128xf32, #tpu.memory_space<vmem>>, vector<16xf32>,
        %mul3A_973 = arith.mulf %get3A_972, %gather3A_927 : vector<16xf32>
        %swap3A_974 = arith.index_cast %add3A_925 : i32 to index
        %swap3A_975 = arith.constant 96 : index
        %swap3A_976 = tpu.vector_load %arg19[%swap3A_974, %swap3A_975] {strides = array<i32>} : memref<80x128xf32, #tpu.memory_space<vmem>>, vector<16xf32>,
        tpu.vector_store %arg19[%swap3A_974, %swap3A_975], %mul3A_973 {strides = array<i32>} : memref<80x128xf32, #tpu.memory_space<vmem>>, vector<16xf32>,
        %get3A_977 = arith.index_cast %add3A_925 : i32 to index
        %get3A_978 = arith.constant 112 : index
        %get3A_979 = tpu.vector_load %arg19[%get3A_977, %get3A_978] {strides = array<i32>} : memref<80x128xf32, #tpu.memory_space<vmem>>, vector<16xf32>,
        %mul3A_980 = arith.mulf %get3A_979, %gather3A_927 : vector<16xf32>
        %swap3A_981 = arith.index_cast %add3A_925 : i32 to index
        %swap3A_982 = arith.constant 112 : index
        %swap3A_983 = tpu.vector_load %arg19[%swap3A_981, %swap3A_982] {strides = array<i32>} : memref<80x128xf32, #tpu.memory_space<vmem>>, vector<16xf32>,
        tpu.vector_store %arg19[%swap3A_981, %swap3A_982], %mul3A_980 {strides = array<i32>} : memref<80x128xf32, #tpu.memory_space<vmem>>, vector<16xf32>,
        %mul3A_984 = arith.constant 4 : i32
        %mul3A_985 = arith.muli %scan3A_858, %mul3A_984 : i32
        %add3A_986 = arith.constant 2 : i32
        %add3A_987 = arith.addi %mul3A_985, %add3A_986 : i32
        %broadcast_in_dim3A_988 = vector.broadcast %add3A_987 : i32 to vector<16xi32>
        %gather3A_989 = tpu.vector_load_idx %arg18[%broadcast_in_dim3A_988] : memref<80xf32, #tpu.memory_space<vmem>>[vector<16xi32>], vector<16xf32>,
        %get3A_990 = arith.index_cast %add3A_987 : i32 to index
        %get3A_991 = arith.constant 0 : index
        %get3A_992 = tpu.vector_load %arg19[%get3A_990, %get3A_991] {strides = array<i32>} : memref<80x128xf32, #tpu.memory_space<vmem>>, vector<16xf32>,
        %mul3A_993 = arith.mulf %get3A_992, %gather3A_989 : vector<16xf32>
        %swap3A_994 = arith.index_cast %add3A_987 : i32 to index
        %swap3A_995 = arith.constant 0 : index
        %swap3A_996 = tpu.vector_load %arg19[%swap3A_994, %swap3A_995] {strides = array<i32>} : memref<80x128xf32, #tpu.memory_space<vmem>>, vector<16xf32>,
        tpu.vector_store %arg19[%swap3A_994, %swap3A_995], %mul3A_993 {strides = array<i32>} : memref<80x128xf32, #tpu.memory_space<vmem>>, vector<16xf32>,
        %get3A_997 = arith.index_cast %add3A_987 : i32 to index
        %get3A_998 = arith.constant 16 : index
        %get3A_999 = tpu.vector_load %arg19[%get3A_997, %get3A_998] {strides = array<i32>} : memref<80x128xf32, #tpu.memory_space<vmem>>, vector<16xf32>,
        %mul3A_1000 = arith.mulf %get3A_999, %gather3A_989 : vector<16xf32>
        %swap3A_1001 = arith.index_cast %add3A_987 : i32 to index
        %swap3A_1002 = arith.constant 16 : index
        %swap3A_1003 = tpu.vector_load %arg19[%swap3A_1001, %swap3A_1002] {strides = array<i32>} : memref<80x128xf32, #tpu.memory_space<vmem>>, vector<16xf32>,
        tpu.vector_store %arg19[%swap3A_1001, %swap3A_1002], %mul3A_1000 {strides = array<i32>} : memref<80x128xf32, #tpu.memory_space<vmem>>, vector<16xf32>,
        %get3A_1004 = arith.index_cast %add3A_987 : i32 to index
        %get3A_1005 = arith.constant 32 : index
        %get3A_1006 = tpu.vector_load %arg19[%get3A_1004, %get3A_1005] {strides = array<i32>} : memref<80x128xf32, #tpu.memory_space<vmem>>, vector<16xf32>,
        %mul3A_1007 = arith.mulf %get3A_1006, %gather3A_989 : vector<16xf32>
        %swap3A_1008 = arith.index_cast %add3A_987 : i32 to index
        %swap3A_1009 = arith.constant 32 : index
        %swap3A_1010 = tpu.vector_load %arg19[%swap3A_1008, %swap3A_1009] {strides = array<i32>} : memref<80x128xf32, #tpu.memory_space<vmem>>, vector<16xf32>,
        tpu.vector_store %arg19[%swap3A_1008, %swap3A_1009], %mul3A_1007 {strides = array<i32>} : memref<80x128xf32, #tpu.memory_space<vmem>>, vector<16xf32>,
        %get3A_1011 = arith.index_cast %add3A_987 : i32 to index
        %get3A_1012 = arith.constant 48 : index
        %get3A_1013 = tpu.vector_load %arg19[%get3A_1011, %get3A_1012] {strides = array<i32>} : memref<80x128xf32, #tpu.memory_space<vmem>>, vector<16xf32>,
        %mul3A_1014 = arith.mulf %get3A_1013, %gather3A_989 : vector<16xf32>
        %swap3A_1015 = arith.index_cast %add3A_987 : i32 to index
        %swap3A_1016 = arith.constant 48 : index
        %swap3A_1017 = tpu.vector_load %arg19[%swap3A_1015, %swap3A_1016] {strides = array<i32>} : memref<80x128xf32, #tpu.memory_space<vmem>>, vector<16xf32>,
        tpu.vector_store %arg19[%swap3A_1015, %swap3A_1016], %mul3A_1014 {strides = array<i32>} : memref<80x128xf32, #tpu.memory_space<vmem>>, vector<16xf32>,
        %get3A_1018 = arith.index_cast %add3A_987 : i32 to index
        %get3A_1019 = arith.constant 64 : index
        %get3A_1020 = tpu.vector_load %arg19[%get3A_1018, %get3A_1019] {strides = array<i32>} : memref<80x128xf32, #tpu.memory_space<vmem>>, vector<16xf32>,
        %mul3A_1021 = arith.mulf %get3A_1020, %gather3A_989 : vector<16xf32>
        %swap3A_1022 = arith.index_cast %add3A_987 : i32 to index
        %swap3A_1023 = arith.constant 64 : index
        %swap3A_1024 = tpu.vector_load %arg19[%swap3A_1022, %swap3A_1023] {strides = array<i32>} : memref<80x128xf32, #tpu.memory_space<vmem>>, vector<16xf32>,
        tpu.vector_store %arg19[%swap3A_1022, %swap3A_1023], %mul3A_1021 {strides = array<i32>} : memref<80x128xf32, #tpu.memory_space<vmem>>, vector<16xf32>,
        %get3A_1025 = arith.index_cast %add3A_987 : i32 to index
        %get3A_1026 = arith.constant 80 : index
        %get3A_1027 = tpu.vector_load %arg19[%get3A_1025, %get3A_1026] {strides = array<i32>} : memref<80x128xf32, #tpu.memory_space<vmem>>, vector<16xf32>,
        %mul3A_1028 = arith.mulf %get3A_1027, %gather3A_989 : vector<16xf32>
        %swap3A_1029 = arith.index_cast %add3A_987 : i32 to index
        %swap3A_1030 = arith.constant 80 : index
        %swap3A_1031 = tpu.vector_load %arg19[%swap3A_1029, %swap3A_1030] {strides = array<i32>} : memref<80x128xf32, #tpu.memory_space<vmem>>, vector<16xf32>,
        tpu.vector_store %arg19[%swap3A_1029, %swap3A_1030], %mul3A_1028 {strides = array<i32>} : memref<80x128xf32, #tpu.memory_space<vmem>>, vector<16xf32>,
        %get3A_1032 = arith.index_cast %add3A_987 : i32 to index
        %get3A_1033 = arith.constant 96 : index
        %get3A_1034 = tpu.vector_load %arg19[%get3A_1032, %get3A_1033] {strides = array<i32>} : memref<80x128xf32, #tpu.memory_space<vmem>>, vector<16xf32>,
        %mul3A_1035 = arith.mulf %get3A_1034, %gather3A_989 : vector<16xf32>
        %swap3A_1036 = arith.index_cast %add3A_987 : i32 to index
        %swap3A_1037 = arith.constant 96 : index
        %swap3A_1038 = tpu.vector_load %arg19[%swap3A_1036, %swap3A_1037] {strides = array<i32>} : memref<80x128xf32, #tpu.memory_space<vmem>>, vector<16xf32>,
        tpu.vector_store %arg19[%swap3A_1036, %swap3A_1037], %mul3A_1035 {strides = array<i32>} : memref<80x128xf32, #tpu.memory_space<vmem>>, vector<16xf32>,
        %get3A_1039 = arith.index_cast %add3A_987 : i32 to index
        %get3A_1040 = arith.constant 112 : index
        %get3A_1041 = tpu.vector_load %arg19[%get3A_1039, %get3A_1040] {strides = array<i32>} : memref<80x128xf32, #tpu.memory_space<vmem>>, vector<16xf32>,
        %mul3A_1042 = arith.mulf %get3A_1041, %gather3A_989 : vector<16xf32>
        %swap3A_1043 = arith.index_cast %add3A_987 : i32 to index
        %swap3A_1044 = arith.constant 112 : index
        %swap3A_1045 = tpu.vector_load %arg19[%swap3A_1043, %swap3A_1044] {strides = array<i32>} : memref<80x128xf32, #tpu.memory_space<vmem>>, vector<16xf32>,
        tpu.vector_store %arg19[%swap3A_1043, %swap3A_1044], %mul3A_1042 {strides = array<i32>} : memref<80x128xf32, #tpu.memory_space<vmem>>, vector<16xf32>,
        %mul3A_1046 = arith.constant 4 : i32
        %mul3A_1047 = arith.muli %scan3A_858, %mul3A_1046 : i32
        %add3A_1048 = arith.constant 3 : i32
        %add3A_1049 = arith.addi %mul3A_1047, %add3A_1048 : i32
        %broadcast_in_dim3A_1050 = vector.broadcast %add3A_1049 : i32 to vector<16xi32>
        %gather3A_1051 = tpu.vector_load_idx %arg18[%broadcast_in_dim3A_1050] : memref<80xf32, #tpu.memory_space<vmem>>[vector<16xi32>], vector<16xf32>,
        %get3A_1052 = arith.index_cast %add3A_1049 : i32 to index
        %get3A_1053 = arith.constant 0 : index
        %get3A_1054 = tpu.vector_load %arg19[%get3A_1052, %get3A_1053] {strides = array<i32>} : memref<80x128xf32, #tpu.memory_space<vmem>>, vector<16xf32>,
        %mul3A_1055 = arith.mulf %get3A_1054, %gather3A_1051 : vector<16xf32>
        %swap3A_1056 = arith.index_cast %add3A_1049 : i32 to index
        %swap3A_1057 = arith.constant 0 : index
        %swap3A_1058 = tpu.vector_load %arg19[%swap3A_1056, %swap3A_1057] {strides = array<i32>} : memref<80x128xf32, #tpu.memory_space<vmem>>, vector<16xf32>,
        tpu.vector_store %arg19[%swap3A_1056, %swap3A_1057], %mul3A_1055 {strides = array<i32>} : memref<80x128xf32, #tpu.memory_space<vmem>>, vector<16xf32>,
        %get3A_1059 = arith.index_cast %add3A_1049 : i32 to index
        %get3A_1060 = arith.constant 16 : index
        %get3A_1061 = tpu.vector_load %arg19[%get3A_1059, %get3A_1060] {strides = array<i32>} : memref<80x128xf32, #tpu.memory_space<vmem>>, vector<16xf32>,
        %mul3A_1062 = arith.mulf %get3A_1061, %gather3A_1051 : vector<16xf32>
        %swap3A_1063 = arith.index_cast %add3A_1049 : i32 to index
        %swap3A_1064 = arith.constant 16 : index
        %swap3A_1065 = tpu.vector_load %arg19[%swap3A_1063, %swap3A_1064] {strides = array<i32>} : memref<80x128xf32, #tpu.memory_space<vmem>>, vector<16xf32>,
        tpu.vector_store %arg19[%swap3A_1063, %swap3A_1064], %mul3A_1062 {strides = array<i32>} : memref<80x128xf32, #tpu.memory_space<vmem>>, vector<16xf32>,
        %get3A_1066 = arith.index_cast %add3A_1049 : i32 to index
        %get3A_1067 = arith.constant 32 : index
        %get3A_1068 = tpu.vector_load %arg19[%get3A_1066, %get3A_1067] {strides = array<i32>} : memref<80x128xf32, #tpu.memory_space<vmem>>, vector<16xf32>,
        %mul3A_1069 = arith.mulf %get3A_1068, %gather3A_1051 : vector<16xf32>
        %swap3A_1070 = arith.index_cast %add3A_1049 : i32 to index
        %swap3A_1071 = arith.constant 32 : index
        %swap3A_1072 = tpu.vector_load %arg19[%swap3A_1070, %swap3A_1071] {strides = array<i32>} : memref<80x128xf32, #tpu.memory_space<vmem>>, vector<16xf32>,
        tpu.vector_store %arg19[%swap3A_1070, %swap3A_1071], %mul3A_1069 {strides = array<i32>} : memref<80x128xf32, #tpu.memory_space<vmem>>, vector<16xf32>,
        %get3A_1073 = arith.index_cast %add3A_1049 : i32 to index
        %get3A_1074 = arith.constant 48 : index
        %get3A_1075 = tpu.vector_load %arg19[%get3A_1073, %get3A_1074] {strides = array<i32>} : memref<80x128xf32, #tpu.memory_space<vmem>>, vector<16xf32>,
        %mul3A_1076 = arith.mulf %get3A_1075, %gather3A_1051 : vector<16xf32>
        %swap3A_1077 = arith.index_cast %add3A_1049 : i32 to index
        %swap3A_1078 = arith.constant 48 : index
        %swap3A_1079 = tpu.vector_load %arg19[%swap3A_1077, %swap3A_1078] {strides = array<i32>} : memref<80x128xf32, #tpu.memory_space<vmem>>, vector<16xf32>,
        tpu.vector_store %arg19[%swap3A_1077, %swap3A_1078], %mul3A_1076 {strides = array<i32>} : memref<80x128xf32, #tpu.memory_space<vmem>>, vector<16xf32>,
        %get3A_1080 = arith.index_cast %add3A_1049 : i32 to index
        %get3A_1081 = arith.constant 64 : index
        %get3A_1082 = tpu.vector_load %arg19[%get3A_1080, %get3A_1081] {strides = array<i32>} : memref<80x128xf32, #tpu.memory_space<vmem>>, vector<16xf32>,
        %mul3A_1083 = arith.mulf %get3A_1082, %gather3A_1051 : vector<16xf32>
        %swap3A_1084 = arith.index_cast %add3A_1049 : i32 to index
        %swap3A_1085 = arith.constant 64 : index
        %swap3A_1086 = tpu.vector_load %arg19[%swap3A_1084, %swap3A_1085] {strides = array<i32>} : memref<80x128xf32, #tpu.memory_space<vmem>>, vector<16xf32>,
        tpu.vector_store %arg19[%swap3A_1084, %swap3A_1085], %mul3A_1083 {strides = array<i32>} : memref<80x128xf32, #tpu.memory_space<vmem>>, vector<16xf32>,
        %get3A_1087 = arith.index_cast %add3A_1049 : i32 to index
        %get3A_1088 = arith.constant 80 : index
        %get3A_1089 = tpu.vector_load %arg19[%get3A_1087, %get3A_1088] {strides = array<i32>} : memref<80x128xf32, #tpu.memory_space<vmem>>, vector<16xf32>,
        %mul3A_1090 = arith.mulf %get3A_1089, %gather3A_1051 : vector<16xf32>
        %swap3A_1091 = arith.index_cast %add3A_1049 : i32 to index
        %swap3A_1092 = arith.constant 80 : index
        %swap3A_1093 = tpu.vector_load %arg19[%swap3A_1091, %swap3A_1092] {strides = array<i32>} : memref<80x128xf32, #tpu.memory_space<vmem>>, vector<16xf32>,
        tpu.vector_store %arg19[%swap3A_1091, %swap3A_1092], %mul3A_1090 {strides = array<i32>} : memref<80x128xf32, #tpu.memory_space<vmem>>, vector<16xf32>,
        %get3A_1094 = arith.index_cast %add3A_1049 : i32 to index
        %get3A_1095 = arith.constant 96 : index
        %get3A_1096 = tpu.vector_load %arg19[%get3A_1094, %get3A_1095] {strides = array<i32>} : memref<80x128xf32, #tpu.memory_space<vmem>>, vector<16xf32>,
        %mul3A_1097 = arith.mulf %get3A_1096, %gather3A_1051 : vector<16xf32>
        %swap3A_1098 = arith.index_cast %add3A_1049 : i32 to index
        %swap3A_1099 = arith.constant 96 : index
        %swap3A_1100 = tpu.vector_load %arg19[%swap3A_1098, %swap3A_1099] {strides = array<i32>} : memref<80x128xf32, #tpu.memory_space<vmem>>, vector<16xf32>,
        tpu.vector_store %arg19[%swap3A_1098, %swap3A_1099], %mul3A_1097 {strides = array<i32>} : memref<80x128xf32, #tpu.memory_space<vmem>>, vector<16xf32>,
        %get3A_1101 = arith.index_cast %add3A_1049 : i32 to index
        %get3A_1102 = arith.constant 112 : index
        %get3A_1103 = tpu.vector_load %arg19[%get3A_1101, %get3A_1102] {strides = array<i32>} : memref<80x128xf32, #tpu.memory_space<vmem>>, vector<16xf32>,
        %mul3A_1104 = arith.mulf %get3A_1103, %gather3A_1051 : vector<16xf32>
        %swap3A_1105 = arith.index_cast %add3A_1049 : i32 to index
        %swap3A_1106 = arith.constant 112 : index
        %swap3A_1107 = tpu.vector_load %arg19[%swap3A_1105, %swap3A_1106] {strides = array<i32>} : memref<80x128xf32, #tpu.memory_space<vmem>>, vector<16xf32>,
        tpu.vector_store %arg19[%swap3A_1105, %swap3A_1106], %mul3A_1104 {strides = array<i32>} : memref<80x128xf32, #tpu.memory_space<vmem>>, vector<16xf32>,
        %scan3A_1108 = arith.constant 0 : i32
        scf.yield %scan3A_1108 : i32
      }
      %scan3A_532 = arith.constant 20 : i32
      %run_scoped3A_533 = arith.constant 0 : i32
      "tpu.region"() ({
        %run_scoped3A_858 = tpu.sem_alloc : memref<!tpu.dma_semaphore, #tpu.memory_space<semaphore_mem>>
        %dma_start3A_859 = arith.constant 0 : i32
        %dma_start3A_860 = tpu.memref_slice %arg13[%run_scoped3A_533, %dma_start3A_859] : memref<2x80xi32, #tpu.memory_space<vmem>> -> memref<1x80xi32, #tpu.memory_space<vmem>>
        %dma_start3A_861 = tpu.memref_squeeze %dma_start3A_860 : memref<1x80xi32, #tpu.memory_space<vmem>> -> memref<80xi32, #tpu.memory_space<vmem>>
        %dma_start3A_862 = arith.constant 0 : i32
        %dma_start3A_863 = arith.constant 0 : i32
        %dma_start3A_864 = tpu.memref_slice %arg21[%dma_start3A_862, %dma_start3A_863] : memref<10240x128xf32, #tpu.memory_space<vmem_shared>> -> memref<10240x128xf32, #tpu.memory_space<vmem_shared>>
        tpu.enqueue_indirect_dma source(%arg19 : memref<80x128xf32, #tpu.memory_space<vmem>>) target(%dma_start3A_864 : memref<10240x128xf32, #tpu.memory_space<vmem_shared>>) offsets(%dma_start3A_861 : memref<80xi32, #tpu.memory_space<vmem>>) semaphore(%run_scoped3A_858 : memref<!tpu.dma_semaphore, #tpu.memory_space<semaphore_mem>>) {add = true}
        %dma_wait3A_865 = arith.constant 0 : i32
        %dma_wait3A_866 = tpu.memref_slice %arg13[%run_scoped3A_533, %dma_wait3A_865] : memref<2x80xi32, #tpu.memory_space<vmem>> -> memref<1x80xi32, #tpu.memory_space<vmem>>
        %dma_wait3A_867 = tpu.memref_squeeze %dma_wait3A_866 : memref<1x80xi32, #tpu.memory_space<vmem>> -> memref<80xi32, #tpu.memory_space<vmem>>
        %dma_wait3A_868 = arith.constant 0 : i32
        %dma_wait3A_869 = arith.constant 0 : i32
        %dma_wait3A_870 = tpu.memref_slice %arg21[%dma_wait3A_868, %dma_wait3A_869] : memref<10240x128xf32, #tpu.memory_space<vmem_shared>> -> memref<10240x128xf32, #tpu.memory_space<vmem_shared>>
        tpu.wait_indirect_dma semaphore(%run_scoped3A_858 : memref<!tpu.dma_semaphore, #tpu.memory_space<semaphore_mem>>) src(%arg19 : memref<80x128xf32, #tpu.memory_space<vmem>>) dst(%dma_wait3A_870 : memref<10240x128xf32, #tpu.memory_space<vmem_shared>>)
        tpu.yield
      }) : () -> ()
      %run_scoped3A_534 = arith.constant 0 : i32
      "tpu.region"() ({
        %run_scoped3A_858 = tpu.sem_alloc : memref<!tpu.dma_semaphore, #tpu.memory_space<semaphore_mem>>
        %dma_start3A_859 = arith.constant 0 : i32
        %dma_start3A_860 = tpu.memref_slice %arg13[%run_scoped3A_534, %dma_start3A_859] : memref<2x80xi32, #tpu.memory_space<vmem>> -> memref<1x80xi32, #tpu.memory_space<vmem>>
        %dma_start3A_861 = tpu.memref_squeeze %dma_start3A_860 : memref<1x80xi32, #tpu.memory_space<vmem>> -> memref<80xi32, #tpu.memory_space<vmem>>
        %dma_start3A_862 = arith.constant 0 : i32
        %dma_start3A_863 = tpu.memref_slice %arg22[%dma_start3A_862] : memref<10240xf32, #tpu.memory_space<vmem_shared>> -> memref<10240xf32, #tpu.memory_space<vmem_shared>>
        tpu.enqueue_indirect_dma source(%arg18 : memref<80xf32, #tpu.memory_space<vmem>>) target(%dma_start3A_863 : memref<10240xf32, #tpu.memory_space<vmem_shared>>) offsets(%dma_start3A_861 : memref<80xi32, #tpu.memory_space<vmem>>) semaphore(%run_scoped3A_858 : memref<!tpu.dma_semaphore, #tpu.memory_space<semaphore_mem>>) {add = true}
        %dma_wait3A_864 = arith.constant 0 : i32
        %dma_wait3A_865 = tpu.memref_slice %arg13[%run_scoped3A_534, %dma_wait3A_864] : memref<2x80xi32, #tpu.memory_space<vmem>> -> memref<1x80xi32, #tpu.memory_space<vmem>>
        %dma_wait3A_866 = tpu.memref_squeeze %dma_wait3A_865 : memref<1x80xi32, #tpu.memory_space<vmem>> -> memref<80xi32, #tpu.memory_space<vmem>>
        %dma_wait3A_867 = arith.constant 0 : i32
        %dma_wait3A_868 = tpu.memref_slice %arg22[%dma_wait3A_867] : memref<10240xf32, #tpu.memory_space<vmem_shared>> -> memref<10240xf32, #tpu.memory_space<vmem_shared>>
        tpu.wait_indirect_dma semaphore(%run_scoped3A_858 : memref<!tpu.dma_semaphore, #tpu.memory_space<semaphore_mem>>) src(%arg18 : memref<80xf32, #tpu.memory_space<vmem>>) dst(%dma_wait3A_868 : memref<10240xf32, #tpu.memory_space<vmem_shared>>)
        tpu.yield
      }) : () -> ()
      %add3A_535 = arith.constant 2 : i32
      %add3A_536 = arith.addi %add3A_398, %add3A_535 : i32
      %lt3A_537 = arith.constant 125 : i32
      %lt3A_538 = arith.cmpi slt, %add3A_536, %lt3A_537 : i32
      %convert_element_type3A_539 = arith.extui %lt3A_538 : i1 to i32
      %cond3A_540 = arith.constant 0 : i32
      %cond3A_541 = arith.cmpi ne, %convert_element_type3A_539, %cond3A_540 : i32
      scf.if %cond3A_541 {
        %dma_wait3A_858 = arith.constant 0 : i32
        %dma_wait3A_859 = arith.constant 0 : i32
        %dma_wait3A_860 = tpu.memref_slice %arg6[%mul3A_35, %dma_wait3A_858, %dma_wait3A_859] : memref<4000x2x80xi32, #tpu.memory_space<hbm>> -> memref<1x2x80xi32, #tpu.memory_space<hbm>>
        %dma_wait3A_861 = tpu.memref_squeeze %dma_wait3A_860 : memref<1x2x80xi32, #tpu.memory_space<hbm>> -> memref<2x80xi32, #tpu.memory_space<hbm>>
        %dma_wait3A_862 = arith.constant 0 : i32
        %dma_wait3A_863 = arith.constant 0 : i32
        %dma_wait3A_864 = tpu.memref_slice %arg6[%mul3A_35, %dma_wait3A_862, %dma_wait3A_863] : memref<4000x2x80xi32, #tpu.memory_space<hbm>> -> memref<1x2x80xi32, #tpu.memory_space<hbm>>
        %dma_wait3A_865 = tpu.memref_squeeze %dma_wait3A_864 : memref<1x2x80xi32, #tpu.memory_space<hbm>> -> memref<2x80xi32, #tpu.memory_space<hbm>>
        tpu.wait_dma2 semaphore(%arg26 : memref<!tpu.dma_semaphore, #tpu.memory_space<semaphore_mem>>) src(%dma_wait3A_865 : memref<2x80xi32, #tpu.memory_space<hbm>>) dst(%arg15 : memref<2x80xi32, #tpu.memory_space<vmem>>)
        %dma_start3A_866 = arith.constant 1 : i32
        %dma_start3A_867 = arith.constant 0 : i32
        %dma_start3A_868 = tpu.memref_slice %arg15[%dma_start3A_866, %dma_start3A_867] : memref<2x80xi32, #tpu.memory_space<vmem>> -> memref<1x80xi32, #tpu.memory_space<vmem>>
        %dma_start3A_869 = tpu.memref_squeeze %dma_start3A_868 : memref<1x80xi32, #tpu.memory_space<vmem>> -> memref<80xi32, #tpu.memory_space<vmem>>
        %dma_start3A_870 = arith.constant 0 : i32
        %dma_start3A_871 = arith.constant 0 : i32
        %dma_start3A_872 = tpu.memref_slice %arg5[%dma_start3A_870, %dma_start3A_871] : memref<10000x128xf32, #tpu.memory_space<hbm>> -> memref<10000x128xf32, #tpu.memory_space<hbm>>
        tpu.enqueue_indirect_dma source(%dma_start3A_872 : memref<10000x128xf32, #tpu.memory_space<hbm>>) target(%arg19 : memref<80x128xf32, #tpu.memory_space<vmem>>) offsets(%dma_start3A_869 : memref<80xi32, #tpu.memory_space<vmem>>) semaphore(%arg28 : memref<!tpu.dma_semaphore, #tpu.memory_space<semaphore_mem>>)
      } else {
      }
      %add3A_542 = arith.constant 4 : i32
      %add3A_543 = arith.addi %add3A_398, %add3A_542 : i32
      %lt3A_544 = arith.constant 125 : i32
      %lt3A_545 = arith.cmpi slt, %add3A_543, %lt3A_544 : i32
      %convert_element_type3A_546 = arith.extui %lt3A_545 : i1 to i32
      %cond3A_547 = arith.constant 0 : i32
      %cond3A_548 = arith.cmpi ne, %convert_element_type3A_546, %cond3A_547 : i32
      scf.if %cond3A_548 {
        %add3A_858 = arith.constant 4 : i32
        %add3A_859 = arith.addi %add3A_398, %add3A_858 : i32
        %add3A_860 = arith.addi %mul3A_35, %add3A_859 : i32
        %dma_start3A_861 = arith.constant 0 : i32
        %dma_start3A_862 = arith.constant 0 : i32
        %dma_start3A_863 = tpu.memref_slice %arg6[%add3A_860, %dma_start3A_861, %dma_start3A_862] : memref<4000x2x80xi32, #tpu.memory_space<hbm>> -> memref<1x2x80xi32, #tpu.memory_space<hbm>>
        %dma_start3A_864 = tpu.memref_squeeze %dma_start3A_863 : memref<1x2x80xi32, #tpu.memory_space<hbm>> -> memref<2x80xi32, #tpu.memory_space<hbm>>
        %dma_start3A_865 = arith.constant 0 : i32
        %dma_start3A_866 = arith.constant 0 : i32
        %dma_start3A_867 = tpu.memref_slice %arg6[%add3A_860, %dma_start3A_865, %dma_start3A_866] : memref<4000x2x80xi32, #tpu.memory_space<hbm>> -> memref<1x2x80xi32, #tpu.memory_space<hbm>>
        %dma_start3A_868 = tpu.memref_squeeze %dma_start3A_867 : memref<1x2x80xi32, #tpu.memory_space<hbm>> -> memref<2x80xi32, #tpu.memory_space<hbm>>
        tpu.enqueue_dma source(%dma_start3A_868 : memref<2x80xi32, #tpu.memory_space<hbm>>) target(%arg13 : memref<2x80xi32, #tpu.memory_space<vmem>>) target_semaphore(%arg24 : memref<!tpu.dma_semaphore, #tpu.memory_space<semaphore_mem>>)
      } else {
      }
      %mul3A_549 = arith.constant 4 : i32
      %mul3A_550 = arith.muli %scan3A_242, %mul3A_549 : i32
      %add3A_551 = arith.constant 2 : i32
      %add3A_552 = arith.addi %mul3A_550, %add3A_551 : i32
      %dma_wait3A_553 = arith.constant 1 : i32
      %dma_wait3A_554 = arith.constant 0 : i32
      %dma_wait3A_555 = tpu.memref_slice %arg14[%dma_wait3A_553, %dma_wait3A_554] : memref<2x80xi32, #tpu.memory_space<vmem>> -> memref<1x80xi32, #tpu.memory_space<vmem>>
      %dma_wait3A_556 = tpu.memref_squeeze %dma_wait3A_555 : memref<1x80xi32, #tpu.memory_space<vmem>> -> memref<80xi32, #tpu.memory_space<vmem>>
      %dma_wait3A_557 = arith.constant 0 : i32
      %dma_wait3A_558 = arith.constant 0 : i32
      %dma_wait3A_559 = tpu.memref_slice %arg5[%dma_wait3A_557, %dma_wait3A_558] : memref<10000x128xf32, #tpu.memory_space<hbm>> -> memref<10000x128xf32, #tpu.memory_space<hbm>>
      tpu.wait_indirect_dma semaphore(%arg27 : memref<!tpu.dma_semaphore, #tpu.memory_space<semaphore_mem>>) src(%dma_wait3A_559 : memref<10000x128xf32, #tpu.memory_space<hbm>>) dst(%arg17 : memref<80x128xf32, #tpu.memory_space<vmem>>)
      %get3A_560 = arith.constant 0 : i32
      %get3A_561 = arith.index_cast %get3A_560 : i32 to index
      %get3A_562 = arith.constant 0 : index
      %get3A_563 = tpu.vector_load %arg14[%get3A_561, %get3A_562] {strides = array<i32>} : memref<2x80xi32, #tpu.memory_space<vmem>>, vector<16xi32>,
      %get3A_564 = arith.constant 1 : i32
      %get3A_565 = arith.index_cast %get3A_564 : i32 to index
      %get3A_566 = arith.constant 0 : index
      %get3A_567 = tpu.vector_load %arg14[%get3A_565, %get3A_566] {strides = array<i32>} : memref<2x80xi32, #tpu.memory_space<vmem>>, vector<16xi32>,
      %gather3A_568 = tpu.vector_load_idx %arg9[%get3A_563] : memref<10000xf32, #tpu.memory_space<vmem>>[vector<16xi32>], vector<16xf32>,
      %gather3A_569 = tpu.vector_load_idx %arg10[%get3A_567] : memref<10000xf32, #tpu.memory_space<vmem>>[vector<16xi32>], vector<16xf32>,
      %add3A_570 = arith.addf %gather3A_568, %gather3A_569 : vector<16xf32>
      %mul3A_571 = arith.constant 0.00999999977 : f32
      %mul3A_572 = vector.broadcast %mul3A_571 : f32 to vector<16xf32>
      %mul3A_573 = arith.mulf %mul3A_572, %add3A_570 : vector<16xf32>
      %max3A_574 = arith.maximumf %add3A_570, %mul3A_573 : vector<16xf32>
      %add3A_575 = arith.addf %gather3A_568, %get3A_33 : vector<16xf32>
      %mul3A_576 = arith.constant 0.00999999977 : f32
      %mul3A_577 = vector.broadcast %mul3A_576 : f32 to vector<16xf32>
      %mul3A_578 = arith.mulf %mul3A_577, %add3A_575 : vector<16xf32>
      %max3A_579 = arith.maximumf %add3A_575, %mul3A_578 : vector<16xf32>
      %sub3A_580 = arith.subf %max3A_574, %max3A_579 : vector<16xf32>
      %exp3A_581 = math.exp %sub3A_580 : vector<16xf32>
      %swap3A_582 = arith.constant 0 : index
      %swap3A_583 = tpu.vector_load %arg16[%swap3A_582] {strides = array<i32>} : memref<80xf32, #tpu.memory_space<vmem>>, vector<16xf32>,
      tpu.vector_store %arg16[%swap3A_582], %exp3A_581 {strides = array<i32>} : memref<80xf32, #tpu.memory_space<vmem>>, vector<16xf32>,
      %get3A_584 = arith.constant 0 : i32
      %get3A_585 = arith.index_cast %get3A_584 : i32 to index
      %get3A_586 = arith.constant 16 : index
      %get3A_587 = tpu.vector_load %arg14[%get3A_585, %get3A_586] {strides = array<i32>} : memref<2x80xi32, #tpu.memory_space<vmem>>, vector<16xi32>,
      %get3A_588 = arith.constant 1 : i32
      %get3A_589 = arith.index_cast %get3A_588 : i32 to index
      %get3A_590 = arith.constant 16 : index
      %get3A_591 = tpu.vector_load %arg14[%get3A_589, %get3A_590] {strides = array<i32>} : memref<2x80xi32, #tpu.memory_space<vmem>>, vector<16xi32>,
      %gather3A_592 = tpu.vector_load_idx %arg9[%get3A_587] : memref<10000xf32, #tpu.memory_space<vmem>>[vector<16xi32>], vector<16xf32>,
      %gather3A_593 = tpu.vector_load_idx %arg10[%get3A_591] : memref<10000xf32, #tpu.memory_space<vmem>>[vector<16xi32>], vector<16xf32>,
      %add3A_594 = arith.addf %gather3A_592, %gather3A_593 : vector<16xf32>
      %mul3A_595 = arith.constant 0.00999999977 : f32
      %mul3A_596 = vector.broadcast %mul3A_595 : f32 to vector<16xf32>
      %mul3A_597 = arith.mulf %mul3A_596, %add3A_594 : vector<16xf32>
      %max3A_598 = arith.maximumf %add3A_594, %mul3A_597 : vector<16xf32>
      %add3A_599 = arith.addf %gather3A_592, %get3A_33 : vector<16xf32>
      %mul3A_600 = arith.constant 0.00999999977 : f32
      %mul3A_601 = vector.broadcast %mul3A_600 : f32 to vector<16xf32>
      %mul3A_602 = arith.mulf %mul3A_601, %add3A_599 : vector<16xf32>
      %max3A_603 = arith.maximumf %add3A_599, %mul3A_602 : vector<16xf32>
      %sub3A_604 = arith.subf %max3A_598, %max3A_603 : vector<16xf32>
      %exp3A_605 = math.exp %sub3A_604 : vector<16xf32>
      %swap3A_606 = arith.constant 16 : index
      %swap3A_607 = tpu.vector_load %arg16[%swap3A_606] {strides = array<i32>} : memref<80xf32, #tpu.memory_space<vmem>>, vector<16xf32>,
      tpu.vector_store %arg16[%swap3A_606], %exp3A_605 {strides = array<i32>} : memref<80xf32, #tpu.memory_space<vmem>>, vector<16xf32>,
      %get3A_608 = arith.constant 0 : i32
      %get3A_609 = arith.index_cast %get3A_608 : i32 to index
      %get3A_610 = arith.constant 32 : index
      %get3A_611 = tpu.vector_load %arg14[%get3A_609, %get3A_610] {strides = array<i32>} : memref<2x80xi32, #tpu.memory_space<vmem>>, vector<16xi32>,
      %get3A_612 = arith.constant 1 : i32
      %get3A_613 = arith.index_cast %get3A_612 : i32 to index
      %get3A_614 = arith.constant 32 : index
      %get3A_615 = tpu.vector_load %arg14[%get3A_613, %get3A_614] {strides = array<i32>} : memref<2x80xi32, #tpu.memory_space<vmem>>, vector<16xi32>,
      %gather3A_616 = tpu.vector_load_idx %arg9[%get3A_611] : memref<10000xf32, #tpu.memory_space<vmem>>[vector<16xi32>], vector<16xf32>,
      %gather3A_617 = tpu.vector_load_idx %arg10[%get3A_615] : memref<10000xf32, #tpu.memory_space<vmem>>[vector<16xi32>], vector<16xf32>,
      %add3A_618 = arith.addf %gather3A_616, %gather3A_617 : vector<16xf32>
      %mul3A_619 = arith.constant 0.00999999977 : f32
      %mul3A_620 = vector.broadcast %mul3A_619 : f32 to vector<16xf32>
      %mul3A_621 = arith.mulf %mul3A_620, %add3A_618 : vector<16xf32>
      %max3A_622 = arith.maximumf %add3A_618, %mul3A_621 : vector<16xf32>
      %add3A_623 = arith.addf %gather3A_616, %get3A_33 : vector<16xf32>
      %mul3A_624 = arith.constant 0.00999999977 : f32
      %mul3A_625 = vector.broadcast %mul3A_624 : f32 to vector<16xf32>
      %mul3A_626 = arith.mulf %mul3A_625, %add3A_623 : vector<16xf32>
      %max3A_627 = arith.maximumf %add3A_623, %mul3A_626 : vector<16xf32>
      %sub3A_628 = arith.subf %max3A_622, %max3A_627 : vector<16xf32>
      %exp3A_629 = math.exp %sub3A_628 : vector<16xf32>
      %swap3A_630 = arith.constant 32 : index
      %swap3A_631 = tpu.vector_load %arg16[%swap3A_630] {strides = array<i32>} : memref<80xf32, #tpu.memory_space<vmem>>, vector<16xf32>,
      tpu.vector_store %arg16[%swap3A_630], %exp3A_629 {strides = array<i32>} : memref<80xf32, #tpu.memory_space<vmem>>, vector<16xf32>,
      %get3A_632 = arith.constant 0 : i32
      %get3A_633 = arith.index_cast %get3A_632 : i32 to index
      %get3A_634 = arith.constant 48 : index
      %get3A_635 = tpu.vector_load %arg14[%get3A_633, %get3A_634] {strides = array<i32>} : memref<2x80xi32, #tpu.memory_space<vmem>>, vector<16xi32>,
      %get3A_636 = arith.constant 1 : i32
      %get3A_637 = arith.index_cast %get3A_636 : i32 to index
      %get3A_638 = arith.constant 48 : index
      %get3A_639 = tpu.vector_load %arg14[%get3A_637, %get3A_638] {strides = array<i32>} : memref<2x80xi32, #tpu.memory_space<vmem>>, vector<16xi32>,
      %gather3A_640 = tpu.vector_load_idx %arg9[%get3A_635] : memref<10000xf32, #tpu.memory_space<vmem>>[vector<16xi32>], vector<16xf32>,
      %gather3A_641 = tpu.vector_load_idx %arg10[%get3A_639] : memref<10000xf32, #tpu.memory_space<vmem>>[vector<16xi32>], vector<16xf32>,
      %add3A_642 = arith.addf %gather3A_640, %gather3A_641 : vector<16xf32>
      %mul3A_643 = arith.constant 0.00999999977 : f32
      %mul3A_644 = vector.broadcast %mul3A_643 : f32 to vector<16xf32>
      %mul3A_645 = arith.mulf %mul3A_644, %add3A_642 : vector<16xf32>
      %max3A_646 = arith.maximumf %add3A_642, %mul3A_645 : vector<16xf32>
      %add3A_647 = arith.addf %gather3A_640, %get3A_33 : vector<16xf32>
      %mul3A_648 = arith.constant 0.00999999977 : f32
      %mul3A_649 = vector.broadcast %mul3A_648 : f32 to vector<16xf32>
      %mul3A_650 = arith.mulf %mul3A_649, %add3A_647 : vector<16xf32>
      %max3A_651 = arith.maximumf %add3A_647, %mul3A_650 : vector<16xf32>
      %sub3A_652 = arith.subf %max3A_646, %max3A_651 : vector<16xf32>
      %exp3A_653 = math.exp %sub3A_652 : vector<16xf32>
      %swap3A_654 = arith.constant 48 : index
      %swap3A_655 = tpu.vector_load %arg16[%swap3A_654] {strides = array<i32>} : memref<80xf32, #tpu.memory_space<vmem>>, vector<16xf32>,
      tpu.vector_store %arg16[%swap3A_654], %exp3A_653 {strides = array<i32>} : memref<80xf32, #tpu.memory_space<vmem>>, vector<16xf32>,
      %get3A_656 = arith.constant 0 : i32
      %get3A_657 = arith.index_cast %get3A_656 : i32 to index
      %get3A_658 = arith.constant 64 : index
      %get3A_659 = tpu.vector_load %arg14[%get3A_657, %get3A_658] {strides = array<i32>} : memref<2x80xi32, #tpu.memory_space<vmem>>, vector<16xi32>,
      %get3A_660 = arith.constant 1 : i32
      %get3A_661 = arith.index_cast %get3A_660 : i32 to index
      %get3A_662 = arith.constant 64 : index
      %get3A_663 = tpu.vector_load %arg14[%get3A_661, %get3A_662] {strides = array<i32>} : memref<2x80xi32, #tpu.memory_space<vmem>>, vector<16xi32>,
      %gather3A_664 = tpu.vector_load_idx %arg9[%get3A_659] : memref<10000xf32, #tpu.memory_space<vmem>>[vector<16xi32>], vector<16xf32>,
      %gather3A_665 = tpu.vector_load_idx %arg10[%get3A_663] : memref<10000xf32, #tpu.memory_space<vmem>>[vector<16xi32>], vector<16xf32>,
      %add3A_666 = arith.addf %gather3A_664, %gather3A_665 : vector<16xf32>
      %mul3A_667 = arith.constant 0.00999999977 : f32
      %mul3A_668 = vector.broadcast %mul3A_667 : f32 to vector<16xf32>
      %mul3A_669 = arith.mulf %mul3A_668, %add3A_666 : vector<16xf32>
      %max3A_670 = arith.maximumf %add3A_666, %mul3A_669 : vector<16xf32>
      %add3A_671 = arith.addf %gather3A_664, %get3A_33 : vector<16xf32>
      %mul3A_672 = arith.constant 0.00999999977 : f32
      %mul3A_673 = vector.broadcast %mul3A_672 : f32 to vector<16xf32>
      %mul3A_674 = arith.mulf %mul3A_673, %add3A_671 : vector<16xf32>
      %max3A_675 = arith.maximumf %add3A_671, %mul3A_674 : vector<16xf32>
      %sub3A_676 = arith.subf %max3A_670, %max3A_675 : vector<16xf32>
      %exp3A_677 = math.exp %sub3A_676 : vector<16xf32>
      %swap3A_678 = arith.constant 64 : index
      %swap3A_679 = tpu.vector_load %arg16[%swap3A_678] {strides = array<i32>} : memref<80xf32, #tpu.memory_space<vmem>>, vector<16xf32>,
      tpu.vector_store %arg16[%swap3A_678], %exp3A_677 {strides = array<i32>} : memref<80xf32, #tpu.memory_space<vmem>>, vector<16xf32>,
      %scan3A_680 = arith.constant 0 : i32
      %scan3A_681 = arith.constant 0 : i32
      %scan3A_682 = arith.constant 20 : i32
      %scan3A_683 = arith.addi %scan3A_681, %scan3A_682 : i32
      %scan3A_684 = arith.constant 1 : i32
      %scan3A_685 = scf.for %scan3A_858 = %scan3A_681 to %scan3A_683 step %scan3A_684 iter_args(%scan3A_859 = %scan3A_680) -> (i32)  : i32 {
        %mul3A_860 = arith.constant 4 : i32
        %mul3A_861 = arith.muli %scan3A_858, %mul3A_860 : i32
        %add3A_862 = arith.constant 0 : i32
        %add3A_863 = arith.addi %mul3A_861, %add3A_862 : i32
        %broadcast_in_dim3A_864 = vector.broadcast %add3A_863 : i32 to vector<16xi32>
        %gather3A_865 = tpu.vector_load_idx %arg16[%broadcast_in_dim3A_864] : memref<80xf32, #tpu.memory_space<vmem>>[vector<16xi32>], vector<16xf32>,
        %get3A_866 = arith.index_cast %add3A_863 : i32 to index
        %get3A_867 = arith.constant 0 : index
        %get3A_868 = tpu.vector_load %arg17[%get3A_866, %get3A_867] {strides = array<i32>} : memref<80x128xf32, #tpu.memory_space<vmem>>, vector<16xf32>,
        %mul3A_869 = arith.mulf %get3A_868, %gather3A_865 : vector<16xf32>
        %swap3A_870 = arith.index_cast %add3A_863 : i32 to index
        %swap3A_871 = arith.constant 0 : index
        %swap3A_872 = tpu.vector_load %arg17[%swap3A_870, %swap3A_871] {strides = array<i32>} : memref<80x128xf32, #tpu.memory_space<vmem>>, vector<16xf32>,
        tpu.vector_store %arg17[%swap3A_870, %swap3A_871], %mul3A_869 {strides = array<i32>} : memref<80x128xf32, #tpu.memory_space<vmem>>, vector<16xf32>,
        %get3A_873 = arith.index_cast %add3A_863 : i32 to index
        %get3A_874 = arith.constant 16 : index
        %get3A_875 = tpu.vector_load %arg17[%get3A_873, %get3A_874] {strides = array<i32>} : memref<80x128xf32, #tpu.memory_space<vmem>>, vector<16xf32>,
        %mul3A_876 = arith.mulf %get3A_875, %gather3A_865 : vector<16xf32>
        %swap3A_877 = arith.index_cast %add3A_863 : i32 to index
        %swap3A_878 = arith.constant 16 : index
        %swap3A_879 = tpu.vector_load %arg17[%swap3A_877, %swap3A_878] {strides = array<i32>} : memref<80x128xf32, #tpu.memory_space<vmem>>, vector<16xf32>,
        tpu.vector_store %arg17[%swap3A_877, %swap3A_878], %mul3A_876 {strides = array<i32>} : memref<80x128xf32, #tpu.memory_space<vmem>>, vector<16xf32>,
        %get3A_880 = arith.index_cast %add3A_863 : i32 to index
        %get3A_881 = arith.constant 32 : index
        %get3A_882 = tpu.vector_load %arg17[%get3A_880, %get3A_881] {strides = array<i32>} : memref<80x128xf32, #tpu.memory_space<vmem>>, vector<16xf32>,
        %mul3A_883 = arith.mulf %get3A_882, %gather3A_865 : vector<16xf32>
        %swap3A_884 = arith.index_cast %add3A_863 : i32 to index
        %swap3A_885 = arith.constant 32 : index
        %swap3A_886 = tpu.vector_load %arg17[%swap3A_884, %swap3A_885] {strides = array<i32>} : memref<80x128xf32, #tpu.memory_space<vmem>>, vector<16xf32>,
        tpu.vector_store %arg17[%swap3A_884, %swap3A_885], %mul3A_883 {strides = array<i32>} : memref<80x128xf32, #tpu.memory_space<vmem>>, vector<16xf32>,
        %get3A_887 = arith.index_cast %add3A_863 : i32 to index
        %get3A_888 = arith.constant 48 : index
        %get3A_889 = tpu.vector_load %arg17[%get3A_887, %get3A_888] {strides = array<i32>} : memref<80x128xf32, #tpu.memory_space<vmem>>, vector<16xf32>,
        %mul3A_890 = arith.mulf %get3A_889, %gather3A_865 : vector<16xf32>
        %swap3A_891 = arith.index_cast %add3A_863 : i32 to index
        %swap3A_892 = arith.constant 48 : index
        %swap3A_893 = tpu.vector_load %arg17[%swap3A_891, %swap3A_892] {strides = array<i32>} : memref<80x128xf32, #tpu.memory_space<vmem>>, vector<16xf32>,
        tpu.vector_store %arg17[%swap3A_891, %swap3A_892], %mul3A_890 {strides = array<i32>} : memref<80x128xf32, #tpu.memory_space<vmem>>, vector<16xf32>,
        %get3A_894 = arith.index_cast %add3A_863 : i32 to index
        %get3A_895 = arith.constant 64 : index
        %get3A_896 = tpu.vector_load %arg17[%get3A_894, %get3A_895] {strides = array<i32>} : memref<80x128xf32, #tpu.memory_space<vmem>>, vector<16xf32>,
        %mul3A_897 = arith.mulf %get3A_896, %gather3A_865 : vector<16xf32>
        %swap3A_898 = arith.index_cast %add3A_863 : i32 to index
        %swap3A_899 = arith.constant 64 : index
        %swap3A_900 = tpu.vector_load %arg17[%swap3A_898, %swap3A_899] {strides = array<i32>} : memref<80x128xf32, #tpu.memory_space<vmem>>, vector<16xf32>,
        tpu.vector_store %arg17[%swap3A_898, %swap3A_899], %mul3A_897 {strides = array<i32>} : memref<80x128xf32, #tpu.memory_space<vmem>>, vector<16xf32>,
        %get3A_901 = arith.index_cast %add3A_863 : i32 to index
        %get3A_902 = arith.constant 80 : index
        %get3A_903 = tpu.vector_load %arg17[%get3A_901, %get3A_902] {strides = array<i32>} : memref<80x128xf32, #tpu.memory_space<vmem>>, vector<16xf32>,
        %mul3A_904 = arith.mulf %get3A_903, %gather3A_865 : vector<16xf32>
        %swap3A_905 = arith.index_cast %add3A_863 : i32 to index
        %swap3A_906 = arith.constant 80 : index
        %swap3A_907 = tpu.vector_load %arg17[%swap3A_905, %swap3A_906] {strides = array<i32>} : memref<80x128xf32, #tpu.memory_space<vmem>>, vector<16xf32>,
        tpu.vector_store %arg17[%swap3A_905, %swap3A_906], %mul3A_904 {strides = array<i32>} : memref<80x128xf32, #tpu.memory_space<vmem>>, vector<16xf32>,
        %get3A_908 = arith.index_cast %add3A_863 : i32 to index
        %get3A_909 = arith.constant 96 : index
        %get3A_910 = tpu.vector_load %arg17[%get3A_908, %get3A_909] {strides = array<i32>} : memref<80x128xf32, #tpu.memory_space<vmem>>, vector<16xf32>,
        %mul3A_911 = arith.mulf %get3A_910, %gather3A_865 : vector<16xf32>
        %swap3A_912 = arith.index_cast %add3A_863 : i32 to index
        %swap3A_913 = arith.constant 96 : index
        %swap3A_914 = tpu.vector_load %arg17[%swap3A_912, %swap3A_913] {strides = array<i32>} : memref<80x128xf32, #tpu.memory_space<vmem>>, vector<16xf32>,
        tpu.vector_store %arg17[%swap3A_912, %swap3A_913], %mul3A_911 {strides = array<i32>} : memref<80x128xf32, #tpu.memory_space<vmem>>, vector<16xf32>,
        %get3A_915 = arith.index_cast %add3A_863 : i32 to index
        %get3A_916 = arith.constant 112 : index
        %get3A_917 = tpu.vector_load %arg17[%get3A_915, %get3A_916] {strides = array<i32>} : memref<80x128xf32, #tpu.memory_space<vmem>>, vector<16xf32>,
        %mul3A_918 = arith.mulf %get3A_917, %gather3A_865 : vector<16xf32>
        %swap3A_919 = arith.index_cast %add3A_863 : i32 to index
        %swap3A_920 = arith.constant 112 : index
        %swap3A_921 = tpu.vector_load %arg17[%swap3A_919, %swap3A_920] {strides = array<i32>} : memref<80x128xf32, #tpu.memory_space<vmem>>, vector<16xf32>,
        tpu.vector_store %arg17[%swap3A_919, %swap3A_920], %mul3A_918 {strides = array<i32>} : memref<80x128xf32, #tpu.memory_space<vmem>>, vector<16xf32>,
        %mul3A_922 = arith.constant 4 : i32
        %mul3A_923 = arith.muli %scan3A_858, %mul3A_922 : i32
        %add3A_924 = arith.constant 1 : i32
        %add3A_925 = arith.addi %mul3A_923, %add3A_924 : i32
        %broadcast_in_dim3A_926 = vector.broadcast %add3A_925 : i32 to vector<16xi32>
        %gather3A_927 = tpu.vector_load_idx %arg16[%broadcast_in_dim3A_926] : memref<80xf32, #tpu.memory_space<vmem>>[vector<16xi32>], vector<16xf32>,
        %get3A_928 = arith.index_cast %add3A_925 : i32 to index
        %get3A_929 = arith.constant 0 : index
        %get3A_930 = tpu.vector_load %arg17[%get3A_928, %get3A_929] {strides = array<i32>} : memref<80x128xf32, #tpu.memory_space<vmem>>, vector<16xf32>,
        %mul3A_931 = arith.mulf %get3A_930, %gather3A_927 : vector<16xf32>
        %swap3A_932 = arith.index_cast %add3A_925 : i32 to index
        %swap3A_933 = arith.constant 0 : index
        %swap3A_934 = tpu.vector_load %arg17[%swap3A_932, %swap3A_933] {strides = array<i32>} : memref<80x128xf32, #tpu.memory_space<vmem>>, vector<16xf32>,
        tpu.vector_store %arg17[%swap3A_932, %swap3A_933], %mul3A_931 {strides = array<i32>} : memref<80x128xf32, #tpu.memory_space<vmem>>, vector<16xf32>,
        %get3A_935 = arith.index_cast %add3A_925 : i32 to index
        %get3A_936 = arith.constant 16 : index
        %get3A_937 = tpu.vector_load %arg17[%get3A_935, %get3A_936] {strides = array<i32>} : memref<80x128xf32, #tpu.memory_space<vmem>>, vector<16xf32>,
        %mul3A_938 = arith.mulf %get3A_937, %gather3A_927 : vector<16xf32>
        %swap3A_939 = arith.index_cast %add3A_925 : i32 to index
        %swap3A_940 = arith.constant 16 : index
        %swap3A_941 = tpu.vector_load %arg17[%swap3A_939, %swap3A_940] {strides = array<i32>} : memref<80x128xf32, #tpu.memory_space<vmem>>, vector<16xf32>,
        tpu.vector_store %arg17[%swap3A_939, %swap3A_940], %mul3A_938 {strides = array<i32>} : memref<80x128xf32, #tpu.memory_space<vmem>>, vector<16xf32>,
        %get3A_942 = arith.index_cast %add3A_925 : i32 to index
        %get3A_943 = arith.constant 32 : index
        %get3A_944 = tpu.vector_load %arg17[%get3A_942, %get3A_943] {strides = array<i32>} : memref<80x128xf32, #tpu.memory_space<vmem>>, vector<16xf32>,
        %mul3A_945 = arith.mulf %get3A_944, %gather3A_927 : vector<16xf32>
        %swap3A_946 = arith.index_cast %add3A_925 : i32 to index
        %swap3A_947 = arith.constant 32 : index
        %swap3A_948 = tpu.vector_load %arg17[%swap3A_946, %swap3A_947] {strides = array<i32>} : memref<80x128xf32, #tpu.memory_space<vmem>>, vector<16xf32>,
        tpu.vector_store %arg17[%swap3A_946, %swap3A_947], %mul3A_945 {strides = array<i32>} : memref<80x128xf32, #tpu.memory_space<vmem>>, vector<16xf32>,
        %get3A_949 = arith.index_cast %add3A_925 : i32 to index
        %get3A_950 = arith.constant 48 : index
        %get3A_951 = tpu.vector_load %arg17[%get3A_949, %get3A_950] {strides = array<i32>} : memref<80x128xf32, #tpu.memory_space<vmem>>, vector<16xf32>,
        %mul3A_952 = arith.mulf %get3A_951, %gather3A_927 : vector<16xf32>
        %swap3A_953 = arith.index_cast %add3A_925 : i32 to index
        %swap3A_954 = arith.constant 48 : index
        %swap3A_955 = tpu.vector_load %arg17[%swap3A_953, %swap3A_954] {strides = array<i32>} : memref<80x128xf32, #tpu.memory_space<vmem>>, vector<16xf32>,
        tpu.vector_store %arg17[%swap3A_953, %swap3A_954], %mul3A_952 {strides = array<i32>} : memref<80x128xf32, #tpu.memory_space<vmem>>, vector<16xf32>,
        %get3A_956 = arith.index_cast %add3A_925 : i32 to index
        %get3A_957 = arith.constant 64 : index
        %get3A_958 = tpu.vector_load %arg17[%get3A_956, %get3A_957] {strides = array<i32>} : memref<80x128xf32, #tpu.memory_space<vmem>>, vector<16xf32>,
        %mul3A_959 = arith.mulf %get3A_958, %gather3A_927 : vector<16xf32>
        %swap3A_960 = arith.index_cast %add3A_925 : i32 to index
        %swap3A_961 = arith.constant 64 : index
        %swap3A_962 = tpu.vector_load %arg17[%swap3A_960, %swap3A_961] {strides = array<i32>} : memref<80x128xf32, #tpu.memory_space<vmem>>, vector<16xf32>,
        tpu.vector_store %arg17[%swap3A_960, %swap3A_961], %mul3A_959 {strides = array<i32>} : memref<80x128xf32, #tpu.memory_space<vmem>>, vector<16xf32>,
        %get3A_963 = arith.index_cast %add3A_925 : i32 to index
        %get3A_964 = arith.constant 80 : index
        %get3A_965 = tpu.vector_load %arg17[%get3A_963, %get3A_964] {strides = array<i32>} : memref<80x128xf32, #tpu.memory_space<vmem>>, vector<16xf32>,
        %mul3A_966 = arith.mulf %get3A_965, %gather3A_927 : vector<16xf32>
        %swap3A_967 = arith.index_cast %add3A_925 : i32 to index
        %swap3A_968 = arith.constant 80 : index
        %swap3A_969 = tpu.vector_load %arg17[%swap3A_967, %swap3A_968] {strides = array<i32>} : memref<80x128xf32, #tpu.memory_space<vmem>>, vector<16xf32>,
        tpu.vector_store %arg17[%swap3A_967, %swap3A_968], %mul3A_966 {strides = array<i32>} : memref<80x128xf32, #tpu.memory_space<vmem>>, vector<16xf32>,
        %get3A_970 = arith.index_cast %add3A_925 : i32 to index
        %get3A_971 = arith.constant 96 : index
        %get3A_972 = tpu.vector_load %arg17[%get3A_970, %get3A_971] {strides = array<i32>} : memref<80x128xf32, #tpu.memory_space<vmem>>, vector<16xf32>,
        %mul3A_973 = arith.mulf %get3A_972, %gather3A_927 : vector<16xf32>
        %swap3A_974 = arith.index_cast %add3A_925 : i32 to index
        %swap3A_975 = arith.constant 96 : index
        %swap3A_976 = tpu.vector_load %arg17[%swap3A_974, %swap3A_975] {strides = array<i32>} : memref<80x128xf32, #tpu.memory_space<vmem>>, vector<16xf32>,
        tpu.vector_store %arg17[%swap3A_974, %swap3A_975], %mul3A_973 {strides = array<i32>} : memref<80x128xf32, #tpu.memory_space<vmem>>, vector<16xf32>,
        %get3A_977 = arith.index_cast %add3A_925 : i32 to index
        %get3A_978 = arith.constant 112 : index
        %get3A_979 = tpu.vector_load %arg17[%get3A_977, %get3A_978] {strides = array<i32>} : memref<80x128xf32, #tpu.memory_space<vmem>>, vector<16xf32>,
        %mul3A_980 = arith.mulf %get3A_979, %gather3A_927 : vector<16xf32>
        %swap3A_981 = arith.index_cast %add3A_925 : i32 to index
        %swap3A_982 = arith.constant 112 : index
        %swap3A_983 = tpu.vector_load %arg17[%swap3A_981, %swap3A_982] {strides = array<i32>} : memref<80x128xf32, #tpu.memory_space<vmem>>, vector<16xf32>,
        tpu.vector_store %arg17[%swap3A_981, %swap3A_982], %mul3A_980 {strides = array<i32>} : memref<80x128xf32, #tpu.memory_space<vmem>>, vector<16xf32>,
        %mul3A_984 = arith.constant 4 : i32
        %mul3A_985 = arith.muli %scan3A_858, %mul3A_984 : i32
        %add3A_986 = arith.constant 2 : i32
        %add3A_987 = arith.addi %mul3A_985, %add3A_986 : i32
        %broadcast_in_dim3A_988 = vector.broadcast %add3A_987 : i32 to vector<16xi32>
        %gather3A_989 = tpu.vector_load_idx %arg16[%broadcast_in_dim3A_988] : memref<80xf32, #tpu.memory_space<vmem>>[vector<16xi32>], vector<16xf32>,
        %get3A_990 = arith.index_cast %add3A_987 : i32 to index
        %get3A_991 = arith.constant 0 : index
        %get3A_992 = tpu.vector_load %arg17[%get3A_990, %get3A_991] {strides = array<i32>} : memref<80x128xf32, #tpu.memory_space<vmem>>, vector<16xf32>,
        %mul3A_993 = arith.mulf %get3A_992, %gather3A_989 : vector<16xf32>
        %swap3A_994 = arith.index_cast %add3A_987 : i32 to index
        %swap3A_995 = arith.constant 0 : index
        %swap3A_996 = tpu.vector_load %arg17[%swap3A_994, %swap3A_995] {strides = array<i32>} : memref<80x128xf32, #tpu.memory_space<vmem>>, vector<16xf32>,
        tpu.vector_store %arg17[%swap3A_994, %swap3A_995], %mul3A_993 {strides = array<i32>} : memref<80x128xf32, #tpu.memory_space<vmem>>, vector<16xf32>,
        %get3A_997 = arith.index_cast %add3A_987 : i32 to index
        %get3A_998 = arith.constant 16 : index
        %get3A_999 = tpu.vector_load %arg17[%get3A_997, %get3A_998] {strides = array<i32>} : memref<80x128xf32, #tpu.memory_space<vmem>>, vector<16xf32>,
        %mul3A_1000 = arith.mulf %get3A_999, %gather3A_989 : vector<16xf32>
        %swap3A_1001 = arith.index_cast %add3A_987 : i32 to index
        %swap3A_1002 = arith.constant 16 : index
        %swap3A_1003 = tpu.vector_load %arg17[%swap3A_1001, %swap3A_1002] {strides = array<i32>} : memref<80x128xf32, #tpu.memory_space<vmem>>, vector<16xf32>,
        tpu.vector_store %arg17[%swap3A_1001, %swap3A_1002], %mul3A_1000 {strides = array<i32>} : memref<80x128xf32, #tpu.memory_space<vmem>>, vector<16xf32>,
        %get3A_1004 = arith.index_cast %add3A_987 : i32 to index
        %get3A_1005 = arith.constant 32 : index
        %get3A_1006 = tpu.vector_load %arg17[%get3A_1004, %get3A_1005] {strides = array<i32>} : memref<80x128xf32, #tpu.memory_space<vmem>>, vector<16xf32>,
        %mul3A_1007 = arith.mulf %get3A_1006, %gather3A_989 : vector<16xf32>
        %swap3A_1008 = arith.index_cast %add3A_987 : i32 to index
        %swap3A_1009 = arith.constant 32 : index
        %swap3A_1010 = tpu.vector_load %arg17[%swap3A_1008, %swap3A_1009] {strides = array<i32>} : memref<80x128xf32, #tpu.memory_space<vmem>>, vector<16xf32>,
        tpu.vector_store %arg17[%swap3A_1008, %swap3A_1009], %mul3A_1007 {strides = array<i32>} : memref<80x128xf32, #tpu.memory_space<vmem>>, vector<16xf32>,
        %get3A_1011 = arith.index_cast %add3A_987 : i32 to index
        %get3A_1012 = arith.constant 48 : index
        %get3A_1013 = tpu.vector_load %arg17[%get3A_1011, %get3A_1012] {strides = array<i32>} : memref<80x128xf32, #tpu.memory_space<vmem>>, vector<16xf32>,
        %mul3A_1014 = arith.mulf %get3A_1013, %gather3A_989 : vector<16xf32>
        %swap3A_1015 = arith.index_cast %add3A_987 : i32 to index
        %swap3A_1016 = arith.constant 48 : index
        %swap3A_1017 = tpu.vector_load %arg17[%swap3A_1015, %swap3A_1016] {strides = array<i32>} : memref<80x128xf32, #tpu.memory_space<vmem>>, vector<16xf32>,
        tpu.vector_store %arg17[%swap3A_1015, %swap3A_1016], %mul3A_1014 {strides = array<i32>} : memref<80x128xf32, #tpu.memory_space<vmem>>, vector<16xf32>,
        %get3A_1018 = arith.index_cast %add3A_987 : i32 to index
        %get3A_1019 = arith.constant 64 : index
        %get3A_1020 = tpu.vector_load %arg17[%get3A_1018, %get3A_1019] {strides = array<i32>} : memref<80x128xf32, #tpu.memory_space<vmem>>, vector<16xf32>,
        %mul3A_1021 = arith.mulf %get3A_1020, %gather3A_989 : vector<16xf32>
        %swap3A_1022 = arith.index_cast %add3A_987 : i32 to index
        %swap3A_1023 = arith.constant 64 : index
        %swap3A_1024 = tpu.vector_load %arg17[%swap3A_1022, %swap3A_1023] {strides = array<i32>} : memref<80x128xf32, #tpu.memory_space<vmem>>, vector<16xf32>,
        tpu.vector_store %arg17[%swap3A_1022, %swap3A_1023], %mul3A_1021 {strides = array<i32>} : memref<80x128xf32, #tpu.memory_space<vmem>>, vector<16xf32>,
        %get3A_1025 = arith.index_cast %add3A_987 : i32 to index
        %get3A_1026 = arith.constant 80 : index
        %get3A_1027 = tpu.vector_load %arg17[%get3A_1025, %get3A_1026] {strides = array<i32>} : memref<80x128xf32, #tpu.memory_space<vmem>>, vector<16xf32>,
        %mul3A_1028 = arith.mulf %get3A_1027, %gather3A_989 : vector<16xf32>
        %swap3A_1029 = arith.index_cast %add3A_987 : i32 to index
        %swap3A_1030 = arith.constant 80 : index
        %swap3A_1031 = tpu.vector_load %arg17[%swap3A_1029, %swap3A_1030] {strides = array<i32>} : memref<80x128xf32, #tpu.memory_space<vmem>>, vector<16xf32>,
        tpu.vector_store %arg17[%swap3A_1029, %swap3A_1030], %mul3A_1028 {strides = array<i32>} : memref<80x128xf32, #tpu.memory_space<vmem>>, vector<16xf32>,
        %get3A_1032 = arith.index_cast %add3A_987 : i32 to index
        %get3A_1033 = arith.constant 96 : index
        %get3A_1034 = tpu.vector_load %arg17[%get3A_1032, %get3A_1033] {strides = array<i32>} : memref<80x128xf32, #tpu.memory_space<vmem>>, vector<16xf32>,
        %mul3A_1035 = arith.mulf %get3A_1034, %gather3A_989 : vector<16xf32>
        %swap3A_1036 = arith.index_cast %add3A_987 : i32 to index
        %swap3A_1037 = arith.constant 96 : index
        %swap3A_1038 = tpu.vector_load %arg17[%swap3A_1036, %swap3A_1037] {strides = array<i32>} : memref<80x128xf32, #tpu.memory_space<vmem>>, vector<16xf32>,
        tpu.vector_store %arg17[%swap3A_1036, %swap3A_1037], %mul3A_1035 {strides = array<i32>} : memref<80x128xf32, #tpu.memory_space<vmem>>, vector<16xf32>,
        %get3A_1039 = arith.index_cast %add3A_987 : i32 to index
        %get3A_1040 = arith.constant 112 : index
        %get3A_1041 = tpu.vector_load %arg17[%get3A_1039, %get3A_1040] {strides = array<i32>} : memref<80x128xf32, #tpu.memory_space<vmem>>, vector<16xf32>,
        %mul3A_1042 = arith.mulf %get3A_1041, %gather3A_989 : vector<16xf32>
        %swap3A_1043 = arith.index_cast %add3A_987 : i32 to index
        %swap3A_1044 = arith.constant 112 : index
        %swap3A_1045 = tpu.vector_load %arg17[%swap3A_1043, %swap3A_1044] {strides = array<i32>} : memref<80x128xf32, #tpu.memory_space<vmem>>, vector<16xf32>,
        tpu.vector_store %arg17[%swap3A_1043, %swap3A_1044], %mul3A_1042 {strides = array<i32>} : memref<80x128xf32, #tpu.memory_space<vmem>>, vector<16xf32>,
        %mul3A_1046 = arith.constant 4 : i32
        %mul3A_1047 = arith.muli %scan3A_858, %mul3A_1046 : i32
        %add3A_1048 = arith.constant 3 : i32
        %add3A_1049 = arith.addi %mul3A_1047, %add3A_1048 : i32
        %broadcast_in_dim3A_1050 = vector.broadcast %add3A_1049 : i32 to vector<16xi32>
        %gather3A_1051 = tpu.vector_load_idx %arg16[%broadcast_in_dim3A_1050] : memref<80xf32, #tpu.memory_space<vmem>>[vector<16xi32>], vector<16xf32>,
        %get3A_1052 = arith.index_cast %add3A_1049 : i32 to index
        %get3A_1053 = arith.constant 0 : index
        %get3A_1054 = tpu.vector_load %arg17[%get3A_1052, %get3A_1053] {strides = array<i32>} : memref<80x128xf32, #tpu.memory_space<vmem>>, vector<16xf32>,
        %mul3A_1055 = arith.mulf %get3A_1054, %gather3A_1051 : vector<16xf32>
        %swap3A_1056 = arith.index_cast %add3A_1049 : i32 to index
        %swap3A_1057 = arith.constant 0 : index
        %swap3A_1058 = tpu.vector_load %arg17[%swap3A_1056, %swap3A_1057] {strides = array<i32>} : memref<80x128xf32, #tpu.memory_space<vmem>>, vector<16xf32>,
        tpu.vector_store %arg17[%swap3A_1056, %swap3A_1057], %mul3A_1055 {strides = array<i32>} : memref<80x128xf32, #tpu.memory_space<vmem>>, vector<16xf32>,
        %get3A_1059 = arith.index_cast %add3A_1049 : i32 to index
        %get3A_1060 = arith.constant 16 : index
        %get3A_1061 = tpu.vector_load %arg17[%get3A_1059, %get3A_1060] {strides = array<i32>} : memref<80x128xf32, #tpu.memory_space<vmem>>, vector<16xf32>,
        %mul3A_1062 = arith.mulf %get3A_1061, %gather3A_1051 : vector<16xf32>
        %swap3A_1063 = arith.index_cast %add3A_1049 : i32 to index
        %swap3A_1064 = arith.constant 16 : index
        %swap3A_1065 = tpu.vector_load %arg17[%swap3A_1063, %swap3A_1064] {strides = array<i32>} : memref<80x128xf32, #tpu.memory_space<vmem>>, vector<16xf32>,
        tpu.vector_store %arg17[%swap3A_1063, %swap3A_1064], %mul3A_1062 {strides = array<i32>} : memref<80x128xf32, #tpu.memory_space<vmem>>, vector<16xf32>,
        %get3A_1066 = arith.index_cast %add3A_1049 : i32 to index
        %get3A_1067 = arith.constant 32 : index
        %get3A_1068 = tpu.vector_load %arg17[%get3A_1066, %get3A_1067] {strides = array<i32>} : memref<80x128xf32, #tpu.memory_space<vmem>>, vector<16xf32>,
        %mul3A_1069 = arith.mulf %get3A_1068, %gather3A_1051 : vector<16xf32>
        %swap3A_1070 = arith.index_cast %add3A_1049 : i32 to index
        %swap3A_1071 = arith.constant 32 : index
        %swap3A_1072 = tpu.vector_load %arg17[%swap3A_1070, %swap3A_1071] {strides = array<i32>} : memref<80x128xf32, #tpu.memory_space<vmem>>, vector<16xf32>,
        tpu.vector_store %arg17[%swap3A_1070, %swap3A_1071], %mul3A_1069 {strides = array<i32>} : memref<80x128xf32, #tpu.memory_space<vmem>>, vector<16xf32>,
        %get3A_1073 = arith.index_cast %add3A_1049 : i32 to index
        %get3A_1074 = arith.constant 48 : index
        %get3A_1075 = tpu.vector_load %arg17[%get3A_1073, %get3A_1074] {strides = array<i32>} : memref<80x128xf32, #tpu.memory_space<vmem>>, vector<16xf32>,
        %mul3A_1076 = arith.mulf %get3A_1075, %gather3A_1051 : vector<16xf32>
        %swap3A_1077 = arith.index_cast %add3A_1049 : i32 to index
        %swap3A_1078 = arith.constant 48 : index
        %swap3A_1079 = tpu.vector_load %arg17[%swap3A_1077, %swap3A_1078] {strides = array<i32>} : memref<80x128xf32, #tpu.memory_space<vmem>>, vector<16xf32>,
        tpu.vector_store %arg17[%swap3A_1077, %swap3A_1078], %mul3A_1076 {strides = array<i32>} : memref<80x128xf32, #tpu.memory_space<vmem>>, vector<16xf32>,
        %get3A_1080 = arith.index_cast %add3A_1049 : i32 to index
        %get3A_1081 = arith.constant 64 : index
        %get3A_1082 = tpu.vector_load %arg17[%get3A_1080, %get3A_1081] {strides = array<i32>} : memref<80x128xf32, #tpu.memory_space<vmem>>, vector<16xf32>,
        %mul3A_1083 = arith.mulf %get3A_1082, %gather3A_1051 : vector<16xf32>
        %swap3A_1084 = arith.index_cast %add3A_1049 : i32 to index
        %swap3A_1085 = arith.constant 64 : index
        %swap3A_1086 = tpu.vector_load %arg17[%swap3A_1084, %swap3A_1085] {strides = array<i32>} : memref<80x128xf32, #tpu.memory_space<vmem>>, vector<16xf32>,
        tpu.vector_store %arg17[%swap3A_1084, %swap3A_1085], %mul3A_1083 {strides = array<i32>} : memref<80x128xf32, #tpu.memory_space<vmem>>, vector<16xf32>,
        %get3A_1087 = arith.index_cast %add3A_1049 : i32 to index
        %get3A_1088 = arith.constant 80 : index
        %get3A_1089 = tpu.vector_load %arg17[%get3A_1087, %get3A_1088] {strides = array<i32>} : memref<80x128xf32, #tpu.memory_space<vmem>>, vector<16xf32>,
        %mul3A_1090 = arith.mulf %get3A_1089, %gather3A_1051 : vector<16xf32>
        %swap3A_1091 = arith.index_cast %add3A_1049 : i32 to index
        %swap3A_1092 = arith.constant 80 : index
        %swap3A_1093 = tpu.vector_load %arg17[%swap3A_1091, %swap3A_1092] {strides = array<i32>} : memref<80x128xf32, #tpu.memory_space<vmem>>, vector<16xf32>,
        tpu.vector_store %arg17[%swap3A_1091, %swap3A_1092], %mul3A_1090 {strides = array<i32>} : memref<80x128xf32, #tpu.memory_space<vmem>>, vector<16xf32>,
        %get3A_1094 = arith.index_cast %add3A_1049 : i32 to index
        %get3A_1095 = arith.constant 96 : index
        %get3A_1096 = tpu.vector_load %arg17[%get3A_1094, %get3A_1095] {strides = array<i32>} : memref<80x128xf32, #tpu.memory_space<vmem>>, vector<16xf32>,
        %mul3A_1097 = arith.mulf %get3A_1096, %gather3A_1051 : vector<16xf32>
        %swap3A_1098 = arith.index_cast %add3A_1049 : i32 to index
        %swap3A_1099 = arith.constant 96 : index
        %swap3A_1100 = tpu.vector_load %arg17[%swap3A_1098, %swap3A_1099] {strides = array<i32>} : memref<80x128xf32, #tpu.memory_space<vmem>>, vector<16xf32>,
        tpu.vector_store %arg17[%swap3A_1098, %swap3A_1099], %mul3A_1097 {strides = array<i32>} : memref<80x128xf32, #tpu.memory_space<vmem>>, vector<16xf32>,
        %get3A_1101 = arith.index_cast %add3A_1049 : i32 to index
        %get3A_1102 = arith.constant 112 : index
        %get3A_1103 = tpu.vector_load %arg17[%get3A_1101, %get3A_1102] {strides = array<i32>} : memref<80x128xf32, #tpu.memory_space<vmem>>, vector<16xf32>,
        %mul3A_1104 = arith.mulf %get3A_1103, %gather3A_1051 : vector<16xf32>
        %swap3A_1105 = arith.index_cast %add3A_1049 : i32 to index
        %swap3A_1106 = arith.constant 112 : index
        %swap3A_1107 = tpu.vector_load %arg17[%swap3A_1105, %swap3A_1106] {strides = array<i32>} : memref<80x128xf32, #tpu.memory_space<vmem>>, vector<16xf32>,
        tpu.vector_store %arg17[%swap3A_1105, %swap3A_1106], %mul3A_1104 {strides = array<i32>} : memref<80x128xf32, #tpu.memory_space<vmem>>, vector<16xf32>,
        %scan3A_1108 = arith.constant 0 : i32
        scf.yield %scan3A_1108 : i32
      }
      %scan3A_686 = arith.constant 20 : i32
      %run_scoped3A_687 = arith.constant 0 : i32
      "tpu.region"() ({
        %run_scoped3A_858 = tpu.sem_alloc : memref<!tpu.dma_semaphore, #tpu.memory_space<semaphore_mem>>
        %dma_start3A_859 = arith.constant 0 : i32
        %dma_start3A_860 = tpu.memref_slice %arg14[%run_scoped3A_687, %dma_start3A_859] : memref<2x80xi32, #tpu.memory_space<vmem>> -> memref<1x80xi32, #tpu.memory_space<vmem>>
        %dma_start3A_861 = tpu.memref_squeeze %dma_start3A_860 : memref<1x80xi32, #tpu.memory_space<vmem>> -> memref<80xi32, #tpu.memory_space<vmem>>
        %dma_start3A_862 = arith.constant 0 : i32
        %dma_start3A_863 = arith.constant 0 : i32
        %dma_start3A_864 = tpu.memref_slice %arg21[%dma_start3A_862, %dma_start3A_863] : memref<10240x128xf32, #tpu.memory_space<vmem_shared>> -> memref<10240x128xf32, #tpu.memory_space<vmem_shared>>
        tpu.enqueue_indirect_dma source(%arg17 : memref<80x128xf32, #tpu.memory_space<vmem>>) target(%dma_start3A_864 : memref<10240x128xf32, #tpu.memory_space<vmem_shared>>) offsets(%dma_start3A_861 : memref<80xi32, #tpu.memory_space<vmem>>) semaphore(%run_scoped3A_858 : memref<!tpu.dma_semaphore, #tpu.memory_space<semaphore_mem>>) {add = true}
        %dma_wait3A_865 = arith.constant 0 : i32
        %dma_wait3A_866 = tpu.memref_slice %arg14[%run_scoped3A_687, %dma_wait3A_865] : memref<2x80xi32, #tpu.memory_space<vmem>> -> memref<1x80xi32, #tpu.memory_space<vmem>>
        %dma_wait3A_867 = tpu.memref_squeeze %dma_wait3A_866 : memref<1x80xi32, #tpu.memory_space<vmem>> -> memref<80xi32, #tpu.memory_space<vmem>>
        %dma_wait3A_868 = arith.constant 0 : i32
        %dma_wait3A_869 = arith.constant 0 : i32
        %dma_wait3A_870 = tpu.memref_slice %arg21[%dma_wait3A_868, %dma_wait3A_869] : memref<10240x128xf32, #tpu.memory_space<vmem_shared>> -> memref<10240x128xf32, #tpu.memory_space<vmem_shared>>
        tpu.wait_indirect_dma semaphore(%run_scoped3A_858 : memref<!tpu.dma_semaphore, #tpu.memory_space<semaphore_mem>>) src(%arg17 : memref<80x128xf32, #tpu.memory_space<vmem>>) dst(%dma_wait3A_870 : memref<10240x128xf32, #tpu.memory_space<vmem_shared>>)
        tpu.yield
      }) : () -> ()
      %run_scoped3A_688 = arith.constant 0 : i32
      "tpu.region"() ({
        %run_scoped3A_858 = tpu.sem_alloc : memref<!tpu.dma_semaphore, #tpu.memory_space<semaphore_mem>>
        %dma_start3A_859 = arith.constant 0 : i32
        %dma_start3A_860 = tpu.memref_slice %arg14[%run_scoped3A_688, %dma_start3A_859] : memref<2x80xi32, #tpu.memory_space<vmem>> -> memref<1x80xi32, #tpu.memory_space<vmem>>
        %dma_start3A_861 = tpu.memref_squeeze %dma_start3A_860 : memref<1x80xi32, #tpu.memory_space<vmem>> -> memref<80xi32, #tpu.memory_space<vmem>>
        %dma_start3A_862 = arith.constant 0 : i32
        %dma_start3A_863 = tpu.memref_slice %arg22[%dma_start3A_862] : memref<10240xf32, #tpu.memory_space<vmem_shared>> -> memref<10240xf32, #tpu.memory_space<vmem_shared>>
        tpu.enqueue_indirect_dma source(%arg16 : memref<80xf32, #tpu.memory_space<vmem>>) target(%dma_start3A_863 : memref<10240xf32, #tpu.memory_space<vmem_shared>>) offsets(%dma_start3A_861 : memref<80xi32, #tpu.memory_space<vmem>>) semaphore(%run_scoped3A_858 : memref<!tpu.dma_semaphore, #tpu.memory_space<semaphore_mem>>) {add = true}
        %dma_wait3A_864 = arith.constant 0 : i32
        %dma_wait3A_865 = tpu.memref_slice %arg14[%run_scoped3A_688, %dma_wait3A_864] : memref<2x80xi32, #tpu.memory_space<vmem>> -> memref<1x80xi32, #tpu.memory_space<vmem>>
        %dma_wait3A_866 = tpu.memref_squeeze %dma_wait3A_865 : memref<1x80xi32, #tpu.memory_space<vmem>> -> memref<80xi32, #tpu.memory_space<vmem>>
        %dma_wait3A_867 = arith.constant 0 : i32
        %dma_wait3A_868 = tpu.memref_slice %arg22[%dma_wait3A_867] : memref<10240xf32, #tpu.memory_space<vmem_shared>> -> memref<10240xf32, #tpu.memory_space<vmem_shared>>
        tpu.wait_indirect_dma semaphore(%run_scoped3A_858 : memref<!tpu.dma_semaphore, #tpu.memory_space<semaphore_mem>>) src(%arg16 : memref<80xf32, #tpu.memory_space<vmem>>) dst(%dma_wait3A_868 : memref<10240xf32, #tpu.memory_space<vmem_shared>>)
        tpu.yield
      }) : () -> ()
      %add3A_689 = arith.constant 2 : i32
      %add3A_690 = arith.addi %add3A_552, %add3A_689 : i32
      %lt3A_691 = arith.constant 125 : i32
      %lt3A_692 = arith.cmpi slt, %add3A_690, %lt3A_691 : i32
      %convert_element_type3A_693 = arith.extui %lt3A_692 : i1 to i32
      %cond3A_694 = arith.constant 0 : i32
      %cond3A_695 = arith.cmpi ne, %convert_element_type3A_693, %cond3A_694 : i32
      scf.if %cond3A_695 {
        %dma_wait3A_858 = arith.constant 0 : i32
        %dma_wait3A_859 = arith.constant 0 : i32
        %dma_wait3A_860 = tpu.memref_slice %arg6[%mul3A_35, %dma_wait3A_858, %dma_wait3A_859] : memref<4000x2x80xi32, #tpu.memory_space<hbm>> -> memref<1x2x80xi32, #tpu.memory_space<hbm>>
        %dma_wait3A_861 = tpu.memref_squeeze %dma_wait3A_860 : memref<1x2x80xi32, #tpu.memory_space<hbm>> -> memref<2x80xi32, #tpu.memory_space<hbm>>
        %dma_wait3A_862 = arith.constant 0 : i32
        %dma_wait3A_863 = arith.constant 0 : i32
        %dma_wait3A_864 = tpu.memref_slice %arg6[%mul3A_35, %dma_wait3A_862, %dma_wait3A_863] : memref<4000x2x80xi32, #tpu.memory_space<hbm>> -> memref<1x2x80xi32, #tpu.memory_space<hbm>>
        %dma_wait3A_865 = tpu.memref_squeeze %dma_wait3A_864 : memref<1x2x80xi32, #tpu.memory_space<hbm>> -> memref<2x80xi32, #tpu.memory_space<hbm>>
        tpu.wait_dma2 semaphore(%arg23 : memref<!tpu.dma_semaphore, #tpu.memory_space<semaphore_mem>>) src(%dma_wait3A_865 : memref<2x80xi32, #tpu.memory_space<hbm>>) dst(%arg12 : memref<2x80xi32, #tpu.memory_space<vmem>>)
        %dma_start3A_866 = arith.constant 1 : i32
        %dma_start3A_867 = arith.constant 0 : i32
        %dma_start3A_868 = tpu.memref_slice %arg12[%dma_start3A_866, %dma_start3A_867] : memref<2x80xi32, #tpu.memory_space<vmem>> -> memref<1x80xi32, #tpu.memory_space<vmem>>
        %dma_start3A_869 = tpu.memref_squeeze %dma_start3A_868 : memref<1x80xi32, #tpu.memory_space<vmem>> -> memref<80xi32, #tpu.memory_space<vmem>>
        %dma_start3A_870 = arith.constant 0 : i32
        %dma_start3A_871 = arith.constant 0 : i32
        %dma_start3A_872 = tpu.memref_slice %arg5[%dma_start3A_870, %dma_start3A_871] : memref<10000x128xf32, #tpu.memory_space<hbm>> -> memref<10000x128xf32, #tpu.memory_space<hbm>>
        tpu.enqueue_indirect_dma source(%dma_start3A_872 : memref<10000x128xf32, #tpu.memory_space<hbm>>) target(%arg17 : memref<80x128xf32, #tpu.memory_space<vmem>>) offsets(%dma_start3A_869 : memref<80xi32, #tpu.memory_space<vmem>>) semaphore(%arg27 : memref<!tpu.dma_semaphore, #tpu.memory_space<semaphore_mem>>)
      } else {
      }
      %add3A_696 = arith.constant 4 : i32
      %add3A_697 = arith.addi %add3A_552, %add3A_696 : i32
      %lt3A_698 = arith.constant 125 : i32
      %lt3A_699 = arith.cmpi slt, %add3A_697, %lt3A_698 : i32
      %convert_element_type3A_700 = arith.extui %lt3A_699 : i1 to i32
      %cond3A_701 = arith.constant 0 : i32
      %cond3A_702 = arith.cmpi ne, %convert_element_type3A_700, %cond3A_701 : i32
      scf.if %cond3A_702 {
        %add3A_858 = arith.constant 4 : i32
        %add3A_859 = arith.addi %add3A_552, %add3A_858 : i32
        %add3A_860 = arith.addi %mul3A_35, %add3A_859 : i32
        %dma_start3A_861 = arith.constant 0 : i32
        %dma_start3A_862 = arith.constant 0 : i32
        %dma_start3A_863 = tpu.memref_slice %arg6[%add3A_860, %dma_start3A_861, %dma_start3A_862] : memref<4000x2x80xi32, #tpu.memory_space<hbm>> -> memref<1x2x80xi32, #tpu.memory_space<hbm>>
        %dma_start3A_864 = tpu.memref_squeeze %dma_start3A_863 : memref<1x2x80xi32, #tpu.memory_space<hbm>> -> memref<2x80xi32, #tpu.memory_space<hbm>>
        %dma_start3A_865 = arith.constant 0 : i32
        %dma_start3A_866 = arith.constant 0 : i32
        %dma_start3A_867 = tpu.memref_slice %arg6[%add3A_860, %dma_start3A_865, %dma_start3A_866] : memref<4000x2x80xi32, #tpu.memory_space<hbm>> -> memref<1x2x80xi32, #tpu.memory_space<hbm>>
        %dma_start3A_868 = tpu.memref_squeeze %dma_start3A_867 : memref<1x2x80xi32, #tpu.memory_space<hbm>> -> memref<2x80xi32, #tpu.memory_space<hbm>>
        tpu.enqueue_dma source(%dma_start3A_868 : memref<2x80xi32, #tpu.memory_space<hbm>>) target(%arg14 : memref<2x80xi32, #tpu.memory_space<vmem>>) target_semaphore(%arg25 : memref<!tpu.dma_semaphore, #tpu.memory_space<semaphore_mem>>)
      } else {
      }
      %mul3A_703 = arith.constant 4 : i32
      %mul3A_704 = arith.muli %scan3A_242, %mul3A_703 : i32
      %add3A_705 = arith.constant 3 : i32
      %add3A_706 = arith.addi %mul3A_704, %add3A_705 : i32
      %dma_wait3A_707 = arith.constant 1 : i32
      %dma_wait3A_708 = arith.constant 0 : i32
      %dma_wait3A_709 = tpu.memref_slice %arg15[%dma_wait3A_707, %dma_wait3A_708] : memref<2x80xi32, #tpu.memory_space<vmem>> -> memref<1x80xi32, #tpu.memory_space<vmem>>
      %dma_wait3A_710 = tpu.memref_squeeze %dma_wait3A_709 : memref<1x80xi32, #tpu.memory_space<vmem>> -> memref<80xi32, #tpu.memory_space<vmem>>
      %dma_wait3A_711 = arith.constant 0 : i32
      %dma_wait3A_712 = arith.constant 0 : i32
      %dma_wait3A_713 = tpu.memref_slice %arg5[%dma_wait3A_711, %dma_wait3A_712] : memref<10000x128xf32, #tpu.memory_space<hbm>> -> memref<10000x128xf32, #tpu.memory_space<hbm>>
      tpu.wait_indirect_dma semaphore(%arg28 : memref<!tpu.dma_semaphore, #tpu.memory_space<semaphore_mem>>) src(%dma_wait3A_713 : memref<10000x128xf32, #tpu.memory_space<hbm>>) dst(%arg19 : memref<80x128xf32, #tpu.memory_space<vmem>>)
      %get3A_714 = arith.constant 0 : i32
      %get3A_715 = arith.index_cast %get3A_714 : i32 to index
      %get3A_716 = arith.constant 0 : index
      %get3A_717 = tpu.vector_load %arg15[%get3A_715, %get3A_716] {strides = array<i32>} : memref<2x80xi32, #tpu.memory_space<vmem>>, vector<16xi32>,
      %get3A_718 = arith.constant 1 : i32
      %get3A_719 = arith.index_cast %get3A_718 : i32 to index
      %get3A_720 = arith.constant 0 : index
      %get3A_721 = tpu.vector_load %arg15[%get3A_719, %get3A_720] {strides = array<i32>} : memref<2x80xi32, #tpu.memory_space<vmem>>, vector<16xi32>,
      %gather3A_722 = tpu.vector_load_idx %arg9[%get3A_717] : memref<10000xf32, #tpu.memory_space<vmem>>[vector<16xi32>], vector<16xf32>,
      %gather3A_723 = tpu.vector_load_idx %arg10[%get3A_721] : memref<10000xf32, #tpu.memory_space<vmem>>[vector<16xi32>], vector<16xf32>,
      %add3A_724 = arith.addf %gather3A_722, %gather3A_723 : vector<16xf32>
      %mul3A_725 = arith.constant 0.00999999977 : f32
      %mul3A_726 = vector.broadcast %mul3A_725 : f32 to vector<16xf32>
      %mul3A_727 = arith.mulf %mul3A_726, %add3A_724 : vector<16xf32>
      %max3A_728 = arith.maximumf %add3A_724, %mul3A_727 : vector<16xf32>
      %add3A_729 = arith.addf %gather3A_722, %get3A_33 : vector<16xf32>
      %mul3A_730 = arith.constant 0.00999999977 : f32
      %mul3A_731 = vector.broadcast %mul3A_730 : f32 to vector<16xf32>
      %mul3A_732 = arith.mulf %mul3A_731, %add3A_729 : vector<16xf32>
      %max3A_733 = arith.maximumf %add3A_729, %mul3A_732 : vector<16xf32>
      %sub3A_734 = arith.subf %max3A_728, %max3A_733 : vector<16xf32>
      %exp3A_735 = math.exp %sub3A_734 : vector<16xf32>
      %swap3A_736 = arith.constant 0 : index
      %swap3A_737 = tpu.vector_load %arg18[%swap3A_736] {strides = array<i32>} : memref<80xf32, #tpu.memory_space<vmem>>, vector<16xf32>,
      tpu.vector_store %arg18[%swap3A_736], %exp3A_735 {strides = array<i32>} : memref<80xf32, #tpu.memory_space<vmem>>, vector<16xf32>,
      %get3A_738 = arith.constant 0 : i32
      %get3A_739 = arith.index_cast %get3A_738 : i32 to index
      %get3A_740 = arith.constant 16 : index
      %get3A_741 = tpu.vector_load %arg15[%get3A_739, %get3A_740] {strides = array<i32>} : memref<2x80xi32, #tpu.memory_space<vmem>>, vector<16xi32>,
      %get3A_742 = arith.constant 1 : i32
      %get3A_743 = arith.index_cast %get3A_742 : i32 to index
      %get3A_744 = arith.constant 16 : index
      %get3A_745 = tpu.vector_load %arg15[%get3A_743, %get3A_744] {strides = array<i32>} : memref<2x80xi32, #tpu.memory_space<vmem>>, vector<16xi32>,
      %gather3A_746 = tpu.vector_load_idx %arg9[%get3A_741] : memref<10000xf32, #tpu.memory_space<vmem>>[vector<16xi32>], vector<16xf32>,
      %gather3A_747 = tpu.vector_load_idx %arg10[%get3A_745] : memref<10000xf32, #tpu.memory_space<vmem>>[vector<16xi32>], vector<16xf32>,
      %add3A_748 = arith.addf %gather3A_746, %gather3A_747 : vector<16xf32>
      %mul3A_749 = arith.constant 0.00999999977 : f32
      %mul3A_750 = vector.broadcast %mul3A_749 : f32 to vector<16xf32>
      %mul3A_751 = arith.mulf %mul3A_750, %add3A_748 : vector<16xf32>
      %max3A_752 = arith.maximumf %add3A_748, %mul3A_751 : vector<16xf32>
      %add3A_753 = arith.addf %gather3A_746, %get3A_33 : vector<16xf32>
      %mul3A_754 = arith.constant 0.00999999977 : f32
      %mul3A_755 = vector.broadcast %mul3A_754 : f32 to vector<16xf32>
      %mul3A_756 = arith.mulf %mul3A_755, %add3A_753 : vector<16xf32>
      %max3A_757 = arith.maximumf %add3A_753, %mul3A_756 : vector<16xf32>
      %sub3A_758 = arith.subf %max3A_752, %max3A_757 : vector<16xf32>
      %exp3A_759 = math.exp %sub3A_758 : vector<16xf32>
      %swap3A_760 = arith.constant 16 : index
      %swap3A_761 = tpu.vector_load %arg18[%swap3A_760] {strides = array<i32>} : memref<80xf32, #tpu.memory_space<vmem>>, vector<16xf32>,
      tpu.vector_store %arg18[%swap3A_760], %exp3A_759 {strides = array<i32>} : memref<80xf32, #tpu.memory_space<vmem>>, vector<16xf32>,
      %get3A_762 = arith.constant 0 : i32
      %get3A_763 = arith.index_cast %get3A_762 : i32 to index
      %get3A_764 = arith.constant 32 : index
      %get3A_765 = tpu.vector_load %arg15[%get3A_763, %get3A_764] {strides = array<i32>} : memref<2x80xi32, #tpu.memory_space<vmem>>, vector<16xi32>,
      %get3A_766 = arith.constant 1 : i32
      %get3A_767 = arith.index_cast %get3A_766 : i32 to index
      %get3A_768 = arith.constant 32 : index
      %get3A_769 = tpu.vector_load %arg15[%get3A_767, %get3A_768] {strides = array<i32>} : memref<2x80xi32, #tpu.memory_space<vmem>>, vector<16xi32>,
      %gather3A_770 = tpu.vector_load_idx %arg9[%get3A_765] : memref<10000xf32, #tpu.memory_space<vmem>>[vector<16xi32>], vector<16xf32>,
      %gather3A_771 = tpu.vector_load_idx %arg10[%get3A_769] : memref<10000xf32, #tpu.memory_space<vmem>>[vector<16xi32>], vector<16xf32>,
      %add3A_772 = arith.addf %gather3A_770, %gather3A_771 : vector<16xf32>
      %mul3A_773 = arith.constant 0.00999999977 : f32
      %mul3A_774 = vector.broadcast %mul3A_773 : f32 to vector<16xf32>
      %mul3A_775 = arith.mulf %mul3A_774, %add3A_772 : vector<16xf32>
      %max3A_776 = arith.maximumf %add3A_772, %mul3A_775 : vector<16xf32>
      %add3A_777 = arith.addf %gather3A_770, %get3A_33 : vector<16xf32>
      %mul3A_778 = arith.constant 0.00999999977 : f32
      %mul3A_779 = vector.broadcast %mul3A_778 : f32 to vector<16xf32>
      %mul3A_780 = arith.mulf %mul3A_779, %add3A_777 : vector<16xf32>
      %max3A_781 = arith.maximumf %add3A_777, %mul3A_780 : vector<16xf32>
      %sub3A_782 = arith.subf %max3A_776, %max3A_781 : vector<16xf32>
      %exp3A_783 = math.exp %sub3A_782 : vector<16xf32>
      %swap3A_784 = arith.constant 32 : index
      %swap3A_785 = tpu.vector_load %arg18[%swap3A_784] {strides = array<i32>} : memref<80xf32, #tpu.memory_space<vmem>>, vector<16xf32>,
      tpu.vector_store %arg18[%swap3A_784], %exp3A_783 {strides = array<i32>} : memref<80xf32, #tpu.memory_space<vmem>>, vector<16xf32>,
      %get3A_786 = arith.constant 0 : i32
      %get3A_787 = arith.index_cast %get3A_786 : i32 to index
      %get3A_788 = arith.constant 48 : index
      %get3A_789 = tpu.vector_load %arg15[%get3A_787, %get3A_788] {strides = array<i32>} : memref<2x80xi32, #tpu.memory_space<vmem>>, vector<16xi32>,
      %get3A_790 = arith.constant 1 : i32
      %get3A_791 = arith.index_cast %get3A_790 : i32 to index
      %get3A_792 = arith.constant 48 : index
      %get3A_793 = tpu.vector_load %arg15[%get3A_791, %get3A_792] {strides = array<i32>} : memref<2x80xi32, #tpu.memory_space<vmem>>, vector<16xi32>,
      %gather3A_794 = tpu.vector_load_idx %arg9[%get3A_789] : memref<10000xf32, #tpu.memory_space<vmem>>[vector<16xi32>], vector<16xf32>,
      %gather3A_795 = tpu.vector_load_idx %arg10[%get3A_793] : memref<10000xf32, #tpu.memory_space<vmem>>[vector<16xi32>], vector<16xf32>,
      %add3A_796 = arith.addf %gather3A_794, %gather3A_795 : vector<16xf32>
      %mul3A_797 = arith.constant 0.00999999977 : f32
      %mul3A_798 = vector.broadcast %mul3A_797 : f32 to vector<16xf32>
      %mul3A_799 = arith.mulf %mul3A_798, %add3A_796 : vector<16xf32>
      %max3A_800 = arith.maximumf %add3A_796, %mul3A_799 : vector<16xf32>
      %add3A_801 = arith.addf %gather3A_794, %get3A_33 : vector<16xf32>
      %mul3A_802 = arith.constant 0.00999999977 : f32
      %mul3A_803 = vector.broadcast %mul3A_802 : f32 to vector<16xf32>
      %mul3A_804 = arith.mulf %mul3A_803, %add3A_801 : vector<16xf32>
      %max3A_805 = arith.maximumf %add3A_801, %mul3A_804 : vector<16xf32>
      %sub3A_806 = arith.subf %max3A_800, %max3A_805 : vector<16xf32>
      %exp3A_807 = math.exp %sub3A_806 : vector<16xf32>
      %swap3A_808 = arith.constant 48 : index
      %swap3A_809 = tpu.vector_load %arg18[%swap3A_808] {strides = array<i32>} : memref<80xf32, #tpu.memory_space<vmem>>, vector<16xf32>,
      tpu.vector_store %arg18[%swap3A_808], %exp3A_807 {strides = array<i32>} : memref<80xf32, #tpu.memory_space<vmem>>, vector<16xf32>,
      %get3A_810 = arith.constant 0 : i32
      %get3A_811 = arith.index_cast %get3A_810 : i32 to index
      %get3A_812 = arith.constant 64 : index
      %get3A_813 = tpu.vector_load %arg15[%get3A_811, %get3A_812] {strides = array<i32>} : memref<2x80xi32, #tpu.memory_space<vmem>>, vector<16xi32>,
      %get3A_814 = arith.constant 1 : i32
      %get3A_815 = arith.index_cast %get3A_814 : i32 to index
      %get3A_816 = arith.constant 64 : index
      %get3A_817 = tpu.vector_load %arg15[%get3A_815, %get3A_816] {strides = array<i32>} : memref<2x80xi32, #tpu.memory_space<vmem>>, vector<16xi32>,
      %gather3A_818 = tpu.vector_load_idx %arg9[%get3A_813] : memref<10000xf32, #tpu.memory_space<vmem>>[vector<16xi32>], vector<16xf32>,
      %gather3A_819 = tpu.vector_load_idx %arg10[%get3A_817] : memref<10000xf32, #tpu.memory_space<vmem>>[vector<16xi32>], vector<16xf32>,
      %add3A_820 = arith.addf %gather3A_818, %gather3A_819 : vector<16xf32>
      %mul3A_821 = arith.constant 0.00999999977 : f32
      %mul3A_822 = vector.broadcast %mul3A_821 : f32 to vector<16xf32>
      %mul3A_823 = arith.mulf %mul3A_822, %add3A_820 : vector<16xf32>
      %max3A_824 = arith.maximumf %add3A_820, %mul3A_823 : vector<16xf32>
      %add3A_825 = arith.addf %gather3A_818, %get3A_33 : vector<16xf32>
      %mul3A_826 = arith.constant 0.00999999977 : f32
      %mul3A_827 = vector.broadcast %mul3A_826 : f32 to vector<16xf32>
      %mul3A_828 = arith.mulf %mul3A_827, %add3A_825 : vector<16xf32>
      %max3A_829 = arith.maximumf %add3A_825, %mul3A_828 : vector<16xf32>
      %sub3A_830 = arith.subf %max3A_824, %max3A_829 : vector<16xf32>
      %exp3A_831 = math.exp %sub3A_830 : vector<16xf32>
      %swap3A_832 = arith.constant 64 : index
      %swap3A_833 = tpu.vector_load %arg18[%swap3A_832] {strides = array<i32>} : memref<80xf32, #tpu.memory_space<vmem>>, vector<16xf32>,
      tpu.vector_store %arg18[%swap3A_832], %exp3A_831 {strides = array<i32>} : memref<80xf32, #tpu.memory_space<vmem>>, vector<16xf32>,
      %scan3A_834 = arith.constant 0 : i32
      %scan3A_835 = arith.constant 0 : i32
      %scan3A_836 = arith.constant 20 : i32
      %scan3A_837 = arith.addi %scan3A_835, %scan3A_836 : i32
      %scan3A_838 = arith.constant 1 : i32
      %scan3A_839 = scf.for %scan3A_858 = %scan3A_835 to %scan3A_837 step %scan3A_838 iter_args(%scan3A_859 = %scan3A_834) -> (i32)  : i32 {
        %mul3A_860 = arith.constant 4 : i32
        %mul3A_861 = arith.muli %scan3A_858, %mul3A_860 : i32
        %add3A_862 = arith.constant 0 : i32
        %add3A_863 = arith.addi %mul3A_861, %add3A_862 : i32
        %broadcast_in_dim3A_864 = vector.broadcast %add3A_863 : i32 to vector<16xi32>
        %gather3A_865 = tpu.vector_load_idx %arg18[%broadcast_in_dim3A_864] : memref<80xf32, #tpu.memory_space<vmem>>[vector<16xi32>], vector<16xf32>,
        %get3A_866 = arith.index_cast %add3A_863 : i32 to index
        %get3A_867 = arith.constant 0 : index
        %get3A_868 = tpu.vector_load %arg19[%get3A_866, %get3A_867] {strides = array<i32>} : memref<80x128xf32, #tpu.memory_space<vmem>>, vector<16xf32>,
        %mul3A_869 = arith.mulf %get3A_868, %gather3A_865 : vector<16xf32>
        %swap3A_870 = arith.index_cast %add3A_863 : i32 to index
        %swap3A_871 = arith.constant 0 : index
        %swap3A_872 = tpu.vector_load %arg19[%swap3A_870, %swap3A_871] {strides = array<i32>} : memref<80x128xf32, #tpu.memory_space<vmem>>, vector<16xf32>,
        tpu.vector_store %arg19[%swap3A_870, %swap3A_871], %mul3A_869 {strides = array<i32>} : memref<80x128xf32, #tpu.memory_space<vmem>>, vector<16xf32>,
        %get3A_873 = arith.index_cast %add3A_863 : i32 to index
        %get3A_874 = arith.constant 16 : index
        %get3A_875 = tpu.vector_load %arg19[%get3A_873, %get3A_874] {strides = array<i32>} : memref<80x128xf32, #tpu.memory_space<vmem>>, vector<16xf32>,
        %mul3A_876 = arith.mulf %get3A_875, %gather3A_865 : vector<16xf32>
        %swap3A_877 = arith.index_cast %add3A_863 : i32 to index
        %swap3A_878 = arith.constant 16 : index
        %swap3A_879 = tpu.vector_load %arg19[%swap3A_877, %swap3A_878] {strides = array<i32>} : memref<80x128xf32, #tpu.memory_space<vmem>>, vector<16xf32>,
        tpu.vector_store %arg19[%swap3A_877, %swap3A_878], %mul3A_876 {strides = array<i32>} : memref<80x128xf32, #tpu.memory_space<vmem>>, vector<16xf32>,
        %get3A_880 = arith.index_cast %add3A_863 : i32 to index
        %get3A_881 = arith.constant 32 : index
        %get3A_882 = tpu.vector_load %arg19[%get3A_880, %get3A_881] {strides = array<i32>} : memref<80x128xf32, #tpu.memory_space<vmem>>, vector<16xf32>,
        %mul3A_883 = arith.mulf %get3A_882, %gather3A_865 : vector<16xf32>
        %swap3A_884 = arith.index_cast %add3A_863 : i32 to index
        %swap3A_885 = arith.constant 32 : index
        %swap3A_886 = tpu.vector_load %arg19[%swap3A_884, %swap3A_885] {strides = array<i32>} : memref<80x128xf32, #tpu.memory_space<vmem>>, vector<16xf32>,
        tpu.vector_store %arg19[%swap3A_884, %swap3A_885], %mul3A_883 {strides = array<i32>} : memref<80x128xf32, #tpu.memory_space<vmem>>, vector<16xf32>,
        %get3A_887 = arith.index_cast %add3A_863 : i32 to index
        %get3A_888 = arith.constant 48 : index
        %get3A_889 = tpu.vector_load %arg19[%get3A_887, %get3A_888] {strides = array<i32>} : memref<80x128xf32, #tpu.memory_space<vmem>>, vector<16xf32>,
        %mul3A_890 = arith.mulf %get3A_889, %gather3A_865 : vector<16xf32>
        %swap3A_891 = arith.index_cast %add3A_863 : i32 to index
        %swap3A_892 = arith.constant 48 : index
        %swap3A_893 = tpu.vector_load %arg19[%swap3A_891, %swap3A_892] {strides = array<i32>} : memref<80x128xf32, #tpu.memory_space<vmem>>, vector<16xf32>,
        tpu.vector_store %arg19[%swap3A_891, %swap3A_892], %mul3A_890 {strides = array<i32>} : memref<80x128xf32, #tpu.memory_space<vmem>>, vector<16xf32>,
        %get3A_894 = arith.index_cast %add3A_863 : i32 to index
        %get3A_895 = arith.constant 64 : index
        %get3A_896 = tpu.vector_load %arg19[%get3A_894, %get3A_895] {strides = array<i32>} : memref<80x128xf32, #tpu.memory_space<vmem>>, vector<16xf32>,
        %mul3A_897 = arith.mulf %get3A_896, %gather3A_865 : vector<16xf32>
        %swap3A_898 = arith.index_cast %add3A_863 : i32 to index
        %swap3A_899 = arith.constant 64 : index
        %swap3A_900 = tpu.vector_load %arg19[%swap3A_898, %swap3A_899] {strides = array<i32>} : memref<80x128xf32, #tpu.memory_space<vmem>>, vector<16xf32>,
        tpu.vector_store %arg19[%swap3A_898, %swap3A_899], %mul3A_897 {strides = array<i32>} : memref<80x128xf32, #tpu.memory_space<vmem>>, vector<16xf32>,
        %get3A_901 = arith.index_cast %add3A_863 : i32 to index
        %get3A_902 = arith.constant 80 : index
        %get3A_903 = tpu.vector_load %arg19[%get3A_901, %get3A_902] {strides = array<i32>} : memref<80x128xf32, #tpu.memory_space<vmem>>, vector<16xf32>,
        %mul3A_904 = arith.mulf %get3A_903, %gather3A_865 : vector<16xf32>
        %swap3A_905 = arith.index_cast %add3A_863 : i32 to index
        %swap3A_906 = arith.constant 80 : index
        %swap3A_907 = tpu.vector_load %arg19[%swap3A_905, %swap3A_906] {strides = array<i32>} : memref<80x128xf32, #tpu.memory_space<vmem>>, vector<16xf32>,
        tpu.vector_store %arg19[%swap3A_905, %swap3A_906], %mul3A_904 {strides = array<i32>} : memref<80x128xf32, #tpu.memory_space<vmem>>, vector<16xf32>,
        %get3A_908 = arith.index_cast %add3A_863 : i32 to index
        %get3A_909 = arith.constant 96 : index
        %get3A_910 = tpu.vector_load %arg19[%get3A_908, %get3A_909] {strides = array<i32>} : memref<80x128xf32, #tpu.memory_space<vmem>>, vector<16xf32>,
        %mul3A_911 = arith.mulf %get3A_910, %gather3A_865 : vector<16xf32>
        %swap3A_912 = arith.index_cast %add3A_863 : i32 to index
        %swap3A_913 = arith.constant 96 : index
        %swap3A_914 = tpu.vector_load %arg19[%swap3A_912, %swap3A_913] {strides = array<i32>} : memref<80x128xf32, #tpu.memory_space<vmem>>, vector<16xf32>,
        tpu.vector_store %arg19[%swap3A_912, %swap3A_913], %mul3A_911 {strides = array<i32>} : memref<80x128xf32, #tpu.memory_space<vmem>>, vector<16xf32>,
        %get3A_915 = arith.index_cast %add3A_863 : i32 to index
        %get3A_916 = arith.constant 112 : index
        %get3A_917 = tpu.vector_load %arg19[%get3A_915, %get3A_916] {strides = array<i32>} : memref<80x128xf32, #tpu.memory_space<vmem>>, vector<16xf32>,
        %mul3A_918 = arith.mulf %get3A_917, %gather3A_865 : vector<16xf32>
        %swap3A_919 = arith.index_cast %add3A_863 : i32 to index
        %swap3A_920 = arith.constant 112 : index
        %swap3A_921 = tpu.vector_load %arg19[%swap3A_919, %swap3A_920] {strides = array<i32>} : memref<80x128xf32, #tpu.memory_space<vmem>>, vector<16xf32>,
        tpu.vector_store %arg19[%swap3A_919, %swap3A_920], %mul3A_918 {strides = array<i32>} : memref<80x128xf32, #tpu.memory_space<vmem>>, vector<16xf32>,
        %mul3A_922 = arith.constant 4 : i32
        %mul3A_923 = arith.muli %scan3A_858, %mul3A_922 : i32
        %add3A_924 = arith.constant 1 : i32
        %add3A_925 = arith.addi %mul3A_923, %add3A_924 : i32
        %broadcast_in_dim3A_926 = vector.broadcast %add3A_925 : i32 to vector<16xi32>
        %gather3A_927 = tpu.vector_load_idx %arg18[%broadcast_in_dim3A_926] : memref<80xf32, #tpu.memory_space<vmem>>[vector<16xi32>], vector<16xf32>,
        %get3A_928 = arith.index_cast %add3A_925 : i32 to index
        %get3A_929 = arith.constant 0 : index
        %get3A_930 = tpu.vector_load %arg19[%get3A_928, %get3A_929] {strides = array<i32>} : memref<80x128xf32, #tpu.memory_space<vmem>>, vector<16xf32>,
        %mul3A_931 = arith.mulf %get3A_930, %gather3A_927 : vector<16xf32>
        %swap3A_932 = arith.index_cast %add3A_925 : i32 to index
        %swap3A_933 = arith.constant 0 : index
        %swap3A_934 = tpu.vector_load %arg19[%swap3A_932, %swap3A_933] {strides = array<i32>} : memref<80x128xf32, #tpu.memory_space<vmem>>, vector<16xf32>,
        tpu.vector_store %arg19[%swap3A_932, %swap3A_933], %mul3A_931 {strides = array<i32>} : memref<80x128xf32, #tpu.memory_space<vmem>>, vector<16xf32>,
        %get3A_935 = arith.index_cast %add3A_925 : i32 to index
        %get3A_936 = arith.constant 16 : index
        %get3A_937 = tpu.vector_load %arg19[%get3A_935, %get3A_936] {strides = array<i32>} : memref<80x128xf32, #tpu.memory_space<vmem>>, vector<16xf32>,
        %mul3A_938 = arith.mulf %get3A_937, %gather3A_927 : vector<16xf32>
        %swap3A_939 = arith.index_cast %add3A_925 : i32 to index
        %swap3A_940 = arith.constant 16 : index
        %swap3A_941 = tpu.vector_load %arg19[%swap3A_939, %swap3A_940] {strides = array<i32>} : memref<80x128xf32, #tpu.memory_space<vmem>>, vector<16xf32>,
        tpu.vector_store %arg19[%swap3A_939, %swap3A_940], %mul3A_938 {strides = array<i32>} : memref<80x128xf32, #tpu.memory_space<vmem>>, vector<16xf32>,
        %get3A_942 = arith.index_cast %add3A_925 : i32 to index
        %get3A_943 = arith.constant 32 : index
        %get3A_944 = tpu.vector_load %arg19[%get3A_942, %get3A_943] {strides = array<i32>} : memref<80x128xf32, #tpu.memory_space<vmem>>, vector<16xf32>,
        %mul3A_945 = arith.mulf %get3A_944, %gather3A_927 : vector<16xf32>
        %swap3A_946 = arith.index_cast %add3A_925 : i32 to index
        %swap3A_947 = arith.constant 32 : index
        %swap3A_948 = tpu.vector_load %arg19[%swap3A_946, %swap3A_947] {strides = array<i32>} : memref<80x128xf32, #tpu.memory_space<vmem>>, vector<16xf32>,
        tpu.vector_store %arg19[%swap3A_946, %swap3A_947], %mul3A_945 {strides = array<i32>} : memref<80x128xf32, #tpu.memory_space<vmem>>, vector<16xf32>,
        %get3A_949 = arith.index_cast %add3A_925 : i32 to index
        %get3A_950 = arith.constant 48 : index
        %get3A_951 = tpu.vector_load %arg19[%get3A_949, %get3A_950] {strides = array<i32>} : memref<80x128xf32, #tpu.memory_space<vmem>>, vector<16xf32>,
        %mul3A_952 = arith.mulf %get3A_951, %gather3A_927 : vector<16xf32>
        %swap3A_953 = arith.index_cast %add3A_925 : i32 to index
        %swap3A_954 = arith.constant 48 : index
        %swap3A_955 = tpu.vector_load %arg19[%swap3A_953, %swap3A_954] {strides = array<i32>} : memref<80x128xf32, #tpu.memory_space<vmem>>, vector<16xf32>,
        tpu.vector_store %arg19[%swap3A_953, %swap3A_954], %mul3A_952 {strides = array<i32>} : memref<80x128xf32, #tpu.memory_space<vmem>>, vector<16xf32>,
        %get3A_956 = arith.index_cast %add3A_925 : i32 to index
        %get3A_957 = arith.constant 64 : index
        %get3A_958 = tpu.vector_load %arg19[%get3A_956, %get3A_957] {strides = array<i32>} : memref<80x128xf32, #tpu.memory_space<vmem>>, vector<16xf32>,
        %mul3A_959 = arith.mulf %get3A_958, %gather3A_927 : vector<16xf32>
        %swap3A_960 = arith.index_cast %add3A_925 : i32 to index
        %swap3A_961 = arith.constant 64 : index
        %swap3A_962 = tpu.vector_load %arg19[%swap3A_960, %swap3A_961] {strides = array<i32>} : memref<80x128xf32, #tpu.memory_space<vmem>>, vector<16xf32>,
        tpu.vector_store %arg19[%swap3A_960, %swap3A_961], %mul3A_959 {strides = array<i32>} : memref<80x128xf32, #tpu.memory_space<vmem>>, vector<16xf32>,
        %get3A_963 = arith.index_cast %add3A_925 : i32 to index
        %get3A_964 = arith.constant 80 : index
        %get3A_965 = tpu.vector_load %arg19[%get3A_963, %get3A_964] {strides = array<i32>} : memref<80x128xf32, #tpu.memory_space<vmem>>, vector<16xf32>,
        %mul3A_966 = arith.mulf %get3A_965, %gather3A_927 : vector<16xf32>
        %swap3A_967 = arith.index_cast %add3A_925 : i32 to index
        %swap3A_968 = arith.constant 80 : index
        %swap3A_969 = tpu.vector_load %arg19[%swap3A_967, %swap3A_968] {strides = array<i32>} : memref<80x128xf32, #tpu.memory_space<vmem>>, vector<16xf32>,
        tpu.vector_store %arg19[%swap3A_967, %swap3A_968], %mul3A_966 {strides = array<i32>} : memref<80x128xf32, #tpu.memory_space<vmem>>, vector<16xf32>,
        %get3A_970 = arith.index_cast %add3A_925 : i32 to index
        %get3A_971 = arith.constant 96 : index
        %get3A_972 = tpu.vector_load %arg19[%get3A_970, %get3A_971] {strides = array<i32>} : memref<80x128xf32, #tpu.memory_space<vmem>>, vector<16xf32>,
        %mul3A_973 = arith.mulf %get3A_972, %gather3A_927 : vector<16xf32>
        %swap3A_974 = arith.index_cast %add3A_925 : i32 to index
        %swap3A_975 = arith.constant 96 : index
        %swap3A_976 = tpu.vector_load %arg19[%swap3A_974, %swap3A_975] {strides = array<i32>} : memref<80x128xf32, #tpu.memory_space<vmem>>, vector<16xf32>,
        tpu.vector_store %arg19[%swap3A_974, %swap3A_975], %mul3A_973 {strides = array<i32>} : memref<80x128xf32, #tpu.memory_space<vmem>>, vector<16xf32>,
        %get3A_977 = arith.index_cast %add3A_925 : i32 to index
        %get3A_978 = arith.constant 112 : index
        %get3A_979 = tpu.vector_load %arg19[%get3A_977, %get3A_978] {strides = array<i32>} : memref<80x128xf32, #tpu.memory_space<vmem>>, vector<16xf32>,
        %mul3A_980 = arith.mulf %get3A_979, %gather3A_927 : vector<16xf32>
        %swap3A_981 = arith.index_cast %add3A_925 : i32 to index
        %swap3A_982 = arith.constant 112 : index
        %swap3A_983 = tpu.vector_load %arg19[%swap3A_981, %swap3A_982] {strides = array<i32>} : memref<80x128xf32, #tpu.memory_space<vmem>>, vector<16xf32>,
        tpu.vector_store %arg19[%swap3A_981, %swap3A_982], %mul3A_980 {strides = array<i32>} : memref<80x128xf32, #tpu.memory_space<vmem>>, vector<16xf32>,
        %mul3A_984 = arith.constant 4 : i32
        %mul3A_985 = arith.muli %scan3A_858, %mul3A_984 : i32
        %add3A_986 = arith.constant 2 : i32
        %add3A_987 = arith.addi %mul3A_985, %add3A_986 : i32
        %broadcast_in_dim3A_988 = vector.broadcast %add3A_987 : i32 to vector<16xi32>
        %gather3A_989 = tpu.vector_load_idx %arg18[%broadcast_in_dim3A_988] : memref<80xf32, #tpu.memory_space<vmem>>[vector<16xi32>], vector<16xf32>,
        %get3A_990 = arith.index_cast %add3A_987 : i32 to index
        %get3A_991 = arith.constant 0 : index
        %get3A_992 = tpu.vector_load %arg19[%get3A_990, %get3A_991] {strides = array<i32>} : memref<80x128xf32, #tpu.memory_space<vmem>>, vector<16xf32>,
        %mul3A_993 = arith.mulf %get3A_992, %gather3A_989 : vector<16xf32>
        %swap3A_994 = arith.index_cast %add3A_987 : i32 to index
        %swap3A_995 = arith.constant 0 : index
        %swap3A_996 = tpu.vector_load %arg19[%swap3A_994, %swap3A_995] {strides = array<i32>} : memref<80x128xf32, #tpu.memory_space<vmem>>, vector<16xf32>,
        tpu.vector_store %arg19[%swap3A_994, %swap3A_995], %mul3A_993 {strides = array<i32>} : memref<80x128xf32, #tpu.memory_space<vmem>>, vector<16xf32>,
        %get3A_997 = arith.index_cast %add3A_987 : i32 to index
        %get3A_998 = arith.constant 16 : index
        %get3A_999 = tpu.vector_load %arg19[%get3A_997, %get3A_998] {strides = array<i32>} : memref<80x128xf32, #tpu.memory_space<vmem>>, vector<16xf32>,
        %mul3A_1000 = arith.mulf %get3A_999, %gather3A_989 : vector<16xf32>
        %swap3A_1001 = arith.index_cast %add3A_987 : i32 to index
        %swap3A_1002 = arith.constant 16 : index
        %swap3A_1003 = tpu.vector_load %arg19[%swap3A_1001, %swap3A_1002] {strides = array<i32>} : memref<80x128xf32, #tpu.memory_space<vmem>>, vector<16xf32>,
        tpu.vector_store %arg19[%swap3A_1001, %swap3A_1002], %mul3A_1000 {strides = array<i32>} : memref<80x128xf32, #tpu.memory_space<vmem>>, vector<16xf32>,
        %get3A_1004 = arith.index_cast %add3A_987 : i32 to index
        %get3A_1005 = arith.constant 32 : index
        %get3A_1006 = tpu.vector_load %arg19[%get3A_1004, %get3A_1005] {strides = array<i32>} : memref<80x128xf32, #tpu.memory_space<vmem>>, vector<16xf32>,
        %mul3A_1007 = arith.mulf %get3A_1006, %gather3A_989 : vector<16xf32>
        %swap3A_1008 = arith.index_cast %add3A_987 : i32 to index
        %swap3A_1009 = arith.constant 32 : index
        %swap3A_1010 = tpu.vector_load %arg19[%swap3A_1008, %swap3A_1009] {strides = array<i32>} : memref<80x128xf32, #tpu.memory_space<vmem>>, vector<16xf32>,
        tpu.vector_store %arg19[%swap3A_1008, %swap3A_1009], %mul3A_1007 {strides = array<i32>} : memref<80x128xf32, #tpu.memory_space<vmem>>, vector<16xf32>,
        %get3A_1011 = arith.index_cast %add3A_987 : i32 to index
        %get3A_1012 = arith.constant 48 : index
        %get3A_1013 = tpu.vector_load %arg19[%get3A_1011, %get3A_1012] {strides = array<i32>} : memref<80x128xf32, #tpu.memory_space<vmem>>, vector<16xf32>,
        %mul3A_1014 = arith.mulf %get3A_1013, %gather3A_989 : vector<16xf32>
        %swap3A_1015 = arith.index_cast %add3A_987 : i32 to index
        %swap3A_1016 = arith.constant 48 : index
        %swap3A_1017 = tpu.vector_load %arg19[%swap3A_1015, %swap3A_1016] {strides = array<i32>} : memref<80x128xf32, #tpu.memory_space<vmem>>, vector<16xf32>,
        tpu.vector_store %arg19[%swap3A_1015, %swap3A_1016], %mul3A_1014 {strides = array<i32>} : memref<80x128xf32, #tpu.memory_space<vmem>>, vector<16xf32>,
        %get3A_1018 = arith.index_cast %add3A_987 : i32 to index
        %get3A_1019 = arith.constant 64 : index
        %get3A_1020 = tpu.vector_load %arg19[%get3A_1018, %get3A_1019] {strides = array<i32>} : memref<80x128xf32, #tpu.memory_space<vmem>>, vector<16xf32>,
        %mul3A_1021 = arith.mulf %get3A_1020, %gather3A_989 : vector<16xf32>
        %swap3A_1022 = arith.index_cast %add3A_987 : i32 to index
        %swap3A_1023 = arith.constant 64 : index
        %swap3A_1024 = tpu.vector_load %arg19[%swap3A_1022, %swap3A_1023] {strides = array<i32>} : memref<80x128xf32, #tpu.memory_space<vmem>>, vector<16xf32>,
        tpu.vector_store %arg19[%swap3A_1022, %swap3A_1023], %mul3A_1021 {strides = array<i32>} : memref<80x128xf32, #tpu.memory_space<vmem>>, vector<16xf32>,
        %get3A_1025 = arith.index_cast %add3A_987 : i32 to index
        %get3A_1026 = arith.constant 80 : index
        %get3A_1027 = tpu.vector_load %arg19[%get3A_1025, %get3A_1026] {strides = array<i32>} : memref<80x128xf32, #tpu.memory_space<vmem>>, vector<16xf32>,
        %mul3A_1028 = arith.mulf %get3A_1027, %gather3A_989 : vector<16xf32>
        %swap3A_1029 = arith.index_cast %add3A_987 : i32 to index
        %swap3A_1030 = arith.constant 80 : index
        %swap3A_1031 = tpu.vector_load %arg19[%swap3A_1029, %swap3A_1030] {strides = array<i32>} : memref<80x128xf32, #tpu.memory_space<vmem>>, vector<16xf32>,
        tpu.vector_store %arg19[%swap3A_1029, %swap3A_1030], %mul3A_1028 {strides = array<i32>} : memref<80x128xf32, #tpu.memory_space<vmem>>, vector<16xf32>,
        %get3A_1032 = arith.index_cast %add3A_987 : i32 to index
        %get3A_1033 = arith.constant 96 : index
        %get3A_1034 = tpu.vector_load %arg19[%get3A_1032, %get3A_1033] {strides = array<i32>} : memref<80x128xf32, #tpu.memory_space<vmem>>, vector<16xf32>,
        %mul3A_1035 = arith.mulf %get3A_1034, %gather3A_989 : vector<16xf32>
        %swap3A_1036 = arith.index_cast %add3A_987 : i32 to index
        %swap3A_1037 = arith.constant 96 : index
        %swap3A_1038 = tpu.vector_load %arg19[%swap3A_1036, %swap3A_1037] {strides = array<i32>} : memref<80x128xf32, #tpu.memory_space<vmem>>, vector<16xf32>,
        tpu.vector_store %arg19[%swap3A_1036, %swap3A_1037], %mul3A_1035 {strides = array<i32>} : memref<80x128xf32, #tpu.memory_space<vmem>>, vector<16xf32>,
        %get3A_1039 = arith.index_cast %add3A_987 : i32 to index
        %get3A_1040 = arith.constant 112 : index
        %get3A_1041 = tpu.vector_load %arg19[%get3A_1039, %get3A_1040] {strides = array<i32>} : memref<80x128xf32, #tpu.memory_space<vmem>>, vector<16xf32>,
        %mul3A_1042 = arith.mulf %get3A_1041, %gather3A_989 : vector<16xf32>
        %swap3A_1043 = arith.index_cast %add3A_987 : i32 to index
        %swap3A_1044 = arith.constant 112 : index
        %swap3A_1045 = tpu.vector_load %arg19[%swap3A_1043, %swap3A_1044] {strides = array<i32>} : memref<80x128xf32, #tpu.memory_space<vmem>>, vector<16xf32>,
        tpu.vector_store %arg19[%swap3A_1043, %swap3A_1044], %mul3A_1042 {strides = array<i32>} : memref<80x128xf32, #tpu.memory_space<vmem>>, vector<16xf32>,
        %mul3A_1046 = arith.constant 4 : i32
        %mul3A_1047 = arith.muli %scan3A_858, %mul3A_1046 : i32
        %add3A_1048 = arith.constant 3 : i32
        %add3A_1049 = arith.addi %mul3A_1047, %add3A_1048 : i32
        %broadcast_in_dim3A_1050 = vector.broadcast %add3A_1049 : i32 to vector<16xi32>
        %gather3A_1051 = tpu.vector_load_idx %arg18[%broadcast_in_dim3A_1050] : memref<80xf32, #tpu.memory_space<vmem>>[vector<16xi32>], vector<16xf32>,
        %get3A_1052 = arith.index_cast %add3A_1049 : i32 to index
        %get3A_1053 = arith.constant 0 : index
        %get3A_1054 = tpu.vector_load %arg19[%get3A_1052, %get3A_1053] {strides = array<i32>} : memref<80x128xf32, #tpu.memory_space<vmem>>, vector<16xf32>,
        %mul3A_1055 = arith.mulf %get3A_1054, %gather3A_1051 : vector<16xf32>
        %swap3A_1056 = arith.index_cast %add3A_1049 : i32 to index
        %swap3A_1057 = arith.constant 0 : index
        %swap3A_1058 = tpu.vector_load %arg19[%swap3A_1056, %swap3A_1057] {strides = array<i32>} : memref<80x128xf32, #tpu.memory_space<vmem>>, vector<16xf32>,
        tpu.vector_store %arg19[%swap3A_1056, %swap3A_1057], %mul3A_1055 {strides = array<i32>} : memref<80x128xf32, #tpu.memory_space<vmem>>, vector<16xf32>,
        %get3A_1059 = arith.index_cast %add3A_1049 : i32 to index
        %get3A_1060 = arith.constant 16 : index
        %get3A_1061 = tpu.vector_load %arg19[%get3A_1059, %get3A_1060] {strides = array<i32>} : memref<80x128xf32, #tpu.memory_space<vmem>>, vector<16xf32>,
        %mul3A_1062 = arith.mulf %get3A_1061, %gather3A_1051 : vector<16xf32>
        %swap3A_1063 = arith.index_cast %add3A_1049 : i32 to index
        %swap3A_1064 = arith.constant 16 : index
        %swap3A_1065 = tpu.vector_load %arg19[%swap3A_1063, %swap3A_1064] {strides = array<i32>} : memref<80x128xf32, #tpu.memory_space<vmem>>, vector<16xf32>,
        tpu.vector_store %arg19[%swap3A_1063, %swap3A_1064], %mul3A_1062 {strides = array<i32>} : memref<80x128xf32, #tpu.memory_space<vmem>>, vector<16xf32>,
        %get3A_1066 = arith.index_cast %add3A_1049 : i32 to index
        %get3A_1067 = arith.constant 32 : index
        %get3A_1068 = tpu.vector_load %arg19[%get3A_1066, %get3A_1067] {strides = array<i32>} : memref<80x128xf32, #tpu.memory_space<vmem>>, vector<16xf32>,
        %mul3A_1069 = arith.mulf %get3A_1068, %gather3A_1051 : vector<16xf32>
        %swap3A_1070 = arith.index_cast %add3A_1049 : i32 to index
        %swap3A_1071 = arith.constant 32 : index
        %swap3A_1072 = tpu.vector_load %arg19[%swap3A_1070, %swap3A_1071] {strides = array<i32>} : memref<80x128xf32, #tpu.memory_space<vmem>>, vector<16xf32>,
        tpu.vector_store %arg19[%swap3A_1070, %swap3A_1071], %mul3A_1069 {strides = array<i32>} : memref<80x128xf32, #tpu.memory_space<vmem>>, vector<16xf32>,
        %get3A_1073 = arith.index_cast %add3A_1049 : i32 to index
        %get3A_1074 = arith.constant 48 : index
        %get3A_1075 = tpu.vector_load %arg19[%get3A_1073, %get3A_1074] {strides = array<i32>} : memref<80x128xf32, #tpu.memory_space<vmem>>, vector<16xf32>,
        %mul3A_1076 = arith.mulf %get3A_1075, %gather3A_1051 : vector<16xf32>
        %swap3A_1077 = arith.index_cast %add3A_1049 : i32 to index
        %swap3A_1078 = arith.constant 48 : index
        %swap3A_1079 = tpu.vector_load %arg19[%swap3A_1077, %swap3A_1078] {strides = array<i32>} : memref<80x128xf32, #tpu.memory_space<vmem>>, vector<16xf32>,
        tpu.vector_store %arg19[%swap3A_1077, %swap3A_1078], %mul3A_1076 {strides = array<i32>} : memref<80x128xf32, #tpu.memory_space<vmem>>, vector<16xf32>,
        %get3A_1080 = arith.index_cast %add3A_1049 : i32 to index
        %get3A_1081 = arith.constant 64 : index
        %get3A_1082 = tpu.vector_load %arg19[%get3A_1080, %get3A_1081] {strides = array<i32>} : memref<80x128xf32, #tpu.memory_space<vmem>>, vector<16xf32>,
        %mul3A_1083 = arith.mulf %get3A_1082, %gather3A_1051 : vector<16xf32>
        %swap3A_1084 = arith.index_cast %add3A_1049 : i32 to index
        %swap3A_1085 = arith.constant 64 : index
        %swap3A_1086 = tpu.vector_load %arg19[%swap3A_1084, %swap3A_1085] {strides = array<i32>} : memref<80x128xf32, #tpu.memory_space<vmem>>, vector<16xf32>,
        tpu.vector_store %arg19[%swap3A_1084, %swap3A_1085], %mul3A_1083 {strides = array<i32>} : memref<80x128xf32, #tpu.memory_space<vmem>>, vector<16xf32>,
        %get3A_1087 = arith.index_cast %add3A_1049 : i32 to index
        %get3A_1088 = arith.constant 80 : index
        %get3A_1089 = tpu.vector_load %arg19[%get3A_1087, %get3A_1088] {strides = array<i32>} : memref<80x128xf32, #tpu.memory_space<vmem>>, vector<16xf32>,
        %mul3A_1090 = arith.mulf %get3A_1089, %gather3A_1051 : vector<16xf32>
        %swap3A_1091 = arith.index_cast %add3A_1049 : i32 to index
        %swap3A_1092 = arith.constant 80 : index
        %swap3A_1093 = tpu.vector_load %arg19[%swap3A_1091, %swap3A_1092] {strides = array<i32>} : memref<80x128xf32, #tpu.memory_space<vmem>>, vector<16xf32>,
        tpu.vector_store %arg19[%swap3A_1091, %swap3A_1092], %mul3A_1090 {strides = array<i32>} : memref<80x128xf32, #tpu.memory_space<vmem>>, vector<16xf32>,
        %get3A_1094 = arith.index_cast %add3A_1049 : i32 to index
        %get3A_1095 = arith.constant 96 : index
        %get3A_1096 = tpu.vector_load %arg19[%get3A_1094, %get3A_1095] {strides = array<i32>} : memref<80x128xf32, #tpu.memory_space<vmem>>, vector<16xf32>,
        %mul3A_1097 = arith.mulf %get3A_1096, %gather3A_1051 : vector<16xf32>
        %swap3A_1098 = arith.index_cast %add3A_1049 : i32 to index
        %swap3A_1099 = arith.constant 96 : index
        %swap3A_1100 = tpu.vector_load %arg19[%swap3A_1098, %swap3A_1099] {strides = array<i32>} : memref<80x128xf32, #tpu.memory_space<vmem>>, vector<16xf32>,
        tpu.vector_store %arg19[%swap3A_1098, %swap3A_1099], %mul3A_1097 {strides = array<i32>} : memref<80x128xf32, #tpu.memory_space<vmem>>, vector<16xf32>,
        %get3A_1101 = arith.index_cast %add3A_1049 : i32 to index
        %get3A_1102 = arith.constant 112 : index
        %get3A_1103 = tpu.vector_load %arg19[%get3A_1101, %get3A_1102] {strides = array<i32>} : memref<80x128xf32, #tpu.memory_space<vmem>>, vector<16xf32>,
        %mul3A_1104 = arith.mulf %get3A_1103, %gather3A_1051 : vector<16xf32>
        %swap3A_1105 = arith.index_cast %add3A_1049 : i32 to index
        %swap3A_1106 = arith.constant 112 : index
        %swap3A_1107 = tpu.vector_load %arg19[%swap3A_1105, %swap3A_1106] {strides = array<i32>} : memref<80x128xf32, #tpu.memory_space<vmem>>, vector<16xf32>,
        tpu.vector_store %arg19[%swap3A_1105, %swap3A_1106], %mul3A_1104 {strides = array<i32>} : memref<80x128xf32, #tpu.memory_space<vmem>>, vector<16xf32>,
        %scan3A_1108 = arith.constant 0 : i32
        scf.yield %scan3A_1108 : i32
      }
      %scan3A_840 = arith.constant 20 : i32
      %run_scoped3A_841 = arith.constant 0 : i32
      "tpu.region"() ({
        %run_scoped3A_858 = tpu.sem_alloc : memref<!tpu.dma_semaphore, #tpu.memory_space<semaphore_mem>>
        %dma_start3A_859 = arith.constant 0 : i32
        %dma_start3A_860 = tpu.memref_slice %arg15[%run_scoped3A_841, %dma_start3A_859] : memref<2x80xi32, #tpu.memory_space<vmem>> -> memref<1x80xi32, #tpu.memory_space<vmem>>
        %dma_start3A_861 = tpu.memref_squeeze %dma_start3A_860 : memref<1x80xi32, #tpu.memory_space<vmem>> -> memref<80xi32, #tpu.memory_space<vmem>>
        %dma_start3A_862 = arith.constant 0 : i32
        %dma_start3A_863 = arith.constant 0 : i32
        %dma_start3A_864 = tpu.memref_slice %arg21[%dma_start3A_862, %dma_start3A_863] : memref<10240x128xf32, #tpu.memory_space<vmem_shared>> -> memref<10240x128xf32, #tpu.memory_space<vmem_shared>>
        tpu.enqueue_indirect_dma source(%arg19 : memref<80x128xf32, #tpu.memory_space<vmem>>) target(%dma_start3A_864 : memref<10240x128xf32, #tpu.memory_space<vmem_shared>>) offsets(%dma_start3A_861 : memref<80xi32, #tpu.memory_space<vmem>>) semaphore(%run_scoped3A_858 : memref<!tpu.dma_semaphore, #tpu.memory_space<semaphore_mem>>) {add = true}
        %dma_wait3A_865 = arith.constant 0 : i32
        %dma_wait3A_866 = tpu.memref_slice %arg15[%run_scoped3A_841, %dma_wait3A_865] : memref<2x80xi32, #tpu.memory_space<vmem>> -> memref<1x80xi32, #tpu.memory_space<vmem>>
        %dma_wait3A_867 = tpu.memref_squeeze %dma_wait3A_866 : memref<1x80xi32, #tpu.memory_space<vmem>> -> memref<80xi32, #tpu.memory_space<vmem>>
        %dma_wait3A_868 = arith.constant 0 : i32
        %dma_wait3A_869 = arith.constant 0 : i32
        %dma_wait3A_870 = tpu.memref_slice %arg21[%dma_wait3A_868, %dma_wait3A_869] : memref<10240x128xf32, #tpu.memory_space<vmem_shared>> -> memref<10240x128xf32, #tpu.memory_space<vmem_shared>>
        tpu.wait_indirect_dma semaphore(%run_scoped3A_858 : memref<!tpu.dma_semaphore, #tpu.memory_space<semaphore_mem>>) src(%arg19 : memref<80x128xf32, #tpu.memory_space<vmem>>) dst(%dma_wait3A_870 : memref<10240x128xf32, #tpu.memory_space<vmem_shared>>)
        tpu.yield
      }) : () -> ()
      %run_scoped3A_842 = arith.constant 0 : i32
      "tpu.region"() ({
        %run_scoped3A_858 = tpu.sem_alloc : memref<!tpu.dma_semaphore, #tpu.memory_space<semaphore_mem>>
        %dma_start3A_859 = arith.constant 0 : i32
        %dma_start3A_860 = tpu.memref_slice %arg15[%run_scoped3A_842, %dma_start3A_859] : memref<2x80xi32, #tpu.memory_space<vmem>> -> memref<1x80xi32, #tpu.memory_space<vmem>>
        %dma_start3A_861 = tpu.memref_squeeze %dma_start3A_860 : memref<1x80xi32, #tpu.memory_space<vmem>> -> memref<80xi32, #tpu.memory_space<vmem>>
        %dma_start3A_862 = arith.constant 0 : i32
        %dma_start3A_863 = tpu.memref_slice %arg22[%dma_start3A_862] : memref<10240xf32, #tpu.memory_space<vmem_shared>> -> memref<10240xf32, #tpu.memory_space<vmem_shared>>
        tpu.enqueue_indirect_dma source(%arg18 : memref<80xf32, #tpu.memory_space<vmem>>) target(%dma_start3A_863 : memref<10240xf32, #tpu.memory_space<vmem_shared>>) offsets(%dma_start3A_861 : memref<80xi32, #tpu.memory_space<vmem>>) semaphore(%run_scoped3A_858 : memref<!tpu.dma_semaphore, #tpu.memory_space<semaphore_mem>>) {add = true}
        %dma_wait3A_864 = arith.constant 0 : i32
        %dma_wait3A_865 = tpu.memref_slice %arg15[%run_scoped3A_842, %dma_wait3A_864] : memref<2x80xi32, #tpu.memory_space<vmem>> -> memref<1x80xi32, #tpu.memory_space<vmem>>
        %dma_wait3A_866 = tpu.memref_squeeze %dma_wait3A_865 : memref<1x80xi32, #tpu.memory_space<vmem>> -> memref<80xi32, #tpu.memory_space<vmem>>
        %dma_wait3A_867 = arith.constant 0 : i32
        %dma_wait3A_868 = tpu.memref_slice %arg22[%dma_wait3A_867] : memref<10240xf32, #tpu.memory_space<vmem_shared>> -> memref<10240xf32, #tpu.memory_space<vmem_shared>>
        tpu.wait_indirect_dma semaphore(%run_scoped3A_858 : memref<!tpu.dma_semaphore, #tpu.memory_space<semaphore_mem>>) src(%arg18 : memref<80xf32, #tpu.memory_space<vmem>>) dst(%dma_wait3A_868 : memref<10240xf32, #tpu.memory_space<vmem_shared>>)
        tpu.yield
      }) : () -> ()
      %add3A_843 = arith.constant 2 : i32
      %add3A_844 = arith.addi %add3A_706, %add3A_843 : i32
      %lt3A_845 = arith.constant 125 : i32
      %lt3A_846 = arith.cmpi slt, %add3A_844, %lt3A_845 : i32
      %convert_element_type3A_847 = arith.extui %lt3A_846 : i1 to i32
      %cond3A_848 = arith.constant 0 : i32
      %cond3A_849 = arith.cmpi ne, %convert_element_type3A_847, %cond3A_848 : i32
      scf.if %cond3A_849 {
        %dma_wait3A_858 = arith.constant 0 : i32
        %dma_wait3A_859 = arith.constant 0 : i32
        %dma_wait3A_860 = tpu.memref_slice %arg6[%mul3A_35, %dma_wait3A_858, %dma_wait3A_859] : memref<4000x2x80xi32, #tpu.memory_space<hbm>> -> memref<1x2x80xi32, #tpu.memory_space<hbm>>
        %dma_wait3A_861 = tpu.memref_squeeze %dma_wait3A_860 : memref<1x2x80xi32, #tpu.memory_space<hbm>> -> memref<2x80xi32, #tpu.memory_space<hbm>>
        %dma_wait3A_862 = arith.constant 0 : i32
        %dma_wait3A_863 = arith.constant 0 : i32
        %dma_wait3A_864 = tpu.memref_slice %arg6[%mul3A_35, %dma_wait3A_862, %dma_wait3A_863] : memref<4000x2x80xi32, #tpu.memory_space<hbm>> -> memref<1x2x80xi32, #tpu.memory_space<hbm>>
        %dma_wait3A_865 = tpu.memref_squeeze %dma_wait3A_864 : memref<1x2x80xi32, #tpu.memory_space<hbm>> -> memref<2x80xi32, #tpu.memory_space<hbm>>
        tpu.wait_dma2 semaphore(%arg24 : memref<!tpu.dma_semaphore, #tpu.memory_space<semaphore_mem>>) src(%dma_wait3A_865 : memref<2x80xi32, #tpu.memory_space<hbm>>) dst(%arg13 : memref<2x80xi32, #tpu.memory_space<vmem>>)
        %dma_start3A_866 = arith.constant 1 : i32
        %dma_start3A_867 = arith.constant 0 : i32
        %dma_start3A_868 = tpu.memref_slice %arg13[%dma_start3A_866, %dma_start3A_867] : memref<2x80xi32, #tpu.memory_space<vmem>> -> memref<1x80xi32, #tpu.memory_space<vmem>>
        %dma_start3A_869 = tpu.memref_squeeze %dma_start3A_868 : memref<1x80xi32, #tpu.memory_space<vmem>> -> memref<80xi32, #tpu.memory_space<vmem>>
        %dma_start3A_870 = arith.constant 0 : i32
        %dma_start3A_871 = arith.constant 0 : i32
        %dma_start3A_872 = tpu.memref_slice %arg5[%dma_start3A_870, %dma_start3A_871] : memref<10000x128xf32, #tpu.memory_space<hbm>> -> memref<10000x128xf32, #tpu.memory_space<hbm>>
        tpu.enqueue_indirect_dma source(%dma_start3A_872 : memref<10000x128xf32, #tpu.memory_space<hbm>>) target(%arg19 : memref<80x128xf32, #tpu.memory_space<vmem>>) offsets(%dma_start3A_869 : memref<80xi32, #tpu.memory_space<vmem>>) semaphore(%arg28 : memref<!tpu.dma_semaphore, #tpu.memory_space<semaphore_mem>>)
      } else {
      }
      %add3A_850 = arith.constant 4 : i32
      %add3A_851 = arith.addi %add3A_706, %add3A_850 : i32
      %lt3A_852 = arith.constant 125 : i32
      %lt3A_853 = arith.cmpi slt, %add3A_851, %lt3A_852 : i32
      %convert_element_type3A_854 = arith.extui %lt3A_853 : i1 to i32
      %cond3A_855 = arith.constant 0 : i32
      %cond3A_856 = arith.cmpi ne, %convert_element_type3A_854, %cond3A_855 : i32
      scf.if %cond3A_856 {
        %add3A_858 = arith.constant 4 : i32
        %add3A_859 = arith.addi %add3A_706, %add3A_858 : i32
        %add3A_860 = arith.addi %mul3A_35, %add3A_859 : i32
        %dma_start3A_861 = arith.constant 0 : i32
        %dma_start3A_862 = arith.constant 0 : i32
        %dma_start3A_863 = tpu.memref_slice %arg6[%add3A_860, %dma_start3A_861, %dma_start3A_862] : memref<4000x2x80xi32, #tpu.memory_space<hbm>> -> memref<1x2x80xi32, #tpu.memory_space<hbm>>
        %dma_start3A_864 = tpu.memref_squeeze %dma_start3A_863 : memref<1x2x80xi32, #tpu.memory_space<hbm>> -> memref<2x80xi32, #tpu.memory_space<hbm>>
        %dma_start3A_865 = arith.constant 0 : i32
        %dma_start3A_866 = arith.constant 0 : i32
        %dma_start3A_867 = tpu.memref_slice %arg6[%add3A_860, %dma_start3A_865, %dma_start3A_866] : memref<4000x2x80xi32, #tpu.memory_space<hbm>> -> memref<1x2x80xi32, #tpu.memory_space<hbm>>
        %dma_start3A_868 = tpu.memref_squeeze %dma_start3A_867 : memref<1x2x80xi32, #tpu.memory_space<hbm>> -> memref<2x80xi32, #tpu.memory_space<hbm>>
        tpu.enqueue_dma source(%dma_start3A_868 : memref<2x80xi32, #tpu.memory_space<hbm>>) target(%arg15 : memref<2x80xi32, #tpu.memory_space<vmem>>) target_semaphore(%arg26 : memref<!tpu.dma_semaphore, #tpu.memory_space<semaphore_mem>>)
      } else {
      }
      %scan3A_857 = arith.constant 0 : i32
      scf.yield %scan3A_857 : i32
    }
    %scan3A_110 = arith.constant 31 : i32
    %dma_wait3A_111 = arith.constant 1 : i32
    %dma_wait3A_112 = arith.constant 0 : i32
    %dma_wait3A_113 = tpu.memref_slice %arg12[%dma_wait3A_111, %dma_wait3A_112] : memref<2x80xi32, #tpu.memory_space<vmem>> -> memref<1x80xi32, #tpu.memory_space<vmem>>
    %dma_wait3A_114 = tpu.memref_squeeze %dma_wait3A_113 : memref<1x80xi32, #tpu.memory_space<vmem>> -> memref<80xi32, #tpu.memory_space<vmem>>
    %dma_wait3A_115 = arith.constant 0 : i32
    %dma_wait3A_116 = arith.constant 0 : i32
    %dma_wait3A_117 = tpu.memref_slice %arg5[%dma_wait3A_115, %dma_wait3A_116] : memref<10000x128xf32, #tpu.memory_space<hbm>> -> memref<10000x128xf32, #tpu.memory_space<hbm>>
    tpu.wait_indirect_dma semaphore(%arg27 : memref<!tpu.dma_semaphore, #tpu.memory_space<semaphore_mem>>) src(%dma_wait3A_117 : memref<10000x128xf32, #tpu.memory_space<hbm>>) dst(%arg17 : memref<80x128xf32, #tpu.memory_space<vmem>>)
    %get3A_118 = arith.constant 0 : i32
    %get3A_119 = arith.index_cast %get3A_118 : i32 to index
    %get3A_120 = arith.constant 0 : index
    %get3A_121 = tpu.vector_load %arg12[%get3A_119, %get3A_120] {strides = array<i32>} : memref<2x80xi32, #tpu.memory_space<vmem>>, vector<16xi32>,
    %get3A_122 = arith.constant 1 : i32
    %get3A_123 = arith.index_cast %get3A_122 : i32 to index
    %get3A_124 = arith.constant 0 : index
    %get3A_125 = tpu.vector_load %arg12[%get3A_123, %get3A_124] {strides = array<i32>} : memref<2x80xi32, #tpu.memory_space<vmem>>, vector<16xi32>,
    %gather3A = tpu.vector_load_idx %arg9[%get3A_121] : memref<10000xf32, #tpu.memory_space<vmem>>[vector<16xi32>], vector<16xf32>,
    %gather3A_126 = tpu.vector_load_idx %arg10[%get3A_125] : memref<10000xf32, #tpu.memory_space<vmem>>[vector<16xi32>], vector<16xf32>,
    %add3A_127 = arith.addf %gather3A, %gather3A_126 : vector<16xf32>
    %mul3A_128 = arith.constant 0.00999999977 : f32
    %mul3A_129 = vector.broadcast %mul3A_128 : f32 to vector<16xf32>
    %mul3A_130 = arith.mulf %mul3A_129, %add3A_127 : vector<16xf32>
    %max3A = arith.maximumf %add3A_127, %mul3A_130 : vector<16xf32>
    %add3A_131 = arith.addf %gather3A, %get3A_33 : vector<16xf32>
    %mul3A_132 = arith.constant 0.00999999977 : f32
    %mul3A_133 = vector.broadcast %mul3A_132 : f32 to vector<16xf32>
    %mul3A_134 = arith.mulf %mul3A_133, %add3A_131 : vector<16xf32>
    %max3A_135 = arith.maximumf %add3A_131, %mul3A_134 : vector<16xf32>
    %sub3A = arith.subf %max3A, %max3A_135 : vector<16xf32>
    %exp3A = math.exp %sub3A : vector<16xf32>
    %swap3A = arith.constant 0 : index
    %swap3A_136 = tpu.vector_load %arg16[%swap3A] {strides = array<i32>} : memref<80xf32, #tpu.memory_space<vmem>>, vector<16xf32>,
    tpu.vector_store %arg16[%swap3A], %exp3A {strides = array<i32>} : memref<80xf32, #tpu.memory_space<vmem>>, vector<16xf32>,
    %get3A_137 = arith.constant 0 : i32
    %get3A_138 = arith.index_cast %get3A_137 : i32 to index
    %get3A_139 = arith.constant 16 : index
    %get3A_140 = tpu.vector_load %arg12[%get3A_138, %get3A_139] {strides = array<i32>} : memref<2x80xi32, #tpu.memory_space<vmem>>, vector<16xi32>,
    %get3A_141 = arith.constant 1 : i32
    %get3A_142 = arith.index_cast %get3A_141 : i32 to index
    %get3A_143 = arith.constant 16 : index
    %get3A_144 = tpu.vector_load %arg12[%get3A_142, %get3A_143] {strides = array<i32>} : memref<2x80xi32, #tpu.memory_space<vmem>>, vector<16xi32>,
    %gather3A_145 = tpu.vector_load_idx %arg9[%get3A_140] : memref<10000xf32, #tpu.memory_space<vmem>>[vector<16xi32>], vector<16xf32>,
    %gather3A_146 = tpu.vector_load_idx %arg10[%get3A_144] : memref<10000xf32, #tpu.memory_space<vmem>>[vector<16xi32>], vector<16xf32>,
    %add3A_147 = arith.addf %gather3A_145, %gather3A_146 : vector<16xf32>
    %mul3A_148 = arith.constant 0.00999999977 : f32
    %mul3A_149 = vector.broadcast %mul3A_148 : f32 to vector<16xf32>
    %mul3A_150 = arith.mulf %mul3A_149, %add3A_147 : vector<16xf32>
    %max3A_151 = arith.maximumf %add3A_147, %mul3A_150 : vector<16xf32>
    %add3A_152 = arith.addf %gather3A_145, %get3A_33 : vector<16xf32>
    %mul3A_153 = arith.constant 0.00999999977 : f32
    %mul3A_154 = vector.broadcast %mul3A_153 : f32 to vector<16xf32>
    %mul3A_155 = arith.mulf %mul3A_154, %add3A_152 : vector<16xf32>
    %max3A_156 = arith.maximumf %add3A_152, %mul3A_155 : vector<16xf32>
    %sub3A_157 = arith.subf %max3A_151, %max3A_156 : vector<16xf32>
    %exp3A_158 = math.exp %sub3A_157 : vector<16xf32>
    %swap3A_159 = arith.constant 16 : index
    %swap3A_160 = tpu.vector_load %arg16[%swap3A_159] {strides = array<i32>} : memref<80xf32, #tpu.memory_space<vmem>>, vector<16xf32>,
    tpu.vector_store %arg16[%swap3A_159], %exp3A_158 {strides = array<i32>} : memref<80xf32, #tpu.memory_space<vmem>>, vector<16xf32>,
    %get3A_161 = arith.constant 0 : i32
    %get3A_162 = arith.index_cast %get3A_161 : i32 to index
    %get3A_163 = arith.constant 32 : index
    %get3A_164 = tpu.vector_load %arg12[%get3A_162, %get3A_163] {strides = array<i32>} : memref<2x80xi32, #tpu.memory_space<vmem>>, vector<16xi32>,
    %get3A_165 = arith.constant 1 : i32
    %get3A_166 = arith.index_cast %get3A_165 : i32 to index
    %get3A_167 = arith.constant 32 : index
    %get3A_168 = tpu.vector_load %arg12[%get3A_166, %get3A_167] {strides = array<i32>} : memref<2x80xi32, #tpu.memory_space<vmem>>, vector<16xi32>,
    %gather3A_169 = tpu.vector_load_idx %arg9[%get3A_164] : memref<10000xf32, #tpu.memory_space<vmem>>[vector<16xi32>], vector<16xf32>,
    %gather3A_170 = tpu.vector_load_idx %arg10[%get3A_168] : memref<10000xf32, #tpu.memory_space<vmem>>[vector<16xi32>], vector<16xf32>,
    %add3A_171 = arith.addf %gather3A_169, %gather3A_170 : vector<16xf32>
    %mul3A_172 = arith.constant 0.00999999977 : f32
    %mul3A_173 = vector.broadcast %mul3A_172 : f32 to vector<16xf32>
    %mul3A_174 = arith.mulf %mul3A_173, %add3A_171 : vector<16xf32>
    %max3A_175 = arith.maximumf %add3A_171, %mul3A_174 : vector<16xf32>
    %add3A_176 = arith.addf %gather3A_169, %get3A_33 : vector<16xf32>
    %mul3A_177 = arith.constant 0.00999999977 : f32
    %mul3A_178 = vector.broadcast %mul3A_177 : f32 to vector<16xf32>
    %mul3A_179 = arith.mulf %mul3A_178, %add3A_176 : vector<16xf32>
    %max3A_180 = arith.maximumf %add3A_176, %mul3A_179 : vector<16xf32>
    %sub3A_181 = arith.subf %max3A_175, %max3A_180 : vector<16xf32>
    %exp3A_182 = math.exp %sub3A_181 : vector<16xf32>
    %swap3A_183 = arith.constant 32 : index
    %swap3A_184 = tpu.vector_load %arg16[%swap3A_183] {strides = array<i32>} : memref<80xf32, #tpu.memory_space<vmem>>, vector<16xf32>,
    tpu.vector_store %arg16[%swap3A_183], %exp3A_182 {strides = array<i32>} : memref<80xf32, #tpu.memory_space<vmem>>, vector<16xf32>,
    %get3A_185 = arith.constant 0 : i32
    %get3A_186 = arith.index_cast %get3A_185 : i32 to index
    %get3A_187 = arith.constant 48 : index
    %get3A_188 = tpu.vector_load %arg12[%get3A_186, %get3A_187] {strides = array<i32>} : memref<2x80xi32, #tpu.memory_space<vmem>>, vector<16xi32>,
    %get3A_189 = arith.constant 1 : i32
    %get3A_190 = arith.index_cast %get3A_189 : i32 to index
    %get3A_191 = arith.constant 48 : index
    %get3A_192 = tpu.vector_load %arg12[%get3A_190, %get3A_191] {strides = array<i32>} : memref<2x80xi32, #tpu.memory_space<vmem>>, vector<16xi32>,
    %gather3A_193 = tpu.vector_load_idx %arg9[%get3A_188] : memref<10000xf32, #tpu.memory_space<vmem>>[vector<16xi32>], vector<16xf32>,
    %gather3A_194 = tpu.vector_load_idx %arg10[%get3A_192] : memref<10000xf32, #tpu.memory_space<vmem>>[vector<16xi32>], vector<16xf32>,
    %add3A_195 = arith.addf %gather3A_193, %gather3A_194 : vector<16xf32>
    %mul3A_196 = arith.constant 0.00999999977 : f32
    %mul3A_197 = vector.broadcast %mul3A_196 : f32 to vector<16xf32>
    %mul3A_198 = arith.mulf %mul3A_197, %add3A_195 : vector<16xf32>
    %max3A_199 = arith.maximumf %add3A_195, %mul3A_198 : vector<16xf32>
    %add3A_200 = arith.addf %gather3A_193, %get3A_33 : vector<16xf32>
    %mul3A_201 = arith.constant 0.00999999977 : f32
    %mul3A_202 = vector.broadcast %mul3A_201 : f32 to vector<16xf32>
    %mul3A_203 = arith.mulf %mul3A_202, %add3A_200 : vector<16xf32>
    %max3A_204 = arith.maximumf %add3A_200, %mul3A_203 : vector<16xf32>
    %sub3A_205 = arith.subf %max3A_199, %max3A_204 : vector<16xf32>
    %exp3A_206 = math.exp %sub3A_205 : vector<16xf32>
    %swap3A_207 = arith.constant 48 : index
    %swap3A_208 = tpu.vector_load %arg16[%swap3A_207] {strides = array<i32>} : memref<80xf32, #tpu.memory_space<vmem>>, vector<16xf32>,
    tpu.vector_store %arg16[%swap3A_207], %exp3A_206 {strides = array<i32>} : memref<80xf32, #tpu.memory_space<vmem>>, vector<16xf32>,
    %get3A_209 = arith.constant 0 : i32
    %get3A_210 = arith.index_cast %get3A_209 : i32 to index
    %get3A_211 = arith.constant 64 : index
    %get3A_212 = tpu.vector_load %arg12[%get3A_210, %get3A_211] {strides = array<i32>} : memref<2x80xi32, #tpu.memory_space<vmem>>, vector<16xi32>,
    %get3A_213 = arith.constant 1 : i32
    %get3A_214 = arith.index_cast %get3A_213 : i32 to index
    %get3A_215 = arith.constant 64 : index
    %get3A_216 = tpu.vector_load %arg12[%get3A_214, %get3A_215] {strides = array<i32>} : memref<2x80xi32, #tpu.memory_space<vmem>>, vector<16xi32>,
    %gather3A_217 = tpu.vector_load_idx %arg9[%get3A_212] : memref<10000xf32, #tpu.memory_space<vmem>>[vector<16xi32>], vector<16xf32>,
    %gather3A_218 = tpu.vector_load_idx %arg10[%get3A_216] : memref<10000xf32, #tpu.memory_space<vmem>>[vector<16xi32>], vector<16xf32>,
    %add3A_219 = arith.addf %gather3A_217, %gather3A_218 : vector<16xf32>
    %mul3A_220 = arith.constant 0.00999999977 : f32
    %mul3A_221 = vector.broadcast %mul3A_220 : f32 to vector<16xf32>
    %mul3A_222 = arith.mulf %mul3A_221, %add3A_219 : vector<16xf32>
    %max3A_223 = arith.maximumf %add3A_219, %mul3A_222 : vector<16xf32>
    %add3A_224 = arith.addf %gather3A_217, %get3A_33 : vector<16xf32>
    %mul3A_225 = arith.constant 0.00999999977 : f32
    %mul3A_226 = vector.broadcast %mul3A_225 : f32 to vector<16xf32>
    %mul3A_227 = arith.mulf %mul3A_226, %add3A_224 : vector<16xf32>
    %max3A_228 = arith.maximumf %add3A_224, %mul3A_227 : vector<16xf32>
    %sub3A_229 = arith.subf %max3A_223, %max3A_228 : vector<16xf32>
    %exp3A_230 = math.exp %sub3A_229 : vector<16xf32>
    %swap3A_231 = arith.constant 64 : index
    %swap3A_232 = tpu.vector_load %arg16[%swap3A_231] {strides = array<i32>} : memref<80xf32, #tpu.memory_space<vmem>>, vector<16xf32>,
    tpu.vector_store %arg16[%swap3A_231], %exp3A_230 {strides = array<i32>} : memref<80xf32, #tpu.memory_space<vmem>>, vector<16xf32>,
    %scan3A_233 = arith.constant 0 : i32
    %scan3A_234 = arith.constant 0 : i32
    %scan3A_235 = arith.constant 20 : i32
    %scan3A_236 = arith.addi %scan3A_234, %scan3A_235 : i32
    %scan3A_237 = arith.constant 1 : i32
    %scan3A_238 = scf.for %scan3A_242 = %scan3A_234 to %scan3A_236 step %scan3A_237 iter_args(%scan3A_243 = %scan3A_233) -> (i32)  : i32 {
      %mul3A_244 = arith.constant 4 : i32
      %mul3A_245 = arith.muli %scan3A_242, %mul3A_244 : i32
      %add3A_246 = arith.constant 0 : i32
      %add3A_247 = arith.addi %mul3A_245, %add3A_246 : i32
      %broadcast_in_dim3A_248 = vector.broadcast %add3A_247 : i32 to vector<16xi32>
      %gather3A_249 = tpu.vector_load_idx %arg16[%broadcast_in_dim3A_248] : memref<80xf32, #tpu.memory_space<vmem>>[vector<16xi32>], vector<16xf32>,
      %get3A_250 = arith.index_cast %add3A_247 : i32 to index
      %get3A_251 = arith.constant 0 : index
      %get3A_252 = tpu.vector_load %arg17[%get3A_250, %get3A_251] {strides = array<i32>} : memref<80x128xf32, #tpu.memory_space<vmem>>, vector<16xf32>,
      %mul3A_253 = arith.mulf %get3A_252, %gather3A_249 : vector<16xf32>
      %swap3A_254 = arith.index_cast %add3A_247 : i32 to index
      %swap3A_255 = arith.constant 0 : index
      %swap3A_256 = tpu.vector_load %arg17[%swap3A_254, %swap3A_255] {strides = array<i32>} : memref<80x128xf32, #tpu.memory_space<vmem>>, vector<16xf32>,
      tpu.vector_store %arg17[%swap3A_254, %swap3A_255], %mul3A_253 {strides = array<i32>} : memref<80x128xf32, #tpu.memory_space<vmem>>, vector<16xf32>,
      %get3A_257 = arith.index_cast %add3A_247 : i32 to index
      %get3A_258 = arith.constant 16 : index
      %get3A_259 = tpu.vector_load %arg17[%get3A_257, %get3A_258] {strides = array<i32>} : memref<80x128xf32, #tpu.memory_space<vmem>>, vector<16xf32>,
      %mul3A_260 = arith.mulf %get3A_259, %gather3A_249 : vector<16xf32>
      %swap3A_261 = arith.index_cast %add3A_247 : i32 to index
      %swap3A_262 = arith.constant 16 : index
      %swap3A_263 = tpu.vector_load %arg17[%swap3A_261, %swap3A_262] {strides = array<i32>} : memref<80x128xf32, #tpu.memory_space<vmem>>, vector<16xf32>,
      tpu.vector_store %arg17[%swap3A_261, %swap3A_262], %mul3A_260 {strides = array<i32>} : memref<80x128xf32, #tpu.memory_space<vmem>>, vector<16xf32>,
      %get3A_264 = arith.index_cast %add3A_247 : i32 to index
      %get3A_265 = arith.constant 32 : index
      %get3A_266 = tpu.vector_load %arg17[%get3A_264, %get3A_265] {strides = array<i32>} : memref<80x128xf32, #tpu.memory_space<vmem>>, vector<16xf32>,
      %mul3A_267 = arith.mulf %get3A_266, %gather3A_249 : vector<16xf32>
      %swap3A_268 = arith.index_cast %add3A_247 : i32 to index
      %swap3A_269 = arith.constant 32 : index
      %swap3A_270 = tpu.vector_load %arg17[%swap3A_268, %swap3A_269] {strides = array<i32>} : memref<80x128xf32, #tpu.memory_space<vmem>>, vector<16xf32>,
      tpu.vector_store %arg17[%swap3A_268, %swap3A_269], %mul3A_267 {strides = array<i32>} : memref<80x128xf32, #tpu.memory_space<vmem>>, vector<16xf32>,
      %get3A_271 = arith.index_cast %add3A_247 : i32 to index
      %get3A_272 = arith.constant 48 : index
      %get3A_273 = tpu.vector_load %arg17[%get3A_271, %get3A_272] {strides = array<i32>} : memref<80x128xf32, #tpu.memory_space<vmem>>, vector<16xf32>,
      %mul3A_274 = arith.mulf %get3A_273, %gather3A_249 : vector<16xf32>
      %swap3A_275 = arith.index_cast %add3A_247 : i32 to index
      %swap3A_276 = arith.constant 48 : index
      %swap3A_277 = tpu.vector_load %arg17[%swap3A_275, %swap3A_276] {strides = array<i32>} : memref<80x128xf32, #tpu.memory_space<vmem>>, vector<16xf32>,
      tpu.vector_store %arg17[%swap3A_275, %swap3A_276], %mul3A_274 {strides = array<i32>} : memref<80x128xf32, #tpu.memory_space<vmem>>, vector<16xf32>,
      %get3A_278 = arith.index_cast %add3A_247 : i32 to index
      %get3A_279 = arith.constant 64 : index
      %get3A_280 = tpu.vector_load %arg17[%get3A_278, %get3A_279] {strides = array<i32>} : memref<80x128xf32, #tpu.memory_space<vmem>>, vector<16xf32>,
      %mul3A_281 = arith.mulf %get3A_280, %gather3A_249 : vector<16xf32>
      %swap3A_282 = arith.index_cast %add3A_247 : i32 to index
      %swap3A_283 = arith.constant 64 : index
      %swap3A_284 = tpu.vector_load %arg17[%swap3A_282, %swap3A_283] {strides = array<i32>} : memref<80x128xf32, #tpu.memory_space<vmem>>, vector<16xf32>,
      tpu.vector_store %arg17[%swap3A_282, %swap3A_283], %mul3A_281 {strides = array<i32>} : memref<80x128xf32, #tpu.memory_space<vmem>>, vector<16xf32>,
      %get3A_285 = arith.index_cast %add3A_247 : i32 to index
      %get3A_286 = arith.constant 80 : index
      %get3A_287 = tpu.vector_load %arg17[%get3A_285, %get3A_286] {strides = array<i32>} : memref<80x128xf32, #tpu.memory_space<vmem>>, vector<16xf32>,
      %mul3A_288 = arith.mulf %get3A_287, %gather3A_249 : vector<16xf32>
      %swap3A_289 = arith.index_cast %add3A_247 : i32 to index
      %swap3A_290 = arith.constant 80 : index
      %swap3A_291 = tpu.vector_load %arg17[%swap3A_289, %swap3A_290] {strides = array<i32>} : memref<80x128xf32, #tpu.memory_space<vmem>>, vector<16xf32>,
      tpu.vector_store %arg17[%swap3A_289, %swap3A_290], %mul3A_288 {strides = array<i32>} : memref<80x128xf32, #tpu.memory_space<vmem>>, vector<16xf32>,
      %get3A_292 = arith.index_cast %add3A_247 : i32 to index
      %get3A_293 = arith.constant 96 : index
      %get3A_294 = tpu.vector_load %arg17[%get3A_292, %get3A_293] {strides = array<i32>} : memref<80x128xf32, #tpu.memory_space<vmem>>, vector<16xf32>,
      %mul3A_295 = arith.mulf %get3A_294, %gather3A_249 : vector<16xf32>
      %swap3A_296 = arith.index_cast %add3A_247 : i32 to index
      %swap3A_297 = arith.constant 96 : index
      %swap3A_298 = tpu.vector_load %arg17[%swap3A_296, %swap3A_297] {strides = array<i32>} : memref<80x128xf32, #tpu.memory_space<vmem>>, vector<16xf32>,
      tpu.vector_store %arg17[%swap3A_296, %swap3A_297], %mul3A_295 {strides = array<i32>} : memref<80x128xf32, #tpu.memory_space<vmem>>, vector<16xf32>,
      %get3A_299 = arith.index_cast %add3A_247 : i32 to index
      %get3A_300 = arith.constant 112 : index
      %get3A_301 = tpu.vector_load %arg17[%get3A_299, %get3A_300] {strides = array<i32>} : memref<80x128xf32, #tpu.memory_space<vmem>>, vector<16xf32>,
      %mul3A_302 = arith.mulf %get3A_301, %gather3A_249 : vector<16xf32>
      %swap3A_303 = arith.index_cast %add3A_247 : i32 to index
      %swap3A_304 = arith.constant 112 : index
      %swap3A_305 = tpu.vector_load %arg17[%swap3A_303, %swap3A_304] {strides = array<i32>} : memref<80x128xf32, #tpu.memory_space<vmem>>, vector<16xf32>,
      tpu.vector_store %arg17[%swap3A_303, %swap3A_304], %mul3A_302 {strides = array<i32>} : memref<80x128xf32, #tpu.memory_space<vmem>>, vector<16xf32>,
      %mul3A_306 = arith.constant 4 : i32
      %mul3A_307 = arith.muli %scan3A_242, %mul3A_306 : i32
      %add3A_308 = arith.constant 1 : i32
      %add3A_309 = arith.addi %mul3A_307, %add3A_308 : i32
      %broadcast_in_dim3A_310 = vector.broadcast %add3A_309 : i32 to vector<16xi32>
      %gather3A_311 = tpu.vector_load_idx %arg16[%broadcast_in_dim3A_310] : memref<80xf32, #tpu.memory_space<vmem>>[vector<16xi32>], vector<16xf32>,
      %get3A_312 = arith.index_cast %add3A_309 : i32 to index
      %get3A_313 = arith.constant 0 : index
      %get3A_314 = tpu.vector_load %arg17[%get3A_312, %get3A_313] {strides = array<i32>} : memref<80x128xf32, #tpu.memory_space<vmem>>, vector<16xf32>,
      %mul3A_315 = arith.mulf %get3A_314, %gather3A_311 : vector<16xf32>
      %swap3A_316 = arith.index_cast %add3A_309 : i32 to index
      %swap3A_317 = arith.constant 0 : index
      %swap3A_318 = tpu.vector_load %arg17[%swap3A_316, %swap3A_317] {strides = array<i32>} : memref<80x128xf32, #tpu.memory_space<vmem>>, vector<16xf32>,
      tpu.vector_store %arg17[%swap3A_316, %swap3A_317], %mul3A_315 {strides = array<i32>} : memref<80x128xf32, #tpu.memory_space<vmem>>, vector<16xf32>,
      %get3A_319 = arith.index_cast %add3A_309 : i32 to index
      %get3A_320 = arith.constant 16 : index
      %get3A_321 = tpu.vector_load %arg17[%get3A_319, %get3A_320] {strides = array<i32>} : memref<80x128xf32, #tpu.memory_space<vmem>>, vector<16xf32>,
      %mul3A_322 = arith.mulf %get3A_321, %gather3A_311 : vector<16xf32>
      %swap3A_323 = arith.index_cast %add3A_309 : i32 to index
      %swap3A_324 = arith.constant 16 : index
      %swap3A_325 = tpu.vector_load %arg17[%swap3A_323, %swap3A_324] {strides = array<i32>} : memref<80x128xf32, #tpu.memory_space<vmem>>, vector<16xf32>,
      tpu.vector_store %arg17[%swap3A_323, %swap3A_324], %mul3A_322 {strides = array<i32>} : memref<80x128xf32, #tpu.memory_space<vmem>>, vector<16xf32>,
      %get3A_326 = arith.index_cast %add3A_309 : i32 to index
      %get3A_327 = arith.constant 32 : index
      %get3A_328 = tpu.vector_load %arg17[%get3A_326, %get3A_327] {strides = array<i32>} : memref<80x128xf32, #tpu.memory_space<vmem>>, vector<16xf32>,
      %mul3A_329 = arith.mulf %get3A_328, %gather3A_311 : vector<16xf32>
      %swap3A_330 = arith.index_cast %add3A_309 : i32 to index
      %swap3A_331 = arith.constant 32 : index
      %swap3A_332 = tpu.vector_load %arg17[%swap3A_330, %swap3A_331] {strides = array<i32>} : memref<80x128xf32, #tpu.memory_space<vmem>>, vector<16xf32>,
      tpu.vector_store %arg17[%swap3A_330, %swap3A_331], %mul3A_329 {strides = array<i32>} : memref<80x128xf32, #tpu.memory_space<vmem>>, vector<16xf32>,
      %get3A_333 = arith.index_cast %add3A_309 : i32 to index
      %get3A_334 = arith.constant 48 : index
      %get3A_335 = tpu.vector_load %arg17[%get3A_333, %get3A_334] {strides = array<i32>} : memref<80x128xf32, #tpu.memory_space<vmem>>, vector<16xf32>,
      %mul3A_336 = arith.mulf %get3A_335, %gather3A_311 : vector<16xf32>
      %swap3A_337 = arith.index_cast %add3A_309 : i32 to index
      %swap3A_338 = arith.constant 48 : index
      %swap3A_339 = tpu.vector_load %arg17[%swap3A_337, %swap3A_338] {strides = array<i32>} : memref<80x128xf32, #tpu.memory_space<vmem>>, vector<16xf32>,
      tpu.vector_store %arg17[%swap3A_337, %swap3A_338], %mul3A_336 {strides = array<i32>} : memref<80x128xf32, #tpu.memory_space<vmem>>, vector<16xf32>,
      %get3A_340 = arith.index_cast %add3A_309 : i32 to index
      %get3A_341 = arith.constant 64 : index
      %get3A_342 = tpu.vector_load %arg17[%get3A_340, %get3A_341] {strides = array<i32>} : memref<80x128xf32, #tpu.memory_space<vmem>>, vector<16xf32>,
      %mul3A_343 = arith.mulf %get3A_342, %gather3A_311 : vector<16xf32>
      %swap3A_344 = arith.index_cast %add3A_309 : i32 to index
      %swap3A_345 = arith.constant 64 : index
      %swap3A_346 = tpu.vector_load %arg17[%swap3A_344, %swap3A_345] {strides = array<i32>} : memref<80x128xf32, #tpu.memory_space<vmem>>, vector<16xf32>,
      tpu.vector_store %arg17[%swap3A_344, %swap3A_345], %mul3A_343 {strides = array<i32>} : memref<80x128xf32, #tpu.memory_space<vmem>>, vector<16xf32>,
      %get3A_347 = arith.index_cast %add3A_309 : i32 to index
      %get3A_348 = arith.constant 80 : index
      %get3A_349 = tpu.vector_load %arg17[%get3A_347, %get3A_348] {strides = array<i32>} : memref<80x128xf32, #tpu.memory_space<vmem>>, vector<16xf32>,
      %mul3A_350 = arith.mulf %get3A_349, %gather3A_311 : vector<16xf32>
      %swap3A_351 = arith.index_cast %add3A_309 : i32 to index
      %swap3A_352 = arith.constant 80 : index
      %swap3A_353 = tpu.vector_load %arg17[%swap3A_351, %swap3A_352] {strides = array<i32>} : memref<80x128xf32, #tpu.memory_space<vmem>>, vector<16xf32>,
      tpu.vector_store %arg17[%swap3A_351, %swap3A_352], %mul3A_350 {strides = array<i32>} : memref<80x128xf32, #tpu.memory_space<vmem>>, vector<16xf32>,
      %get3A_354 = arith.index_cast %add3A_309 : i32 to index
      %get3A_355 = arith.constant 96 : index
      %get3A_356 = tpu.vector_load %arg17[%get3A_354, %get3A_355] {strides = array<i32>} : memref<80x128xf32, #tpu.memory_space<vmem>>, vector<16xf32>,
      %mul3A_357 = arith.mulf %get3A_356, %gather3A_311 : vector<16xf32>
      %swap3A_358 = arith.index_cast %add3A_309 : i32 to index
      %swap3A_359 = arith.constant 96 : index
      %swap3A_360 = tpu.vector_load %arg17[%swap3A_358, %swap3A_359] {strides = array<i32>} : memref<80x128xf32, #tpu.memory_space<vmem>>, vector<16xf32>,
      tpu.vector_store %arg17[%swap3A_358, %swap3A_359], %mul3A_357 {strides = array<i32>} : memref<80x128xf32, #tpu.memory_space<vmem>>, vector<16xf32>,
      %get3A_361 = arith.index_cast %add3A_309 : i32 to index
      %get3A_362 = arith.constant 112 : index
      %get3A_363 = tpu.vector_load %arg17[%get3A_361, %get3A_362] {strides = array<i32>} : memref<80x128xf32, #tpu.memory_space<vmem>>, vector<16xf32>,
      %mul3A_364 = arith.mulf %get3A_363, %gather3A_311 : vector<16xf32>
      %swap3A_365 = arith.index_cast %add3A_309 : i32 to index
      %swap3A_366 = arith.constant 112 : index
      %swap3A_367 = tpu.vector_load %arg17[%swap3A_365, %swap3A_366] {strides = array<i32>} : memref<80x128xf32, #tpu.memory_space<vmem>>, vector<16xf32>,
      tpu.vector_store %arg17[%swap3A_365, %swap3A_366], %mul3A_364 {strides = array<i32>} : memref<80x128xf32, #tpu.memory_space<vmem>>, vector<16xf32>,
      %mul3A_368 = arith.constant 4 : i32
      %mul3A_369 = arith.muli %scan3A_242, %mul3A_368 : i32
      %add3A_370 = arith.constant 2 : i32
      %add3A_371 = arith.addi %mul3A_369, %add3A_370 : i32
      %broadcast_in_dim3A_372 = vector.broadcast %add3A_371 : i32 to vector<16xi32>
      %gather3A_373 = tpu.vector_load_idx %arg16[%broadcast_in_dim3A_372] : memref<80xf32, #tpu.memory_space<vmem>>[vector<16xi32>], vector<16xf32>,
      %get3A_374 = arith.index_cast %add3A_371 : i32 to index
      %get3A_375 = arith.constant 0 : index
      %get3A_376 = tpu.vector_load %arg17[%get3A_374, %get3A_375] {strides = array<i32>} : memref<80x128xf32, #tpu.memory_space<vmem>>, vector<16xf32>,
      %mul3A_377 = arith.mulf %get3A_376, %gather3A_373 : vector<16xf32>
      %swap3A_378 = arith.index_cast %add3A_371 : i32 to index
      %swap3A_379 = arith.constant 0 : index
      %swap3A_380 = tpu.vector_load %arg17[%swap3A_378, %swap3A_379] {strides = array<i32>} : memref<80x128xf32, #tpu.memory_space<vmem>>, vector<16xf32>,
      tpu.vector_store %arg17[%swap3A_378, %swap3A_379], %mul3A_377 {strides = array<i32>} : memref<80x128xf32, #tpu.memory_space<vmem>>, vector<16xf32>,
      %get3A_381 = arith.index_cast %add3A_371 : i32 to index
      %get3A_382 = arith.constant 16 : index
      %get3A_383 = tpu.vector_load %arg17[%get3A_381, %get3A_382] {strides = array<i32>} : memref<80x128xf32, #tpu.memory_space<vmem>>, vector<16xf32>,
      %mul3A_384 = arith.mulf %get3A_383, %gather3A_373 : vector<16xf32>
      %swap3A_385 = arith.index_cast %add3A_371 : i32 to index
      %swap3A_386 = arith.constant 16 : index
      %swap3A_387 = tpu.vector_load %arg17[%swap3A_385, %swap3A_386] {strides = array<i32>} : memref<80x128xf32, #tpu.memory_space<vmem>>, vector<16xf32>,
      tpu.vector_store %arg17[%swap3A_385, %swap3A_386], %mul3A_384 {strides = array<i32>} : memref<80x128xf32, #tpu.memory_space<vmem>>, vector<16xf32>,
      %get3A_388 = arith.index_cast %add3A_371 : i32 to index
      %get3A_389 = arith.constant 32 : index
      %get3A_390 = tpu.vector_load %arg17[%get3A_388, %get3A_389] {strides = array<i32>} : memref<80x128xf32, #tpu.memory_space<vmem>>, vector<16xf32>,
      %mul3A_391 = arith.mulf %get3A_390, %gather3A_373 : vector<16xf32>
      %swap3A_392 = arith.index_cast %add3A_371 : i32 to index
      %swap3A_393 = arith.constant 32 : index
      %swap3A_394 = tpu.vector_load %arg17[%swap3A_392, %swap3A_393] {strides = array<i32>} : memref<80x128xf32, #tpu.memory_space<vmem>>, vector<16xf32>,
      tpu.vector_store %arg17[%swap3A_392, %swap3A_393], %mul3A_391 {strides = array<i32>} : memref<80x128xf32, #tpu.memory_space<vmem>>, vector<16xf32>,
      %get3A_395 = arith.index_cast %add3A_371 : i32 to index
      %get3A_396 = arith.constant 48 : index
      %get3A_397 = tpu.vector_load %arg17[%get3A_395, %get3A_396] {strides = array<i32>} : memref<80x128xf32, #tpu.memory_space<vmem>>, vector<16xf32>,
      %mul3A_398 = arith.mulf %get3A_397, %gather3A_373 : vector<16xf32>
      %swap3A_399 = arith.index_cast %add3A_371 : i32 to index
      %swap3A_400 = arith.constant 48 : index
      %swap3A_401 = tpu.vector_load %arg17[%swap3A_399, %swap3A_400] {strides = array<i32>} : memref<80x128xf32, #tpu.memory_space<vmem>>, vector<16xf32>,
      tpu.vector_store %arg17[%swap3A_399, %swap3A_400], %mul3A_398 {strides = array<i32>} : memref<80x128xf32, #tpu.memory_space<vmem>>, vector<16xf32>,
      %get3A_402 = arith.index_cast %add3A_371 : i32 to index
      %get3A_403 = arith.constant 64 : index
      %get3A_404 = tpu.vector_load %arg17[%get3A_402, %get3A_403] {strides = array<i32>} : memref<80x128xf32, #tpu.memory_space<vmem>>, vector<16xf32>,
      %mul3A_405 = arith.mulf %get3A_404, %gather3A_373 : vector<16xf32>
      %swap3A_406 = arith.index_cast %add3A_371 : i32 to index
      %swap3A_407 = arith.constant 64 : index
      %swap3A_408 = tpu.vector_load %arg17[%swap3A_406, %swap3A_407] {strides = array<i32>} : memref<80x128xf32, #tpu.memory_space<vmem>>, vector<16xf32>,
      tpu.vector_store %arg17[%swap3A_406, %swap3A_407], %mul3A_405 {strides = array<i32>} : memref<80x128xf32, #tpu.memory_space<vmem>>, vector<16xf32>,
      %get3A_409 = arith.index_cast %add3A_371 : i32 to index
      %get3A_410 = arith.constant 80 : index
      %get3A_411 = tpu.vector_load %arg17[%get3A_409, %get3A_410] {strides = array<i32>} : memref<80x128xf32, #tpu.memory_space<vmem>>, vector<16xf32>,
      %mul3A_412 = arith.mulf %get3A_411, %gather3A_373 : vector<16xf32>
      %swap3A_413 = arith.index_cast %add3A_371 : i32 to index
      %swap3A_414 = arith.constant 80 : index
      %swap3A_415 = tpu.vector_load %arg17[%swap3A_413, %swap3A_414] {strides = array<i32>} : memref<80x128xf32, #tpu.memory_space<vmem>>, vector<16xf32>,
      tpu.vector_store %arg17[%swap3A_413, %swap3A_414], %mul3A_412 {strides = array<i32>} : memref<80x128xf32, #tpu.memory_space<vmem>>, vector<16xf32>,
      %get3A_416 = arith.index_cast %add3A_371 : i32 to index
      %get3A_417 = arith.constant 96 : index
      %get3A_418 = tpu.vector_load %arg17[%get3A_416, %get3A_417] {strides = array<i32>} : memref<80x128xf32, #tpu.memory_space<vmem>>, vector<16xf32>,
      %mul3A_419 = arith.mulf %get3A_418, %gather3A_373 : vector<16xf32>
      %swap3A_420 = arith.index_cast %add3A_371 : i32 to index
      %swap3A_421 = arith.constant 96 : index
      %swap3A_422 = tpu.vector_load %arg17[%swap3A_420, %swap3A_421] {strides = array<i32>} : memref<80x128xf32, #tpu.memory_space<vmem>>, vector<16xf32>,
      tpu.vector_store %arg17[%swap3A_420, %swap3A_421], %mul3A_419 {strides = array<i32>} : memref<80x128xf32, #tpu.memory_space<vmem>>, vector<16xf32>,
      %get3A_423 = arith.index_cast %add3A_371 : i32 to index
      %get3A_424 = arith.constant 112 : index
      %get3A_425 = tpu.vector_load %arg17[%get3A_423, %get3A_424] {strides = array<i32>} : memref<80x128xf32, #tpu.memory_space<vmem>>, vector<16xf32>,
      %mul3A_426 = arith.mulf %get3A_425, %gather3A_373 : vector<16xf32>
      %swap3A_427 = arith.index_cast %add3A_371 : i32 to index
      %swap3A_428 = arith.constant 112 : index
      %swap3A_429 = tpu.vector_load %arg17[%swap3A_427, %swap3A_428] {strides = array<i32>} : memref<80x128xf32, #tpu.memory_space<vmem>>, vector<16xf32>,
      tpu.vector_store %arg17[%swap3A_427, %swap3A_428], %mul3A_426 {strides = array<i32>} : memref<80x128xf32, #tpu.memory_space<vmem>>, vector<16xf32>,
      %mul3A_430 = arith.constant 4 : i32
      %mul3A_431 = arith.muli %scan3A_242, %mul3A_430 : i32
      %add3A_432 = arith.constant 3 : i32
      %add3A_433 = arith.addi %mul3A_431, %add3A_432 : i32
      %broadcast_in_dim3A_434 = vector.broadcast %add3A_433 : i32 to vector<16xi32>
      %gather3A_435 = tpu.vector_load_idx %arg16[%broadcast_in_dim3A_434] : memref<80xf32, #tpu.memory_space<vmem>>[vector<16xi32>], vector<16xf32>,
      %get3A_436 = arith.index_cast %add3A_433 : i32 to index
      %get3A_437 = arith.constant 0 : index
      %get3A_438 = tpu.vector_load %arg17[%get3A_436, %get3A_437] {strides = array<i32>} : memref<80x128xf32, #tpu.memory_space<vmem>>, vector<16xf32>,
      %mul3A_439 = arith.mulf %get3A_438, %gather3A_435 : vector<16xf32>
      %swap3A_440 = arith.index_cast %add3A_433 : i32 to index
      %swap3A_441 = arith.constant 0 : index
      %swap3A_442 = tpu.vector_load %arg17[%swap3A_440, %swap3A_441] {strides = array<i32>} : memref<80x128xf32, #tpu.memory_space<vmem>>, vector<16xf32>,
      tpu.vector_store %arg17[%swap3A_440, %swap3A_441], %mul3A_439 {strides = array<i32>} : memref<80x128xf32, #tpu.memory_space<vmem>>, vector<16xf32>,
      %get3A_443 = arith.index_cast %add3A_433 : i32 to index
      %get3A_444 = arith.constant 16 : index
      %get3A_445 = tpu.vector_load %arg17[%get3A_443, %get3A_444] {strides = array<i32>} : memref<80x128xf32, #tpu.memory_space<vmem>>, vector<16xf32>,
      %mul3A_446 = arith.mulf %get3A_445, %gather3A_435 : vector<16xf32>
      %swap3A_447 = arith.index_cast %add3A_433 : i32 to index
      %swap3A_448 = arith.constant 16 : index
      %swap3A_449 = tpu.vector_load %arg17[%swap3A_447, %swap3A_448] {strides = array<i32>} : memref<80x128xf32, #tpu.memory_space<vmem>>, vector<16xf32>,
      tpu.vector_store %arg17[%swap3A_447, %swap3A_448], %mul3A_446 {strides = array<i32>} : memref<80x128xf32, #tpu.memory_space<vmem>>, vector<16xf32>,
      %get3A_450 = arith.index_cast %add3A_433 : i32 to index
      %get3A_451 = arith.constant 32 : index
      %get3A_452 = tpu.vector_load %arg17[%get3A_450, %get3A_451] {strides = array<i32>} : memref<80x128xf32, #tpu.memory_space<vmem>>, vector<16xf32>,
      %mul3A_453 = arith.mulf %get3A_452, %gather3A_435 : vector<16xf32>
      %swap3A_454 = arith.index_cast %add3A_433 : i32 to index
      %swap3A_455 = arith.constant 32 : index
      %swap3A_456 = tpu.vector_load %arg17[%swap3A_454, %swap3A_455] {strides = array<i32>} : memref<80x128xf32, #tpu.memory_space<vmem>>, vector<16xf32>,
      tpu.vector_store %arg17[%swap3A_454, %swap3A_455], %mul3A_453 {strides = array<i32>} : memref<80x128xf32, #tpu.memory_space<vmem>>, vector<16xf32>,
      %get3A_457 = arith.index_cast %add3A_433 : i32 to index
      %get3A_458 = arith.constant 48 : index
      %get3A_459 = tpu.vector_load %arg17[%get3A_457, %get3A_458] {strides = array<i32>} : memref<80x128xf32, #tpu.memory_space<vmem>>, vector<16xf32>,
      %mul3A_460 = arith.mulf %get3A_459, %gather3A_435 : vector<16xf32>
      %swap3A_461 = arith.index_cast %add3A_433 : i32 to index
      %swap3A_462 = arith.constant 48 : index
      %swap3A_463 = tpu.vector_load %arg17[%swap3A_461, %swap3A_462] {strides = array<i32>} : memref<80x128xf32, #tpu.memory_space<vmem>>, vector<16xf32>,
      tpu.vector_store %arg17[%swap3A_461, %swap3A_462], %mul3A_460 {strides = array<i32>} : memref<80x128xf32, #tpu.memory_space<vmem>>, vector<16xf32>,
      %get3A_464 = arith.index_cast %add3A_433 : i32 to index
      %get3A_465 = arith.constant 64 : index
      %get3A_466 = tpu.vector_load %arg17[%get3A_464, %get3A_465] {strides = array<i32>} : memref<80x128xf32, #tpu.memory_space<vmem>>, vector<16xf32>,
      %mul3A_467 = arith.mulf %get3A_466, %gather3A_435 : vector<16xf32>
      %swap3A_468 = arith.index_cast %add3A_433 : i32 to index
      %swap3A_469 = arith.constant 64 : index
      %swap3A_470 = tpu.vector_load %arg17[%swap3A_468, %swap3A_469] {strides = array<i32>} : memref<80x128xf32, #tpu.memory_space<vmem>>, vector<16xf32>,
      tpu.vector_store %arg17[%swap3A_468, %swap3A_469], %mul3A_467 {strides = array<i32>} : memref<80x128xf32, #tpu.memory_space<vmem>>, vector<16xf32>,
      %get3A_471 = arith.index_cast %add3A_433 : i32 to index
      %get3A_472 = arith.constant 80 : index
      %get3A_473 = tpu.vector_load %arg17[%get3A_471, %get3A_472] {strides = array<i32>} : memref<80x128xf32, #tpu.memory_space<vmem>>, vector<16xf32>,
      %mul3A_474 = arith.mulf %get3A_473, %gather3A_435 : vector<16xf32>
      %swap3A_475 = arith.index_cast %add3A_433 : i32 to index
      %swap3A_476 = arith.constant 80 : index
      %swap3A_477 = tpu.vector_load %arg17[%swap3A_475, %swap3A_476] {strides = array<i32>} : memref<80x128xf32, #tpu.memory_space<vmem>>, vector<16xf32>,
      tpu.vector_store %arg17[%swap3A_475, %swap3A_476], %mul3A_474 {strides = array<i32>} : memref<80x128xf32, #tpu.memory_space<vmem>>, vector<16xf32>,
      %get3A_478 = arith.index_cast %add3A_433 : i32 to index
      %get3A_479 = arith.constant 96 : index
      %get3A_480 = tpu.vector_load %arg17[%get3A_478, %get3A_479] {strides = array<i32>} : memref<80x128xf32, #tpu.memory_space<vmem>>, vector<16xf32>,
      %mul3A_481 = arith.mulf %get3A_480, %gather3A_435 : vector<16xf32>
      %swap3A_482 = arith.index_cast %add3A_433 : i32 to index
      %swap3A_483 = arith.constant 96 : index
      %swap3A_484 = tpu.vector_load %arg17[%swap3A_482, %swap3A_483] {strides = array<i32>} : memref<80x128xf32, #tpu.memory_space<vmem>>, vector<16xf32>,
      tpu.vector_store %arg17[%swap3A_482, %swap3A_483], %mul3A_481 {strides = array<i32>} : memref<80x128xf32, #tpu.memory_space<vmem>>, vector<16xf32>,
      %get3A_485 = arith.index_cast %add3A_433 : i32 to index
      %get3A_486 = arith.constant 112 : index
      %get3A_487 = tpu.vector_load %arg17[%get3A_485, %get3A_486] {strides = array<i32>} : memref<80x128xf32, #tpu.memory_space<vmem>>, vector<16xf32>,
      %mul3A_488 = arith.mulf %get3A_487, %gather3A_435 : vector<16xf32>
      %swap3A_489 = arith.index_cast %add3A_433 : i32 to index
      %swap3A_490 = arith.constant 112 : index
      %swap3A_491 = tpu.vector_load %arg17[%swap3A_489, %swap3A_490] {strides = array<i32>} : memref<80x128xf32, #tpu.memory_space<vmem>>, vector<16xf32>,
      tpu.vector_store %arg17[%swap3A_489, %swap3A_490], %mul3A_488 {strides = array<i32>} : memref<80x128xf32, #tpu.memory_space<vmem>>, vector<16xf32>,
      %scan3A_492 = arith.constant 0 : i32
      scf.yield %scan3A_492 : i32
    }
    %scan3A_239 = arith.constant 20 : i32
    %run_scoped3A = arith.constant 0 : i32
    "tpu.region"() ({
      %run_scoped3A_242 = tpu.sem_alloc : memref<!tpu.dma_semaphore, #tpu.memory_space<semaphore_mem>>
      %dma_start3A_243 = arith.constant 0 : i32
      %dma_start3A_244 = tpu.memref_slice %arg12[%run_scoped3A, %dma_start3A_243] : memref<2x80xi32, #tpu.memory_space<vmem>> -> memref<1x80xi32, #tpu.memory_space<vmem>>
      %dma_start3A_245 = tpu.memref_squeeze %dma_start3A_244 : memref<1x80xi32, #tpu.memory_space<vmem>> -> memref<80xi32, #tpu.memory_space<vmem>>
      %dma_start3A_246 = arith.constant 0 : i32
      %dma_start3A_247 = arith.constant 0 : i32
      %dma_start3A_248 = tpu.memref_slice %arg21[%dma_start3A_246, %dma_start3A_247] : memref<10240x128xf32, #tpu.memory_space<vmem_shared>> -> memref<10240x128xf32, #tpu.memory_space<vmem_shared>>
      tpu.enqueue_indirect_dma source(%arg17 : memref<80x128xf32, #tpu.memory_space<vmem>>) target(%dma_start3A_248 : memref<10240x128xf32, #tpu.memory_space<vmem_shared>>) offsets(%dma_start3A_245 : memref<80xi32, #tpu.memory_space<vmem>>) semaphore(%run_scoped3A_242 : memref<!tpu.dma_semaphore, #tpu.memory_space<semaphore_mem>>) {add = true}
      %dma_wait3A_249 = arith.constant 0 : i32
      %dma_wait3A_250 = tpu.memref_slice %arg12[%run_scoped3A, %dma_wait3A_249] : memref<2x80xi32, #tpu.memory_space<vmem>> -> memref<1x80xi32, #tpu.memory_space<vmem>>
      %dma_wait3A_251 = tpu.memref_squeeze %dma_wait3A_250 : memref<1x80xi32, #tpu.memory_space<vmem>> -> memref<80xi32, #tpu.memory_space<vmem>>
      %dma_wait3A_252 = arith.constant 0 : i32
      %dma_wait3A_253 = arith.constant 0 : i32
      %dma_wait3A_254 = tpu.memref_slice %arg21[%dma_wait3A_252, %dma_wait3A_253] : memref<10240x128xf32, #tpu.memory_space<vmem_shared>> -> memref<10240x128xf32, #tpu.memory_space<vmem_shared>>
      tpu.wait_indirect_dma semaphore(%run_scoped3A_242 : memref<!tpu.dma_semaphore, #tpu.memory_space<semaphore_mem>>) src(%arg17 : memref<80x128xf32, #tpu.memory_space<vmem>>) dst(%dma_wait3A_254 : memref<10240x128xf32, #tpu.memory_space<vmem_shared>>)
      tpu.yield
    }) : () -> ()
    %run_scoped3A_240 = arith.constant 0 : i32
    "tpu.region"() ({
      %run_scoped3A_242 = tpu.sem_alloc : memref<!tpu.dma_semaphore, #tpu.memory_space<semaphore_mem>>
      %dma_start3A_243 = arith.constant 0 : i32
      %dma_start3A_244 = tpu.memref_slice %arg12[%run_scoped3A_240, %dma_start3A_243] : memref<2x80xi32, #tpu.memory_space<vmem>> -> memref<1x80xi32, #tpu.memory_space<vmem>>
      %dma_start3A_245 = tpu.memref_squeeze %dma_start3A_244 : memref<1x80xi32, #tpu.memory_space<vmem>> -> memref<80xi32, #tpu.memory_space<vmem>>
      %dma_start3A_246 = arith.constant 0 : i32
      %dma_start3A_247 = tpu.memref_slice %arg22[%dma_start3A_246] : memref<10240xf32, #tpu.memory_space<vmem_shared>> -> memref<10240xf32, #tpu.memory_space<vmem_shared>>
      tpu.enqueue_indirect_dma source(%arg16 : memref<80xf32, #tpu.memory_space<vmem>>) target(%dma_start3A_247 : memref<10240xf32, #tpu.memory_space<vmem_shared>>) offsets(%dma_start3A_245 : memref<80xi32, #tpu.memory_space<vmem>>) semaphore(%run_scoped3A_242 : memref<!tpu.dma_semaphore, #tpu.memory_space<semaphore_mem>>) {add = true}
      %dma_wait3A_248 = arith.constant 0 : i32
      %dma_wait3A_249 = tpu.memref_slice %arg12[%run_scoped3A_240, %dma_wait3A_248] : memref<2x80xi32, #tpu.memory_space<vmem>> -> memref<1x80xi32, #tpu.memory_space<vmem>>
      %dma_wait3A_250 = tpu.memref_squeeze %dma_wait3A_249 : memref<1x80xi32, #tpu.memory_space<vmem>> -> memref<80xi32, #tpu.memory_space<vmem>>
      %dma_wait3A_251 = arith.constant 0 : i32
      %dma_wait3A_252 = tpu.memref_slice %arg22[%dma_wait3A_251] : memref<10240xf32, #tpu.memory_space<vmem_shared>> -> memref<10240xf32, #tpu.memory_space<vmem_shared>>
      tpu.wait_indirect_dma semaphore(%run_scoped3A_242 : memref<!tpu.dma_semaphore, #tpu.memory_space<semaphore_mem>>) src(%arg16 : memref<80xf32, #tpu.memory_space<vmem>>) dst(%dma_wait3A_252 : memref<10240xf32, #tpu.memory_space<vmem_shared>>)
      tpu.yield
    }) : () -> ()
    %barrier3A_241 = arith.constant 0 : index
    tpu.barrier barrier_id(%barrier3A_241)
    "tpu.region"() ({
      %run_scoped3A_242 = tpu.sem_alloc : memref<!tpu.dma_semaphore, #tpu.memory_space<semaphore_mem>>
      %dma_start3A_243 = tpu.memref_slice %arg8[%arg0, %mul3A_16] : memref<2x10240xf32, #tpu.memory_space<hbm>> -> memref<1x640xf32, #tpu.memory_space<hbm>>
      %dma_start3A_244 = tpu.memref_squeeze %dma_start3A_243 : memref<1x640xf32, #tpu.memory_space<hbm>> -> memref<640xf32, #tpu.memory_space<hbm>>
      %dma_start3A_245 = tpu.memref_slice %arg22[%mul3A_16] : memref<10240xf32, #tpu.memory_space<vmem_shared>> -> memref<640xf32, #tpu.memory_space<vmem_shared>>
      tpu.enqueue_dma source(%dma_start3A_245 : memref<640xf32, #tpu.memory_space<vmem_shared>>) target(%dma_start3A_244 : memref<640xf32, #tpu.memory_space<hbm>>) target_semaphore(%run_scoped3A_242 : memref<!tpu.dma_semaphore, #tpu.memory_space<semaphore_mem>>)
      %dma_wait3A_246 = tpu.memref_slice %arg8[%arg0, %mul3A_16] : memref<2x10240xf32, #tpu.memory_space<hbm>> -> memref<1x640xf32, #tpu.memory_space<hbm>>
      %dma_wait3A_247 = tpu.memref_squeeze %dma_wait3A_246 : memref<1x640xf32, #tpu.memory_space<hbm>> -> memref<640xf32, #tpu.memory_space<hbm>>
      %dma_wait3A_248 = tpu.memref_slice %arg22[%mul3A_16] : memref<10240xf32, #tpu.memory_space<vmem_shared>> -> memref<640xf32, #tpu.memory_space<vmem_shared>>
      tpu.wait_dma2 semaphore(%run_scoped3A_242 : memref<!tpu.dma_semaphore, #tpu.memory_space<semaphore_mem>>) src(%dma_wait3A_248 : memref<640xf32, #tpu.memory_space<vmem_shared>>) dst(%dma_wait3A_247 : memref<640xf32, #tpu.memory_space<hbm>>)
      tpu.yield
    }) : () -> ()
    "tpu.region"() ({
      %run_scoped3A_242 = tpu.sem_alloc : memref<!tpu.dma_semaphore, #tpu.memory_space<semaphore_mem>>
      %dma_start3A_243 = arith.constant 0 : i32
      %dma_start3A_244 = tpu.memref_slice %arg7[%arg0, %mul3A_16, %dma_start3A_243] : memref<2x10240x128xf32, #tpu.memory_space<hbm>> -> memref<1x640x128xf32, #tpu.memory_space<hbm>>
      %dma_start3A_245 = tpu.memref_squeeze %dma_start3A_244 : memref<1x640x128xf32, #tpu.memory_space<hbm>> -> memref<640x128xf32, #tpu.memory_space<hbm>>
      %dma_start3A_246 = arith.constant 0 : i32
      %dma_start3A_247 = tpu.memref_slice %arg21[%mul3A_16, %dma_start3A_246] : memref<10240x128xf32, #tpu.memory_space<vmem_shared>> -> memref<640x128xf32, #tpu.memory_space<vmem_shared>>
      tpu.enqueue_dma source(%dma_start3A_247 : memref<640x128xf32, #tpu.memory_space<vmem_shared>>) target(%dma_start3A_245 : memref<640x128xf32, #tpu.memory_space<hbm>>) target_semaphore(%run_scoped3A_242 : memref<!tpu.dma_semaphore, #tpu.memory_space<semaphore_mem>>)
      %dma_wait3A_248 = arith.constant 0 : i32
      %dma_wait3A_249 = tpu.memref_slice %arg7[%arg0, %mul3A_16, %dma_wait3A_248] : memref<2x10240x128xf32, #tpu.memory_space<hbm>> -> memref<1x640x128xf32, #tpu.memory_space<hbm>>
      %dma_wait3A_250 = tpu.memref_squeeze %dma_wait3A_249 : memref<1x640x128xf32, #tpu.memory_space<hbm>> -> memref<640x128xf32, #tpu.memory_space<hbm>>
      %dma_wait3A_251 = arith.constant 0 : i32
      %dma_wait3A_252 = tpu.memref_slice %arg21[%mul3A_16, %dma_wait3A_251] : memref<10240x128xf32, #tpu.memory_space<vmem_shared>> -> memref<640x128xf32, #tpu.memory_space<vmem_shared>>
      tpu.wait_dma2 semaphore(%run_scoped3A_242 : memref<!tpu.dma_semaphore, #tpu.memory_space<semaphore_mem>>) src(%dma_wait3A_252 : memref<640x128xf32, #tpu.memory_space<vmem_shared>>) dst(%dma_wait3A_250 : memref<640x128xf32, #tpu.memory_space<hbm>>)
      tpu.yield
    }) : () -> ()
    return
  }
}

module attributes {stable_mosaic.version = 14 : i64} {
  func.func @_pre_body(%arg0: i32, %arg1: memref<1000x128xf32, #tpu.memory_space<vmem>>, %arg2: memref<1000x128xf32, #tpu.memory_space<vmem>>, %arg3: memref<128x128xf32, #tpu.memory_space<vmem>>, %arg4: memref<128x128xf32, #tpu.memory_space<vmem>>, %arg5: memref<128x128xf32, #tpu.memory_space<vmem>>, %arg6: memref<1x256xf32, #tpu.memory_space<vmem>>, %arg7: memref<1000x1xf32, #tpu.memory_space<vmem>>, %arg8: memref<1000x1xf32, #tpu.memory_space<vmem>>, %arg9: memref<1000x128xf32, #tpu.memory_space<vmem>>, %arg10: memref<1x1xf32, #tpu.memory_space<vmem>>) attributes {dimension_semantics = [#tpu.dimension_semantics<arbitrary>], iteration_bounds = array<i64: 10>, scalar_prefetch = 0 : i64, scratch_operands = 0 : i64, tpu.core_type = #tpu.core_type<tc>, window_params = [{transform_indices = @transform_0, window_bounds = array<i64: 1000, 128>}, {transform_indices = @transform_1, window_bounds = array<i64: 1000, 128>}, {pipeline_mode = #tpu.pipeline_mode<synchronous>, transform_indices = @transform_2, window_bounds = array<i64: 128, 128>}, {pipeline_mode = #tpu.pipeline_mode<synchronous>, transform_indices = @transform_3, window_bounds = array<i64: 128, 128>}, {pipeline_mode = #tpu.pipeline_mode<synchronous>, transform_indices = @transform_4, window_bounds = array<i64: 128, 128>}, {pipeline_mode = #tpu.pipeline_mode<synchronous>, transform_indices = @transform_5, window_bounds = array<i64: 1, 256>}, {transform_indices = @transform_6, window_bounds = array<i64: 1000, 1>}, {transform_indices = @transform_7, window_bounds = array<i64: 1000, 1>}, {transform_indices = @transform_8, window_bounds = array<i64: 1000, 128>}, {pipeline_mode = #tpu.pipeline_mode<synchronous>, transform_indices = @transform_9, window_bounds = array<i64: 1, 1>}]} {
    %get3A = arith.constant 0 : index
    %get3A_0 = arith.constant 0 : index
    %get3A_1 = vector.load %arg1[%get3A, %get3A_0] : memref<1000x128xf32, #tpu.memory_space<vmem>>, vector<1000x128xf32>
    %get3A_2 = arith.constant 0 : index
    %get3A_3 = arith.constant 0 : index
    %get3A_4 = vector.load %arg2[%get3A_2, %get3A_3] : memref<1000x128xf32, #tpu.memory_space<vmem>>, vector<1000x128xf32>
    %get3A_5 = arith.constant 0 : index
    %get3A_6 = arith.constant 0 : index
    %get3A_7 = vector.load %arg3[%get3A_5, %get3A_6] : memref<128x128xf32, #tpu.memory_space<vmem>>, vector<128x128xf32>
    %get3A_8 = arith.constant 0 : index
    %get3A_9 = arith.constant 0 : index
    %get3A_10 = vector.load %arg4[%get3A_8, %get3A_9] : memref<128x128xf32, #tpu.memory_space<vmem>>, vector<128x128xf32>
    %get3A_11 = arith.constant 0 : index
    %get3A_12 = arith.constant 0 : index
    %get3A_13 = vector.load %arg5[%get3A_11, %get3A_12] : memref<128x128xf32, #tpu.memory_space<vmem>>, vector<128x128xf32>
    %get3A_14 = arith.constant 0 : index
    %get3A_15 = arith.constant 0 : index
    %get3A_16 = vector.load %arg6[%get3A_14, %get3A_15] : memref<1x256xf32, #tpu.memory_space<vmem>>, vector<1x256xf32>
    %transpose3A = tpu.transpose %get3A_7, [1, 0] : vector<128x128xf32> -> vector<128x128xf32>
    %dot_general3A = arith.constant dense<0.000000e+00> : vector<1000x128xf32>
    %dot_general3A_17 = tpu.matmul %get3A_1, %transpose3A, %dot_general3A {dimension_numbers = #tpu.dot_dimension_numbers<[1], [0], [0], [1], [0, 0, 1, 1], [], []>, transpose_lhs_hint = false} : vector<1000x128xf32>, vector<128x128xf32>, vector<1000x128xf32> -> vector<1000x128xf32>
    %transpose3A_18 = tpu.transpose %get3A_10, [1, 0] : vector<128x128xf32> -> vector<128x128xf32>
    %dot_general3A_19 = arith.constant dense<0.000000e+00> : vector<1000x128xf32>
    %dot_general3A_20 = tpu.matmul %get3A_4, %transpose3A_18, %dot_general3A_19 {dimension_numbers = #tpu.dot_dimension_numbers<[1], [0], [0], [1], [0, 0, 1, 1], [], []>, transpose_lhs_hint = false} : vector<1000x128xf32>, vector<128x128xf32>, vector<1000x128xf32> -> vector<1000x128xf32>
    %transpose3A_21 = tpu.transpose %get3A_13, [1, 0] : vector<128x128xf32> -> vector<128x128xf32>
    %dot_general3A_22 = arith.constant dense<0.000000e+00> : vector<1000x128xf32>
    %dot_general3A_23 = tpu.matmul %get3A_4, %transpose3A_21, %dot_general3A_22 {dimension_numbers = #tpu.dot_dimension_numbers<[1], [0], [0], [1], [0, 0, 1, 1], [], []>, transpose_lhs_hint = false} : vector<1000x128xf32>, vector<128x128xf32>, vector<1000x128xf32> -> vector<1000x128xf32>
    %mul3A = arith.mulf %dot_general3A_17, %dot_general3A_17 : vector<1000x128xf32>
    %reduce_sum3A = arith.constant dense<0.000000e+00> : vector<1000xf32>
    %reduce_sum3A_24 = vector.multi_reduction <add>, %mul3A, %reduce_sum3A [1] : vector<1000x128xf32> to vector<1000xf32>
    %broadcast_in_dim3A = vector.shape_cast %reduce_sum3A_24 : vector<1000xf32> to vector<1000x1xf32>
    %slice3A = vector.extract_strided_slice %dot_general3A_17 {offsets = [0, 0], sizes = [1000, 1], strides = [1, 1]} : vector<1000x128xf32> to vector<1000x1xf32>
    %mul3A_25 = arith.constant 2.000000e+00 : f32
    %mul3A_26 = vector.broadcast %mul3A_25 : f32 to vector<1000x1xf32>
    %mul3A_27 = arith.mulf %mul3A_26, %slice3A : vector<1000x1xf32>
    %slice3A_28 = vector.extract_strided_slice %dot_general3A_17 {offsets = [0, 0], sizes = [1000, 1], strides = [1, 1]} : vector<1000x128xf32> to vector<1000x1xf32>
    %mul3A_29 = arith.mulf %mul3A_27, %slice3A_28 : vector<1000x1xf32>
    %sub3A = arith.subf %broadcast_in_dim3A, %mul3A_29 : vector<1000x1xf32>
    %abs3A = math.absf %sub3A : vector<1000x1xf32>
    %jit3A = arith.constant 9.99999993E-9 : f32
    %max3A = vector.broadcast %jit3A : f32 to vector<1000x1xf32>
    %max3A_30 = arith.maximumf %max3A, %abs3A : vector<1000x1xf32>
    %sqrt3A = math.sqrt %max3A_30 : vector<1000x1xf32>
    %div3A = vector.broadcast %sqrt3A : vector<1000x1xf32> to vector<1000x128xf32>
    %div3A_31 = arith.divf %dot_general3A_17, %div3A : vector<1000x128xf32>
    %mul3A_32 = arith.mulf %dot_general3A_20, %dot_general3A_20 : vector<1000x128xf32>
    %reduce_sum3A_33 = arith.constant dense<0.000000e+00> : vector<1000xf32>
    %reduce_sum3A_34 = vector.multi_reduction <add>, %mul3A_32, %reduce_sum3A_33 [1] : vector<1000x128xf32> to vector<1000xf32>
    %broadcast_in_dim3A_35 = vector.shape_cast %reduce_sum3A_34 : vector<1000xf32> to vector<1000x1xf32>
    %slice3A_36 = vector.extract_strided_slice %dot_general3A_20 {offsets = [0, 0], sizes = [1000, 1], strides = [1, 1]} : vector<1000x128xf32> to vector<1000x1xf32>
    %mul3A_37 = arith.constant 2.000000e+00 : f32
    %mul3A_38 = vector.broadcast %mul3A_37 : f32 to vector<1000x1xf32>
    %mul3A_39 = arith.mulf %mul3A_38, %slice3A_36 : vector<1000x1xf32>
    %slice3A_40 = vector.extract_strided_slice %dot_general3A_20 {offsets = [0, 0], sizes = [1000, 1], strides = [1, 1]} : vector<1000x128xf32> to vector<1000x1xf32>
    %mul3A_41 = arith.mulf %mul3A_39, %slice3A_40 : vector<1000x1xf32>
    %sub3A_42 = arith.subf %broadcast_in_dim3A_35, %mul3A_41 : vector<1000x1xf32>
    %abs3A_43 = math.absf %sub3A_42 : vector<1000x1xf32>
    %jit3A_44 = arith.constant 9.99999993E-9 : f32
    %max3A_45 = vector.broadcast %jit3A_44 : f32 to vector<1000x1xf32>
    %max3A_46 = arith.maximumf %max3A_45, %abs3A_43 : vector<1000x1xf32>
    %sqrt3A_47 = math.sqrt %max3A_46 : vector<1000x1xf32>
    %div3A_48 = vector.broadcast %sqrt3A_47 : vector<1000x1xf32> to vector<1000x128xf32>
    %div3A_49 = arith.divf %dot_general3A_20, %div3A_48 : vector<1000x128xf32>
    %mul3A_50 = arith.mulf %dot_general3A_23, %dot_general3A_23 : vector<1000x128xf32>
    %reduce_sum3A_51 = arith.constant dense<0.000000e+00> : vector<1000xf32>
    %reduce_sum3A_52 = vector.multi_reduction <add>, %mul3A_50, %reduce_sum3A_51 [1] : vector<1000x128xf32> to vector<1000xf32>
    %broadcast_in_dim3A_53 = vector.shape_cast %reduce_sum3A_52 : vector<1000xf32> to vector<1000x1xf32>
    %slice3A_54 = vector.extract_strided_slice %dot_general3A_23 {offsets = [0, 0], sizes = [1000, 1], strides = [1, 1]} : vector<1000x128xf32> to vector<1000x1xf32>
    %mul3A_55 = arith.constant 2.000000e+00 : f32
    %mul3A_56 = vector.broadcast %mul3A_55 : f32 to vector<1000x1xf32>
    %mul3A_57 = arith.mulf %mul3A_56, %slice3A_54 : vector<1000x1xf32>
    %slice3A_58 = vector.extract_strided_slice %dot_general3A_23 {offsets = [0, 0], sizes = [1000, 1], strides = [1, 1]} : vector<1000x128xf32> to vector<1000x1xf32>
    %mul3A_59 = arith.mulf %mul3A_57, %slice3A_58 : vector<1000x1xf32>
    %sub3A_60 = arith.subf %broadcast_in_dim3A_53, %mul3A_59 : vector<1000x1xf32>
    %abs3A_61 = math.absf %sub3A_60 : vector<1000x1xf32>
    %jit3A_62 = arith.constant 9.99999993E-9 : f32
    %max3A_63 = vector.broadcast %jit3A_62 : f32 to vector<1000x1xf32>
    %max3A_64 = arith.maximumf %max3A_63, %abs3A_61 : vector<1000x1xf32>
    %sqrt3A_65 = math.sqrt %max3A_64 : vector<1000x1xf32>
    %div3A_66 = vector.broadcast %sqrt3A_65 : vector<1000x1xf32> to vector<1000x128xf32>
    %div3A_67 = arith.divf %dot_general3A_23, %div3A_66 : vector<1000x128xf32>
    %slice3A_68 = vector.extract_strided_slice %get3A_16 {offsets = [0, 0], sizes = [1, 128], strides = [1, 1]} : vector<1x256xf32> to vector<1x128xf32>
    %slice3A_69 = vector.extract_strided_slice %get3A_16 {offsets = [0, 128], sizes = [1, 128], strides = [1, 1]} : vector<1x256xf32> to vector<1x128xf32>
    %mul3A_70 = vector.broadcast %slice3A_68 : vector<1x128xf32> to vector<1000x128xf32>
    %mul3A_71 = arith.mulf %div3A_31, %mul3A_70 : vector<1000x128xf32>
    %reduce_sum3A_72 = arith.constant dense<0.000000e+00> : vector<1000xf32>
    %reduce_sum3A_73 = vector.multi_reduction <add>, %mul3A_71, %reduce_sum3A_72 [1] : vector<1000x128xf32> to vector<1000xf32>
    %broadcast_in_dim3A_74 = vector.shape_cast %reduce_sum3A_73 : vector<1000xf32> to vector<1000x1xf32>
    %swap3A = arith.constant 0 : index
    %swap3A_75 = arith.constant 0 : index
    %swap3A_76 = vector.load %arg7[%swap3A, %swap3A_75] : memref<1000x1xf32, #tpu.memory_space<vmem>>, vector<1000x1xf32>
    tpu.vector_store %arg7[%swap3A, %swap3A_75], %broadcast_in_dim3A_74 {strides = array<i32>} : memref<1000x1xf32, #tpu.memory_space<vmem>>, vector<1000x1xf32>,
    %mul3A_77 = vector.broadcast %slice3A_69 : vector<1x128xf32> to vector<1000x128xf32>
    %mul3A_78 = arith.mulf %div3A_49, %mul3A_77 : vector<1000x128xf32>
    %reduce_sum3A_79 = arith.constant dense<0.000000e+00> : vector<1000xf32>
    %reduce_sum3A_80 = vector.multi_reduction <add>, %mul3A_78, %reduce_sum3A_79 [1] : vector<1000x128xf32> to vector<1000xf32>
    %broadcast_in_dim3A_81 = vector.shape_cast %reduce_sum3A_80 : vector<1000xf32> to vector<1000x1xf32>
    %swap3A_82 = arith.constant 0 : index
    %swap3A_83 = arith.constant 0 : index
    %swap3A_84 = vector.load %arg8[%swap3A_82, %swap3A_83] : memref<1000x1xf32, #tpu.memory_space<vmem>>, vector<1000x1xf32>
    tpu.vector_store %arg8[%swap3A_82, %swap3A_83], %broadcast_in_dim3A_81 {strides = array<i32>} : memref<1000x1xf32, #tpu.memory_space<vmem>>, vector<1000x1xf32>,
    %swap3A_85 = arith.constant 0 : index
    %swap3A_86 = arith.constant 0 : index
    %swap3A_87 = vector.load %arg9[%swap3A_85, %swap3A_86] : memref<1000x128xf32, #tpu.memory_space<vmem>>, vector<1000x128xf32>
    tpu.vector_store %arg9[%swap3A_85, %swap3A_86], %div3A_67 {strides = array<i32>} : memref<1000x128xf32, #tpu.memory_space<vmem>>, vector<1000x128xf32>,
    %reduce_max3A = vector.shape_cast %broadcast_in_dim3A_81 : vector<1000x1xf32> to vector<1x1000x1xf32>
    %reduce_max3A_88 = arith.constant dense<0xFF800000> : vector<1xf32>
    %reduce_max3A_89 = vector.multi_reduction <maximumf>, %reduce_max3A, %reduce_max3A_88 [1, 2] : vector<1x1000x1xf32> to vector<1xf32>
    %reduce_max3A_90 = vector.shape_cast %reduce_max3A_89 : vector<1xf32> to vector<1x1x1xf32>
    %reduce_max3A_91 = vector.extract %reduce_max3A_90[0, 0, 0] : f32 from vector<1x1x1xf32>
    %reshape3A = vector.broadcast %reduce_max3A_91 : f32 to vector<1x1xf32>
    %eq3A = arith.constant 0 : i32
    %eq3A_92 = arith.cmpi eq, %arg0, %eq3A : i32
    %convert_element_type3A = arith.extui %eq3A_92 : i1 to i32
    %cond3A = arith.constant 0 : i32
    %cond3A_93 = arith.cmpi ne, %convert_element_type3A, %cond3A : i32
    scf.if %cond3A_93 {
      %swap3A_98 = arith.constant 0 : index
      %swap3A_99 = arith.constant 0 : index
      %swap3A_100 = vector.load %arg10[%swap3A_98, %swap3A_99] : memref<1x1xf32, #tpu.memory_space<vmem>>, vector<1x1xf32>
      tpu.vector_store %arg10[%swap3A_98, %swap3A_99], %reshape3A {strides = array<i32>} : memref<1x1xf32, #tpu.memory_space<vmem>>, vector<1x1xf32>,
    } else {
    }
    %gt3A = arith.constant 0 : i32
    %gt3A_94 = arith.cmpi sgt, %arg0, %gt3A : i32
    %convert_element_type3A_95 = arith.extui %gt3A_94 : i1 to i32
    %cond3A_96 = arith.constant 0 : i32
    %cond3A_97 = arith.cmpi ne, %convert_element_type3A_95, %cond3A_96 : i32
    scf.if %cond3A_97 {
      %get3A_98 = arith.constant 0 : index
      %get3A_99 = arith.constant 0 : index
      %get3A_100 = vector.load %arg10[%get3A_98, %get3A_99] : memref<1x1xf32, #tpu.memory_space<vmem>>, vector<1x1xf32>
      %max3A_101 = arith.maximumf %get3A_100, %reshape3A : vector<1x1xf32>
      %swap3A_102 = arith.constant 0 : index
      %swap3A_103 = arith.constant 0 : index
      %swap3A_104 = vector.load %arg10[%swap3A_102, %swap3A_103] : memref<1x1xf32, #tpu.memory_space<vmem>>, vector<1x1xf32>
      tpu.vector_store %arg10[%swap3A_102, %swap3A_103], %max3A_101 {strides = array<i32>} : memref<1x1xf32, #tpu.memory_space<vmem>>, vector<1x1xf32>,
    } else {
    }
    return
  }
  func.func @transform_0(%arg0: i32) -> (i32, i32) {
    %c0_i32 = arith.constant 0 : i32
    %c0_i32_0 = arith.constant 0 : i32
    return %arg0, %c0_i32 : i32, i32
  }
  func.func @transform_1(%arg0: i32) -> (i32, i32) {
    %c0_i32 = arith.constant 0 : i32
    %c0_i32_0 = arith.constant 0 : i32
    return %arg0, %c0_i32 : i32, i32
  }
  func.func @transform_2(%arg0: i32) -> (i32, i32) {
    %c0_i32 = arith.constant 0 : i32
    %c0_i32_0 = arith.constant 0 : i32
    %c0_i32_1 = arith.constant 0 : i32
    return %c0_i32, %c0_i32_0 : i32, i32
  }
  func.func @transform_3(%arg0: i32) -> (i32, i32) {
    %c0_i32 = arith.constant 0 : i32
    %c0_i32_0 = arith.constant 0 : i32
    %c0_i32_1 = arith.constant 0 : i32
    return %c0_i32, %c0_i32_0 : i32, i32
  }
  func.func @transform_4(%arg0: i32) -> (i32, i32) {
    %c0_i32 = arith.constant 0 : i32
    %c0_i32_0 = arith.constant 0 : i32
    %c0_i32_1 = arith.constant 0 : i32
    return %c0_i32, %c0_i32_0 : i32, i32
  }
  func.func @transform_5(%arg0: i32) -> (i32, i32) {
    %c0_i32 = arith.constant 0 : i32
    %c0_i32_0 = arith.constant 0 : i32
    %c0_i32_1 = arith.constant 0 : i32
    return %c0_i32, %c0_i32_0 : i32, i32
  }
  func.func @transform_6(%arg0: i32) -> (i32, i32) {
    %c0_i32 = arith.constant 0 : i32
    %c0_i32_0 = arith.constant 0 : i32
    return %arg0, %c0_i32 : i32, i32
  }
  func.func @transform_7(%arg0: i32) -> (i32, i32) {
    %c0_i32 = arith.constant 0 : i32
    %c0_i32_0 = arith.constant 0 : i32
    return %arg0, %c0_i32 : i32, i32
  }
  func.func @transform_8(%arg0: i32) -> (i32, i32) {
    %c0_i32 = arith.constant 0 : i32
    %c0_i32_0 = arith.constant 0 : i32
    return %arg0, %c0_i32 : i32, i32
  }
  func.func @transform_9(%arg0: i32) -> (i32, i32) {
    %c0_i32 = arith.constant 0 : i32
    %c0_i32_0 = arith.constant 0 : i32
    %c0_i32_1 = arith.constant 0 : i32
    return %c0_i32, %c0_i32_0 : i32, i32
  }
}

module attributes {stable_mosaic.version = 14 : i64} {
  func.func @_post_body(%arg0: i32, %arg1: memref<1000x128xf32, #tpu.memory_space<vmem>>, %arg2: memref<1000x128xf32, #tpu.memory_space<vmem>>, %arg3: memref<1000x1xf32, #tpu.memory_space<vmem>>, %arg4: memref<1000x1xf32, #tpu.memory_space<vmem>>, %arg5: memref<1000x128xf32, #tpu.memory_space<vmem>>, %arg6: memref<128x128xf32, #tpu.memory_space<vmem>>, %arg7: memref<1000x128xf32, #tpu.memory_space<vmem>>) attributes {dimension_semantics = [#tpu.dimension_semantics<arbitrary>], iteration_bounds = array<i64: 10>, scalar_prefetch = 0 : i64, scratch_operands = 0 : i64, tpu.core_type = #tpu.core_type<tc>, window_params = [{transform_indices = @transform_0, window_bounds = array<i64: 1000, 128>}, {transform_indices = @transform_1, window_bounds = array<i64: 1000, 128>}, {transform_indices = @transform_2, window_bounds = array<i64: 1000, 1>}, {transform_indices = @transform_3, window_bounds = array<i64: 1000, 1>}, {transform_indices = @transform_4, window_bounds = array<i64: 1000, 128>}, {pipeline_mode = #tpu.pipeline_mode<synchronous>, transform_indices = @transform_5, window_bounds = array<i64: 128, 128>}, {transform_indices = @transform_6, window_bounds = array<i64: 1000, 128>}]} {
    %get3A = arith.constant 0 : index
    %get3A_0 = arith.constant 0 : index
    %get3A_1 = vector.load %arg1[%get3A, %get3A_0] : memref<1000x128xf32, #tpu.memory_space<vmem>>, vector<1000x128xf32>
    %get3A_2 = arith.constant 0 : index
    %get3A_3 = arith.constant 0 : index
    %get3A_4 = vector.load %arg2[%get3A_2, %get3A_3] : memref<1000x128xf32, #tpu.memory_space<vmem>>, vector<1000x128xf32>
    %add3A = arith.addf %get3A_1, %get3A_4 : vector<1000x128xf32>
    %get3A_5 = arith.constant 0 : index
    %get3A_6 = arith.constant 0 : index
    %get3A_7 = vector.load %arg3[%get3A_5, %get3A_6] : memref<1000x1xf32, #tpu.memory_space<vmem>>, vector<1000x1xf32>
    %get3A_8 = arith.constant 0 : index
    %get3A_9 = arith.constant 0 : index
    %get3A_10 = vector.load %arg4[%get3A_8, %get3A_9] : memref<1000x1xf32, #tpu.memory_space<vmem>>, vector<1000x1xf32>
    %add3A_11 = arith.addf %get3A_7, %get3A_10 : vector<1000x1xf32>
    %gt3A = arith.constant 0.000000e+00 : f32
    %gt3A_12 = vector.broadcast %gt3A : f32 to vector<1000x1xf32>
    %gt3A_13 = arith.cmpf ogt, %add3A_11, %gt3A_12 : vector<1000x1xf32>
    %div3A = arith.constant 1.000000e+00 : f32
    %div3A_14 = vector.broadcast %div3A : f32 to vector<1000x1xf32>
    %div3A_15 = arith.divf %div3A_14, %add3A_11 : vector<1000x1xf32>
    %jit3A = arith.constant 0.000000e+00 : f32
    %broadcast_in_dim3A = vector.broadcast %jit3A : f32 to vector<1000x1xf32>
    %select_n3A = arith.select %gt3A_13, %div3A_15, %broadcast_in_dim3A : vector<1000x1xi1>, vector<1000x1xf32>
    %mul3A = vector.broadcast %select_n3A : vector<1000x1xf32> to vector<1000x128xf32>
    %mul3A_16 = arith.mulf %add3A, %mul3A : vector<1000x128xf32>
    %iota3A = tpu.iota {dimensions = array<i32: 1>} : vector<1000x128xi32>
    %eq3A = arith.constant 0 : i32
    %eq3A_17 = vector.broadcast %eq3A : i32 to vector<1000x128xi32>
    %eq3A_18 = arith.cmpi eq, %iota3A, %eq3A_17 : vector<1000x128xi32>
    %jit3A_19 = arith.constant 1.000000e+00 : f32
    %jit3A_20 = arith.constant 0.000000e+00 : f32
    %broadcast_in_dim3A_21 = vector.broadcast %jit3A_19 : f32 to vector<1000x128xf32>
    %broadcast_in_dim3A_22 = vector.broadcast %jit3A_20 : f32 to vector<1000x128xf32>
    %select_n3A_23 = arith.select %eq3A_18, %broadcast_in_dim3A_21, %broadcast_in_dim3A_22 : vector<1000x128xi1>, vector<1000x128xf32>
    %add3A_24 = arith.addf %mul3A_16, %select_n3A_23 : vector<1000x128xf32>
    %mul3A_25 = arith.mulf %add3A_24, %add3A_24 : vector<1000x128xf32>
    %reduce_sum3A = arith.constant dense<0.000000e+00> : vector<1000xf32>
    %reduce_sum3A_26 = vector.multi_reduction <add>, %mul3A_25, %reduce_sum3A [1] : vector<1000x128xf32> to vector<1000xf32>
    %broadcast_in_dim3A_27 = vector.shape_cast %reduce_sum3A_26 : vector<1000xf32> to vector<1000x1xf32>
    %slice3A = vector.extract_strided_slice %add3A_24 {offsets = [0, 0], sizes = [1000, 1], strides = [1, 1]} : vector<1000x128xf32> to vector<1000x1xf32>
    %mul3A_28 = arith.constant 2.000000e+00 : f32
    %mul3A_29 = vector.broadcast %mul3A_28 : f32 to vector<1000x1xf32>
    %mul3A_30 = arith.mulf %mul3A_29, %slice3A : vector<1000x1xf32>
    %slice3A_31 = vector.extract_strided_slice %add3A_24 {offsets = [0, 0], sizes = [1000, 1], strides = [1, 1]} : vector<1000x128xf32> to vector<1000x1xf32>
    %mul3A_32 = arith.mulf %mul3A_30, %slice3A_31 : vector<1000x1xf32>
    %sub3A = arith.subf %broadcast_in_dim3A_27, %mul3A_32 : vector<1000x1xf32>
    %abs3A = math.absf %sub3A : vector<1000x1xf32>
    %jit3A_33 = arith.constant 9.99999993E-9 : f32
    %max3A = vector.broadcast %jit3A_33 : f32 to vector<1000x1xf32>
    %max3A_34 = arith.maximumf %max3A, %abs3A : vector<1000x1xf32>
    %sqrt3A = math.sqrt %max3A_34 : vector<1000x1xf32>
    %div3A_35 = vector.broadcast %sqrt3A : vector<1000x1xf32> to vector<1000x128xf32>
    %div3A_36 = arith.divf %add3A_24, %div3A_35 : vector<1000x128xf32>
    %get3A_37 = arith.constant 0 : index
    %get3A_38 = arith.constant 0 : index
    %get3A_39 = vector.load %arg6[%get3A_37, %get3A_38] : memref<128x128xf32, #tpu.memory_space<vmem>>, vector<128x128xf32>
    %transpose3A = tpu.transpose %get3A_39, [1, 0] : vector<128x128xf32> -> vector<128x128xf32>
    %dot_general3A = arith.constant dense<0.000000e+00> : vector<1000x128xf32>
    %dot_general3A_40 = tpu.matmul %div3A_36, %transpose3A, %dot_general3A {dimension_numbers = #tpu.dot_dimension_numbers<[1], [0], [0], [1], [0, 0, 1, 1], [], []>, transpose_lhs_hint = false} : vector<1000x128xf32>, vector<128x128xf32>, vector<1000x128xf32> -> vector<1000x128xf32>
    %mul3A_41 = arith.mulf %dot_general3A_40, %dot_general3A_40 : vector<1000x128xf32>
    %reduce_sum3A_42 = arith.constant dense<0.000000e+00> : vector<1000xf32>
    %reduce_sum3A_43 = vector.multi_reduction <add>, %mul3A_41, %reduce_sum3A_42 [1] : vector<1000x128xf32> to vector<1000xf32>
    %broadcast_in_dim3A_44 = vector.shape_cast %reduce_sum3A_43 : vector<1000xf32> to vector<1000x1xf32>
    %slice3A_45 = vector.extract_strided_slice %dot_general3A_40 {offsets = [0, 0], sizes = [1000, 1], strides = [1, 1]} : vector<1000x128xf32> to vector<1000x1xf32>
    %mul3A_46 = arith.constant 2.000000e+00 : f32
    %mul3A_47 = vector.broadcast %mul3A_46 : f32 to vector<1000x1xf32>
    %mul3A_48 = arith.mulf %mul3A_47, %slice3A_45 : vector<1000x1xf32>
    %slice3A_49 = vector.extract_strided_slice %dot_general3A_40 {offsets = [0, 0], sizes = [1000, 1], strides = [1, 1]} : vector<1000x128xf32> to vector<1000x1xf32>
    %mul3A_50 = arith.mulf %mul3A_48, %slice3A_49 : vector<1000x1xf32>
    %sub3A_51 = arith.subf %broadcast_in_dim3A_44, %mul3A_50 : vector<1000x1xf32>
    %abs3A_52 = math.absf %sub3A_51 : vector<1000x1xf32>
    %jit3A_53 = arith.constant 9.99999993E-9 : f32
    %max3A_54 = vector.broadcast %jit3A_53 : f32 to vector<1000x1xf32>
    %max3A_55 = arith.maximumf %max3A_54, %abs3A_52 : vector<1000x1xf32>
    %sqrt3A_56 = math.sqrt %max3A_55 : vector<1000x1xf32>
    %div3A_57 = vector.broadcast %sqrt3A_56 : vector<1000x1xf32> to vector<1000x128xf32>
    %div3A_58 = arith.divf %dot_general3A_40, %div3A_57 : vector<1000x128xf32>
    %get3A_59 = arith.constant 0 : index
    %get3A_60 = arith.constant 0 : index
    %get3A_61 = vector.load %arg5[%get3A_59, %get3A_60] : memref<1000x128xf32, #tpu.memory_space<vmem>>, vector<1000x128xf32>
    %add3A_62 = arith.addf %div3A_58, %get3A_61 : vector<1000x128xf32>
    %mul3A_63 = arith.mulf %add3A_62, %add3A_62 : vector<1000x128xf32>
    %reduce_sum3A_64 = arith.constant dense<0.000000e+00> : vector<1000xf32>
    %reduce_sum3A_65 = vector.multi_reduction <add>, %mul3A_63, %reduce_sum3A_64 [1] : vector<1000x128xf32> to vector<1000xf32>
    %broadcast_in_dim3A_66 = vector.shape_cast %reduce_sum3A_65 : vector<1000xf32> to vector<1000x1xf32>
    %slice3A_67 = vector.extract_strided_slice %add3A_62 {offsets = [0, 0], sizes = [1000, 1], strides = [1, 1]} : vector<1000x128xf32> to vector<1000x1xf32>
    %mul3A_68 = arith.constant 2.000000e+00 : f32
    %mul3A_69 = vector.broadcast %mul3A_68 : f32 to vector<1000x1xf32>
    %mul3A_70 = arith.mulf %mul3A_69, %slice3A_67 : vector<1000x1xf32>
    %slice3A_71 = vector.extract_strided_slice %add3A_62 {offsets = [0, 0], sizes = [1000, 1], strides = [1, 1]} : vector<1000x128xf32> to vector<1000x1xf32>
    %mul3A_72 = arith.mulf %mul3A_70, %slice3A_71 : vector<1000x1xf32>
    %sub3A_73 = arith.subf %broadcast_in_dim3A_66, %mul3A_72 : vector<1000x1xf32>
    %abs3A_74 = math.absf %sub3A_73 : vector<1000x1xf32>
    %jit3A_75 = arith.constant 9.99999993E-9 : f32
    %max3A_76 = vector.broadcast %jit3A_75 : f32 to vector<1000x1xf32>
    %max3A_77 = arith.maximumf %max3A_76, %abs3A_74 : vector<1000x1xf32>
    %sqrt3A_78 = math.sqrt %max3A_77 : vector<1000x1xf32>
    %div3A_79 = vector.broadcast %sqrt3A_78 : vector<1000x1xf32> to vector<1000x128xf32>
    %div3A_80 = arith.divf %add3A_62, %div3A_79 : vector<1000x128xf32>
    %swap3A = arith.constant 0 : index
    %swap3A_81 = arith.constant 0 : index
    %swap3A_82 = vector.load %arg7[%swap3A, %swap3A_81] : memref<1000x128xf32, #tpu.memory_space<vmem>>, vector<1000x128xf32>
    tpu.vector_store %arg7[%swap3A, %swap3A_81], %div3A_80 {strides = array<i32>} : memref<1000x128xf32, #tpu.memory_space<vmem>>, vector<1000x128xf32>,
    return
  }
  func.func @transform_0(%arg0: i32) -> (i32, i32) {
    %c0_i32 = arith.constant 0 : i32
    %c0_i32_0 = arith.constant 0 : i32
    return %arg0, %c0_i32 : i32, i32
  }
  func.func @transform_1(%arg0: i32) -> (i32, i32) {
    %c0_i32 = arith.constant 0 : i32
    %c0_i32_0 = arith.constant 0 : i32
    return %arg0, %c0_i32 : i32, i32
  }
  func.func @transform_2(%arg0: i32) -> (i32, i32) {
    %c0_i32 = arith.constant 0 : i32
    %c0_i32_0 = arith.constant 0 : i32
    return %arg0, %c0_i32 : i32, i32
  }
  func.func @transform_3(%arg0: i32) -> (i32, i32) {
    %c0_i32 = arith.constant 0 : i32
    %c0_i32_0 = arith.constant 0 : i32
    return %arg0, %c0_i32 : i32, i32
  }
  func.func @transform_4(%arg0: i32) -> (i32, i32) {
    %c0_i32 = arith.constant 0 : i32
    %c0_i32_0 = arith.constant 0 : i32
    return %arg0, %c0_i32 : i32, i32
  }
  func.func @transform_5(%arg0: i32) -> (i32, i32) {
    %c0_i32 = arith.constant 0 : i32
    %c0_i32_0 = arith.constant 0 : i32
    %c0_i32_1 = arith.constant 0 : i32
    return %c0_i32, %c0_i32_0 : i32, i32
  }
  func.func @transform_6(%arg0: i32) -> (i32, i32) {
    %c0_i32 = arith.constant 0 : i32
    %c0_i32_0 = arith.constant 0 : i32
    return %arg0, %c0_i32 : i32, i32
  }
}

</mosaic_0001>

<sc_bundles>
// kernel: kernel.5.cloned.1.call-start
scs
__scs_entry_jumppad:
0x0: {  	(pc) =	sbr.rel $0x88, $3  }
0x1: {  	(tag) =	ssettag $0x0;
	lr =	simm.s32 $0x1  }
0x2: {  	[smem:$0x3F99] =	sst lr;
	_ =	strace $0xD0000000  }
0x3: {  	_ = 	snop  }
0x4: {  	_ = 	snop  }
0x5: {  	_ = 	snop  }
0x6: {  	_ = 	snop  }
0x7: {  	_ = 	snop  }
__scs_overlays_trampoline_lowered:
0x8: {  	[smem:$0x3FA8] =	sst s0  }
0x9: {  	[smem:$0x3FA9] =	sst s1  }
0xa: {  	[smem:$0x3FAA] =	sst s2  }
0xb: {  	[smem:$0x3FAB] =	sst s3  }
0xc: {  	[smem:$0x3FAC] =	sst s4  }
0xd: {  	[smem:$0x3FAD] =	sst s5  }
0xe: {  	[smem:$0x3FAE] =	sst s6  }
0xf: {  	[smem:$0x3FAF] =	sst s7  }
0x10: {  	[smem:$0x3FB0] =	sst s8  }
0x11: {  	[smem:$0x3FB1] =	sst s9;
	s0 =	simm.s32 @!p0 $0x0  }
0x12: {  	s1 =	sld [smem:$0x3F97];
	s0 =	simm.s32 @p0 $0x1  }
0x13: {  	[smem:$0x3FB2] =	sst s0;
	s0 =	simm.s32 @!p1 $0x0  }
0x14: {  	s2 =	sld [smem:$0x3F96];
	s0 =	simm.s32 @p1 $0x1  }
0x15: {  	[smem:$0x3FB3] =	sst s0;
	s0 =	simm.s32 @!p2 $0x0  }
0x16: {  	s3 =	sld [smem:$0x3FDB];
	s0 =	simm.s32 @p2 $0x1  }
0x17: {  	s4 =	simm.s32 $0x1BF5;
	[smem:$0x3FB5] =	sst s0  }
0x18: {  	s0 =	sld [smem:$0x3F98];
	_ =	swait.ge [sflag:s4], $0x0  }
0x19: {  	s7 =	sld [smem:$0x3F99]  }
0x1a: {  	s8 =	sadd.s32 $0xFFFFE003, lr  }
0x1b: {  	s9 =	sadd.s32 $0xFFFFFEF7, lr;
	s5 =	simm.s32 $0xFFFFFFFF;
	p2 =	slt.u32 s8, $0xFFFFF086  }
0x1c: {  	p1 =	slt.u32 s9, $0xF7A;
	s5 =	simm.s32 @!p2 $0x0  }
0x1d: {  	s5 =	simm.s32 @p1 $0x1;
	p0 =	seq.s32 s7, s2  }
0x1e: {  	s7 =	smul.u32 @!p0 $0xF7A, s2;
	p2 =	seq.s32 @!p0 s5, $0x0  }
0x1f: {  	s9 =	smul.u32 $0xF7A, s1;
	s8 =	simm.s32 @!p0 $0x1BF5;
	p2 =	por !p2, p0  }
0x20: {  	[sflag:s8] =	ssyncset.s32 @!p0 $0xFFFFF086;
	s6 =	sadd.s32 @!p0 s3, s7;
	s7 =	simm.s32 @!p0 $0x108  }
0x21: {  	s3 =	sadd.s32 s3, s9;
	s6 =	sadd.s32 @!p0 $0x88, s6;
	s7 =	simm.s32 @p2 $0x1082  }
0x22: {  	[simem:s7], [sflag:s8] =	dma.local @!p0 [hbm:s6], $0xF7A  }
0x23: {  	s9 =	sor.u32 $0xD0000000, s2;
	s6 =	simm.s32 $0x108;
	_ =	swait.ge @!p0 [sflag:s8], $0x0  }
0x24: {  	s3 =	sadd.s32 $0x88, s3;
	s6 =	simm.s32 @!p1 $0x1082;
	[sflag:s4] =	ssyncset.s32 $0xFFFFF086  }
0x25: {  	[simem:s6], [sflag:s4] =	dma.local [hbm:s3], $0xF7A  }
0x26: {  	[smem:$0x3F99] =	sst s1;
	(tag) =	ssettag s2;
	_ =	strace s9  }
0x27: {  	s1 =	sld [smem:$0x3FA9]  }
0x28: {  	s2 =	sld [smem:$0x3FAA]  }
0x29: {  	s4 =	sld [smem:$0x3FAC]  }
0x2a: {  	p0 =	seq.s32 s5, $0x0;
	s5 =	sld [smem:$0x3FAD]  }
0x2b: {  	s6 =	sld [smem:$0x3FAE]  }
0x2c: {  	s7 =	sld [smem:$0x3FAF]  }
0x2d: {  	s3 =	simm.s32 $0x108;
	s8 =	sld [smem:$0x3FB0]  }
0x2e: {  	s3 =	simm.s32 @!p0 $0x1082;
	s9 =	sld [smem:$0x3FB1]  }
0x2f: {  	lr =	sadd.s32 s0, s3;
	s0 =	sld [smem:$0x3FA8]  }
0x30: {  	s3 =	sld [smem:$0x3FAB]  }
0x31: {  	[smem:$0x3FB4] =	sst s10  }
0x32: {  	s10 =	sld [smem:$0x3FB2];
	_ =	sdelay $0x3  }
0x33: {  	p0 =	seq.s32 s10, $0x1;
	s10 =	sld [smem:$0x3FB4];
	_ =	sdelay $0x3  }
0x34: {  	[smem:$0x3FB4] =	sst s10  }
0x35: {  	s10 =	sld [smem:$0x3FB3];
	_ =	sdelay $0x3  }
0x36: {  	p1 =	seq.s32 s10, $0x1;
	s10 =	sld [smem:$0x3FB4];
	_ =	sdelay $0x3  }
0x37: {  	[smem:$0x3FB4] =	sst s10  }
0x38: {  	s10 =	sld [smem:$0x3FB5]  }
0x39: {  	_ = 	snop;
	(pc) =	sbr.ind lr, $3  }
0x3a: {  	_ = 	snop  }
0x3b: {  	_ = 	snop  }
0x3c: {  	p2 =	seq.s32 s10, $0x1;
	s10 =	sld [smem:$0x3FB4]  }
0x3d: {  	_ =	shalt  }
0x3e: {  	_ =	shalt  }
0x3f: {  	_ =	shalt  }
0x40: {  	_ =	shalt  }
0x41: {  	_ =	shalt  }
0x42: {  	_ =	shalt  }
0x43: {  	_ =	shalt  }
0x44: {  	_ =	shalt  }
0x45: {  	_ =	shalt  }
0x46: {  	_ =	shalt  }
0x47: {  	_ =	shalt  }
0x48: {  	_ =	shalt  }
0x49: {  	_ =	shalt  }
0x4a: {  	_ =	shalt  }
0x4b: {  	_ =	shalt  }
0x4c: {  	_ =	shalt  }
0x4d: {  	_ =	shalt  }
0x4e: {  	_ =	shalt  }
0x4f: {  	_ =	shalt  }
0x50: {  	_ =	shalt  }
0x51: {  	_ =	shalt  }
0x52: {  	_ =	shalt  }
0x53: {  	_ =	shalt  }
0x54: {  	_ =	shalt  }
0x55: {  	_ =	shalt  }
0x56: {  	_ =	shalt  }
0x57: {  	_ =	shalt  }
0x58: {  	_ =	shalt  }
0x59: {  	_ =	shalt  }
0x5a: {  	_ =	shalt  }
0x5b: {  	_ =	shalt  }
0x5c: {  	_ =	shalt  }
0x5d: {  	_ =	shalt  }
0x5e: {  	_ =	shalt  }
0x5f: {  	_ =	shalt  }
0x60: {  	_ =	shalt  }
0x61: {  	_ =	shalt  }
0x62: {  	_ =	shalt  }
0x63: {  	_ =	shalt  }
0x64: {  	_ =	shalt  }
0x65: {  	_ =	shalt  }
0x66: {  	_ =	shalt  }
0x67: {  	_ =	shalt  }
0x68: {  	_ =	shalt  }
0x69: {  	_ =	shalt  }
0x6a: {  	_ =	shalt  }
0x6b: {  	_ =	shalt  }
0x6c: {  	_ =	shalt  }
0x6d: {  	_ =	shalt  }
0x6e: {  	_ =	shalt  }
0x6f: {  	_ =	shalt  }
0x70: {  	_ =	shalt  }
0x71: {  	_ =	shalt  }
0x72: {  	_ =	shalt  }
0x73: {  	_ =	shalt  }
0x74: {  	_ =	shalt  }
0x75: {  	_ =	shalt  }
0x76: {  	_ =	shalt  }
0x77: {  	_ =	shalt  }
0x78: {  	_ =	shalt  }
0x79: {  	_ =	shalt  }
0x7a: {  	_ =	shalt  }
0x7b: {  	_ =	shalt  }
0x7c: {  	_ =	shalt  }
0x7d: {  	_ =	shalt  }
0x7e: {  	_ =	shalt  }
0x7f: {  	_ =	shalt  }
0x80: {  	_ =	shalt  }
0x81: {  	_ =	shalt  }
0x82: {  	_ =	shalt  }
0x83: {  	_ =	shalt  }
0x84: {  	_ =	shalt  }
0x85: {  	_ =	shalt  }
0x86: {  	_ =	shalt  }
0x87: {  	_ =	shalt  }
.Lfunc_end0:
.L_simem_size_0:
called_computation_lowered:
.L_overlay_start_0:
0x88: {  	s2 =	sld [smem:$0x3FD9]  }
0x89: {  	s3 =	sld [smem:$0x3FFE];
	_ =	sdelay $0x1  }
0x8a: {  	s1 =	srdreg.scid  }
0x8b: {  	s0 =	sand.u32 $0x1, s1  }
0x8c: {  	s17 =	sshll.u32 s0, $0xA;
	s2 =	sadd.s32 s3, s2  }
0x8d: {  	s2 =	sadd.s32 s2, s17  }
0x8e: {  	[smem:$0x3FC0] =	sst s2  }
0x8f: {  	_ = 	snop  }
0x90: {  	s2 =	sld [smem:$0x3FD0];
	(tm) =	ssettm $0x1  }
0x91: {  	s18 =	sld [smem:$0x3FFB];
	_ =	sdelay $0x3  }
0x92: {  	_ =	strace s18  }
0x93: {  	s3 =	sld [smem:$0x3FFC];
	_ =	sdelay $0x3  }
0x94: {  	_ =	strace s3  }
0x95: {  	s3 =	sld [smem:$0x3FFD];
	_ =	sdelay $0x3  }
0x96: {  	_ =	strace s3  }
0x97: {  	_ =	strace $0x8FFFFFFF  }
0x98: {  	s19 =	sld [smem:$0x3FDB];
	_ =	sdelay $0x1  }
0x99: {  	s4 =	simm.s32 $_scs_section_size  }
0x9a: {  	s5 =	simm.s32 $_size__tile_overlayer_lowered;
	s6 =	simm.s32 $_tile_overlayer_lowered  }
0x9b: {  	s22 =	simm.s32 $0x1BFF;
	s21 =	sshll.u32 s6, $0x1;
	s3 =	sadd.s32 s4, s19  }
0x9c: {  	s7 =	simm.s32 $0x0;
	s20 =	sshll.u32 s5, $0x1;
	s5 =	sadd.s32 s21, s3  }
0x9d: {  	[timem:s7], [sflag:s22] =	dma.local [hbm:s5], s20  }
0x9e: {  	_ =	swait.ge [sflag:s22], s20  }
0x9f: {  	s4 =	ssub.s32 $0x0, s20;
	[sflag:s22] =	ssyncset.done $0x0  }
0xa0: {  	[sflag:s22] =	ssyncadd.s32 s4;
	_ =	sdelay $0x1  }
0xa1: {  	s23 =	simm.s32 $0x1B8B  }
0xa2: {  	_ =	swait.ge [sflag:s23], $0x1  }
0xa3: {  	[sflag:s23] =	ssyncset.done $0x0  }
0xa4: {  	s25 =	simm.s32 $0x1B8E;
	s24 =	sld [smem:$0x3FFE];
	[sflag:s23] =	ssyncadd.s32 $0xFFFFFFFF  }
0xa5: {  	s26 =	simm.s32 $execute0_lowered;
	[smem:$0x3FD2] =	sst s25  }
0xa6: {  	s5 =	sshll.u32 s26, $0x1;
	_ =	strace $0x80000046;
	[dreg:$0x1] =	wrdreg $0xFFFFFFFF  }
0xa7: {  	s28 =	simm.s32 $_size_execute0_lowered;
	s3 =	sadd.s32 s3, s5;
	[dreg:$0x0] =	wrdreg $0x0  }
0xa8: {  	s5 =	sshll.u32 s28, $0x1;
	[dreg:$0x2] =	wrdreg s3  }
0xa9: {  	[dreg:$0x3] =	wrdreg s5  }
0xaa: {  	[dreg:$0x4] =	wrdreg $0xC0  }
0xab: {  	_ =	task [dreg:s7], $0x5FFFF  }
0xac: {  	[dreg:$0x1] =	wrdreg $0xFFFFFFFF  }
0xad: {  	[dreg:$0x0] =	wrdreg $0x60  }
0xae: {  	[dreg:$0x2] =	wrdreg s24  }
0xaf: {  	[dreg:$0x3] =	wrdreg s2  }
0xb0: {  	[dreg:$0x4] =	wrdreg $0xA7000  }
0xb1: {  	[dreg:$0x5] =	wrdreg $0x1E7000  }
0xb2: {  	[dreg:$0x6] =	wrdreg $0x9  }
0xb3: {  	_ =	task.clear_ibuf [dreg:s7], $0x7FFFF;
	_ =	strace $0x90000046  }
0xb4: {  	s29 =	simm.s32 $0x9;
	_ =	strace $0x80000048  }
0xb5: {  	_ =	swait.ge [sflag:s29], $0x1  }
0xb6: {  	[sflag:s29] =	ssyncadd.s32 $0xFFFFFFFF  }
0xb7: {  	_ =	strace $0x90000048  }
0xb8: {  	_ =	sfence  }
0xb9: {  	s30 =	sld [smem:$0x0];
	_ =	sdelay $0x2  }
0xba: {  	s31 =	sshll.u32 s1, $0xD;
	s1 =	sshrl.u32 s1, $0x2  }
0xbb: {  	s3 =	sand.u32 $0x4000, s31;
	s1 =	sadd.s32 s1, s30  }
0xbc: {  	s0 =	sor.u32 s3, s0;
	s1 =	sshll.u32 s1, $0x11  }
0xbd: {  	s0 =	sor.u32 s1, s0  }
0xbe: {  	s0 =	sadd.s32 $0x8F2B, s0  }
0xbf: {  	[sflag:s0] =	ssyncadd.remote.s32 $0x1  }
0xc0: {  	_ =	sfence.sel $0xFFFF  }
0xc1: {  	[dreg:$0x0] =	wrdreg $0xFFFFFFFF;
	(pc) =	sbr.abs _section_cstart, $3  }
0xc2: {  	[dreg:$0x1] =	wrdreg $0xFFFFFFFF  }
0xc3: {  	_ =	task.clear_ibuf [dreg:s7], $0x2FFFF;
	_ =	strace $0x9FFFFFFF  }
0xc4: {  	(tm) =	ssettm $0x7FFFFFFF  }
0xc5: {  	_ =	shalt  }
tec
execute0_lowered:
.L_overlay_start_1:
0x0: {  	(tag) =	ssettag $0x1  }
0x1: {  	s0 =	rddreg [dreg:$0x0]  }
0x2: {  	s1 =	rddreg [dreg:$0x1]  }
0x3: {  	s2 =	rddreg [dreg:$0x2]  }
0x4: {  	s3 =	rddreg [dreg:$0x3];
	s4 =	srdreg.scid  }
0x5: {  	s5 =	simm.s32 $0x0;
	s11 =	stileid.u32;
	s31 =	simm.s32 $0x7  }
0x6: {  	s28 =	simm.s32 $0x7C00;
	s29 =	simm.s32 $0x4;
	s7 =	smul.u32 $0x14000, s11  }
0x7: {  	s4 =	sand.u32 $0x1, s4;
	[smem:$0x7FF] =	sst s5;
	s21 =	smul.u32 $0x500, s11  }
0x8: {  	s8 =	sadd.s32 $0xC00, s0;
	s9 =	sadd.s32 $0x1200, s0;
	s24 =	smul.u32 $0x50000, s11  }
0x9: {  	s30 =	smul.u32 $0xA00, s11;
	_ =	strace $0x80000047;
	[dreg:$0x5] =	wrdreg s8  }
0xa: {  	s22 =	sadd.s32 $0x20C00, s0;
	s6 =	smul.u32 $0x140000, s4;
	[dreg:$0x6] =	wrdreg s9  }
0xb: {  	[dreg:$0x7] =	wrdreg s22;
	s10 =	sshll.u32 s4, $0x7;
	s9 =	sadd.s32 $0x1800, s0  }
0xc: {  	s25 =	ssub.s32 $0x2, s4;
	s4 =	sshll.u32 s4, $0x4;
	s23 =	sor.u32 s10, s21  }
0xd: {  	s26 =	sshrl.u32 s25, $0x1;
	s8 =	sshrl.u32 s24, $0x2;
	s4 =	sor.u32 s11, s4  }
0xe: {  	s11 =	simm.s32 $0x5280;
	s6 =	sadd.s32 s7, s6;
	s13 =	smul.u32 $0x7D00, s4  }
0xf: {  	s7 =	sshrl.u32 s23, $0x3;
	s15 =	sadd.s32 s8, s2;
	s16 =	smul.u32 $0xFA0, s4  }
0x10: {  	s8 =	sshrl.u32 s30, $0x2;
	s4 =	smul.u32 $0x7D, s4;
	s6 =	sshrl.u32 s6, $0x3  }
0x11: {  	s12 =	sadd.s32 $0x2800, s15;
	s14 =	sadd.s32 $0x5000, s15;
	[dreg:$0x8] =	wrdreg s15  }
0x12: {  	s17 =	sadd.s32 s8, s3;
	s24 =	sadd.s32 $0xA000, s15;
	[dreg:$0x9] =	wrdreg s12  }
0x13: {  	s30 =	sadd.s32 $0x11800, s15;
	s6 =	sadd.s32 s6, s0;
	[dreg:$0xa] =	wrdreg s14  }
0x14: {  	s0 =	sadd.s32 s7, s0;
	s7 =	ssub.s32 s25, s26;
	[dreg:$0x15] =	wrdreg s24  }
0x15: {  	s12 =	sadd.s32 $0x7800, s15;
	s18 =	sshrl.u32 s13, $0x3;
	[dreg:$0x18] =	wrdreg s30  }
0x16: {  	s19 =	sadd.s32 s9, s16;
	s25 =	sadd.s32 $0xC800, s15;
	[dreg:$0xc] =	wrdreg s17  }
0x17: {  	s26 =	sadd.s32 $0xF000, s15;
	s13 =	simm.s32 $0x50;
	[dreg:$0xb] =	wrdreg s12  }
0x18: {  	s16 =	simm.s32 $0x2;
	s24 =	simm.s32 $0x5380;
	[dreg:$0xd] =	wrdreg s19  }
0x19: {  	s14 =	simm.s32 $0x0;
	s8 =	sadd.s32 s9, s18;
	[dreg:$0x16] =	wrdreg s25  }
0x1a: {  	s19 =	sadd.s32 $0x4, s4;
	s0 =	sadd.s32 $0x70E00, s0;
	[dreg:$0x17] =	wrdreg s26  }
0x1b: {  	s22 =	sadd.s32 $0x20E00, s6;
	s23 =	smax.u32 s7, $0x1;
	[dreg:$0x12] =	wrdreg s0  }
0x1c: {  	s6 =	simm.s32 $0x4F80;
	s7 =	simm.s32 $0x5080;
	[dreg:$0x13] =	wrdreg s22  }
0x1d: {  	s12 =	simm.s32 $0x1;
	s20 =	sadd.s32 $0x20, s8;
	[dreg:$0x14] =	wrdreg s23  }
0x1e: {  	s18 =	simm.s32 $0x7C80;
	s21 =	sadd.s32 $0x40, s8;
	[dreg:$0xe] =	wrdreg s20  }
0x1f: {  	s26 =	simm.s32 $0x6;
	s8 =	sadd.s32 $0x60, s8;
	[dreg:$0xf] =	wrdreg s21  }
0x20: {  	s0 =	simm.s32 $0x2780;
	s23 =	simm.s32 $0x5;
	[dreg:$0x10] =	wrdreg s8  }
0x21: {  	s20 =	sadd.s32 $0x5, s4;
	s21 =	sadd.s32 $0x6, s4;
	s4 =	sadd.s32 $0x7, s4  }
0x22: {  	v0 =	vimm.f32 $0.0e+00;
	s8 =	simm.s32 $0x5180;
	[dreg:$0x11] =	wrdreg s4;
	s4 =	simm.s32 $0x5400  }
.LBB2_1:
0x23: {  	[dreg:$0x19] =	wrdreg s14  }
0x24: {  	s10 =	rddreg [dreg:$0x5]  }
0x25: {  	[tilespmem:s5], [sflag:$0x7] =	stream.linear.gather [hbm4b:s10+s5], $0x2780, $0x38;
	[tilespmem:$0x1E980] =	vst v63  }
0x26: {  	_ =	swait.ge [sflag:s31], $0x2780  }
0x27: {  	[sflag:s31] =	ssyncset.done $0x0  }
0x28: {  	s22 =	rddreg [dreg:$0x6];
	[sflag:s31] =	ssyncadd.s32 $0xFFFFD880  }
0x29: {  	[tilespmem:s0], [sflag:$0x7] =	stream.linear.gather [hbm4b:s22+s5], $0x2780, $0x38;
	[tilespmem:$0x1E980] =	vst v63  }
0x2a: {  	_ =	swait.ge [sflag:s31], $0x2780  }
0x2b: {  	[sflag:s31] =	ssyncset.done $0x0  }
0x2c: {  	s30 =	simm.s32 $0x4F00;
	s25 =	rddreg [dreg:$0x7];
	[sflag:s31] =	ssyncadd.s32 $0xFFFFD880  }
0x2d: {  	[tilespmem:s30], [sflag:$0x7] =	stream.linear.gather [hbm4b:s25+s5], $0x80, $0x38;
	[tilespmem:$0x1E980] =	vst v63  }
0x2e: {  	_ =	swait.ge [sflag:s31], $0x80  }
0x2f: {  	[sflag:s31] =	ssyncset.done $0x0  }
0x30: {  	s14 =	simm.s32 $0x200;
	s10 =	simm.s32 $0x0;
	[sflag:s31] =	ssyncadd.s32 $0xFFFFFF80  }
.LBB2_2:
0x31: {  	p0 =	sne.s32 s14, $0x9E00;
	[tilespmem:s10+$0x5470] =	vst v0  }
0x32: {  	[tilespmem:s10+$0x5400] =	vst v0  }
0x33: {  	[tilespmem:s10+$0x5410] =	vst v0  }
.Ltmp0:
0x34: {  	[tilespmem:s10+$0x5420] =	vst v0;
	(pc) =	sbr.rel @p0 .LBB2_2-.Ltmp0, $4  }
0x35: {  	[tilespmem:s10+$0x5430] =	vst v0  }
0x36: {  	[tilespmem:s10+$0x5440] =	vst v0  }
0x37: {  	[tilespmem:s10+$0x5450] =	vst v0  }
0x38: {  	[tilespmem:s10+$0x5460] =	vst v0;
	s10 =	sshra.s32 s14, $0x2;
	s14 =	sadd.s32 $0x200, s14  }
0x39: {  	[tilespmem:s10+$0x5470] =	vst v0  }
0x3a: {  	[tilespmem:s10+$0x5400] =	vst v0  }
0x3b: {  	[tilespmem:s10+$0x5410] =	vst v0  }
0x3c: {  	[tilespmem:s10+$0x5420] =	vst v0  }
0x3d: {  	[tilespmem:s10+$0x5430] =	vst v0  }
0x3e: {  	[tilespmem:s10+$0x5440] =	vst v0  }
0x3f: {  	[tilespmem:s10+$0x5450] =	vst v0  }
0x40: {  	[tilespmem:s10+$0x5460] =	vst v0  }
0x41: {  	[tilespmem:$0xA480] =	vst v0  }
0x42: {  	[tilespmem:$0xA490] =	vst v0  }
0x43: {  	[tilespmem:$0xA4A0] =	vst v0  }
0x44: {  	[tilespmem:$0xA4B0] =	vst v0  }
0x45: {  	[tilespmem:$0xA4C0] =	vst v0  }
0x46: {  	[tilespmem:$0xA4D0] =	vst v0  }
0x47: {  	[tilespmem:$0xA4E0] =	vst v0  }
0x48: {  	[tilespmem:$0xA4F0] =	vst v0  }
0x49: {  	[tilespmem:$0xA500] =	vst v0  }
0x4a: {  	[tilespmem:$0xA510] =	vst v0  }
0x4b: {  	[tilespmem:$0xA520] =	vst v0  }
0x4c: {  	[tilespmem:$0xA530] =	vst v0  }
0x4d: {  	[tilespmem:$0xA540] =	vst v0  }
0x4e: {  	[tilespmem:$0xA550] =	vst v0  }
0x4f: {  	[tilespmem:$0xA560] =	vst v0  }
0x50: {  	[tilespmem:$0xA570] =	vst v0  }
0x51: {  	[tilespmem:$0xA580] =	vst v0  }
0x52: {  	[tilespmem:$0xA590] =	vst v0  }
0x53: {  	[tilespmem:$0xA5A0] =	vst v0  }
0x54: {  	[tilespmem:$0xA5B0] =	vst v0  }
0x55: {  	[tilespmem:$0xA5C0] =	vst v0  }
0x56: {  	[tilespmem:$0xA5D0] =	vst v0  }
0x57: {  	[tilespmem:$0xA5E0] =	vst v0  }
0x58: {  	[tilespmem:$0xA5F0] =	vst v0  }
0x59: {  	[tilespmem:$0xA600] =	vst v0  }
0x5a: {  	[tilespmem:$0xA610] =	vst v0  }
0x5b: {  	[tilespmem:$0xA620] =	vst v0  }
0x5c: {  	[tilespmem:$0xA630] =	vst v0  }
0x5d: {  	[tilespmem:$0xA640] =	vst v0  }
0x5e: {  	[tilespmem:$0xA650] =	vst v0  }
0x5f: {  	[tilespmem:$0xA660] =	vst v0  }
0x60: {  	[tilespmem:$0xA670] =	vst v0  }
0x61: {  	[tilespmem:$0xA680] =	vst v0  }
0x62: {  	[tilespmem:$0xA690] =	vst v0  }
0x63: {  	[tilespmem:$0xA6A0] =	vst v0  }
0x64: {  	[tilespmem:$0xA6B0] =	vst v0  }
0x65: {  	[tilespmem:$0xA6C0] =	vst v0  }
0x66: {  	[tilespmem:$0xA6D0] =	vst v0  }
0x67: {  	[tilespmem:$0xA6E0] =	vst v0  }
0x68: {  	[tilespmem:$0xA6F0] =	vst v0  }
0x69: {  	[spmem:s15] =	stream.linear.scatter [tilespmem:s4], [sflag:$0x7], $0x2800, $0x38;
	[tilespmem:$0x1E980] =	vst v63  }
0x6a: {  	_ =	swait.ge [sflag:s31], $0x2800  }
0x6b: {  	[sflag:s31] =	ssyncset.done $0x0  }
0x6c: {  	s25 =	rddreg [dreg:$0x9];
	[sflag:s31] =	ssyncadd.s32 $0xFFFFD800  }
0x6d: {  	[spmem:s25] =	stream.linear.scatter [tilespmem:s4], [sflag:$0x7], $0x2800, $0x38;
	[tilespmem:$0x1E980] =	vst v63  }
0x6e: {  	_ =	swait.ge [sflag:s31], $0x2800  }
0x6f: {  	[sflag:s31] =	ssyncset.done $0x0  }
0x70: {  	s30 =	rddreg [dreg:$0xa];
	[sflag:s31] =	ssyncadd.s32 $0xFFFFD800  }
0x71: {  	[spmem:s30] =	stream.linear.scatter [tilespmem:s4], [sflag:$0x7], $0x2800, $0x38;
	[tilespmem:$0x1E980] =	vst v63  }
0x72: {  	_ =	swait.ge [sflag:s31], $0x2800  }
0x73: {  	[sflag:s31] =	ssyncset.done $0x0  }
0x74: {  	s14 =	rddreg [dreg:$0xb];
	[sflag:s31] =	ssyncadd.s32 $0xFFFFD800  }
0x75: {  	[spmem:s14] =	stream.linear.scatter [tilespmem:s4], [sflag:$0x7], $0x2800, $0x38;
	[tilespmem:$0x1E980] =	vst v63  }
0x76: {  	_ =	swait.ge [sflag:s31], $0x2800  }
0x77: {  	[sflag:s31] =	ssyncset.done $0x0  }
0x78: {  	s15 =	rddreg [dreg:$0x15];
	[sflag:s31] =	ssyncadd.s32 $0xFFFFD800  }
0x79: {  	[spmem:s15] =	stream.linear.scatter [tilespmem:s4], [sflag:$0x7], $0x2800, $0x38;
	[tilespmem:$0x1E980] =	vst v63  }
0x7a: {  	_ =	swait.ge [sflag:s31], $0x2800  }
0x7b: {  	[sflag:s31] =	ssyncset.done $0x0  }
0x7c: {  	s22 =	rddreg [dreg:$0x16];
	[sflag:s31] =	ssyncadd.s32 $0xFFFFD800  }
0x7d: {  	[spmem:s22] =	stream.linear.scatter [tilespmem:s4], [sflag:$0x7], $0x2800, $0x38;
	[tilespmem:$0x1E980] =	vst v63  }
0x7e: {  	_ =	swait.ge [sflag:s31], $0x2800  }
0x7f: {  	[sflag:s31] =	ssyncset.done $0x0  }
0x80: {  	s25 =	rddreg [dreg:$0x17];
	[sflag:s31] =	ssyncadd.s32 $0xFFFFD800  }
0x81: {  	[spmem:s25] =	stream.linear.scatter [tilespmem:s4], [sflag:$0x7], $0x2800, $0x38;
	[tilespmem:$0x1E980] =	vst v63  }
0x82: {  	_ =	swait.ge [sflag:s31], $0x2800  }
0x83: {  	[sflag:s31] =	ssyncset.done $0x0  }
0x84: {  	s30 =	rddreg [dreg:$0x18];
	[sflag:s31] =	ssyncadd.s32 $0xFFFFD800  }
0x85: {  	[spmem:s30] =	stream.linear.scatter [tilespmem:s4], [sflag:$0x7], $0x2800, $0x38;
	[tilespmem:$0x1E980] =	vst v63  }
0x86: {  	_ =	swait.ge [sflag:s31], $0x2800  }
0x87: {  	[sflag:s31] =	ssyncset.done $0x0  }
0x88: {  	s14 =	simm.s32 $0xA480;
	[sflag:s31] =	ssyncadd.s32 $0xFFFFD800  }
0x89: {  	[spmem:s17] =	stream.linear.scatter [tilespmem:s14], [sflag:$0x7], $0x280, $0x38;
	[tilespmem:$0x1E980] =	vst v63  }
0x8a: {  	_ =	swait.ge [sflag:s31], $0x280  }
0x8b: {  	[sflag:s31] =	ssyncset.done $0x0  }
0x8c: {  	[sflag:s31] =	ssyncadd.s32 $0xFFFFFD80  }
0x8d: {  	[bflag:$0x0] =	sbarrier.arrive $0xFFFF  }
0x8e: {  	s10 =	simm.s32 $0x0;
	s14 =	rddreg [dreg:$0xd]  }
0x8f: {  	v1 =	vld [tilespmem:$0x4F00];
	[tilespmem:s6], [sflag:$0x1] =	stream.linear.gather [hbm4b:s14+s10], $0x100, $0x38  }
0x90: {  	s15 =	rddreg [dreg:$0xe]  }
0x91: {  	[tilespmem:s7], [sflag:$0x2] =	stream.linear.gather [hbm4b:s15+s10], $0x100, $0x38;
	[tilespmem:$0x1E980] =	vst v63  }
0x92: {  	s17 =	rddreg [dreg:$0xf]  }
0x93: {  	[tilespmem:s8], [sflag:$0x3] =	stream.linear.gather [hbm4b:s17+s10], $0x100, $0x38;
	[tilespmem:$0x1E980] =	vst v63  }
0x94: {  	s22 =	rddreg [dreg:$0x10]  }
0x95: {  	[tilespmem:s11], [sflag:$0x4] =	stream.linear.gather [hbm4b:s22+s10], $0x100, $0x38;
	[tilespmem:$0x1E980] =	vst v63  }
0x96: {  	_ =	swait.ge [sflag:s12], $0x100  }
0x97: {  	[sflag:s12] =	ssyncset.done $0x0  }
0x98: {  	s25 =	simm.s32 $0x5000;
	[sflag:s12] =	ssyncadd.s32 $0xFFFFFF00  }
0x99: {  	[tilespmem:s4], [sflag:$0x5] =	stream.indirect.gather [hbm4b:s1+s13], $0x80, s25, s13, $0xb8;
	[tilespmem:$0x1E980] =	vst v63  }
0x9a: {  	_ =	swait.ge [sflag:s16], $0x100  }
0x9b: {  	[sflag:s16] =	ssyncset.done $0x0  }
0x9c: {  	s30 =	simm.s32 $0x5100;
	[sflag:s16] =	ssyncadd.s32 $0xFFFFFF00  }
0x9d: {  	[tilespmem:s18], [sflag:$0x6] =	stream.indirect.gather [hbm4b:s1+s13], $0x80, s30, s13, $0xb8;
	[tilespmem:$0x1E980] =	vst v63  }
.LBB2_4:
0x9e: {  	_ =	swait.ge [sflag:s23], $0x2800  }
0x9f: {  	[sflag:s23] =	ssyncset.done $0x0  }
0xa0: {  	[sflag:s23] =	ssyncadd.s32 $0xFFFFD800  }
0xa1: {  	v2 =	vld [tilespmem:$0x4F80]  }
0xa2: {  	v3 =	vld [tilespmem:$0x5000];
	_ =	sdelay $0x6  }
0xa3: {  	v2 =	vld.idx.msk [tilespmem:v2+s5+$0x0], $0xffff  }
0xa4: {  	v3 =	vld.idx.msk [tilespmem:v3+s0+$0x0], $0xffff;
	_ =	sdelay $0x4  }
0xa5: {  	v3 =	vadd.f32 v3, v2;
	v2 =	vadd.f32 v2, v1;
	_ =	sdelay $0x1  }
0xa6: {  	v4 =	vmul.f32 $9.999999770e-03, v3;
	v5 =	vmul.f32 $9.999999770e-03, v2;
	_ =	sdelay $0x1  }
0xa7: {  	v3 =	vmax.f32 v3, v4;
	v2 =	vmax.f32 v2, v5  }
0xa8: {  	v2 =	vsub.f32 v3, v2;
	_ =	sdelay $0x1  }
0xa9: {  	v2 =	vmul.f32 $1.442695020e+00, v2;
	_ =	sdelay $0x1  }
0xaa: {  	(erf) = vpow2.f32 v2;
	_ =	sdelay $0x2  }
0xab: {  	v2 =	vld [tilespmem:$0x4F90]  }
0xac: {  	v3 =	vld [tilespmem:$0x5010];
	_ =	sdelay $0x4  }
0xad: {  	v4 =	vpop (erf)  }
0xae: {  	[tilespmem:$0x5380] =	vst v4  }
0xaf: {  	v2 =	vld.idx.msk [tilespmem:v2+s5+$0x0], $0xffff  }
0xb0: {  	v3 =	vld.idx.msk [tilespmem:v3+s0+$0x0], $0xffff;
	_ =	sdelay $0x4  }
0xb1: {  	v3 =	vadd.f32 v3, v2;
	v2 =	vadd.f32 v2, v1;
	_ =	sdelay $0x1  }
0xb2: {  	v4 =	vmul.f32 $9.999999770e-03, v3;
	v5 =	vmul.f32 $9.999999770e-03, v2;
	_ =	sdelay $0x1  }
0xb3: {  	v3 =	vmax.f32 v3, v4;
	v2 =	vmax.f32 v2, v5  }
0xb4: {  	v2 =	vsub.f32 v3, v2;
	_ =	sdelay $0x1  }
0xb5: {  	v2 =	vmul.f32 $1.442695020e+00, v2;
	_ =	sdelay $0x1  }
0xb6: {  	(erf) = vpow2.f32 v2;
	_ =	sdelay $0x2  }
0xb7: {  	v2 =	vld [tilespmem:$0x4FA0]  }
0xb8: {  	v3 =	vld [tilespmem:$0x5020];
	_ =	sdelay $0x4  }
0xb9: {  	v4 =	vpop (erf)  }
0xba: {  	[tilespmem:$0x5390] =	vst v4  }
0xbb: {  	v2 =	vld.idx.msk [tilespmem:v2+s5+$0x0], $0xffff  }
0xbc: {  	v3 =	vld.idx.msk [tilespmem:v3+s0+$0x0], $0xffff;
	_ =	sdelay $0x4  }
0xbd: {  	v3 =	vadd.f32 v3, v2;
	v2 =	vadd.f32 v2, v1;
	_ =	sdelay $0x1  }
0xbe: {  	v4 =	vmul.f32 $9.999999770e-03, v3;
	v5 =	vmul.f32 $9.999999770e-03, v2;
	_ =	sdelay $0x1  }
0xbf: {  	v3 =	vmax.f32 v3, v4;
	v2 =	vmax.f32 v2, v5  }
0xc0: {  	v2 =	vsub.f32 v3, v2;
	_ =	sdelay $0x1  }
0xc1: {  	v2 =	vmul.f32 $1.442695020e+00, v2;
	_ =	sdelay $0x1  }
0xc2: {  	(erf) = vpow2.f32 v2;
	_ =	sdelay $0x2  }
0xc3: {  	v2 =	vld [tilespmem:$0x4FB0]  }
0xc4: {  	v3 =	vld [tilespmem:$0x5030];
	_ =	sdelay $0x4  }
0xc5: {  	v4 =	vpop (erf)  }
0xc6: {  	[tilespmem:$0x53A0] =	vst v4  }
0xc7: {  	v2 =	vld.idx.msk [tilespmem:v2+s5+$0x0], $0xffff  }
0xc8: {  	v3 =	vld.idx.msk [tilespmem:v3+s0+$0x0], $0xffff;
	_ =	sdelay $0x4  }
0xc9: {  	v3 =	vadd.f32 v3, v2;
	v2 =	vadd.f32 v2, v1;
	_ =	sdelay $0x1  }
0xca: {  	v4 =	vmul.f32 $9.999999770e-03, v3;
	v5 =	vmul.f32 $9.999999770e-03, v2;
	_ =	sdelay $0x1  }
0xcb: {  	v3 =	vmax.f32 v3, v4;
	v2 =	vmax.f32 v2, v5  }
0xcc: {  	v2 =	vsub.f32 v3, v2;
	_ =	sdelay $0x1  }
0xcd: {  	v2 =	vmul.f32 $1.442695020e+00, v2;
	_ =	sdelay $0x1  }
0xce: {  	(erf) = vpow2.f32 v2;
	_ =	sdelay $0x2  }
0xcf: {  	v2 =	vld [tilespmem:$0x4FC0]  }
0xd0: {  	v3 =	vld [tilespmem:$0x5040];
	_ =	sdelay $0x4  }
0xd1: {  	v4 =	vpop (erf)  }
0xd2: {  	[tilespmem:$0x53B0] =	vst v4  }
0xd3: {  	v2 =	vld.idx.msk [tilespmem:v2+s5+$0x0], $0xffff  }
0xd4: {  	v3 =	vld.idx.msk [tilespmem:v3+s0+$0x0], $0xffff;
	_ =	sdelay $0x4  }
0xd5: {  	v3 =	vadd.f32 v3, v2;
	v2 =	vadd.f32 v2, v1;
	_ =	sdelay $0x1  }
0xd6: {  	v4 =	vmul.f32 $9.999999770e-03, v3;
	v5 =	vmul.f32 $9.999999770e-03, v2;
	_ =	sdelay $0x1  }
0xd7: {  	v3 =	vmax.f32 v3, v4;
	v2 =	vmax.f32 v2, v5  }
0xd8: {  	v2 =	vsub.f32 v3, v2;
	_ =	sdelay $0x1  }
0xd9: {  	v2 =	vmul.f32 $1.442695020e+00, v2;
	_ =	sdelay $0x1  }
0xda: {  	(erf) = vpow2.f32 v2;
	_ =	sdelay $0x2  }
0xdb: {  	s14 =	simm.s32 $0x0  }
0xdc: {  	v2 =	vmov s14  }
0xdd: {  	v2 =	vand.u32 $0xFFFFFFFC, v2  }
0xde: {  	v2 =	vbroadcast v2, $0x0;
	_ =	sdelay $0x2  }
0xdf: {  	v3 =	vpop (erf)  }
0xe0: {  	s14 =	simm.s32 $0x5500;
	[tilespmem:$0x53C0] =	vst v3  }
0xe1: {  	v4 =	vld [tilespmem:s14+$0xFFFFFF70]  }
0xe2: {  	v2 =	vld.idx.msk [tilespmem:v2+s24+$0x0], $0xffff  }
0xe3: {  	v5 =	vld [tilespmem:s14+$0xFFFFFF00]  }
0xe4: {  	v6 =	vld [tilespmem:s14+$0xFFFFFF20]  }
0xe5: {  	v7 =	vld [tilespmem:s14+$0xFFFFFF30]  }
0xe6: {  	v3 =	vld [tilespmem:s14+$0xFFFFFF50]  }
0xe7: {  	v9 =	vld [tilespmem:s14+$0xFFFFFF10];
	v4 =	vmul.f32 v4, v2  }
0xe8: {  	s15 =	simm.s32 $0x1;
	v8 =	vld [tilespmem:s14+$0xFFFFFF60];
	v5 =	vmul.f32 v5, v2  }
0xe9: {  	v10 =	vld [tilespmem:s14+$0xFFFFFF40];
	v6 =	vmul.f32 v6, v2;
	[tilespmem:s14+$0xFFFFFF70] =	vst v4;
	v4 =	vmov s15  }
0xea: {  	v7 =	vmul.f32 v7, v2;
	[tilespmem:s14+$0xFFFFFF00] =	vst v5;
	v4 =	vand.u32 $0xFFFFFFFD, v4  }
0xeb: {  	v3 =	vmul.f32 v3, v2;
	[tilespmem:s14+$0xFFFFFF20] =	vst v6;
	v4 =	vbroadcast v4, $0x0  }
0xec: {  	v5 =	vmul.f32 v9, v2;
	[tilespmem:s14+$0xFFFFFF30] =	vst v7  }
0xed: {  	v6 =	vmul.f32 v8, v2;
	[tilespmem:s14+$0xFFFFFF50] =	vst v3  }
0xee: {  	v2 =	vmul.f32 v10, v2;
	[tilespmem:s14+$0xFFFFFF10] =	vst v5  }
0xef: {  	[tilespmem:s14+$0xFFFFFF60] =	vst v6  }
0xf0: {  	[tilespmem:s14+$0xFFFFFF40] =	vst v2;
	v2 =	vld [tilespmem:s14+$0xFFFFFF80]  }
0xf1: {  	v4 =	vld.idx.msk [tilespmem:v4+s24+$0x0], $0xffff  }
0xf2: {  	v3 =	vld [tilespmem:s14+$0xFFFFFFA0]  }
0xf3: {  	v5 =	vld [tilespmem:s14+$0xFFFFFF90]  }
0xf4: {  	v6 =	vld [tilespmem:s14+$0xFFFFFFD0]  }
0xf5: {  	v7 =	vld [tilespmem:s14+$0xFFFFFFE0]  }
0xf6: {  	v8 =	vld [tilespmem:s14+$0xFFFFFFF0];
	v2 =	vmul.f32 v2, v4  }
0xf7: {  	s25 =	simm.s32 $0x2;
	v9 =	vld [tilespmem:s14+$0xFFFFFFB0];
	v3 =	vmul.f32 v3, v4  }
0xf8: {  	v10 =	vld [tilespmem:s14+$0xFFFFFFC0];
	v5 =	vmul.f32 v5, v4;
	[tilespmem:s14+$0xFFFFFF80] =	vst v2;
	v2 =	vmov s25  }
0xf9: {  	v6 =	vmul.f32 v6, v4;
	[tilespmem:s14+$0xFFFFFFA0] =	vst v3;
	v2 =	vand.u32 $0xFFFFFFFE, v2  }
0xfa: {  	v3 =	vmul.f32 v7, v4;
	[tilespmem:s14+$0xFFFFFF90] =	vst v5;
	v5 =	vbroadcast v2, $0x0  }
0xfb: {  	v7 =	vmul.f32 v8, v4;
	[tilespmem:s14+$0xFFFFFFD0] =	vst v6;
	v8 =	vld [tilespmem:s14+$0x30]  }
0xfc: {  	v6 =	vmul.f32 v9, v4;
	v2 =	vld [tilespmem:s14+$0x40];
	[tilespmem:s14+$0xFFFFFFE0] =	vst v3  }
0xfd: {  	v4 =	vmul.f32 v10, v4;
	v3 =	vld [tilespmem:s14+$0x70];
	[tilespmem:s14+$0xFFFFFFF0] =	vst v7  }
0xfe: {  	[tilespmem:s14+$0xFFFFFFB0] =	vst v6;
	v6 =	vld [tilespmem:s14+$0x20]  }
0xff: {  	[tilespmem:s14+$0xFFFFFFC0] =	vst v4;
	v7 =	vld [tilespmem:s14+$0x0]  }
0x100: {  	v4 =	vld.idx.msk [tilespmem:v5+s24+$0x0], $0xffff  }
0x101: {  	s17 =	simm.s32 $0x3;
	s30 =	simm.s32 $0x5500;
	s25 =	simm.s32 $0x7;
	v5 =	vld [tilespmem:s14+$0x10]  }
.LBB2_5:
0x102: {  	p0 =	sne.s32 s25, $0x4F  }
0x103: {  	v9 =	vld [tilespmem:s14+$0x50];
	s30 =	sadd.s32 $0x200, s30;
	s15 =	smov.u32 s25;
	s25 =	sadd.s32 $0x4, s25  }
0x104: {  	v10 =	vld [tilespmem:s14+$0x60];
	_ =	sdelay $0x1  }
0x105: {  	v7 =	vmul.f32 v7, v4;
	v5 =	vmul.f32 v5, v4  }
0x106: {  	v6 =	vmul.f32 v6, v4;
	v8 =	vmul.f32 v8, v4  }
0x107: {  	v2 =	vmul.f32 v2, v4;
	v3 =	vmul.f32 v3, v4;
	[tilespmem:s14+$0x0] =	vst v7  }
0x108: {  	[tilespmem:s14+$0x20] =	vst v6;
	v6 =	vmul.f32 v9, v4;
	v4 =	vmul.f32 v10, v4  }
0x109: {  	[tilespmem:s14+$0x30] =	vst v8;
	v7 =	vld [tilespmem:s14+$0x80]  }
0x10a: {  	[tilespmem:s14+$0x60] =	vst v4;
	v4 =	vmov s17;
	v8 =	vld [tilespmem:s14+$0xD0];
	s17 =	smov.u32 s15  }
0x10b: {  	[tilespmem:s14+$0x50] =	vst v6;
	v6 =	vld [tilespmem:s14+$0xE0]  }
0x10c: {  	[tilespmem:s14+$0x40] =	vst v2;
	v9 =	vld [tilespmem:s14+$0xB0]  }
0x10d: {  	v2 =	vld [tilespmem:s30+$0x40];
	[tilespmem:s14+$0x70] =	vst v3  }
0x10e: {  	v3 =	vld [tilespmem:s30+$0x70];
	[tilespmem:s14+$0x10] =	vst v5  }
0x10f: {  	v4 =	vld.idx.msk [tilespmem:v4+s24+$0x0], $0xffff  }
0x110: {  	v5 =	vld [tilespmem:s14+$0x90]  }
0x111: {  	v10 =	vld [tilespmem:s14+$0xA0]  }
0x112: {  	v11 =	vld [tilespmem:s14+$0xC0]  }
0x113: {  	v12 =	vld [tilespmem:s14+$0xF0];
	_ =	sdelay $0x1  }
0x114: {  	v7 =	vmul.f32 v7, v4;
	v5 =	vmul.f32 v5, v4  }
0x115: {  	s15 =	sadd.s32 $0xFFFFFFFD, s17;
	v9 =	vmul.f32 v9, v4;
	v10 =	vmul.f32 v10, v4  }
0x116: {  	v13 =	vmov s15;
	v8 =	vmul.f32 v8, v4;
	[tilespmem:s14+$0x80] =	vst v7;
	v7 =	vmul.f32 v11, v4  }
0x117: {  	v11 =	vand.u32 $0xFFFFFFFC, v13;
	[tilespmem:s14+$0x90] =	vst v5;
	v5 =	vmul.f32 v6, v4;
	v4 =	vmul.f32 v12, v4  }
0x118: {  	v6 =	vbroadcast v11, $0x0;
	[tilespmem:s14+$0xA0] =	vst v10  }
0x119: {  	[tilespmem:s14+$0xD0] =	vst v8  }
0x11a: {  	v8 =	vld [tilespmem:s30+$0xFFFFFF50];
	[tilespmem:s14+$0xB0] =	vst v9  }
0x11b: {  	v9 =	vld [tilespmem:s30+$0xFFFFFF30];
	[tilespmem:s14+$0xC0] =	vst v7  }
0x11c: {  	v7 =	vld [tilespmem:s30+$0xFFFFFF60];
	[tilespmem:s14+$0xE0] =	vst v5  }
0x11d: {  	v5 =	vld [tilespmem:s30+$0xFFFFFF70];
	[tilespmem:s14+$0xF0] =	vst v4;
	s14 =	smov.u32 s30  }
0x11e: {  	v4 =	vld.idx.msk [tilespmem:v6+s24+$0x0], $0xffff  }
0x11f: {  	v6 =	vld [tilespmem:s30+$0xFFFFFF00]  }
0x120: {  	v10 =	vld [tilespmem:s30+$0xFFFFFF20]  }
0x121: {  	v11 =	vld [tilespmem:s30+$0xFFFFFF10]  }
0x122: {  	v12 =	vld [tilespmem:s30+$0xFFFFFF40];
	_ =	sdelay $0x1  }
0x123: {  	v5 =	vmul.f32 v5, v4;
	v6 =	vmul.f32 v6, v4  }
0x124: {  	s15 =	sadd.s32 $0xFFFFFFFE, s17;
	v7 =	vmul.f32 v7, v4;
	v10 =	vmul.f32 v10, v4  }
0x125: {  	v9 =	vmul.f32 v9, v4;
	v11 =	vmul.f32 v11, v4;
	[tilespmem:s30+$0xFFFFFF70] =	vst v5;
	v5 =	vmov s15  }
0x126: {  	[tilespmem:s30+$0xFFFFFF00] =	vst v6;
	v6 =	vmul.f32 v12, v4;
	v4 =	vmul.f32 v8, v4;
	v5 =	vand.u32 $0xFFFFFFFD, v5  }
0x127: {  	[tilespmem:s30+$0xFFFFFF20] =	vst v10;
	v5 =	vbroadcast v5, $0x0  }
0x128: {  	[tilespmem:s30+$0xFFFFFF30] =	vst v9  }
0x129: {  	[tilespmem:s30+$0xFFFFFF50] =	vst v4;
	v4 =	vld [tilespmem:s30+$0xFFFFFFF0]  }
0x12a: {  	[tilespmem:s30+$0xFFFFFF10] =	vst v11;
	v8 =	vld [tilespmem:s30+$0xFFFFFFD0]  }
0x12b: {  	[tilespmem:s30+$0xFFFFFF60] =	vst v7;
	v7 =	vld [tilespmem:s30+$0xFFFFFFB0]  }
0x12c: {  	[tilespmem:s30+$0xFFFFFF40] =	vst v6;
	v6 =	vld [tilespmem:s30+$0xFFFFFF90]  }
0x12d: {  	v5 =	vld.idx.msk [tilespmem:v5+s24+$0x0], $0xffff  }
0x12e: {  	v9 =	vld [tilespmem:s30+$0xFFFFFF80]  }
0x12f: {  	v10 =	vld [tilespmem:s30+$0xFFFFFFA0]  }
0x130: {  	v11 =	vld [tilespmem:s30+$0xFFFFFFC0]  }
0x131: {  	v12 =	vld [tilespmem:s30+$0xFFFFFFE0];
	_ =	sdelay $0x1  }
0x132: {  	v6 =	vmul.f32 v6, v5;
	v9 =	vmul.f32 v9, v5  }
0x133: {  	s15 =	sadd.s32 $0xFFFFFFFF, s17;
	v7 =	vmul.f32 v7, v5;
	v10 =	vmul.f32 v10, v5  }
0x134: {  	v8 =	vmul.f32 v8, v5;
	[tilespmem:s30+$0xFFFFFF80] =	vst v9;
	v9 =	vmul.f32 v11, v5;
	v11 =	vmov s15  }
0x135: {  	v4 =	vmul.f32 v4, v5;
	[tilespmem:s30+$0xFFFFFFA0] =	vst v10;
	v10 =	vmul.f32 v12, v5;
	v5 =	vand.u32 $0xFFFFFFFE, v11  }
0x136: {  	[tilespmem:s30+$0xFFFFFF90] =	vst v6;
	v5 =	vbroadcast v5, $0x0  }
0x137: {  	[tilespmem:s30+$0xFFFFFFD0] =	vst v8  }
0x138: {  	[tilespmem:s30+$0xFFFFFFE0] =	vst v10  }
0x139: {  	[tilespmem:s30+$0xFFFFFFB0] =	vst v7  }
.Ltmp1:
0x13a: {  	[tilespmem:s30+$0xFFFFFFF0] =	vst v4;
	v6 =	vld [tilespmem:s30+$0x20];
	(pc) =	sbr.rel @p0 .LBB2_5-.Ltmp1, $4  }
0x13b: {  	[tilespmem:s30+$0xFFFFFFC0] =	vst v9;
	v7 =	vld [tilespmem:s30+$0x0]  }
0x13c: {  	v4 =	vld.idx.msk [tilespmem:v5+s24+$0x0], $0xffff  }
0x13d: {  	v5 =	vld [tilespmem:s30+$0x10]  }
0x13e: {  	v8 =	vld [tilespmem:s30+$0x30]  }
0x13f: {  	v9 =	vld [tilespmem:s14+$0x60];
	_ =	sdelay $0x1  }
0x140: {  	v7 =	vmul.f32 v7, v4  }
0x141: {  	v10 =	vld [tilespmem:s14+$0x50];
	v6 =	vmul.f32 v6, v4  }
0x142: {  	v2 =	vmul.f32 v2, v4;
	[tilespmem:s14+$0x0] =	vst v7  }
0x143: {  	[tilespmem:s14+$0x20] =	vst v6;
	v6 =	vmul.f32 v9, v4  }
0x144: {  	v3 =	vmul.f32 v3, v4;
	[tilespmem:s14+$0x40] =	vst v2  }
0x145: {  	v8 =	vmul.f32 v8, v4;
	[tilespmem:s14+$0x60] =	vst v6;
	v6 =	vmov s17  }
0x146: {  	[tilespmem:s14+$0x70] =	vst v3;
	v7 =	vmul.f32 v10, v4  }
0x147: {  	v4 =	vmul.f32 v5, v4;
	[tilespmem:s14+$0x30] =	vst v8  }
0x148: {  	[tilespmem:s14+$0x50] =	vst v7  }
0x149: {  	v8 =	vld [tilespmem:s14+$0x80];
	[tilespmem:s14+$0x10] =	vst v4  }
0x14a: {  	v2 =	vld.idx.msk [tilespmem:v6+s24+$0x0], $0xffff  }
0x14b: {  	v3 =	vld [tilespmem:s14+$0x90]  }
0x14c: {  	v4 =	vld [tilespmem:s14+$0xA0]  }
0x14d: {  	v5 =	vld [tilespmem:s14+$0xD0]  }
0x14e: {  	v6 =	vld [tilespmem:s14+$0xB0]  }
0x14f: {  	v7 =	vld [tilespmem:s14+$0xC0];
	v8 =	vmul.f32 v8, v2  }
0x150: {  	v9 =	vld [tilespmem:s14+$0xE0];
	v3 =	vmul.f32 v3, v2  }
0x151: {  	v10 =	vld [tilespmem:s14+$0xF0];
	v4 =	vmul.f32 v4, v2;
	[tilespmem:s14+$0x80] =	vst v8  }
0x152: {  	v5 =	vmul.f32 v5, v2;
	[tilespmem:s14+$0x90] =	vst v3  }
0x153: {  	v3 =	vmul.f32 v6, v2;
	[tilespmem:s14+$0xA0] =	vst v4  }
0x154: {  	v4 =	vmul.f32 v7, v2;
	[tilespmem:s14+$0xD0] =	vst v5  }
0x155: {  	v5 =	vmul.f32 v9, v2;
	[tilespmem:s14+$0xB0] =	vst v3  }
0x156: {  	v2 =	vmul.f32 v10, v2;
	[tilespmem:s14+$0xC0] =	vst v4  }
0x157: {  	[tilespmem:s14+$0xE0] =	vst v5  }
0x158: {  	[tilespmem:s14+$0xF0] =	vst v2  }
0x159: {  	[spmem:s2] =	stream.indirect.scatter.add.f32 [tilespmem:s4], [sflag:$0x7], $0x80, s6, s13, $0xb8;
	[tilespmem:$0x1E980] =	vst v63  }
0x15a: {  	_ =	swait.ge [sflag:s31], $0x2800  }
0x15b: {  	[sflag:s31] =	ssyncset.done $0x0  }
0x15c: {  	[sflag:s31] =	ssyncadd.s32 $0xFFFFD800  }
0x15d: {  	[spmem:s3] =	stream.indirect.scatter.add.f32 [tilespmem:s24], [sflag:$0x7], $0x1, s6, s13, $0xb8;
	[tilespmem:$0x1E980] =	vst v63  }
0x15e: {  	_ =	swait.ge [sflag:s31], $0x50  }
0x15f: {  	[sflag:s31] =	ssyncset.done $0x0  }
0x160: {  	s17 =	simm.s32 $0x3;
	[sflag:s31] =	ssyncadd.s32 $0xFFFFFFB0  }
0x161: {  	_ =	swait.ge [sflag:s17], $0x100  }
0x162: {  	s14 =	sshll.u32 s10, $0x2;
	[sflag:s17] =	ssyncset.done $0x0  }
0x163: {  	s15 =	simm.s32 $0x5200;
	s22 =	sadd.s32 s14, s19;
	[sflag:s17] =	ssyncadd.s32 $0xFFFFFF00  }
0x164: {  	[tilespmem:s4], [sflag:$0x5] =	stream.indirect.gather [hbm4b:s1+s13], $0x80, s15, s13, $0xb8;
	[tilespmem:$0x1E980] =	vst v63  }
0x165: {  	s15 =	sshll.u32 s22, $0x5  }
0x166: {  	s15 =	sand.u32 $0x1FFFFFE0, s15  }
0x167: {  	s15 =	sadd.s32 s9, s15  }
0x168: {  	[tilespmem:s6], [sflag:$0x1] =	stream.linear.gather [hbm4b:s15+s5], $0x100, $0x38;
	[tilespmem:$0x1E980] =	vst v63  }
0x169: {  	_ =	swait.ge [sflag:s26], $0x2800  }
0x16a: {  	[sflag:s26] =	ssyncset.done $0x0  }
0x16b: {  	[sflag:s26] =	ssyncadd.s32 $0xFFFFD800  }
0x16c: {  	v2 =	vld [tilespmem:$0x5080]  }
0x16d: {  	v3 =	vld [tilespmem:$0x5100];
	_ =	sdelay $0x6  }
0x16e: {  	v2 =	vld.idx.msk [tilespmem:v2+s5+$0x0], $0xffff  }
0x16f: {  	v3 =	vld.idx.msk [tilespmem:v3+s0+$0x0], $0xffff;
	_ =	sdelay $0x4  }
0x170: {  	v3 =	vadd.f32 v3, v2;
	v2 =	vadd.f32 v2, v1;
	_ =	sdelay $0x1  }
0x171: {  	v4 =	vmul.f32 $9.999999770e-03, v3;
	v5 =	vmul.f32 $9.999999770e-03, v2;
	_ =	sdelay $0x1  }
0x172: {  	v3 =	vmax.f32 v3, v4;
	v2 =	vmax.f32 v2, v5  }
0x173: {  	v2 =	vsub.f32 v3, v2;
	_ =	sdelay $0x1  }
0x174: {  	v2 =	vmul.f32 $1.442695020e+00, v2;
	_ =	sdelay $0x1  }
0x175: {  	(erf) = vpow2.f32 v2;
	_ =	sdelay $0x2  }
0x176: {  	v2 =	vld [tilespmem:$0x5090]  }
0x177: {  	v3 =	vld [tilespmem:$0x5110];
	_ =	sdelay $0x4  }
0x178: {  	v4 =	vpop (erf)  }
0x179: {  	[tilespmem:$0x7C00] =	vst v4  }
0x17a: {  	v2 =	vld.idx.msk [tilespmem:v2+s5+$0x0], $0xffff  }
0x17b: {  	v3 =	vld.idx.msk [tilespmem:v3+s0+$0x0], $0xffff;
	_ =	sdelay $0x4  }
0x17c: {  	v3 =	vadd.f32 v3, v2;
	v2 =	vadd.f32 v2, v1;
	_ =	sdelay $0x1  }
0x17d: {  	v4 =	vmul.f32 $9.999999770e-03, v3;
	v5 =	vmul.f32 $9.999999770e-03, v2;
	_ =	sdelay $0x1  }
0x17e: {  	v3 =	vmax.f32 v3, v4;
	v2 =	vmax.f32 v2, v5  }
0x17f: {  	v2 =	vsub.f32 v3, v2;
	_ =	sdelay $0x1  }
0x180: {  	v2 =	vmul.f32 $1.442695020e+00, v2;
	_ =	sdelay $0x1  }
0x181: {  	(erf) = vpow2.f32 v2;
	_ =	sdelay $0x2  }
0x182: {  	v2 =	vld [tilespmem:$0x50A0]  }
0x183: {  	v3 =	vld [tilespmem:$0x5120];
	_ =	sdelay $0x4  }
0x184: {  	v4 =	vpop (erf)  }
0x185: {  	[tilespmem:$0x7C10] =	vst v4  }
0x186: {  	v2 =	vld.idx.msk [tilespmem:v2+s5+$0x0], $0xffff  }
0x187: {  	v3 =	vld.idx.msk [tilespmem:v3+s0+$0x0], $0xffff;
	_ =	sdelay $0x4  }
0x188: {  	v3 =	vadd.f32 v3, v2;
	v2 =	vadd.f32 v2, v1;
	_ =	sdelay $0x1  }
0x189: {  	v4 =	vmul.f32 $9.999999770e-03, v3;
	v5 =	vmul.f32 $9.999999770e-03, v2;
	_ =	sdelay $0x1  }
0x18a: {  	v3 =	vmax.f32 v3, v4;
	v2 =	vmax.f32 v2, v5  }
0x18b: {  	v2 =	vsub.f32 v3, v2;
	_ =	sdelay $0x1  }
0x18c: {  	v2 =	vmul.f32 $1.442695020e+00, v2;
	_ =	sdelay $0x1  }
0x18d: {  	(erf) = vpow2.f32 v2;
	_ =	sdelay $0x2  }
0x18e: {  	v2 =	vld [tilespmem:$0x50B0]  }
0x18f: {  	v3 =	vld [tilespmem:$0x5130];
	_ =	sdelay $0x4  }
0x190: {  	v4 =	vpop (erf)  }
0x191: {  	[tilespmem:$0x7C20] =	vst v4  }
0x192: {  	v2 =	vld.idx.msk [tilespmem:v2+s5+$0x0], $0xffff  }
0x193: {  	v3 =	vld.idx.msk [tilespmem:v3+s0+$0x0], $0xffff;
	_ =	sdelay $0x4  }
0x194: {  	v3 =	vadd.f32 v3, v2;
	v2 =	vadd.f32 v2, v1;
	_ =	sdelay $0x1  }
0x195: {  	v4 =	vmul.f32 $9.999999770e-03, v3;
	v5 =	vmul.f32 $9.999999770e-03, v2;
	_ =	sdelay $0x1  }
0x196: {  	v3 =	vmax.f32 v3, v4;
	v2 =	vmax.f32 v2, v5  }
0x197: {  	v2 =	vsub.f32 v3, v2;
	_ =	sdelay $0x1  }
0x198: {  	v2 =	vmul.f32 $1.442695020e+00, v2;
	_ =	sdelay $0x1  }
0x199: {  	(erf) = vpow2.f32 v2;
	_ =	sdelay $0x2  }
0x19a: {  	v2 =	vld [tilespmem:$0x50C0]  }
0x19b: {  	v3 =	vld [tilespmem:$0x5140];
	_ =	sdelay $0x4  }
0x19c: {  	v4 =	vpop (erf)  }
0x19d: {  	[tilespmem:$0x7C30] =	vst v4  }
0x19e: {  	v2 =	vld.idx.msk [tilespmem:v2+s5+$0x0], $0xffff  }
0x19f: {  	v3 =	vld.idx.msk [tilespmem:v3+s0+$0x0], $0xffff;
	_ =	sdelay $0x4  }
0x1a0: {  	v3 =	vadd.f32 v3, v2;
	v2 =	vadd.f32 v2, v1;
	_ =	sdelay $0x1  }
0x1a1: {  	v4 =	vmul.f32 $9.999999770e-03, v3;
	v5 =	vmul.f32 $9.999999770e-03, v2;
	_ =	sdelay $0x1  }
0x1a2: {  	v3 =	vmax.f32 v3, v4;
	v2 =	vmax.f32 v2, v5  }
0x1a3: {  	v2 =	vsub.f32 v3, v2;
	_ =	sdelay $0x1  }
0x1a4: {  	v2 =	vmul.f32 $1.442695020e+00, v2;
	_ =	sdelay $0x1  }
0x1a5: {  	(erf) = vpow2.f32 v2;
	_ =	sdelay $0x2  }
0x1a6: {  	s25 =	simm.s32 $0x0  }
0x1a7: {  	v2 =	vmov s25  }
0x1a8: {  	v2 =	vand.u32 $0xFFFFFFFC, v2  }
0x1a9: {  	v2 =	vbroadcast v2, $0x0;
	_ =	sdelay $0x2  }
0x1aa: {  	v3 =	vpop (erf)  }
0x1ab: {  	s25 =	simm.s32 $0x7D80;
	[tilespmem:$0x7C40] =	vst v3  }
0x1ac: {  	v4 =	vld [tilespmem:s25+$0xFFFFFF70]  }
0x1ad: {  	v2 =	vld.idx.msk [tilespmem:v2+s28+$0x0], $0xffff  }
0x1ae: {  	v5 =	vld [tilespmem:s25+$0xFFFFFF00]  }
0x1af: {  	v6 =	vld [tilespmem:s25+$0xFFFFFF20]  }
0x1b0: {  	v7 =	vld [tilespmem:s25+$0xFFFFFF30]  }
0x1b1: {  	v3 =	vld [tilespmem:s25+$0xFFFFFF50]  }
0x1b2: {  	v9 =	vld [tilespmem:s25+$0xFFFFFF10];
	v4 =	vmul.f32 v4, v2  }
0x1b3: {  	s22 =	simm.s32 $0x1;
	v8 =	vld [tilespmem:s25+$0xFFFFFF60];
	v5 =	vmul.f32 v5, v2  }
0x1b4: {  	v10 =	vld [tilespmem:s25+$0xFFFFFF40];
	v6 =	vmul.f32 v6, v2;
	[tilespmem:s25+$0xFFFFFF70] =	vst v4;
	v4 =	vmov s22  }
0x1b5: {  	v7 =	vmul.f32 v7, v2;
	[tilespmem:s25+$0xFFFFFF00] =	vst v5;
	v4 =	vand.u32 $0xFFFFFFFD, v4  }
0x1b6: {  	v3 =	vmul.f32 v3, v2;
	[tilespmem:s25+$0xFFFFFF20] =	vst v6;
	v4 =	vbroadcast v4, $0x0  }
0x1b7: {  	v5 =	vmul.f32 v9, v2;
	[tilespmem:s25+$0xFFFFFF30] =	vst v7  }
0x1b8: {  	v6 =	vmul.f32 v8, v2;
	[tilespmem:s25+$0xFFFFFF50] =	vst v3  }
0x1b9: {  	v2 =	vmul.f32 v10, v2;
	[tilespmem:s25+$0xFFFFFF10] =	vst v5  }
0x1ba: {  	[tilespmem:s25+$0xFFFFFF60] =	vst v6  }
0x1bb: {  	[tilespmem:s25+$0xFFFFFF40] =	vst v2;
	v2 =	vld [tilespmem:s25+$0xFFFFFF80]  }
0x1bc: {  	v4 =	vld.idx.msk [tilespmem:v4+s28+$0x0], $0xffff  }
0x1bd: {  	v3 =	vld [tilespmem:s25+$0xFFFFFFA0]  }
0x1be: {  	v5 =	vld [tilespmem:s25+$0xFFFFFF90]  }
0x1bf: {  	v6 =	vld [tilespmem:s25+$0xFFFFFFD0]  }
0x1c0: {  	v7 =	vld [tilespmem:s25+$0xFFFFFFE0]  }
0x1c1: {  	v8 =	vld [tilespmem:s25+$0xFFFFFFF0];
	v2 =	vmul.f32 v2, v4  }
0x1c2: {  	v9 =	vld [tilespmem:s25+$0xFFFFFFB0];
	s22 =	simm.s32 $0x2;
	v3 =	vmul.f32 v3, v4  }
0x1c3: {  	v10 =	vld [tilespmem:s25+$0xFFFFFFC0];
	v5 =	vmul.f32 v5, v4;
	[tilespmem:s25+$0xFFFFFF80] =	vst v2;
	v2 =	vmov s22  }
0x1c4: {  	v6 =	vmul.f32 v6, v4;
	[tilespmem:s25+$0xFFFFFFA0] =	vst v3;
	v2 =	vand.u32 $0xFFFFFFFE, v2  }
0x1c5: {  	v3 =	vmul.f32 v7, v4;
	[tilespmem:s25+$0xFFFFFF90] =	vst v5;
	v5 =	vbroadcast v2, $0x0  }
0x1c6: {  	v7 =	vmul.f32 v8, v4;
	[tilespmem:s25+$0xFFFFFFD0] =	vst v6;
	v8 =	vld [tilespmem:s25+$0x30]  }
0x1c7: {  	v6 =	vmul.f32 v9, v4;
	v2 =	vld [tilespmem:s25+$0x40];
	[tilespmem:s25+$0xFFFFFFE0] =	vst v3  }
0x1c8: {  	v4 =	vmul.f32 v10, v4;
	v3 =	vld [tilespmem:s25+$0x70];
	[tilespmem:s25+$0xFFFFFFF0] =	vst v7  }
0x1c9: {  	[tilespmem:s25+$0xFFFFFFB0] =	vst v6;
	v6 =	vld [tilespmem:s25+$0x20]  }
0x1ca: {  	[tilespmem:s25+$0xFFFFFFC0] =	vst v4;
	v7 =	vld [tilespmem:s25+$0x0]  }
0x1cb: {  	v4 =	vld.idx.msk [tilespmem:v5+s28+$0x0], $0xffff  }
0x1cc: {  	s30 =	simm.s32 $0x7;
	s15 =	simm.s32 $0x7D80;
	v5 =	vld [tilespmem:s25+$0x10]  }
.LBB2_7:
0x1cd: {  	p0 =	sne.s32 s30, $0x4F  }
0x1ce: {  	v9 =	vld [tilespmem:s25+$0x50];
	s15 =	sadd.s32 $0x200, s15;
	s22 =	smov.u32 s30;
	s30 =	sadd.s32 $0x4, s30  }
0x1cf: {  	v10 =	vld [tilespmem:s25+$0x60];
	_ =	sdelay $0x1  }
0x1d0: {  	v7 =	vmul.f32 v7, v4;
	v5 =	vmul.f32 v5, v4  }
0x1d1: {  	v6 =	vmul.f32 v6, v4;
	v8 =	vmul.f32 v8, v4  }
0x1d2: {  	v2 =	vmul.f32 v2, v4;
	v3 =	vmul.f32 v3, v4;
	[tilespmem:s25+$0x0] =	vst v7  }
0x1d3: {  	[tilespmem:s25+$0x20] =	vst v6;
	v6 =	vmul.f32 v9, v4;
	v4 =	vmul.f32 v10, v4  }
0x1d4: {  	[tilespmem:s25+$0x30] =	vst v8;
	v7 =	vld [tilespmem:s25+$0x80]  }
0x1d5: {  	[tilespmem:s25+$0x60] =	vst v4;
	v4 =	vmov s17;
	v8 =	vld [tilespmem:s25+$0xD0];
	s17 =	smov.u32 s22  }
0x1d6: {  	[tilespmem:s25+$0x50] =	vst v6;
	v6 =	vld [tilespmem:s25+$0xE0]  }
0x1d7: {  	[tilespmem:s25+$0x40] =	vst v2;
	v9 =	vld [tilespmem:s25+$0xB0]  }
0x1d8: {  	v2 =	vld [tilespmem:s15+$0x40];
	[tilespmem:s25+$0x70] =	vst v3  }
0x1d9: {  	v3 =	vld [tilespmem:s15+$0x70];
	[tilespmem:s25+$0x10] =	vst v5  }
0x1da: {  	v4 =	vld.idx.msk [tilespmem:v4+s28+$0x0], $0xffff  }
0x1db: {  	v5 =	vld [tilespmem:s25+$0x90]  }
0x1dc: {  	v10 =	vld [tilespmem:s25+$0xA0]  }
0x1dd: {  	v11 =	vld [tilespmem:s25+$0xC0]  }
0x1de: {  	v12 =	vld [tilespmem:s25+$0xF0];
	_ =	sdelay $0x1  }
0x1df: {  	v7 =	vmul.f32 v7, v4;
	v5 =	vmul.f32 v5, v4  }
0x1e0: {  	s22 =	sadd.s32 $0xFFFFFFFD, s17;
	v9 =	vmul.f32 v9, v4;
	v10 =	vmul.f32 v10, v4  }
0x1e1: {  	v13 =	vmov s22;
	v8 =	vmul.f32 v8, v4;
	[tilespmem:s25+$0x80] =	vst v7;
	v7 =	vmul.f32 v11, v4  }
0x1e2: {  	v11 =	vand.u32 $0xFFFFFFFC, v13;
	[tilespmem:s25+$0x90] =	vst v5;
	v5 =	vmul.f32 v6, v4;
	v4 =	vmul.f32 v12, v4  }
0x1e3: {  	v6 =	vbroadcast v11, $0x0;
	[tilespmem:s25+$0xA0] =	vst v10  }
0x1e4: {  	[tilespmem:s25+$0xD0] =	vst v8  }
0x1e5: {  	v8 =	vld [tilespmem:s15+$0xFFFFFF50];
	[tilespmem:s25+$0xB0] =	vst v9  }
0x1e6: {  	v9 =	vld [tilespmem:s15+$0xFFFFFF30];
	[tilespmem:s25+$0xC0] =	vst v7  }
0x1e7: {  	v7 =	vld [tilespmem:s15+$0xFFFFFF60];
	[tilespmem:s25+$0xE0] =	vst v5  }
0x1e8: {  	v5 =	vld [tilespmem:s15+$0xFFFFFF70];
	[tilespmem:s25+$0xF0] =	vst v4;
	s25 =	smov.u32 s15  }
0x1e9: {  	v4 =	vld.idx.msk [tilespmem:v6+s28+$0x0], $0xffff  }
0x1ea: {  	v6 =	vld [tilespmem:s15+$0xFFFFFF00]  }
0x1eb: {  	v10 =	vld [tilespmem:s15+$0xFFFFFF20]  }
0x1ec: {  	v11 =	vld [tilespmem:s15+$0xFFFFFF10]  }
0x1ed: {  	v12 =	vld [tilespmem:s15+$0xFFFFFF40];
	_ =	sdelay $0x1  }
0x1ee: {  	v5 =	vmul.f32 v5, v4;
	v6 =	vmul.f32 v6, v4  }
0x1ef: {  	s22 =	sadd.s32 $0xFFFFFFFE, s17;
	v7 =	vmul.f32 v7, v4;
	v10 =	vmul.f32 v10, v4  }
0x1f0: {  	v9 =	vmul.f32 v9, v4;
	v11 =	vmul.f32 v11, v4;
	[tilespmem:s15+$0xFFFFFF70] =	vst v5;
	v5 =	vmov s22  }
0x1f1: {  	[tilespmem:s15+$0xFFFFFF00] =	vst v6;
	v6 =	vmul.f32 v12, v4;
	v4 =	vmul.f32 v8, v4;
	v5 =	vand.u32 $0xFFFFFFFD, v5  }
0x1f2: {  	[tilespmem:s15+$0xFFFFFF20] =	vst v10;
	v5 =	vbroadcast v5, $0x0  }
0x1f3: {  	[tilespmem:s15+$0xFFFFFF30] =	vst v9  }
0x1f4: {  	[tilespmem:s15+$0xFFFFFF50] =	vst v4;
	v4 =	vld [tilespmem:s15+$0xFFFFFFF0]  }
0x1f5: {  	[tilespmem:s15+$0xFFFFFF10] =	vst v11;
	v8 =	vld [tilespmem:s15+$0xFFFFFFD0]  }
0x1f6: {  	[tilespmem:s15+$0xFFFFFF60] =	vst v7;
	v7 =	vld [tilespmem:s15+$0xFFFFFFB0]  }
0x1f7: {  	[tilespmem:s15+$0xFFFFFF40] =	vst v6;
	v6 =	vld [tilespmem:s15+$0xFFFFFF90]  }
0x1f8: {  	v5 =	vld.idx.msk [tilespmem:v5+s28+$0x0], $0xffff  }
0x1f9: {  	v9 =	vld [tilespmem:s15+$0xFFFFFF80]  }
0x1fa: {  	v10 =	vld [tilespmem:s15+$0xFFFFFFA0]  }
0x1fb: {  	v11 =	vld [tilespmem:s15+$0xFFFFFFC0]  }
0x1fc: {  	v12 =	vld [tilespmem:s15+$0xFFFFFFE0];
	_ =	sdelay $0x1  }
0x1fd: {  	v6 =	vmul.f32 v6, v5;
	v9 =	vmul.f32 v9, v5  }
0x1fe: {  	s22 =	sadd.s32 $0xFFFFFFFF, s17;
	v7 =	vmul.f32 v7, v5;
	v10 =	vmul.f32 v10, v5  }
0x1ff: {  	v8 =	vmul.f32 v8, v5;
	[tilespmem:s15+$0xFFFFFF80] =	vst v9;
	v9 =	vmul.f32 v11, v5;
	v11 =	vmov s22  }
0x200: {  	v4 =	vmul.f32 v4, v5;
	[tilespmem:s15+$0xFFFFFFA0] =	vst v10;
	v10 =	vmul.f32 v12, v5;
	v5 =	vand.u32 $0xFFFFFFFE, v11  }
0x201: {  	[tilespmem:s15+$0xFFFFFF90] =	vst v6;
	v5 =	vbroadcast v5, $0x0  }
0x202: {  	[tilespmem:s15+$0xFFFFFFD0] =	vst v8  }
0x203: {  	[tilespmem:s15+$0xFFFFFFE0] =	vst v10  }
0x204: {  	[tilespmem:s15+$0xFFFFFFB0] =	vst v7  }
.Ltmp2:
0x205: {  	[tilespmem:s15+$0xFFFFFFF0] =	vst v4;
	v6 =	vld [tilespmem:s15+$0x20];
	(pc) =	sbr.rel @p0 .LBB2_7-.Ltmp2, $4  }
0x206: {  	[tilespmem:s15+$0xFFFFFFC0] =	vst v9;
	v7 =	vld [tilespmem:s15+$0x0]  }
0x207: {  	v4 =	vld.idx.msk [tilespmem:v5+s28+$0x0], $0xffff  }
0x208: {  	v5 =	vld [tilespmem:s15+$0x10]  }
0x209: {  	v8 =	vld [tilespmem:s15+$0x30]  }
0x20a: {  	v9 =	vld [tilespmem:s25+$0x60];
	_ =	sdelay $0x1  }
0x20b: {  	v7 =	vmul.f32 v7, v4  }
0x20c: {  	v10 =	vld [tilespmem:s25+$0x50];
	v6 =	vmul.f32 v6, v4  }
0x20d: {  	v2 =	vmul.f32 v2, v4;
	[tilespmem:s25+$0x0] =	vst v7  }
0x20e: {  	[tilespmem:s25+$0x20] =	vst v6;
	v6 =	vmul.f32 v9, v4  }
0x20f: {  	v3 =	vmul.f32 v3, v4;
	[tilespmem:s25+$0x40] =	vst v2  }
0x210: {  	v8 =	vmul.f32 v8, v4;
	[tilespmem:s25+$0x60] =	vst v6;
	v6 =	vmov s17  }
0x211: {  	[tilespmem:s25+$0x70] =	vst v3;
	v7 =	vmul.f32 v10, v4  }
0x212: {  	v4 =	vmul.f32 v5, v4;
	[tilespmem:s25+$0x30] =	vst v8  }
0x213: {  	[tilespmem:s25+$0x50] =	vst v7  }
0x214: {  	v8 =	vld [tilespmem:s25+$0x80];
	[tilespmem:s25+$0x10] =	vst v4  }
0x215: {  	v2 =	vld.idx.msk [tilespmem:v6+s28+$0x0], $0xffff  }
0x216: {  	v3 =	vld [tilespmem:s25+$0x90]  }
0x217: {  	v4 =	vld [tilespmem:s25+$0xA0]  }
0x218: {  	v5 =	vld [tilespmem:s25+$0xD0]  }
0x219: {  	v6 =	vld [tilespmem:s25+$0xB0]  }
0x21a: {  	v7 =	vld [tilespmem:s25+$0xC0];
	v8 =	vmul.f32 v8, v2  }
0x21b: {  	v9 =	vld [tilespmem:s25+$0xE0];
	v3 =	vmul.f32 v3, v2  }
0x21c: {  	v10 =	vld [tilespmem:s25+$0xF0];
	v4 =	vmul.f32 v4, v2;
	[tilespmem:s25+$0x80] =	vst v8  }
0x21d: {  	v5 =	vmul.f32 v5, v2;
	[tilespmem:s25+$0x90] =	vst v3  }
0x21e: {  	v3 =	vmul.f32 v6, v2;
	[tilespmem:s25+$0xA0] =	vst v4  }
0x21f: {  	v4 =	vmul.f32 v7, v2;
	[tilespmem:s25+$0xD0] =	vst v5  }
0x220: {  	v5 =	vmul.f32 v9, v2;
	[tilespmem:s25+$0xB0] =	vst v3  }
0x221: {  	v2 =	vmul.f32 v10, v2;
	[tilespmem:s25+$0xC0] =	vst v4  }
0x222: {  	[tilespmem:s25+$0xE0] =	vst v5  }
0x223: {  	[tilespmem:s25+$0xF0] =	vst v2  }
0x224: {  	[spmem:s2] =	stream.indirect.scatter.add.f32 [tilespmem:s18], [sflag:$0x7], $0x80, s7, s13, $0xb8;
	[tilespmem:$0x1E980] =	vst v63  }
0x225: {  	_ =	swait.ge [sflag:s31], $0x2800  }
0x226: {  	[sflag:s31] =	ssyncset.done $0x0  }
0x227: {  	[sflag:s31] =	ssyncadd.s32 $0xFFFFD800  }
0x228: {  	[spmem:s3] =	stream.indirect.scatter.add.f32 [tilespmem:s28], [sflag:$0x7], $0x1, s7, s13, $0xb8;
	[tilespmem:$0x1E980] =	vst v63  }
0x229: {  	_ =	swait.ge [sflag:s31], $0x50  }
0x22a: {  	[sflag:s31] =	ssyncset.done $0x0  }
0x22b: {  	[sflag:s31] =	ssyncadd.s32 $0xFFFFFFB0  }
0x22c: {  	_ =	swait.ge [sflag:s29], $0x100  }
0x22d: {  	[sflag:s29] =	ssyncset.done $0x0  }
0x22e: {  	s15 =	simm.s32 $0x5300;
	p0 =	seq.s32 s10, $0x1E;
	[sflag:s29] =	ssyncadd.s32 $0xFFFFFF00  }
0x22f: {  	[tilespmem:s18], [sflag:$0x6] =	stream.indirect.gather [hbm4b:s1+s13], $0x80, s15, s13, $0xb8;
	[tilespmem:$0x1E980] =	vst v63  }
0x230: {  	s15 =	sadd.s32 @!p0 s14, s20  }
0x231: {  	s15 =	sshll.u32 @!p0 s15, $0x5  }
0x232: {  	s15 =	sand.u32 @!p0 $0x1FFFFFE0, s15  }
0x233: {  	s22 =	simm.s32 @!p0 $0x5080;
	s17 =	simm.s32 @!p0 $0x0;
	s15 =	sadd.s32 @!p0 s9, s15  }
0x234: {  	[tilespmem:s22], [sflag:$0x2] =	stream.linear.gather @!p0 [hbm4b:s15+s17], $0x100, $0x38;
	[tilespmem:$0x1E980] =	vst v63  }
0x235: {  	_ =	swait.ge [sflag:s23], $0x2800  }
0x236: {  	[sflag:s23] =	ssyncset.done $0x0  }
0x237: {  	[sflag:s23] =	ssyncadd.s32 $0xFFFFD800  }
0x238: {  	v2 =	vld [tilespmem:$0x5180]  }
0x239: {  	v3 =	vld [tilespmem:$0x5200];
	_ =	sdelay $0x6  }
0x23a: {  	v2 =	vld.idx.msk [tilespmem:v2+s5+$0x0], $0xffff  }
0x23b: {  	v3 =	vld.idx.msk [tilespmem:v3+s0+$0x0], $0xffff;
	_ =	sdelay $0x4  }
0x23c: {  	v3 =	vadd.f32 v3, v2;
	v2 =	vadd.f32 v2, v1;
	_ =	sdelay $0x1  }
0x23d: {  	v4 =	vmul.f32 $9.999999770e-03, v3;
	v5 =	vmul.f32 $9.999999770e-03, v2;
	_ =	sdelay $0x1  }
0x23e: {  	v3 =	vmax.f32 v3, v4;
	v2 =	vmax.f32 v2, v5  }
0x23f: {  	v2 =	vsub.f32 v3, v2;
	_ =	sdelay $0x1  }
0x240: {  	v2 =	vmul.f32 $1.442695020e+00, v2;
	_ =	sdelay $0x1  }
0x241: {  	(erf) = vpow2.f32 v2;
	_ =	sdelay $0x2  }
0x242: {  	v2 =	vld [tilespmem:$0x5190]  }
0x243: {  	v3 =	vld [tilespmem:$0x5210];
	_ =	sdelay $0x4  }
0x244: {  	v4 =	vpop (erf)  }
0x245: {  	[tilespmem:$0x5380] =	vst v4  }
0x246: {  	v2 =	vld.idx.msk [tilespmem:v2+s5+$0x0], $0xffff  }
0x247: {  	v3 =	vld.idx.msk [tilespmem:v3+s0+$0x0], $0xffff;
	_ =	sdelay $0x4  }
0x248: {  	v3 =	vadd.f32 v3, v2;
	v2 =	vadd.f32 v2, v1;
	_ =	sdelay $0x1  }
0x249: {  	v4 =	vmul.f32 $9.999999770e-03, v3;
	v5 =	vmul.f32 $9.999999770e-03, v2;
	_ =	sdelay $0x1  }
0x24a: {  	v3 =	vmax.f32 v3, v4;
	v2 =	vmax.f32 v2, v5  }
0x24b: {  	v2 =	vsub.f32 v3, v2;
	_ =	sdelay $0x1  }
0x24c: {  	v2 =	vmul.f32 $1.442695020e+00, v2;
	_ =	sdelay $0x1  }
0x24d: {  	(erf) = vpow2.f32 v2;
	_ =	sdelay $0x2  }
0x24e: {  	v2 =	vld [tilespmem:$0x51A0]  }
0x24f: {  	v3 =	vld [tilespmem:$0x5220];
	_ =	sdelay $0x4  }
0x250: {  	v4 =	vpop (erf)  }
0x251: {  	[tilespmem:$0x5390] =	vst v4  }
0x252: {  	v2 =	vld.idx.msk [tilespmem:v2+s5+$0x0], $0xffff  }
0x253: {  	v3 =	vld.idx.msk [tilespmem:v3+s0+$0x0], $0xffff;
	_ =	sdelay $0x4  }
0x254: {  	v3 =	vadd.f32 v3, v2;
	v2 =	vadd.f32 v2, v1;
	_ =	sdelay $0x1  }
0x255: {  	v4 =	vmul.f32 $9.999999770e-03, v3;
	v5 =	vmul.f32 $9.999999770e-03, v2;
	_ =	sdelay $0x1  }
0x256: {  	v3 =	vmax.f32 v3, v4;
	v2 =	vmax.f32 v2, v5  }
0x257: {  	v2 =	vsub.f32 v3, v2;
	_ =	sdelay $0x1  }
0x258: {  	v2 =	vmul.f32 $1.442695020e+00, v2;
	_ =	sdelay $0x1  }
0x259: {  	(erf) = vpow2.f32 v2;
	_ =	sdelay $0x2  }
0x25a: {  	v2 =	vld [tilespmem:$0x51B0]  }
0x25b: {  	v3 =	vld [tilespmem:$0x5230];
	_ =	sdelay $0x4  }
0x25c: {  	v4 =	vpop (erf)  }
0x25d: {  	[tilespmem:$0x53A0] =	vst v4  }
0x25e: {  	v2 =	vld.idx.msk [tilespmem:v2+s5+$0x0], $0xffff  }
0x25f: {  	v3 =	vld.idx.msk [tilespmem:v3+s0+$0x0], $0xffff;
	_ =	sdelay $0x4  }
0x260: {  	v3 =	vadd.f32 v3, v2;
	v2 =	vadd.f32 v2, v1;
	_ =	sdelay $0x1  }
0x261: {  	v4 =	vmul.f32 $9.999999770e-03, v3;
	v5 =	vmul.f32 $9.999999770e-03, v2;
	_ =	sdelay $0x1  }
0x262: {  	v3 =	vmax.f32 v3, v4;
	v2 =	vmax.f32 v2, v5  }
0x263: {  	v2 =	vsub.f32 v3, v2;
	_ =	sdelay $0x1  }
0x264: {  	v2 =	vmul.f32 $1.442695020e+00, v2;
	_ =	sdelay $0x1  }
0x265: {  	(erf) = vpow2.f32 v2;
	_ =	sdelay $0x2  }
0x266: {  	v2 =	vld [tilespmem:$0x51C0]  }
0x267: {  	v3 =	vld [tilespmem:$0x5240];
	_ =	sdelay $0x4  }
0x268: {  	v4 =	vpop (erf)  }
0x269: {  	[tilespmem:$0x53B0] =	vst v4  }
0x26a: {  	v2 =	vld.idx.msk [tilespmem:v2+s5+$0x0], $0xffff  }
0x26b: {  	v3 =	vld.idx.msk [tilespmem:v3+s0+$0x0], $0xffff;
	_ =	sdelay $0x4  }
0x26c: {  	v3 =	vadd.f32 v3, v2;
	v2 =	vadd.f32 v2, v1;
	_ =	sdelay $0x1  }
0x26d: {  	v4 =	vmul.f32 $9.999999770e-03, v3;
	v5 =	vmul.f32 $9.999999770e-03, v2;
	_ =	sdelay $0x1  }
0x26e: {  	v3 =	vmax.f32 v3, v4;
	v2 =	vmax.f32 v2, v5  }
0x26f: {  	v2 =	vsub.f32 v3, v2;
	_ =	sdelay $0x1  }
0x270: {  	v2 =	vmul.f32 $1.442695020e+00, v2;
	_ =	sdelay $0x1  }
0x271: {  	(erf) = vpow2.f32 v2;
	_ =	sdelay $0x2  }
0x272: {  	s17 =	simm.s32 $0x0  }
0x273: {  	v2 =	vmov s17  }
0x274: {  	v2 =	vand.u32 $0xFFFFFFFC, v2  }
0x275: {  	v2 =	vbroadcast v2, $0x0;
	_ =	sdelay $0x2  }
0x276: {  	v3 =	vpop (erf)  }
0x277: {  	s17 =	simm.s32 $0x5500;
	[tilespmem:$0x53C0] =	vst v3  }
0x278: {  	v4 =	vld [tilespmem:s17+$0xFFFFFF70]  }
0x279: {  	v2 =	vld.idx.msk [tilespmem:v2+s24+$0x0], $0xffff  }
0x27a: {  	v5 =	vld [tilespmem:s17+$0xFFFFFF00]  }
0x27b: {  	v6 =	vld [tilespmem:s17+$0xFFFFFF20]  }
0x27c: {  	v7 =	vld [tilespmem:s17+$0xFFFFFF30]  }
0x27d: {  	v3 =	vld [tilespmem:s17+$0xFFFFFF50]  }
0x27e: {  	v9 =	vld [tilespmem:s17+$0xFFFFFF10];
	v4 =	vmul.f32 v4, v2  }
0x27f: {  	s22 =	simm.s32 $0x1;
	v8 =	vld [tilespmem:s17+$0xFFFFFF60];
	v5 =	vmul.f32 v5, v2  }
0x280: {  	v10 =	vld [tilespmem:s17+$0xFFFFFF40];
	v6 =	vmul.f32 v6, v2;
	[tilespmem:s17+$0xFFFFFF70] =	vst v4;
	v4 =	vmov s22  }
0x281: {  	v7 =	vmul.f32 v7, v2;
	[tilespmem:s17+$0xFFFFFF00] =	vst v5;
	v4 =	vand.u32 $0xFFFFFFFD, v4  }
0x282: {  	v3 =	vmul.f32 v3, v2;
	[tilespmem:s17+$0xFFFFFF20] =	vst v6;
	v4 =	vbroadcast v4, $0x0  }
0x283: {  	v5 =	vmul.f32 v9, v2;
	[tilespmem:s17+$0xFFFFFF30] =	vst v7  }
0x284: {  	v6 =	vmul.f32 v8, v2;
	[tilespmem:s17+$0xFFFFFF50] =	vst v3  }
0x285: {  	v2 =	vmul.f32 v10, v2;
	[tilespmem:s17+$0xFFFFFF10] =	vst v5  }
0x286: {  	[tilespmem:s17+$0xFFFFFF60] =	vst v6  }
0x287: {  	[tilespmem:s17+$0xFFFFFF40] =	vst v2;
	v2 =	vld [tilespmem:s17+$0xFFFFFF80]  }
0x288: {  	v4 =	vld.idx.msk [tilespmem:v4+s24+$0x0], $0xffff  }
0x289: {  	v3 =	vld [tilespmem:s17+$0xFFFFFFA0]  }
0x28a: {  	v5 =	vld [tilespmem:s17+$0xFFFFFF90]  }
0x28b: {  	v6 =	vld [tilespmem:s17+$0xFFFFFFD0]  }
0x28c: {  	v7 =	vld [tilespmem:s17+$0xFFFFFFE0]  }
0x28d: {  	v8 =	vld [tilespmem:s17+$0xFFFFFFF0];
	v2 =	vmul.f32 v2, v4  }
0x28e: {  	s25 =	simm.s32 $0x2;
	v9 =	vld [tilespmem:s17+$0xFFFFFFB0];
	v3 =	vmul.f32 v3, v4  }
0x28f: {  	v10 =	vld [tilespmem:s17+$0xFFFFFFC0];
	v5 =	vmul.f32 v5, v4;
	[tilespmem:s17+$0xFFFFFF80] =	vst v2;
	v2 =	vmov s25  }
0x290: {  	v6 =	vmul.f32 v6, v4;
	[tilespmem:s17+$0xFFFFFFA0] =	vst v3;
	v2 =	vand.u32 $0xFFFFFFFE, v2  }
0x291: {  	v3 =	vmul.f32 v7, v4;
	[tilespmem:s17+$0xFFFFFF90] =	vst v5;
	v5 =	vbroadcast v2, $0x0  }
0x292: {  	v7 =	vmul.f32 v8, v4;
	[tilespmem:s17+$0xFFFFFFD0] =	vst v6;
	v8 =	vld [tilespmem:s17+$0x30]  }
0x293: {  	v6 =	vmul.f32 v9, v4;
	v2 =	vld [tilespmem:s17+$0x40];
	[tilespmem:s17+$0xFFFFFFE0] =	vst v3  }
0x294: {  	v4 =	vmul.f32 v10, v4;
	v3 =	vld [tilespmem:s17+$0x70];
	[tilespmem:s17+$0xFFFFFFF0] =	vst v7  }
0x295: {  	[tilespmem:s17+$0xFFFFFFB0] =	vst v6;
	v6 =	vld [tilespmem:s17+$0x20]  }
0x296: {  	[tilespmem:s17+$0xFFFFFFC0] =	vst v4;
	v7 =	vld [tilespmem:s17+$0x0]  }
0x297: {  	v4 =	vld.idx.msk [tilespmem:v5+s24+$0x0], $0xffff  }
0x298: {  	s30 =	simm.s32 $0x7;
	s15 =	simm.s32 $0x5500;
	s25 =	simm.s32 $0x3;
	v5 =	vld [tilespmem:s17+$0x10]  }
.LBB2_9:
0x299: {  	p1 =	sne.s32 s30, $0x4F  }
0x29a: {  	v9 =	vld [tilespmem:s17+$0x50];
	s15 =	sadd.s32 $0x200, s15;
	s22 =	smov.u32 s30;
	s30 =	sadd.s32 $0x4, s30  }
0x29b: {  	v10 =	vld [tilespmem:s17+$0x60];
	_ =	sdelay $0x1  }
0x29c: {  	v7 =	vmul.f32 v7, v4;
	v5 =	vmul.f32 v5, v4  }
0x29d: {  	v6 =	vmul.f32 v6, v4;
	v8 =	vmul.f32 v8, v4  }
0x29e: {  	v2 =	vmul.f32 v2, v4;
	v3 =	vmul.f32 v3, v4;
	[tilespmem:s17+$0x0] =	vst v7  }
0x29f: {  	[tilespmem:s17+$0x20] =	vst v6;
	v6 =	vmul.f32 v9, v4;
	v4 =	vmul.f32 v10, v4  }
0x2a0: {  	[tilespmem:s17+$0x30] =	vst v8;
	v7 =	vld [tilespmem:s17+$0x80]  }
0x2a1: {  	[tilespmem:s17+$0x60] =	vst v4;
	v4 =	vmov s25;
	v8 =	vld [tilespmem:s17+$0xD0];
	s25 =	smov.u32 s22  }
0x2a2: {  	[tilespmem:s17+$0x50] =	vst v6;
	v6 =	vld [tilespmem:s17+$0xE0]  }
0x2a3: {  	[tilespmem:s17+$0x40] =	vst v2;
	v9 =	vld [tilespmem:s17+$0xB0]  }
0x2a4: {  	v2 =	vld [tilespmem:s15+$0x40];
	[tilespmem:s17+$0x70] =	vst v3  }
0x2a5: {  	v3 =	vld [tilespmem:s15+$0x70];
	[tilespmem:s17+$0x10] =	vst v5  }
0x2a6: {  	v4 =	vld.idx.msk [tilespmem:v4+s24+$0x0], $0xffff  }
0x2a7: {  	v5 =	vld [tilespmem:s17+$0x90]  }
0x2a8: {  	v10 =	vld [tilespmem:s17+$0xA0]  }
0x2a9: {  	v11 =	vld [tilespmem:s17+$0xC0]  }
0x2aa: {  	v12 =	vld [tilespmem:s17+$0xF0];
	_ =	sdelay $0x1  }
0x2ab: {  	v7 =	vmul.f32 v7, v4;
	v5 =	vmul.f32 v5, v4  }
0x2ac: {  	s22 =	sadd.s32 $0xFFFFFFFD, s25;
	v9 =	vmul.f32 v9, v4;
	v10 =	vmul.f32 v10, v4  }
0x2ad: {  	v13 =	vmov s22;
	v8 =	vmul.f32 v8, v4;
	[tilespmem:s17+$0x80] =	vst v7;
	v7 =	vmul.f32 v11, v4  }
0x2ae: {  	v11 =	vand.u32 $0xFFFFFFFC, v13;
	[tilespmem:s17+$0x90] =	vst v5;
	v5 =	vmul.f32 v6, v4;
	v4 =	vmul.f32 v12, v4  }
0x2af: {  	v6 =	vbroadcast v11, $0x0;
	[tilespmem:s17+$0xA0] =	vst v10  }
0x2b0: {  	[tilespmem:s17+$0xD0] =	vst v8  }
0x2b1: {  	v8 =	vld [tilespmem:s15+$0xFFFFFF50];
	[tilespmem:s17+$0xB0] =	vst v9  }
0x2b2: {  	v9 =	vld [tilespmem:s15+$0xFFFFFF30];
	[tilespmem:s17+$0xC0] =	vst v7  }
0x2b3: {  	v7 =	vld [tilespmem:s15+$0xFFFFFF60];
	[tilespmem:s17+$0xE0] =	vst v5  }
0x2b4: {  	v5 =	vld [tilespmem:s15+$0xFFFFFF70];
	[tilespmem:s17+$0xF0] =	vst v4;
	s17 =	smov.u32 s15  }
0x2b5: {  	v4 =	vld.idx.msk [tilespmem:v6+s24+$0x0], $0xffff  }
0x2b6: {  	v6 =	vld [tilespmem:s15+$0xFFFFFF00]  }
0x2b7: {  	v10 =	vld [tilespmem:s15+$0xFFFFFF20]  }
0x2b8: {  	v11 =	vld [tilespmem:s15+$0xFFFFFF10]  }
0x2b9: {  	v12 =	vld [tilespmem:s15+$0xFFFFFF40];
	_ =	sdelay $0x1  }
0x2ba: {  	v5 =	vmul.f32 v5, v4;
	v6 =	vmul.f32 v6, v4  }
0x2bb: {  	s22 =	sadd.s32 $0xFFFFFFFE, s25;
	v7 =	vmul.f32 v7, v4;
	v10 =	vmul.f32 v10, v4  }
0x2bc: {  	v9 =	vmul.f32 v9, v4;
	v11 =	vmul.f32 v11, v4;
	[tilespmem:s15+$0xFFFFFF70] =	vst v5;
	v5 =	vmov s22  }
0x2bd: {  	[tilespmem:s15+$0xFFFFFF00] =	vst v6;
	v6 =	vmul.f32 v12, v4;
	v4 =	vmul.f32 v8, v4;
	v5 =	vand.u32 $0xFFFFFFFD, v5  }
0x2be: {  	[tilespmem:s15+$0xFFFFFF20] =	vst v10;
	v5 =	vbroadcast v5, $0x0  }
0x2bf: {  	[tilespmem:s15+$0xFFFFFF30] =	vst v9  }
0x2c0: {  	[tilespmem:s15+$0xFFFFFF50] =	vst v4;
	v4 =	vld [tilespmem:s15+$0xFFFFFFF0]  }
0x2c1: {  	[tilespmem:s15+$0xFFFFFF10] =	vst v11;
	v8 =	vld [tilespmem:s15+$0xFFFFFFD0]  }
0x2c2: {  	[tilespmem:s15+$0xFFFFFF60] =	vst v7;
	v7 =	vld [tilespmem:s15+$0xFFFFFFB0]  }
0x2c3: {  	[tilespmem:s15+$0xFFFFFF40] =	vst v6;
	v6 =	vld [tilespmem:s15+$0xFFFFFF90]  }
0x2c4: {  	v5 =	vld.idx.msk [tilespmem:v5+s24+$0x0], $0xffff  }
0x2c5: {  	v9 =	vld [tilespmem:s15+$0xFFFFFF80]  }
0x2c6: {  	v10 =	vld [tilespmem:s15+$0xFFFFFFA0]  }
0x2c7: {  	v11 =	vld [tilespmem:s15+$0xFFFFFFC0]  }
0x2c8: {  	v12 =	vld [tilespmem:s15+$0xFFFFFFE0];
	_ =	sdelay $0x1  }
0x2c9: {  	v6 =	vmul.f32 v6, v5;
	v9 =	vmul.f32 v9, v5  }
0x2ca: {  	s22 =	sadd.s32 $0xFFFFFFFF, s25;
	v7 =	vmul.f32 v7, v5;
	v10 =	vmul.f32 v10, v5  }
0x2cb: {  	v8 =	vmul.f32 v8, v5;
	[tilespmem:s15+$0xFFFFFF80] =	vst v9;
	v9 =	vmul.f32 v11, v5;
	v11 =	vmov s22  }
0x2cc: {  	v4 =	vmul.f32 v4, v5;
	[tilespmem:s15+$0xFFFFFFA0] =	vst v10;
	v10 =	vmul.f32 v12, v5;
	v5 =	vand.u32 $0xFFFFFFFE, v11  }
0x2cd: {  	[tilespmem:s15+$0xFFFFFF90] =	vst v6;
	v5 =	vbroadcast v5, $0x0  }
0x2ce: {  	[tilespmem:s15+$0xFFFFFFD0] =	vst v8  }
0x2cf: {  	[tilespmem:s15+$0xFFFFFFE0] =	vst v10  }
0x2d0: {  	[tilespmem:s15+$0xFFFFFFB0] =	vst v7  }
.Ltmp3:
0x2d1: {  	[tilespmem:s15+$0xFFFFFFF0] =	vst v4;
	v6 =	vld [tilespmem:s15+$0x20];
	(pc) =	sbr.rel @p1 .LBB2_9-.Ltmp3, $4  }
0x2d2: {  	[tilespmem:s15+$0xFFFFFFC0] =	vst v9;
	v7 =	vld [tilespmem:s15+$0x0]  }
0x2d3: {  	v4 =	vld.idx.msk [tilespmem:v5+s24+$0x0], $0xffff  }
0x2d4: {  	v5 =	vld [tilespmem:s15+$0x10]  }
0x2d5: {  	v8 =	vld [tilespmem:s15+$0x30]  }
0x2d6: {  	v9 =	vld [tilespmem:s17+$0x60];
	_ =	sdelay $0x1  }
0x2d7: {  	v7 =	vmul.f32 v7, v4  }
0x2d8: {  	v10 =	vld [tilespmem:s17+$0x50];
	v6 =	vmul.f32 v6, v4  }
0x2d9: {  	v2 =	vmul.f32 v2, v4;
	[tilespmem:s17+$0x0] =	vst v7  }
0x2da: {  	[tilespmem:s17+$0x20] =	vst v6;
	v6 =	vmul.f32 v9, v4  }
0x2db: {  	v3 =	vmul.f32 v3, v4;
	[tilespmem:s17+$0x40] =	vst v2  }
0x2dc: {  	v8 =	vmul.f32 v8, v4;
	[tilespmem:s17+$0x60] =	vst v6;
	v6 =	vmov s25  }
0x2dd: {  	[tilespmem:s17+$0x70] =	vst v3;
	v7 =	vmul.f32 v10, v4  }
0x2de: {  	v4 =	vmul.f32 v5, v4;
	[tilespmem:s17+$0x30] =	vst v8  }
0x2df: {  	[tilespmem:s17+$0x50] =	vst v7  }
0x2e0: {  	v8 =	vld [tilespmem:s17+$0x80];
	[tilespmem:s17+$0x10] =	vst v4  }
0x2e1: {  	v2 =	vld.idx.msk [tilespmem:v6+s24+$0x0], $0xffff  }
0x2e2: {  	v3 =	vld [tilespmem:s17+$0x90]  }
0x2e3: {  	v4 =	vld [tilespmem:s17+$0xA0]  }
0x2e4: {  	v5 =	vld [tilespmem:s17+$0xD0]  }
0x2e5: {  	v6 =	vld [tilespmem:s17+$0xB0]  }
0x2e6: {  	v7 =	vld [tilespmem:s17+$0xC0];
	v8 =	vmul.f32 v8, v2  }
0x2e7: {  	v9 =	vld [tilespmem:s17+$0xE0];
	v3 =	vmul.f32 v3, v2  }
0x2e8: {  	v10 =	vld [tilespmem:s17+$0xF0];
	v4 =	vmul.f32 v4, v2;
	[tilespmem:s17+$0x80] =	vst v8  }
0x2e9: {  	v5 =	vmul.f32 v5, v2;
	[tilespmem:s17+$0x90] =	vst v3  }
0x2ea: {  	v3 =	vmul.f32 v6, v2;
	[tilespmem:s17+$0xA0] =	vst v4  }
0x2eb: {  	v4 =	vmul.f32 v7, v2;
	[tilespmem:s17+$0xD0] =	vst v5  }
0x2ec: {  	v5 =	vmul.f32 v9, v2;
	[tilespmem:s17+$0xB0] =	vst v3  }
0x2ed: {  	v2 =	vmul.f32 v10, v2;
	[tilespmem:s17+$0xC0] =	vst v4  }
0x2ee: {  	[tilespmem:s17+$0xE0] =	vst v5  }
0x2ef: {  	[tilespmem:s17+$0xF0] =	vst v2  }
0x2f0: {  	[spmem:s2] =	stream.indirect.scatter.add.f32 [tilespmem:s4], [sflag:$0x7], $0x80, s8, s13, $0xb8;
	[tilespmem:$0x1E980] =	vst v63  }
0x2f1: {  	_ =	swait.ge [sflag:s31], $0x2800  }
0x2f2: {  	[sflag:s31] =	ssyncset.done $0x0  }
0x2f3: {  	[sflag:s31] =	ssyncadd.s32 $0xFFFFD800  }
0x2f4: {  	[spmem:s3] =	stream.indirect.scatter.add.f32 [tilespmem:s24], [sflag:$0x7], $0x1, s8, s13, $0xb8;
	[tilespmem:$0x1E980] =	vst v63  }
0x2f5: {  	_ =	swait.ge [sflag:s31], $0x50  }
0x2f6: {  	[sflag:s31] =	ssyncset.done $0x0  }
0x2f7: {  	[sflag:s31] =	ssyncadd.s32 $0xFFFFFFB0  }
0x2f8: {  	_ =	swait.ge [sflag:s12], $0x100  }
0x2f9: {  	[sflag:s12] =	ssyncset.done $0x0  }
0x2fa: {  	s15 =	simm.s32 $0x5000;
	[sflag:s12] =	ssyncadd.s32 $0xFFFFFF00  }
0x2fb: {  	[tilespmem:s4], [sflag:$0x5] =	stream.indirect.gather [hbm4b:s1+s13], $0x80, s15, s13, $0xb8;
	[tilespmem:$0x1E980] =	vst v63  }
0x2fc: {  	s15 =	sadd.s32 @!p0 s14, s21  }
0x2fd: {  	s15 =	sshll.u32 @!p0 s15, $0x5  }
0x2fe: {  	s15 =	sand.u32 @!p0 $0x1FFFFFE0, s15  }
0x2ff: {  	s22 =	simm.s32 @!p0 $0x5180;
	s17 =	simm.s32 @!p0 $0x0;
	s15 =	sadd.s32 @!p0 s9, s15  }
0x300: {  	[tilespmem:s22], [sflag:$0x3] =	stream.linear.gather @!p0 [hbm4b:s15+s17], $0x100, $0x38;
	[tilespmem:$0x1E980] =	vst v63  }
0x301: {  	_ =	swait.ge [sflag:s26], $0x2800  }
0x302: {  	[sflag:s26] =	ssyncset.done $0x0  }
0x303: {  	[sflag:s26] =	ssyncadd.s32 $0xFFFFD800  }
0x304: {  	v2 =	vld [tilespmem:$0x5280]  }
0x305: {  	v3 =	vld [tilespmem:$0x5300];
	_ =	sdelay $0x6  }
0x306: {  	v2 =	vld.idx.msk [tilespmem:v2+s5+$0x0], $0xffff  }
0x307: {  	v3 =	vld.idx.msk [tilespmem:v3+s0+$0x0], $0xffff;
	_ =	sdelay $0x4  }
0x308: {  	v3 =	vadd.f32 v3, v2;
	v2 =	vadd.f32 v2, v1;
	_ =	sdelay $0x1  }
0x309: {  	v4 =	vmul.f32 $9.999999770e-03, v3;
	v5 =	vmul.f32 $9.999999770e-03, v2;
	_ =	sdelay $0x1  }
0x30a: {  	v3 =	vmax.f32 v3, v4;
	v2 =	vmax.f32 v2, v5  }
0x30b: {  	v2 =	vsub.f32 v3, v2;
	_ =	sdelay $0x1  }
0x30c: {  	v2 =	vmul.f32 $1.442695020e+00, v2;
	_ =	sdelay $0x1  }
0x30d: {  	(erf) = vpow2.f32 v2;
	_ =	sdelay $0x2  }
0x30e: {  	v2 =	vld [tilespmem:$0x5290]  }
0x30f: {  	v3 =	vld [tilespmem:$0x5310];
	_ =	sdelay $0x4  }
0x310: {  	v4 =	vpop (erf)  }
0x311: {  	[tilespmem:$0x7C00] =	vst v4  }
0x312: {  	v2 =	vld.idx.msk [tilespmem:v2+s5+$0x0], $0xffff  }
0x313: {  	v3 =	vld.idx.msk [tilespmem:v3+s0+$0x0], $0xffff;
	_ =	sdelay $0x4  }
0x314: {  	v3 =	vadd.f32 v3, v2;
	v2 =	vadd.f32 v2, v1;
	_ =	sdelay $0x1  }
0x315: {  	v4 =	vmul.f32 $9.999999770e-03, v3;
	v5 =	vmul.f32 $9.999999770e-03, v2;
	_ =	sdelay $0x1  }
0x316: {  	v3 =	vmax.f32 v3, v4;
	v2 =	vmax.f32 v2, v5  }
0x317: {  	v2 =	vsub.f32 v3, v2;
	_ =	sdelay $0x1  }
0x318: {  	v2 =	vmul.f32 $1.442695020e+00, v2;
	_ =	sdelay $0x1  }
0x319: {  	(erf) = vpow2.f32 v2;
	_ =	sdelay $0x2  }
0x31a: {  	v2 =	vld [tilespmem:$0x52A0]  }
0x31b: {  	v3 =	vld [tilespmem:$0x5320];
	_ =	sdelay $0x4  }
0x31c: {  	v4 =	vpop (erf)  }
0x31d: {  	[tilespmem:$0x7C10] =	vst v4  }
0x31e: {  	v2 =	vld.idx.msk [tilespmem:v2+s5+$0x0], $0xffff  }
0x31f: {  	v3 =	vld.idx.msk [tilespmem:v3+s0+$0x0], $0xffff;
	_ =	sdelay $0x4  }
0x320: {  	v3 =	vadd.f32 v3, v2;
	v2 =	vadd.f32 v2, v1;
	_ =	sdelay $0x1  }
0x321: {  	v4 =	vmul.f32 $9.999999770e-03, v3;
	v5 =	vmul.f32 $9.999999770e-03, v2;
	_ =	sdelay $0x1  }
0x322: {  	v3 =	vmax.f32 v3, v4;
	v2 =	vmax.f32 v2, v5  }
0x323: {  	v2 =	vsub.f32 v3, v2;
	_ =	sdelay $0x1  }
0x324: {  	v2 =	vmul.f32 $1.442695020e+00, v2;
	_ =	sdelay $0x1  }
0x325: {  	(erf) = vpow2.f32 v2;
	_ =	sdelay $0x2  }
0x326: {  	v2 =	vld [tilespmem:$0x52B0]  }
0x327: {  	v3 =	vld [tilespmem:$0x5330];
	_ =	sdelay $0x4  }
0x328: {  	v4 =	vpop (erf)  }
0x329: {  	[tilespmem:$0x7C20] =	vst v4  }
0x32a: {  	v2 =	vld.idx.msk [tilespmem:v2+s5+$0x0], $0xffff  }
0x32b: {  	v3 =	vld.idx.msk [tilespmem:v3+s0+$0x0], $0xffff;
	_ =	sdelay $0x4  }
0x32c: {  	v3 =	vadd.f32 v3, v2;
	v2 =	vadd.f32 v2, v1;
	_ =	sdelay $0x1  }
0x32d: {  	v4 =	vmul.f32 $9.999999770e-03, v3;
	v5 =	vmul.f32 $9.999999770e-03, v2;
	_ =	sdelay $0x1  }
0x32e: {  	v3 =	vmax.f32 v3, v4;
	v2 =	vmax.f32 v2, v5  }
0x32f: {  	v2 =	vsub.f32 v3, v2;
	_ =	sdelay $0x1  }
0x330: {  	v2 =	vmul.f32 $1.442695020e+00, v2;
	_ =	sdelay $0x1  }
0x331: {  	(erf) = vpow2.f32 v2;
	_ =	sdelay $0x2  }
0x332: {  	v2 =	vld [tilespmem:$0x52C0]  }
0x333: {  	v3 =	vld [tilespmem:$0x5340];
	_ =	sdelay $0x4  }
0x334: {  	v4 =	vpop (erf)  }
0x335: {  	[tilespmem:$0x7C30] =	vst v4  }
0x336: {  	v2 =	vld.idx.msk [tilespmem:v2+s5+$0x0], $0xffff  }
0x337: {  	v3 =	vld.idx.msk [tilespmem:v3+s0+$0x0], $0xffff;
	_ =	sdelay $0x4  }
0x338: {  	v3 =	vadd.f32 v3, v2;
	v2 =	vadd.f32 v2, v1;
	_ =	sdelay $0x1  }
0x339: {  	v4 =	vmul.f32 $9.999999770e-03, v3;
	v5 =	vmul.f32 $9.999999770e-03, v2;
	_ =	sdelay $0x1  }
0x33a: {  	v3 =	vmax.f32 v3, v4;
	v2 =	vmax.f32 v2, v5  }
0x33b: {  	v2 =	vsub.f32 v3, v2;
	_ =	sdelay $0x1  }
0x33c: {  	v2 =	vmul.f32 $1.442695020e+00, v2;
	_ =	sdelay $0x1  }
0x33d: {  	(erf) = vpow2.f32 v2;
	_ =	sdelay $0x2  }
0x33e: {  	s17 =	simm.s32 $0x0  }
0x33f: {  	v2 =	vmov s17  }
0x340: {  	v2 =	vand.u32 $0xFFFFFFFC, v2  }
0x341: {  	v2 =	vbroadcast v2, $0x0;
	_ =	sdelay $0x2  }
0x342: {  	v3 =	vpop (erf)  }
0x343: {  	s17 =	simm.s32 $0x7D80;
	[tilespmem:$0x7C40] =	vst v3  }
0x344: {  	v4 =	vld [tilespmem:s17+$0xFFFFFF70]  }
0x345: {  	v2 =	vld.idx.msk [tilespmem:v2+s28+$0x0], $0xffff  }
0x346: {  	v5 =	vld [tilespmem:s17+$0xFFFFFF00]  }
0x347: {  	v6 =	vld [tilespmem:s17+$0xFFFFFF20]  }
0x348: {  	v7 =	vld [tilespmem:s17+$0xFFFFFF30]  }
0x349: {  	v3 =	vld [tilespmem:s17+$0xFFFFFF50]  }
0x34a: {  	v9 =	vld [tilespmem:s17+$0xFFFFFF10];
	v4 =	vmul.f32 v4, v2  }
0x34b: {  	s22 =	simm.s32 $0x1;
	v8 =	vld [tilespmem:s17+$0xFFFFFF60];
	v5 =	vmul.f32 v5, v2  }
0x34c: {  	v10 =	vld [tilespmem:s17+$0xFFFFFF40];
	v6 =	vmul.f32 v6, v2;
	[tilespmem:s17+$0xFFFFFF70] =	vst v4;
	v4 =	vmov s22  }
0x34d: {  	v7 =	vmul.f32 v7, v2;
	[tilespmem:s17+$0xFFFFFF00] =	vst v5;
	v4 =	vand.u32 $0xFFFFFFFD, v4  }
0x34e: {  	v3 =	vmul.f32 v3, v2;
	[tilespmem:s17+$0xFFFFFF20] =	vst v6;
	v4 =	vbroadcast v4, $0x0  }
0x34f: {  	v5 =	vmul.f32 v9, v2;
	[tilespmem:s17+$0xFFFFFF30] =	vst v7  }
0x350: {  	v6 =	vmul.f32 v8, v2;
	[tilespmem:s17+$0xFFFFFF50] =	vst v3  }
0x351: {  	v2 =	vmul.f32 v10, v2;
	[tilespmem:s17+$0xFFFFFF10] =	vst v5  }
0x352: {  	[tilespmem:s17+$0xFFFFFF60] =	vst v6  }
0x353: {  	[tilespmem:s17+$0xFFFFFF40] =	vst v2;
	v2 =	vld [tilespmem:s17+$0xFFFFFF80]  }
0x354: {  	v4 =	vld.idx.msk [tilespmem:v4+s28+$0x0], $0xffff  }
0x355: {  	v3 =	vld [tilespmem:s17+$0xFFFFFFA0]  }
0x356: {  	v5 =	vld [tilespmem:s17+$0xFFFFFF90]  }
0x357: {  	v6 =	vld [tilespmem:s17+$0xFFFFFFD0]  }
0x358: {  	v7 =	vld [tilespmem:s17+$0xFFFFFFE0]  }
0x359: {  	v8 =	vld [tilespmem:s17+$0xFFFFFFF0];
	v2 =	vmul.f32 v2, v4  }
0x35a: {  	s25 =	simm.s32 $0x2;
	v9 =	vld [tilespmem:s17+$0xFFFFFFB0];
	v3 =	vmul.f32 v3, v4  }
0x35b: {  	v10 =	vld [tilespmem:s17+$0xFFFFFFC0];
	v5 =	vmul.f32 v5, v4;
	[tilespmem:s17+$0xFFFFFF80] =	vst v2;
	v2 =	vmov s25  }
0x35c: {  	v6 =	vmul.f32 v6, v4;
	[tilespmem:s17+$0xFFFFFFA0] =	vst v3;
	v2 =	vand.u32 $0xFFFFFFFE, v2  }
0x35d: {  	v3 =	vmul.f32 v7, v4;
	[tilespmem:s17+$0xFFFFFF90] =	vst v5;
	v5 =	vbroadcast v2, $0x0  }
0x35e: {  	v7 =	vmul.f32 v8, v4;
	[tilespmem:s17+$0xFFFFFFD0] =	vst v6;
	v8 =	vld [tilespmem:s17+$0x30]  }
0x35f: {  	v6 =	vmul.f32 v9, v4;
	v2 =	vld [tilespmem:s17+$0x40];
	[tilespmem:s17+$0xFFFFFFE0] =	vst v3  }
0x360: {  	v4 =	vmul.f32 v10, v4;
	v3 =	vld [tilespmem:s17+$0x70];
	[tilespmem:s17+$0xFFFFFFF0] =	vst v7  }
0x361: {  	[tilespmem:s17+$0xFFFFFFB0] =	vst v6;
	v6 =	vld [tilespmem:s17+$0x20]  }
0x362: {  	[tilespmem:s17+$0xFFFFFFC0] =	vst v4;
	v7 =	vld [tilespmem:s17+$0x0]  }
0x363: {  	v4 =	vld.idx.msk [tilespmem:v5+s28+$0x0], $0xffff  }
0x364: {  	s30 =	simm.s32 $0x7;
	s15 =	simm.s32 $0x7D80;
	s25 =	simm.s32 $0x3;
	v5 =	vld [tilespmem:s17+$0x10]  }
.LBB2_11:
0x365: {  	p1 =	sne.s32 s30, $0x4F  }
0x366: {  	v9 =	vld [tilespmem:s17+$0x50];
	s15 =	sadd.s32 $0x200, s15;
	s22 =	smov.u32 s30;
	s30 =	sadd.s32 $0x4, s30  }
0x367: {  	v10 =	vld [tilespmem:s17+$0x60];
	_ =	sdelay $0x1  }
0x368: {  	v7 =	vmul.f32 v7, v4;
	v5 =	vmul.f32 v5, v4  }
0x369: {  	v6 =	vmul.f32 v6, v4;
	v8 =	vmul.f32 v8, v4  }
0x36a: {  	v2 =	vmul.f32 v2, v4;
	v3 =	vmul.f32 v3, v4;
	[tilespmem:s17+$0x0] =	vst v7  }
0x36b: {  	[tilespmem:s17+$0x20] =	vst v6;
	v6 =	vmul.f32 v9, v4;
	v4 =	vmul.f32 v10, v4  }
0x36c: {  	[tilespmem:s17+$0x30] =	vst v8;
	v7 =	vld [tilespmem:s17+$0x80]  }
0x36d: {  	[tilespmem:s17+$0x60] =	vst v4;
	v4 =	vmov s25;
	v8 =	vld [tilespmem:s17+$0xD0];
	s25 =	smov.u32 s22  }
0x36e: {  	[tilespmem:s17+$0x50] =	vst v6;
	v6 =	vld [tilespmem:s17+$0xE0]  }
0x36f: {  	[tilespmem:s17+$0x40] =	vst v2;
	v9 =	vld [tilespmem:s17+$0xB0]  }
0x370: {  	v2 =	vld [tilespmem:s15+$0x40];
	[tilespmem:s17+$0x70] =	vst v3  }
0x371: {  	v3 =	vld [tilespmem:s15+$0x70];
	[tilespmem:s17+$0x10] =	vst v5  }
0x372: {  	v4 =	vld.idx.msk [tilespmem:v4+s28+$0x0], $0xffff  }
0x373: {  	v5 =	vld [tilespmem:s17+$0x90]  }
0x374: {  	v10 =	vld [tilespmem:s17+$0xA0]  }
0x375: {  	v11 =	vld [tilespmem:s17+$0xC0]  }
0x376: {  	v12 =	vld [tilespmem:s17+$0xF0];
	_ =	sdelay $0x1  }
0x377: {  	v7 =	vmul.f32 v7, v4;
	v5 =	vmul.f32 v5, v4  }
0x378: {  	s22 =	sadd.s32 $0xFFFFFFFD, s25;
	v9 =	vmul.f32 v9, v4;
	v10 =	vmul.f32 v10, v4  }
0x379: {  	v13 =	vmov s22;
	v8 =	vmul.f32 v8, v4;
	[tilespmem:s17+$0x80] =	vst v7;
	v7 =	vmul.f32 v11, v4  }
0x37a: {  	v11 =	vand.u32 $0xFFFFFFFC, v13;
	[tilespmem:s17+$0x90] =	vst v5;
	v5 =	vmul.f32 v6, v4;
	v4 =	vmul.f32 v12, v4  }
0x37b: {  	v6 =	vbroadcast v11, $0x0;
	[tilespmem:s17+$0xA0] =	vst v10  }
0x37c: {  	[tilespmem:s17+$0xD0] =	vst v8  }
0x37d: {  	v8 =	vld [tilespmem:s15+$0xFFFFFF50];
	[tilespmem:s17+$0xB0] =	vst v9  }
0x37e: {  	v9 =	vld [tilespmem:s15+$0xFFFFFF30];
	[tilespmem:s17+$0xC0] =	vst v7  }
0x37f: {  	v7 =	vld [tilespmem:s15+$0xFFFFFF60];
	[tilespmem:s17+$0xE0] =	vst v5  }
0x380: {  	v5 =	vld [tilespmem:s15+$0xFFFFFF70];
	[tilespmem:s17+$0xF0] =	vst v4;
	s17 =	smov.u32 s15  }
0x381: {  	v4 =	vld.idx.msk [tilespmem:v6+s28+$0x0], $0xffff  }
0x382: {  	v6 =	vld [tilespmem:s15+$0xFFFFFF00]  }
0x383: {  	v10 =	vld [tilespmem:s15+$0xFFFFFF20]  }
0x384: {  	v11 =	vld [tilespmem:s15+$0xFFFFFF10]  }
0x385: {  	v12 =	vld [tilespmem:s15+$0xFFFFFF40];
	_ =	sdelay $0x1  }
0x386: {  	v5 =	vmul.f32 v5, v4;
	v6 =	vmul.f32 v6, v4  }
0x387: {  	s22 =	sadd.s32 $0xFFFFFFFE, s25;
	v7 =	vmul.f32 v7, v4;
	v10 =	vmul.f32 v10, v4  }
0x388: {  	v9 =	vmul.f32 v9, v4;
	v11 =	vmul.f32 v11, v4;
	[tilespmem:s15+$0xFFFFFF70] =	vst v5;
	v5 =	vmov s22  }
0x389: {  	[tilespmem:s15+$0xFFFFFF00] =	vst v6;
	v6 =	vmul.f32 v12, v4;
	v4 =	vmul.f32 v8, v4;
	v5 =	vand.u32 $0xFFFFFFFD, v5  }
0x38a: {  	[tilespmem:s15+$0xFFFFFF20] =	vst v10;
	v5 =	vbroadcast v5, $0x0  }
0x38b: {  	[tilespmem:s15+$0xFFFFFF30] =	vst v9  }
0x38c: {  	[tilespmem:s15+$0xFFFFFF50] =	vst v4;
	v4 =	vld [tilespmem:s15+$0xFFFFFFF0]  }
0x38d: {  	[tilespmem:s15+$0xFFFFFF10] =	vst v11;
	v8 =	vld [tilespmem:s15+$0xFFFFFFD0]  }
0x38e: {  	[tilespmem:s15+$0xFFFFFF60] =	vst v7;
	v7 =	vld [tilespmem:s15+$0xFFFFFFB0]  }
0x38f: {  	[tilespmem:s15+$0xFFFFFF40] =	vst v6;
	v6 =	vld [tilespmem:s15+$0xFFFFFF90]  }
0x390: {  	v5 =	vld.idx.msk [tilespmem:v5+s28+$0x0], $0xffff  }
0x391: {  	v9 =	vld [tilespmem:s15+$0xFFFFFF80]  }
0x392: {  	v10 =	vld [tilespmem:s15+$0xFFFFFFA0]  }
0x393: {  	v11 =	vld [tilespmem:s15+$0xFFFFFFC0]  }
0x394: {  	v12 =	vld [tilespmem:s15+$0xFFFFFFE0];
	_ =	sdelay $0x1  }
0x395: {  	v6 =	vmul.f32 v6, v5;
	v9 =	vmul.f32 v9, v5  }
0x396: {  	s22 =	sadd.s32 $0xFFFFFFFF, s25;
	v7 =	vmul.f32 v7, v5;
	v10 =	vmul.f32 v10, v5  }
0x397: {  	v8 =	vmul.f32 v8, v5;
	[tilespmem:s15+$0xFFFFFF80] =	vst v9;
	v9 =	vmul.f32 v11, v5;
	v11 =	vmov s22  }
0x398: {  	v4 =	vmul.f32 v4, v5;
	[tilespmem:s15+$0xFFFFFFA0] =	vst v10;
	v10 =	vmul.f32 v12, v5;
	v5 =	vand.u32 $0xFFFFFFFE, v11  }
0x399: {  	[tilespmem:s15+$0xFFFFFF90] =	vst v6;
	v5 =	vbroadcast v5, $0x0  }
0x39a: {  	[tilespmem:s15+$0xFFFFFFD0] =	vst v8  }
0x39b: {  	[tilespmem:s15+$0xFFFFFFE0] =	vst v10  }
0x39c: {  	[tilespmem:s15+$0xFFFFFFB0] =	vst v7  }
.Ltmp4:
0x39d: {  	[tilespmem:s15+$0xFFFFFFF0] =	vst v4;
	v6 =	vld [tilespmem:s15+$0x20];
	(pc) =	sbr.rel @p1 .LBB2_11-.Ltmp4, $4  }
0x39e: {  	[tilespmem:s15+$0xFFFFFFC0] =	vst v9;
	v7 =	vld [tilespmem:s15+$0x0]  }
0x39f: {  	v4 =	vld.idx.msk [tilespmem:v5+s28+$0x0], $0xffff  }
0x3a0: {  	v5 =	vld [tilespmem:s15+$0x10]  }
0x3a1: {  	v8 =	vld [tilespmem:s15+$0x30]  }
0x3a2: {  	_ =	sdelay $0x1  }
0x3a3: {  	v7 =	vmul.f32 v7, v4  }
0x3a4: {  	v9 =	vld [tilespmem:s17+$0x60];
	v6 =	vmul.f32 v6, v4  }
0x3a5: {  	v10 =	vld [tilespmem:s17+$0x50];
	v2 =	vmul.f32 v2, v4;
	[tilespmem:s17+$0x0] =	vst v7  }
0x3a6: {  	v3 =	vmul.f32 v3, v4;
	[tilespmem:s17+$0x20] =	vst v6  }
0x3a7: {  	v55 =	vmul.f32 v5, v4;
	[tilespmem:s17+$0x40] =	vst v2  }
0x3a8: {  	v54 =	vmov s25;
	v8 =	vmul.f32 v8, v4;
	[tilespmem:s17+$0x70] =	vst v3  }
0x3a9: {  	v51 =	vmul.f32 v9, v4;
	[tilespmem:s17+$0x10] =	vst v55  }
0x3aa: {  	v52 =	vmul.f32 v10, v4;
	[tilespmem:s17+$0x30] =	vst v8  }
0x3ab: {  	[tilespmem:s17+$0x60] =	vst v51  }
0x3ac: {  	v53 =	vld [tilespmem:s17+$0x80];
	[tilespmem:s17+$0x50] =	vst v52  }
0x3ad: {  	v2 =	vld.idx.msk [tilespmem:v54+s28+$0x0], $0xffff  }
0x3ae: {  	v3 =	vld [tilespmem:s17+$0x90]  }
0x3af: {  	v56 =	vld [tilespmem:s17+$0xA0]  }
0x3b0: {  	v57 =	vld [tilespmem:s17+$0xD0]  }
0x3b1: {  	v59 =	vld [tilespmem:s17+$0xC0]  }
0x3b2: {  	v60 =	vld [tilespmem:s17+$0xE0];
	v8 =	vmul.f32 v53, v2  }
0x3b3: {  	v58 =	vld [tilespmem:s17+$0xB0];
	v3 =	vmul.f32 v3, v2  }
0x3b4: {  	v61 =	vld [tilespmem:s17+$0xF0];
	v4 =	vmul.f32 v56, v2;
	[tilespmem:s17+$0x80] =	vst v8  }
0x3b5: {  	v5 =	vmul.f32 v57, v2;
	[tilespmem:s17+$0x90] =	vst v3  }
0x3b6: {  	v62 =	vmul.f32 v59, v2;
	[tilespmem:s17+$0xA0] =	vst v4  }
0x3b7: {  	v63 =	vmul.f32 v60, v2;
	[tilespmem:s17+$0xD0] =	vst v5  }
0x3b8: {  	v3 =	vmul.f32 v58, v2;
	[tilespmem:s17+$0xC0] =	vst v62  }
0x3b9: {  	v2 =	vmul.f32 v61, v2;
	[tilespmem:s17+$0xE0] =	vst v63  }
0x3ba: {  	[tilespmem:s17+$0xB0] =	vst v3  }
0x3bb: {  	[tilespmem:s17+$0xF0] =	vst v2  }
0x3bc: {  	[spmem:s2] =	stream.indirect.scatter.add.f32 [tilespmem:s18], [sflag:$0x7], $0x80, s11, s13, $0xb8;
	[tilespmem:$0x1E980] =	vst v63  }
0x3bd: {  	_ =	swait.ge [sflag:s31], $0x2800  }
0x3be: {  	[sflag:s31] =	ssyncset.done $0x0  }
.Ltmp5:
0x3bf: {  	[sflag:s31] =	ssyncadd.s32 $0xFFFFD800;
	(pc) =	sbr.rel @p0 .LBB2_14-.Ltmp5, $4  }
0x3c0: {  	[spmem:s3] =	stream.indirect.scatter.add.f32 [tilespmem:s28], [sflag:$0x7], $0x1, s11, s13, $0xb8;
	[tilespmem:$0x1E980] =	vst v63  }
0x3c1: {  	_ =	swait.ge [sflag:s31], $0x50  }
0x3c2: {  	[sflag:s31] =	ssyncset.done $0x0  }
0x3c3: {  	[sflag:s31] =	ssyncadd.s32 $0xFFFFFFB0  }
0x3c4: {  	_ =	swait.ge [sflag:s16], $0x100  }
0x3c5: {  	[sflag:s16] =	ssyncset.done $0x0  }
0x3c6: {  	s15 =	simm.s32 $0x5100;
	s30 =	rddreg [dreg:$0x11];
	[sflag:s16] =	ssyncadd.s32 $0xFFFFFF00  }
0x3c7: {  	[tilespmem:s18], [sflag:$0x6] =	stream.indirect.gather [hbm4b:s1+s13], $0x80, s15, s13, $0xb8;
	[tilespmem:$0x1E980] =	vst v63  }
.Ltmp6:
0x3c8: {  	s14 =	sadd.s32 s14, s30;
	(pc) =	sbr.rel .LBB2_4-.Ltmp6, $4  }
0x3c9: {  	s14 =	sshll.u32 s14, $0x5  }
0x3ca: {  	s14 =	sand.u32 $0x1FFFFFE0, s14  }
0x3cb: {  	s10 =	sadd.s32 $0x1, s10;
	s14 =	sadd.s32 s9, s14  }
0x3cc: {  	[tilespmem:s11], [sflag:$0x4] =	stream.linear.gather [hbm4b:s14+s5], $0x100, $0x38;
	[tilespmem:$0x1E980] =	vst v63  }
.LBB2_14:
0x3cd: {  	_ =	swait.ge [sflag:s23], $0x2800  }
0x3ce: {  	[sflag:s23] =	ssyncset.done $0x0  }
0x3cf: {  	[sflag:s23] =	ssyncadd.s32 $0xFFFFD800  }
0x3d0: {  	v2 =	vld [tilespmem:$0x4F80]  }
0x3d1: {  	v3 =	vld [tilespmem:$0x5000];
	_ =	sdelay $0x6  }
0x3d2: {  	v2 =	vld.idx.msk [tilespmem:v2+s5+$0x0], $0xffff  }
0x3d3: {  	v3 =	vld.idx.msk [tilespmem:v3+s0+$0x0], $0xffff;
	_ =	sdelay $0x4  }
0x3d4: {  	v3 =	vadd.f32 v3, v2;
	v2 =	vadd.f32 v2, v1;
	_ =	sdelay $0x1  }
0x3d5: {  	v4 =	vmul.f32 $9.999999770e-03, v3;
	v5 =	vmul.f32 $9.999999770e-03, v2;
	_ =	sdelay $0x1  }
0x3d6: {  	v3 =	vmax.f32 v3, v4;
	v2 =	vmax.f32 v2, v5  }
0x3d7: {  	v2 =	vsub.f32 v3, v2;
	_ =	sdelay $0x1  }
0x3d8: {  	v2 =	vmul.f32 $1.442695020e+00, v2;
	_ =	sdelay $0x1  }
0x3d9: {  	(erf) = vpow2.f32 v2;
	_ =	sdelay $0x2  }
0x3da: {  	v2 =	vld [tilespmem:$0x4F90]  }
0x3db: {  	v3 =	vld [tilespmem:$0x5010];
	_ =	sdelay $0x4  }
0x3dc: {  	v4 =	vpop (erf)  }
0x3dd: {  	[tilespmem:$0x5380] =	vst v4  }
0x3de: {  	v2 =	vld.idx.msk [tilespmem:v2+s5+$0x0], $0xffff  }
0x3df: {  	v3 =	vld.idx.msk [tilespmem:v3+s0+$0x0], $0xffff;
	_ =	sdelay $0x4  }
0x3e0: {  	v3 =	vadd.f32 v3, v2;
	v2 =	vadd.f32 v2, v1;
	_ =	sdelay $0x1  }
0x3e1: {  	v4 =	vmul.f32 $9.999999770e-03, v3;
	v5 =	vmul.f32 $9.999999770e-03, v2;
	_ =	sdelay $0x1  }
0x3e2: {  	v3 =	vmax.f32 v3, v4;
	v2 =	vmax.f32 v2, v5  }
0x3e3: {  	v2 =	vsub.f32 v3, v2;
	_ =	sdelay $0x1  }
0x3e4: {  	v2 =	vmul.f32 $1.442695020e+00, v2;
	_ =	sdelay $0x1  }
0x3e5: {  	(erf) = vpow2.f32 v2;
	_ =	sdelay $0x2  }
0x3e6: {  	v2 =	vld [tilespmem:$0x4FA0]  }
0x3e7: {  	v3 =	vld [tilespmem:$0x5020];
	_ =	sdelay $0x4  }
0x3e8: {  	v4 =	vpop (erf)  }
0x3e9: {  	[tilespmem:$0x5390] =	vst v4  }
0x3ea: {  	v2 =	vld.idx.msk [tilespmem:v2+s5+$0x0], $0xffff  }
0x3eb: {  	v3 =	vld.idx.msk [tilespmem:v3+s0+$0x0], $0xffff;
	_ =	sdelay $0x4  }
0x3ec: {  	v3 =	vadd.f32 v3, v2;
	v2 =	vadd.f32 v2, v1;
	_ =	sdelay $0x1  }
0x3ed: {  	v4 =	vmul.f32 $9.999999770e-03, v3;
	v5 =	vmul.f32 $9.999999770e-03, v2;
	_ =	sdelay $0x1  }
0x3ee: {  	v3 =	vmax.f32 v3, v4;
	v2 =	vmax.f32 v2, v5  }
0x3ef: {  	v2 =	vsub.f32 v3, v2;
	_ =	sdelay $0x1  }
0x3f0: {  	v2 =	vmul.f32 $1.442695020e+00, v2;
	_ =	sdelay $0x1  }
0x3f1: {  	(erf) = vpow2.f32 v2;
	_ =	sdelay $0x2  }
0x3f2: {  	v2 =	vld [tilespmem:$0x4FB0]  }
0x3f3: {  	v3 =	vld [tilespmem:$0x5030];
	_ =	sdelay $0x4  }
0x3f4: {  	v4 =	vpop (erf)  }
0x3f5: {  	[tilespmem:$0x53A0] =	vst v4  }
0x3f6: {  	v2 =	vld.idx.msk [tilespmem:v2+s5+$0x0], $0xffff  }
0x3f7: {  	v3 =	vld.idx.msk [tilespmem:v3+s0+$0x0], $0xffff;
	_ =	sdelay $0x4  }
0x3f8: {  	v3 =	vadd.f32 v3, v2;
	v2 =	vadd.f32 v2, v1;
	_ =	sdelay $0x1  }
0x3f9: {  	v4 =	vmul.f32 $9.999999770e-03, v3;
	v5 =	vmul.f32 $9.999999770e-03, v2;
	_ =	sdelay $0x1  }
0x3fa: {  	v3 =	vmax.f32 v3, v4;
	v2 =	vmax.f32 v2, v5  }
0x3fb: {  	v2 =	vsub.f32 v3, v2;
	_ =	sdelay $0x1  }
0x3fc: {  	v2 =	vmul.f32 $1.442695020e+00, v2;
	_ =	sdelay $0x1  }
0x3fd: {  	(erf) = vpow2.f32 v2;
	_ =	sdelay $0x2  }
0x3fe: {  	v2 =	vld [tilespmem:$0x4FC0]  }
0x3ff: {  	v3 =	vld [tilespmem:$0x5040];
	_ =	sdelay $0x4  }
0x400: {  	v4 =	vpop (erf)  }
0x401: {  	[tilespmem:$0x53B0] =	vst v4  }
0x402: {  	v2 =	vld.idx.msk [tilespmem:v2+s5+$0x0], $0xffff  }
0x403: {  	v3 =	vld.idx.msk [tilespmem:v3+s0+$0x0], $0xffff;
	_ =	sdelay $0x4  }
0x404: {  	v3 =	vadd.f32 v3, v2;
	v1 =	vadd.f32 v2, v1;
	_ =	sdelay $0x1  }
0x405: {  	v2 =	vmul.f32 $9.999999770e-03, v3;
	v4 =	vmul.f32 $9.999999770e-03, v1;
	_ =	sdelay $0x1  }
0x406: {  	v2 =	vmax.f32 v3, v2;
	v1 =	vmax.f32 v1, v4  }
0x407: {  	v1 =	vsub.f32 v2, v1;
	_ =	sdelay $0x1  }
0x408: {  	v1 =	vmul.f32 $1.442695020e+00, v1;
	_ =	sdelay $0x1  }
0x409: {  	(erf) = vpow2.f32 v1;
	_ =	sdelay $0x2  }
0x40a: {  	s10 =	simm.s32 $0x0  }
0x40b: {  	v1 =	vmov s10  }
0x40c: {  	v1 =	vand.u32 $0xFFFFFFFC, v1  }
0x40d: {  	v1 =	vbroadcast v1, $0x0;
	_ =	sdelay $0x2  }
0x40e: {  	v2 =	vpop (erf)  }
0x40f: {  	s10 =	simm.s32 $0x5500;
	[tilespmem:$0x53C0] =	vst v2  }
0x410: {  	v3 =	vld [tilespmem:s10+$0xFFFFFF70]  }
0x411: {  	v1 =	vld.idx.msk [tilespmem:v1+s24+$0x0], $0xffff  }
0x412: {  	v4 =	vld [tilespmem:s10+$0xFFFFFF00]  }
0x413: {  	v5 =	vld [tilespmem:s10+$0xFFFFFF20]  }
0x414: {  	v6 =	vld [tilespmem:s10+$0xFFFFFF30]  }
0x415: {  	v2 =	vld [tilespmem:s10+$0xFFFFFF50]  }
0x416: {  	v8 =	vld [tilespmem:s10+$0xFFFFFF10];
	v3 =	vmul.f32 v3, v1  }
0x417: {  	s14 =	simm.s32 $0x1;
	v7 =	vld [tilespmem:s10+$0xFFFFFF60];
	v4 =	vmul.f32 v4, v1  }
0x418: {  	v9 =	vld [tilespmem:s10+$0xFFFFFF40];
	v5 =	vmul.f32 v5, v1;
	[tilespmem:s10+$0xFFFFFF70] =	vst v3;
	v3 =	vmov s14  }
0x419: {  	v6 =	vmul.f32 v6, v1;
	[tilespmem:s10+$0xFFFFFF00] =	vst v4;
	v3 =	vand.u32 $0xFFFFFFFD, v3  }
0x41a: {  	v2 =	vmul.f32 v2, v1;
	[tilespmem:s10+$0xFFFFFF20] =	vst v5;
	v3 =	vbroadcast v3, $0x0  }
0x41b: {  	v4 =	vmul.f32 v8, v1;
	[tilespmem:s10+$0xFFFFFF30] =	vst v6  }
0x41c: {  	v5 =	vmul.f32 v7, v1;
	[tilespmem:s10+$0xFFFFFF50] =	vst v2  }
0x41d: {  	v1 =	vmul.f32 v9, v1;
	[tilespmem:s10+$0xFFFFFF10] =	vst v4  }
0x41e: {  	[tilespmem:s10+$0xFFFFFF60] =	vst v5  }
0x41f: {  	[tilespmem:s10+$0xFFFFFF40] =	vst v1;
	v1 =	vld [tilespmem:s10+$0xFFFFFF80]  }
0x420: {  	v3 =	vld.idx.msk [tilespmem:v3+s24+$0x0], $0xffff  }
0x421: {  	v2 =	vld [tilespmem:s10+$0xFFFFFFA0]  }
0x422: {  	v4 =	vld [tilespmem:s10+$0xFFFFFF90]  }
0x423: {  	v5 =	vld [tilespmem:s10+$0xFFFFFFD0]  }
0x424: {  	v6 =	vld [tilespmem:s10+$0xFFFFFFE0]  }
0x425: {  	v7 =	vld [tilespmem:s10+$0xFFFFFFF0];
	v1 =	vmul.f32 v1, v3  }
0x426: {  	s30 =	simm.s32 $0x2;
	v8 =	vld [tilespmem:s10+$0xFFFFFFB0];
	v2 =	vmul.f32 v2, v3  }
0x427: {  	v63 =	vld [tilespmem:s10+$0xFFFFFFC0];
	v4 =	vmul.f32 v4, v3;
	[tilespmem:s10+$0xFFFFFF80] =	vst v1;
	v1 =	vmov s30  }
0x428: {  	v5 =	vmul.f32 v5, v3;
	[tilespmem:s10+$0xFFFFFFA0] =	vst v2;
	v1 =	vand.u32 $0xFFFFFFFE, v1  }
0x429: {  	v2 =	vmul.f32 v6, v3;
	[tilespmem:s10+$0xFFFFFF90] =	vst v4;
	v4 =	vbroadcast v1, $0x0  }
0x42a: {  	v6 =	vmul.f32 v7, v3;
	[tilespmem:s10+$0xFFFFFFD0] =	vst v5;
	v7 =	vld [tilespmem:s10+$0x30]  }
0x42b: {  	v5 =	vmul.f32 v8, v3;
	v1 =	vld [tilespmem:s10+$0x40];
	[tilespmem:s10+$0xFFFFFFE0] =	vst v2  }
0x42c: {  	v3 =	vmul.f32 v63, v3;
	v2 =	vld [tilespmem:s10+$0x70];
	[tilespmem:s10+$0xFFFFFFF0] =	vst v6  }
0x42d: {  	[tilespmem:s10+$0xFFFFFFB0] =	vst v5;
	v5 =	vld [tilespmem:s10+$0x20]  }
0x42e: {  	[tilespmem:s10+$0xFFFFFFC0] =	vst v3;
	v6 =	vld [tilespmem:s10+$0x0]  }
0x42f: {  	v3 =	vld.idx.msk [tilespmem:v4+s24+$0x0], $0xffff  }
0x430: {  	s17 =	simm.s32 $0x7;
	s15 =	simm.s32 $0x5500;
	s14 =	simm.s32 $0x3;
	v4 =	vld [tilespmem:s10+$0x10]  }
.LBB2_15:
0x431: {  	p0 =	sne.s32 s17, $0x4F  }
0x432: {  	v8 =	vld [tilespmem:s10+$0x50];
	s15 =	sadd.s32 $0x200, s15;
	s22 =	smov.u32 s17;
	s17 =	sadd.s32 $0x4, s17  }
0x433: {  	v9 =	vld [tilespmem:s10+$0x60];
	_ =	sdelay $0x1  }
0x434: {  	v6 =	vmul.f32 v6, v3;
	v4 =	vmul.f32 v4, v3  }
0x435: {  	v5 =	vmul.f32 v5, v3;
	v7 =	vmul.f32 v7, v3  }
0x436: {  	v1 =	vmul.f32 v1, v3;
	v2 =	vmul.f32 v2, v3;
	[tilespmem:s10+$0x0] =	vst v6  }
0x437: {  	[tilespmem:s10+$0x20] =	vst v5;
	v5 =	vmul.f32 v8, v3;
	v3 =	vmul.f32 v9, v3  }
0x438: {  	[tilespmem:s10+$0x30] =	vst v7;
	v6 =	vld [tilespmem:s10+$0x80]  }
0x439: {  	[tilespmem:s10+$0x60] =	vst v3;
	v3 =	vmov s14;
	v7 =	vld [tilespmem:s10+$0xD0];
	s14 =	smov.u32 s22  }
0x43a: {  	[tilespmem:s10+$0x50] =	vst v5;
	v5 =	vld [tilespmem:s10+$0xE0]  }
0x43b: {  	[tilespmem:s10+$0x40] =	vst v1;
	v8 =	vld [tilespmem:s10+$0xB0]  }
0x43c: {  	v1 =	vld [tilespmem:s15+$0x40];
	[tilespmem:s10+$0x70] =	vst v2  }
0x43d: {  	v2 =	vld [tilespmem:s15+$0x70];
	[tilespmem:s10+$0x10] =	vst v4  }
0x43e: {  	v3 =	vld.idx.msk [tilespmem:v3+s24+$0x0], $0xffff  }
0x43f: {  	v4 =	vld [tilespmem:s10+$0x90]  }
0x440: {  	v9 =	vld [tilespmem:s10+$0xA0]  }
0x441: {  	v10 =	vld [tilespmem:s10+$0xC0]  }
0x442: {  	v11 =	vld [tilespmem:s10+$0xF0];
	_ =	sdelay $0x1  }
0x443: {  	v6 =	vmul.f32 v6, v3;
	v4 =	vmul.f32 v4, v3  }
0x444: {  	s22 =	sadd.s32 $0xFFFFFFFD, s14;
	v8 =	vmul.f32 v8, v3;
	v9 =	vmul.f32 v9, v3  }
0x445: {  	v12 =	vmov s22;
	v7 =	vmul.f32 v7, v3;
	[tilespmem:s10+$0x80] =	vst v6;
	v6 =	vmul.f32 v10, v3  }
0x446: {  	v10 =	vand.u32 $0xFFFFFFFC, v12;
	[tilespmem:s10+$0x90] =	vst v4;
	v4 =	vmul.f32 v5, v3;
	v3 =	vmul.f32 v11, v3  }
0x447: {  	v5 =	vbroadcast v10, $0x0;
	[tilespmem:s10+$0xA0] =	vst v9  }
0x448: {  	[tilespmem:s10+$0xD0] =	vst v7  }
0x449: {  	v7 =	vld [tilespmem:s15+$0xFFFFFF50];
	[tilespmem:s10+$0xB0] =	vst v8  }
0x44a: {  	v8 =	vld [tilespmem:s15+$0xFFFFFF30];
	[tilespmem:s10+$0xC0] =	vst v6  }
0x44b: {  	v6 =	vld [tilespmem:s15+$0xFFFFFF60];
	[tilespmem:s10+$0xE0] =	vst v4  }
0x44c: {  	v4 =	vld [tilespmem:s15+$0xFFFFFF70];
	[tilespmem:s10+$0xF0] =	vst v3;
	s10 =	smov.u32 s15  }
0x44d: {  	v3 =	vld.idx.msk [tilespmem:v5+s24+$0x0], $0xffff  }
0x44e: {  	v5 =	vld [tilespmem:s15+$0xFFFFFF00]  }
0x44f: {  	v9 =	vld [tilespmem:s15+$0xFFFFFF20]  }
0x450: {  	v10 =	vld [tilespmem:s15+$0xFFFFFF10]  }
0x451: {  	v11 =	vld [tilespmem:s15+$0xFFFFFF40];
	_ =	sdelay $0x1  }
0x452: {  	v4 =	vmul.f32 v4, v3;
	v5 =	vmul.f32 v5, v3  }
0x453: {  	s22 =	sadd.s32 $0xFFFFFFFE, s14;
	v6 =	vmul.f32 v6, v3;
	v9 =	vmul.f32 v9, v3  }
0x454: {  	v8 =	vmul.f32 v8, v3;
	v10 =	vmul.f32 v10, v3;
	[tilespmem:s15+$0xFFFFFF70] =	vst v4;
	v4 =	vmov s22  }
0x455: {  	[tilespmem:s15+$0xFFFFFF00] =	vst v5;
	v5 =	vmul.f32 v11, v3;
	v3 =	vmul.f32 v7, v3;
	v4 =	vand.u32 $0xFFFFFFFD, v4  }
0x456: {  	[tilespmem:s15+$0xFFFFFF20] =	vst v9;
	v4 =	vbroadcast v4, $0x0  }
0x457: {  	[tilespmem:s15+$0xFFFFFF30] =	vst v8  }
0x458: {  	[tilespmem:s15+$0xFFFFFF50] =	vst v3;
	v3 =	vld [tilespmem:s15+$0xFFFFFFF0]  }
0x459: {  	[tilespmem:s15+$0xFFFFFF10] =	vst v10;
	v7 =	vld [tilespmem:s15+$0xFFFFFFD0]  }
0x45a: {  	[tilespmem:s15+$0xFFFFFF60] =	vst v6;
	v6 =	vld [tilespmem:s15+$0xFFFFFFB0]  }
0x45b: {  	[tilespmem:s15+$0xFFFFFF40] =	vst v5;
	v5 =	vld [tilespmem:s15+$0xFFFFFF90]  }
0x45c: {  	v4 =	vld.idx.msk [tilespmem:v4+s24+$0x0], $0xffff  }
0x45d: {  	v8 =	vld [tilespmem:s15+$0xFFFFFF80]  }
0x45e: {  	v9 =	vld [tilespmem:s15+$0xFFFFFFA0]  }
0x45f: {  	v10 =	vld [tilespmem:s15+$0xFFFFFFC0]  }
0x460: {  	v11 =	vld [tilespmem:s15+$0xFFFFFFE0];
	_ =	sdelay $0x1  }
0x461: {  	v5 =	vmul.f32 v5, v4;
	v8 =	vmul.f32 v8, v4  }
0x462: {  	s22 =	sadd.s32 $0xFFFFFFFF, s14;
	v6 =	vmul.f32 v6, v4;
	v9 =	vmul.f32 v9, v4  }
0x463: {  	v7 =	vmul.f32 v7, v4;
	[tilespmem:s15+$0xFFFFFF80] =	vst v8;
	v8 =	vmul.f32 v10, v4;
	v10 =	vmov s22  }
0x464: {  	v3 =	vmul.f32 v3, v4;
	[tilespmem:s15+$0xFFFFFFA0] =	vst v9;
	v9 =	vmul.f32 v11, v4;
	v4 =	vand.u32 $0xFFFFFFFE, v10  }
0x465: {  	[tilespmem:s15+$0xFFFFFF90] =	vst v5;
	v4 =	vbroadcast v4, $0x0  }
0x466: {  	[tilespmem:s15+$0xFFFFFFD0] =	vst v7  }
0x467: {  	[tilespmem:s15+$0xFFFFFFE0] =	vst v9  }
0x468: {  	[tilespmem:s15+$0xFFFFFFB0] =	vst v6  }
.Ltmp7:
0x469: {  	[tilespmem:s15+$0xFFFFFFF0] =	vst v3;
	v5 =	vld [tilespmem:s15+$0x20];
	(pc) =	sbr.rel @p0 .LBB2_15-.Ltmp7, $4  }
0x46a: {  	[tilespmem:s15+$0xFFFFFFC0] =	vst v8;
	v6 =	vld [tilespmem:s15+$0x0]  }
0x46b: {  	v3 =	vld.idx.msk [tilespmem:v4+s24+$0x0], $0xffff  }
0x46c: {  	v4 =	vld [tilespmem:s15+$0x10]  }
0x46d: {  	v7 =	vld [tilespmem:s15+$0x30]  }
0x46e: {  	_ =	sdelay $0x1  }
0x46f: {  	v8 =	vld [tilespmem:s10+$0x60];
	v6 =	vmul.f32 v6, v3  }
0x470: {  	v9 =	vld [tilespmem:s10+$0x50];
	v5 =	vmul.f32 v5, v3  }
0x471: {  	v1 =	vmul.f32 v1, v3;
	[tilespmem:s10+$0x0] =	vst v6  }
0x472: {  	v2 =	vmul.f32 v2, v3;
	[tilespmem:s10+$0x20] =	vst v5  }
0x473: {  	v7 =	vmul.f32 v7, v3;
	[tilespmem:s10+$0x40] =	vst v1  }
0x474: {  	v57 =	vmov s14;
	[tilespmem:s10+$0x70] =	vst v2;
	v54 =	vmul.f32 v8, v3  }
0x475: {  	v55 =	vmul.f32 v9, v3;
	[tilespmem:s10+$0x30] =	vst v7  }
0x476: {  	v3 =	vmul.f32 v4, v3;
	[tilespmem:s10+$0x60] =	vst v54  }
0x477: {  	[tilespmem:s10+$0x50] =	vst v55  }
0x478: {  	v56 =	vld [tilespmem:s10+$0x80];
	[tilespmem:s10+$0x10] =	vst v3  }
0x479: {  	v1 =	vld.idx.msk [tilespmem:v57+s24+$0x0], $0xffff  }
0x47a: {  	v2 =	vld [tilespmem:s10+$0x90]  }
0x47b: {  	v3 =	vld [tilespmem:s10+$0xA0]  }
0x47c: {  	v58 =	vld [tilespmem:s10+$0xD0]  }
0x47d: {  	v61 =	vld [tilespmem:s10+$0xE0]  }
0x47e: {  	v59 =	vld [tilespmem:s10+$0xB0];
	v7 =	vmul.f32 v56, v1  }
0x47f: {  	v60 =	vld [tilespmem:s10+$0xC0];
	v2 =	vmul.f32 v2, v1  }
0x480: {  	v62 =	vld [tilespmem:s10+$0xF0];
	v3 =	vmul.f32 v3, v1;
	[tilespmem:s10+$0x80] =	vst v7  }
0x481: {  	v4 =	vmul.f32 v58, v1;
	[tilespmem:s10+$0x90] =	vst v2  }
0x482: {  	v63 =	vmul.f32 v61, v1;
	[tilespmem:s10+$0xA0] =	vst v3  }
0x483: {  	v2 =	vmul.f32 v59, v1;
	[tilespmem:s10+$0xD0] =	vst v4  }
0x484: {  	v3 =	vmul.f32 v60, v1;
	[tilespmem:s10+$0xE0] =	vst v63  }
0x485: {  	v1 =	vmul.f32 v62, v1;
	[tilespmem:s10+$0xB0] =	vst v2  }
0x486: {  	[tilespmem:s10+$0xC0] =	vst v3  }
0x487: {  	[tilespmem:s10+$0xF0] =	vst v1  }
0x488: {  	[spmem:s2] =	stream.indirect.scatter.add.f32 [tilespmem:s4], [sflag:$0x7], $0x80, s6, s13, $0xb8;
	[tilespmem:$0x1E980] =	vst v63  }
0x489: {  	_ =	swait.ge [sflag:s31], $0x2800  }
0x48a: {  	[sflag:s31] =	ssyncset.done $0x0  }
0x48b: {  	[sflag:s31] =	ssyncadd.s32 $0xFFFFD800  }
0x48c: {  	[spmem:s3] =	stream.indirect.scatter.add.f32 [tilespmem:s24], [sflag:$0x7], $0x1, s6, s13, $0xb8;
	[tilespmem:$0x1E980] =	vst v63  }
0x48d: {  	_ =	swait.ge [sflag:s31], $0x50  }
0x48e: {  	[sflag:s31] =	ssyncset.done $0x0  }
0x48f: {  	[sflag:s31] =	ssyncadd.s32 $0xFFFFFFB0  }
0x490: {  	s25 =	stileid.u32;
	s22 =	simm.s32 $0x20;
	[bflag:$0x0] =	sbarrier.arrive $0xFFFF  }
0x491: {  	s10 =	sshll.u32 s25, $0x6;
	s25 =	simm.s32 $0x10;
	s17 =	rddreg [dreg:$0xc]  }
0x492: {  	s10 =	sor.u32 $0x1C07, s10;
	s15 =	rddreg [dreg:$0x12];
	s30 =	sshrl.u32 s17, $0x3  }
0x493: {  	[hbm:s15@s22], [sflag:s10] =	dma.strided [spmem:s30@s25], $0x50, s12, $0x10   }
0x494: {  	_ =	swait.ge [sflag:s31], $0x50  }
0x495: {  	[sflag:s31] =	ssyncset.done $0x0;
	s15 =	rddreg [dreg:$0x8]  }
0x496: {  	s30 =	rddreg [dreg:$0x13];
	[sflag:s31] =	ssyncadd.s32 $0xFFFFFFB0;
	s25 =	sshrl.u32 s15, $0x3  }
0x497: {  	[hbm:s30], [sflag:s10] =	dma.local [spmem:s25], $0x2800  }
0x498: {  	_ =	swait.ge [sflag:s31], $0x2800  }
0x499: {  	s25 =	rddreg [dreg:$0x19]  }
0x49a: {  	s30 =	rddreg [dreg:$0x14];
	s14 =	sadd.s32 $0x1, s25  }
0x49b: {  	p0 =	sne.s32 s14, s30  }
.Ltmp8:
0x49c: {  	_ = 	snop;
	(pc) =	sbr.rel @p0 .LBB2_1-.Ltmp8, $3  }
0x49d: {  	_ =	sdelay $0x1  }
0x49e: {  	[sflag:s31] =	ssyncset.done $0x0  }
0x49f: {  	[sflag:s31] =	ssyncadd.s32 $0xFFFFD800  }
0x4a0: {  	_ =	sfence.sel $0x180000  }
0x4a1: {  	[bflag:$0x0] =	sbarrier.arrive $0xFFFF  }
0x4a2: {  	_ =	strace $0x90000047  }
0x4a3: {  	s0 =	stileid.u32;
	[bflag:$0x2] =	sbarrier.arrive $0xFFFF  }
0x4a4: {  	p0 =	sne.s32 s0, $0x0;
	s0 =	rddreg [dreg:$0x4]  }
0x4a5: {  	s0 =	sadd.s32 @!p0 $0x100000, s0  }
0x4a6: {  	[sflag:s0] =	ssyncadd.tile.s32 @!p0 $0x1;
	_ =	shalt  }
.Lfunc_end2:
_tile_overlayer_lowered:
.L_overlay_start_2:
0x4a7: {  	(tag) =	ssettag $0x2  }
0x4a8: {  	s0 =	rddreg [dreg:$0x0];
	s2 =	stileid.u32  }
0x4a9: {  	s1 =	rddreg [dreg:$0x1];
	p0 =	sne.s32 s2, $0x0  }
0x4aa: {  	s3 =	rddreg [dreg:$0x2];
	[bflag:$0x3] =	sbarrier.arrive $0xFFFF;
	s2 =	simm.s32 @!p0 $0x1C07  }
0x4ab: {  	[timem:s3], [sflag:s2] =	dma.local @!p0 [hbm:s0], s1  }
0x4ac: {  	s0 =	simm.s32 @!p0 $0x7  }
0x4ad: {  	_ =	swait.ge @!p0 [sflag:s0], s1  }
0x4ae: {  	s1 =	ssub.s32 @!p0 $0x0, s1;
	[sflag:s0] =	ssyncset.done @!p0 $0x0  }
0x4af: {  	[sflag:s0] =	ssyncadd.s32 @!p0 s1  }
0x4b0: {  	[bflag:$0x3] =	sbarrier.arrive $0xFFFF  }
0x4b1: {  	_ =	shalt  }

</sc_bundles>
